<compile_context>
chip_gen: v7x
topology: tpu7x:2x2x1
jax: 0.10.2.dev20260603
libtpu: 0.0.44.dev20260713+nightly
codegen_flags: <defaults>
</compile_context>

<pallas_src>
import functools

import jax
import jax.numpy as jnp
from jax import lax
from jax.experimental import pallas as pl
from jax.experimental.pallas import tpu as pltpu
from jax.experimental.pallas import tpu_sc as plsc

_B, _N, _S = 2, 8192, 1024
_EPS = 1e-5
_RADII = (0.2, 0.3, 0.5)
_KS = (64, 64, 128)
_MLPS = ((32, 32, 64), (64, 64, 128), (64, 96, 128))
_ROWS_PER_TILE = 64


def _sc_group_kernel(ori_ref, xyz_ref, pts_ref,
                     f0_ref, f1_ref, f2_ref,
                     xv, yv, zv, p0v, p1v, p2v, xrv, yrv, zrv, ssxv,
                     qv, idxv,
                     b0, b1, b2, b3, b4, b5):
  cid = lax.axis_index("c")
  sid = lax.axis_index("s")
  b = cid
  s0 = sid * _ROWS_PER_TILE

  pltpu.sync_copy(xyz_ref.at[pl.ds(b, 1), pl.ds(0, 1), :], xv)
  pltpu.sync_copy(xyz_ref.at[pl.ds(b, 1), pl.ds(1, 1), :], yv)
  pltpu.sync_copy(xyz_ref.at[pl.ds(b, 1), pl.ds(2, 1), :], zv)
  pltpu.sync_copy(pts_ref.at[pl.ds(b, 1), pl.ds(0, 1), :], p0v)
  pltpu.sync_copy(pts_ref.at[pl.ds(b, 1), pl.ds(1, 1), :], p1v)
  pltpu.sync_copy(pts_ref.at[pl.ds(b, 1), pl.ds(2, 1), :], p2v)
  pltpu.sync_copy(ori_ref.at[pl.ds((b * _S + s0) * 3, _ROWS_PER_TILE * 3)],
                  qv)

  fbufs = (b0, b1, b2, b3, b4, b5)
  lane = lax.iota(jnp.int32, 16)
  big = jnp.int32(1 << 30)

  def rbf(v):
    u = plsc.bitcast(v, jnp.int32)
    r = u + jnp.int32(0x7FFF) + jnp.bitwise_and(
        jax.lax.shift_right_logical(u, 16), jnp.int32(1))
    r = jnp.bitwise_and(r, jnp.int32(-65536))
    return plsc.bitcast(r, jnp.float32)

  def pre_body(i, carry):
    sl = pl.ds(i * 16, 16)
    xc, yc, zc = xv[0, 0, sl], yv[0, 0, sl], zv[0, 0, sl]
    xrv[sl] = rbf(xc)
    yrv[sl] = rbf(yc)
    zrv[sl] = rbf(zc)
    ssxv[sl] = xc * xc + yc * yc + zc * zc
    return carry

  lax.fori_loop(0, _N // 16, pre_body, jnp.int32(0))

  zero16 = jnp.zeros((16,), jnp.int32)
  nm1 = jnp.full((16,), _N - 1, jnp.int32)

  for scale, out_ref in enumerate((f0_ref, f1_ref, f2_ref)):
    r2 = jnp.float32(_RADII[scale] * _RADII[scale])
    K = _KS[scale]
    rows_half = 4096 // K
    for half in range(_ROWS_PER_TILE // rows_half):

      def row_body(rl, carry, K=K, r2=r2, half=half, rows_half=rows_half):
        row = half * rows_half + rl
        rbase = row * 3
        qx = plsc.load_gather(qv, [jnp.full((16,), rbase, jnp.int32)])
        qy = plsc.load_gather(qv, [jnp.full((16,), rbase + 1, jnp.int32)])
        qz = plsc.load_gather(qv, [jnp.full((16,), rbase + 2, jnp.int32)])
        ssq = qx * qx + qy * qy + qz * qz
        qxr, qyr, qzr = rbf(qx), rbf(qy), rbf(qz)
        idxv[pl.ds(0, 16)] = nm1

        def scan_cond(st):
          n, cnt = st
          return jnp.logical_and(n < _N, cnt < K)

        def scan_body(st):
          n, cnt = st
          sl1 = pl.ds(n, 16)
          sl2 = pl.ds(n + 16, 16)
          dot1 = qxr * xrv[sl1] + qyr * yrv[sl1] + qzr * zrv[sl1]
          dot2 = qxr * xrv[sl2] + qyr * yrv[sl2] + qzr * zrv[sl2]
          m1 = (-2.0 * dot1 + ssq + ssxv[sl1]) <= r2
          m2 = (-2.0 * dot2 + ssq + ssxv[sl2]) <= r2
          plsc.store_compressed(idxv.at[pl.ds(cnt, 16)], lane + n, mask=m1)
          pc1 = jnp.sum(m1.astype(jnp.int32))
          plsc.store_compressed(idxv.at[pl.ds(cnt + pc1, 16)],
                                lane + (n + 16), mask=m2)
          pc2 = jnp.sum(m2.astype(jnp.int32))
          return n + 32, cnt + pc1 + pc2

        _, cnt = lax.while_loop(scan_cond, scan_body,
                                (jnp.int32(0), jnp.int32(0)))
        firstv = plsc.load_gather(idxv, [zero16])

        def pad_cond(j):
          return j < K

        def pad_body(j):
          idxv[pl.ds(j, 16)] = firstv
          return j + 16

        lax.while_loop(pad_cond, pad_body, jnp.minimum(cnt, K))

        base = rl * K
        for kk in range(0, K, 16):
          iv = idxv[pl.ds(kk, 16)]
          gx = plsc.load_gather(xv, [zero16, zero16, iv]) - qx
          gy = plsc.load_gather(yv, [zero16, zero16, iv]) - qy
          gz = plsc.load_gather(zv, [zero16, zero16, iv]) - qz
          g0 = plsc.load_gather(p0v, [zero16, zero16, iv])
          g1 = plsc.load_gather(p1v, [zero16, zero16, iv])
          g2 = plsc.load_gather(p2v, [zero16, zero16, iv])
          b0[pl.ds(base + kk, 16)] = g0
          b1[pl.ds(base + kk, 16)] = g1
          b2[pl.ds(base + kk, 16)] = g2
          b3[pl.ds(base + kk, 16)] = gx
          b4[pl.ds(base + kk, 16)] = gy
          b5[pl.ds(base + kk, 16)] = gz
        return carry

      lax.fori_loop(0, rows_half, row_body, jnp.int32(0))

      nflat = rows_half * K
      for ch in range(6):
        pltpu.sync_copy(
            fbufs[ch].at[pl.ds(0, nflat)],
            out_ref.at[pl.ds((b * 6 + ch) * _S * K
                             + (s0 + half * rows_half) * K, nflat)])


def _sc_group(ori_xyz, xyz, points):
  out_type = [jax.ShapeDtypeStruct((_B * 6 * _S * k,), jnp.float32)
              for k in _KS]
  scr = ([pltpu.VMEM((1, 1, _N), jnp.float32) for _ in range(6)]
         + [pltpu.VMEM((_N,), jnp.float32) for _ in range(4)]
         + [pltpu.VMEM((_ROWS_PER_TILE * 3,), jnp.float32),
            pltpu.VMEM((160,), jnp.int32)]
         + [pltpu.VMEM((4096,), jnp.float32) for _ in range(6)])
  mesh = plsc.VectorSubcoreMesh(core_axis_name="c", subcore_axis_name="s")
  fs = pl.kernel(_sc_group_kernel, out_type=out_type, mesh=mesh,
                 scratch_types=scr,
                 compiler_params=pltpu.CompilerParams(
                     needs_layout_passes=False))(
      ori_xyz.reshape(-1), xyz, points)
  return [f.reshape(_B, 6, _S * k) for f, k in zip(fs, _KS)]


_HI = jax.lax.Precision.HIGHEST


def _aug(x, ca):
  l = x.shape[1]
  ones = jnp.ones((1, l), jnp.float32)
  pad = ca - x.shape[0] - 1
  parts = [x, ones]
  if pad:
    parts.append(jnp.zeros((pad, l), jnp.float32))
  return jnp.concatenate(parts, axis=0)


def _mom_kernel(x_ref, a_ref, *, ca):
  @pl.when(jnp.logical_and(pl.program_id(0) == 0, pl.program_id(1) == 0))
  def _():
    a_ref[...] = jnp.zeros_like(a_ref)
  xa = _aug(x_ref[0], ca)
  a_ref[...] += jax.lax.dot_general(xa, xa, (((1,), (1,)), ((), ())),
                                    precision=_HI,
                                    preferred_element_type=jnp.float32)


def _fold(w_ref, bgb_ref, a_ref, ci, p):
  w = w_ref[...]
  mu = a_ref[0:ci, ci:ci + 1] * (1.0 / p)
  exx = a_ref[0:ci, 0:ci] * (1.0 / p)
  sig = exx - jnp.dot(mu, mu.T, precision=_HI)
  bcol = bgb_ref[:, 0:1]
  gcol = bgb_ref[:, 1:2]
  becol = bgb_ref[:, 2:3]
  mean = jnp.dot(w, mu, precision=_HI) + bcol
  v = jnp.dot(w, sig, precision=_HI)
  var = jnp.sum(v * w, axis=1, keepdims=True)
  s = gcol * jax.lax.rsqrt(var + _EPS)
  return w, s, (bcol - mean) * s + becol


def _layer_kernel(x_ref, w_ref, bgb_ref, a_ref, y_ref, an_ref, *,
                  ci, p, can):
  w, s, boff = _fold(w_ref, bgb_ref, a_ref, ci, p)
  z = jax.lax.dot_general(w, x_ref[0], (((1,), (0,)), ((), ())),
                          precision=_HI, preferred_element_type=jnp.float32)
  y = jnp.maximum(z * s + boff, 0.0)
  y_ref[0] = y
  if an_ref is not None:
    @pl.when(jnp.logical_and(pl.program_id(0) == 0, pl.program_id(1) == 0))
    def _():
      an_ref[...] = jnp.zeros_like(an_ref)
    ya = _aug(y, can)
    an_ref[...] += jax.lax.dot_general(ya, ya, (((1,), (1,)), ((), ())),
                                       precision=_HI,
                                       preferred_element_type=jnp.float32)


def _last_kernel(x_ref, w_ref, bgb_ref, a_ref, y_ref, *, ci, p):
  _layer_kernel(x_ref, w_ref, bgb_ref, a_ref, y_ref, None,
                ci=ci, p=p, can=0)


def _max_kernel(x_ref, o_ref):
  o_ref[0] = jnp.max(x_ref[0], axis=-1)


def _pad_ca(c):
  return ((c + 1 + 7) // 8) * 8


def _run_scale(f2d, ws, bgbs, k):
  sk = _S * k
  nblk = 8
  l = sk // nblk
  p = float(_B * sk)
  cs = [6] + [w.shape[0] for w in ws]
  grid = (_B, nblk)

  def xspec(c):
    return pl.BlockSpec((1, c, l), lambda b, j: (b, 0, j))

  aspec = lambda ca: pl.BlockSpec((ca, ca), lambda b, j: (0, 0))
  full = lambda arr: pl.BlockSpec(arr.shape, lambda b, j: (0,) * arr.ndim)

  ca1 = _pad_ca(cs[0])
  a = pl.pallas_call(
      functools.partial(_mom_kernel, ca=ca1), grid=grid,
      in_specs=[xspec(cs[0])],
      out_specs=aspec(ca1),
      out_shape=jax.ShapeDtypeStruct((ca1, ca1), jnp.float32))(f2d)

  x = f2d
  for li in range(3):
    ci, co = cs[li], cs[li + 1]
    ca = _pad_ca(ci)
    yshape = jax.ShapeDtypeStruct((_B, co, sk), jnp.float32)
    if li < 2:
      can = _pad_ca(co)
      x, a = pl.pallas_call(
          functools.partial(_layer_kernel, ci=ci, p=p, can=can), grid=grid,
          in_specs=[xspec(ci), full(ws[li]), full(bgbs[li]), aspec(ca)],
          out_specs=[pl.BlockSpec((1, co, l), lambda b, j: (b, 0, j)),
                     aspec(can)],
          out_shape=[yshape, jax.ShapeDtypeStruct((can, can), jnp.float32)],
      )(x, ws[li], bgbs[li], a)
    else:
      x = pl.pallas_call(
          functools.partial(_last_kernel, ci=ci, p=p), grid=grid,
          in_specs=[xspec(ci), full(ws[li]), full(bgbs[li]), aspec(ca)],
          out_specs=pl.BlockSpec((1, co, l), lambda b, j: (b, 0, j)),
          out_shape=yshape)(x, ws[li], bgbs[li], a)

  co = cs[3]
  y4 = x.reshape(_B, co, _S, k)
  sblk = 128
  return pl.pallas_call(
      _max_kernel, grid=(_B, _S // sblk),
      in_specs=[pl.BlockSpec((1, co, sblk, k), lambda b, j: (b, 0, j, 0))],
      out_specs=pl.BlockSpec((1, co, sblk), lambda b, j: (b, 0, j)),
      out_shape=jax.ShapeDtypeStruct((_B, co, _S), jnp.float32))(y4)


def kernel(ori_xyz, xyz, points,
           W0_0, b0_0, g0_0, be0_0, W0_1, b0_1, g0_1, be0_1,
           W0_2, b0_2, g0_2, be0_2, W1_0, b1_0, g1_0, be1_0,
           W1_1, b1_1, g1_1, be1_1, W1_2, b1_2, g1_2, be1_2,
           W2_0, b2_0, g2_0, be2_0, W2_1, b2_1, g2_1, be2_1,
           W2_2, b2_2, g2_2, be2_2):
  fs = _sc_group(ori_xyz, xyz, points)
  ws = ((W0_0, W0_1, W0_2), (W1_0, W1_1, W1_2), (W2_0, W2_1, W2_2))
  vecs = (((b0_0, g0_0, be0_0), (b0_1, g0_1, be0_1), (b0_2, g0_2, be0_2)),
          ((b1_0, g1_0, be1_0), (b1_1, g1_1, be1_1), (b1_2, g1_2, be1_2)),
          ((b2_0, g2_0, be2_0), (b2_1, g2_1, be2_1), (b2_2, g2_2, be2_2)))
  outs = []
  for i in range(3):
    bgbs = [jnp.stack(v, axis=1) for v in vecs[i]]
    outs.append(_run_scale(fs[i], ws[i], bgbs, _KS[i]))
  return jnp.transpose(ori_xyz, (0, 2, 1)), jnp.concatenate(outs, axis=1)

# --- scband reference (transcript-rebuilt; emitter-appended) ---
"""Pipeline reference for scband-pcfnet-8272107012335 (READ-ONLY COPY).

The authoritative reference and input builder live on the scoring server;
editing this copy changes nothing except your own understanding.
"""

import jax, jax.numpy as jnp
import numpy as np

NPOINT = 1024
RADIUS_LIST = [0.2, 0.3, 0.5]
NSAMPLE_LIST = [64, 64, 128]
IN_CHANNEL = 3
MLP_LIST = [[32, 32, 64], [64, 64, 128], [64, 96, 128]]
B, N = 2, 8192
EPS = 1e-5

def square_distance(src, dst):
    d = -2.0 * jnp.einsum('bsc,bnc->bsn', src, dst)
    d = d + jnp.sum(src ** 2, axis=-1)[:, :, None]
    d = d + jnp.sum(dst ** 2, axis=-1)[:, None, :]
    return d

def index_points(points, idx):
    b = jnp.arange(points.shape[0])[:, None, None]
    return points[b, idx]

def query_ball_point(radius, nsample, xyz, new_xyz):
    Bq, S, _ = new_xyz.shape
    Nq = xyz.shape[1]
    sqrdists = square_distance(new_xyz, xyz)
    base = jnp.broadcast_to(jnp.arange(Nq, dtype=jnp.int32), (Bq, S, Nq))
    gi = jnp.where(sqrdists > radius ** 2, Nq, base)
    gi = jnp.sort(gi, axis=-1)[:, :, :nsample]
    first = gi[:, :, :1]
    gi = jnp.where(gi == Nq, jnp.broadcast_to(first, gi.shape), gi)
    return jnp.clip(gi, 0, Nq - 1)

def _forward(ori_xyz, xyz, points, params):
    xyz_t = jnp.transpose(xyz, (0, 2, 1))
    pts_t = jnp.transpose(points, (0, 2, 1))
    new_xyz = ori_xyz
    outs = []
    for i, radius in enumerate(RADIUS_LIST):
        K = NSAMPLE_LIST[i]
        gi = query_ball_point(radius, K, xyz_t, new_xyz)
        gxyz = index_points(xyz_t, gi) - new_xyz[:, :, None, :]
        gp = jnp.concatenate([index_points(pts_t, gi), gxyz], axis=-1)
        gp = jnp.transpose(gp, (0, 3, 2, 1))
        for j in range(len(MLP_LIST[i])):
            W = params['W%d_%d' % (i, j)]
            bb = params['b%d_%d' % (i, j)]
            g = params['g%d_%d' % (i, j)]
            be = params['be%d_%d' % (i, j)]
            gp = jnp.einsum('oi,biks->boks', W, gp) + bb[None, :, None, None]
            mean = jnp.mean(gp, axis=(0, 2, 3), keepdims=True)
            var = jnp.var(gp, axis=(0, 2, 3), keepdims=True)
            gp = (gp - mean) / jnp.sqrt(var + EPS)
            gp = gp * g[None, :, None, None] + be[None, :, None, None]
            gp = jax.nn.relu(gp)
        outs.append(jnp.max(gp, axis=2))
    return jnp.transpose(new_xyz, (0, 2, 1)), jnp.concatenate(outs, axis=1)

def setup_inputs(seed: int = 0):
    key = jax.random.key(seed)
    k1, k2, kw = jax.random.split(key, 3)
    pts = jax.random.uniform(k1, (B, N, 3), dtype=jnp.float32)
    inp = {'ori_xyz': pts[:, :NPOINT, :],
           'xyz': jnp.transpose(pts, (0, 2, 1)),
           'points': jax.random.normal(k2, (B, IN_CHANNEL, N), dtype=jnp.float32)}
    for i, mlps in enumerate(MLP_LIST):
        last = IN_CHANNEL + 3
        for j, oc in enumerate(mlps):
            kw, ka = jax.random.split(kw)
            inp['W%d_%d' % (i, j)] = jax.random.normal(ka, (oc, last), dtype=jnp.float32) / np.sqrt(last)
            inp['b%d_%d' % (i, j)] = jnp.zeros((oc,), dtype=jnp.float32)
            inp['g%d_%d' % (i, j)] = jnp.ones((oc,), dtype=jnp.float32)
            inp['be%d_%d' % (i, j)] = jnp.zeros((oc,), dtype=jnp.float32)
            last = oc
    return inp

def reference(ori_xyz, xyz, points,
              W0_0, b0_0, g0_0, be0_0,
              W0_1, b0_1, g0_1, be0_1,
              W0_2, b0_2, g0_2, be0_2,
              W1_0, b1_0, g1_0, be1_0,
              W1_1, b1_1, g1_1, be1_1,
              W1_2, b1_2, g1_2, be1_2,
              W2_0, b2_0, g2_0, be2_0,
              W2_1, b2_1, g2_1, be2_1,
              W2_2, b2_2, g2_2, be2_2):
    params = {
        'W0_0': W0_0, 'b0_0': b0_0, 'g0_0': g0_0, 'be0_0': be0_0,
        'W0_1': W0_1, 'b0_1': b0_1, 'g0_1': g0_1, 'be0_1': be0_1,
        'W0_2': W0_2, 'b0_2': b0_2, 'g0_2': g0_2, 'be0_2': be0_2,
        'W1_0': W1_0, 'b1_0': b1_0, 'g1_0': g1_0, 'be1_0': be1_0,
        'W1_1': W1_1, 'b1_1': b1_1, 'g1_1': g1_1, 'be1_1': be1_1,
        'W1_2': W1_2, 'b1_2': b1_2, 'g1_2': g1_2, 'be1_2': be1_2,
        'W2_0': W2_0, 'b2_0': b2_0, 'g2_0': g2_0, 'be2_0': be2_0,
        'W2_1': W2_1, 'b2_1': b2_1, 'g2_1': g2_1, 'be2_1': be2_1,
        'W2_2': W2_2, 'b2_2': b2_2, 'g2_2': g2_2, 'be2_2': be2_2,
    }
    return _forward(ori_xyz, xyz, points, params)

if __name__ == "__main__":
    import jax
    _d = setup_inputs()
    print(jax.jit(kernel)(*tuple(_d.values())))

</pallas_src>

<mosaic_0001>
#map = affine_map<(d0, d1) -> (0)>
#map1 = affine_map<(d0, d1) -> (0, 0, 0)>
module attributes {stable_mosaic.version = 14 : i64} {
  func.func @_sc_group_kernel(%arg0: i32, %arg1: i32, %arg2: memref<6144xf32, #tpu.memory_space<hbm>>, %arg3: memref<2x3x8192xf32, #tpu.memory_space<hbm>>, %arg4: memref<2x3x8192xf32, #tpu.memory_space<hbm>>, %arg5: memref<786432xf32, #tpu.memory_space<hbm>>, %arg6: memref<786432xf32, #tpu.memory_space<hbm>>, %arg7: memref<1572864xf32, #tpu.memory_space<hbm>>, %arg8: memref<1x1x8192xf32, #tpu.memory_space<vmem>>, %arg9: memref<1x1x8192xf32, #tpu.memory_space<vmem>>, %arg10: memref<1x1x8192xf32, #tpu.memory_space<vmem>>, %arg11: memref<1x1x8192xf32, #tpu.memory_space<vmem>>, %arg12: memref<1x1x8192xf32, #tpu.memory_space<vmem>>, %arg13: memref<1x1x8192xf32, #tpu.memory_space<vmem>>, %arg14: memref<8192xf32, #tpu.memory_space<vmem>>, %arg15: memref<8192xf32, #tpu.memory_space<vmem>>, %arg16: memref<8192xf32, #tpu.memory_space<vmem>>, %arg17: memref<8192xf32, #tpu.memory_space<vmem>>, %arg18: memref<192xf32, #tpu.memory_space<vmem>>, %arg19: memref<160xi32, #tpu.memory_space<vmem>>, %arg20: memref<4096xf32, #tpu.memory_space<vmem>>, %arg21: memref<4096xf32, #tpu.memory_space<vmem>>, %arg22: memref<4096xf32, #tpu.memory_space<vmem>>, %arg23: memref<4096xf32, #tpu.memory_space<vmem>>, %arg24: memref<4096xf32, #tpu.memory_space<vmem>>, %arg25: memref<4096xf32, #tpu.memory_space<vmem>>) attributes {dimension_semantics = [#tpu.dimension_semantics<core_parallel>, #tpu.dimension_semantics<subcore_parallel>], iteration_bounds = array<i64: 2, 16>, scalar_prefetch = 0 : i64, scratch_operands = 18 : i64, tpu.core_type = #tpu.core_type<sc_vector_subcore>, window_params = [{transform_indices = #map}, {transform_indices = #map1}, {transform_indices = #map1}, {transform_indices = #map}, {transform_indices = #map}, {transform_indices = #map}]} {
    %mul3A = arith.constant 64 : i32
    %mul3A_0 = arith.muli %arg1, %mul3A : i32
    "tpu.region"() ({
      %run_scoped3A = tpu.sem_alloc : memref<!tpu.dma_semaphore, #tpu.memory_space<semaphore_mem>>
      %dma_start3A = arith.constant 0 : i32
      %dma_start3A_353 = arith.constant 0 : i32
      %dma_start3A_354 = tpu.memref_slice %arg3[%arg0, %dma_start3A, %dma_start3A_353] : memref<2x3x8192xf32, #tpu.memory_space<hbm>> -> memref<1x1x8192xf32, #tpu.memory_space<hbm>>
      %dma_start3A_355 = arith.constant 0 : i32
      %dma_start3A_356 = arith.constant 0 : i32
      %dma_start3A_357 = tpu.memref_slice %arg3[%arg0, %dma_start3A_355, %dma_start3A_356] : memref<2x3x8192xf32, #tpu.memory_space<hbm>> -> memref<1x1x8192xf32, #tpu.memory_space<hbm>>
      tpu.enqueue_dma source(%dma_start3A_357 : memref<1x1x8192xf32, #tpu.memory_space<hbm>>) target(%arg8 : memref<1x1x8192xf32, #tpu.memory_space<vmem>>) target_semaphore(%run_scoped3A : memref<!tpu.dma_semaphore, #tpu.memory_space<semaphore_mem>>)
      %dma_wait3A = arith.constant 0 : i32
      %dma_wait3A_358 = arith.constant 0 : i32
      %dma_wait3A_359 = tpu.memref_slice %arg3[%arg0, %dma_wait3A, %dma_wait3A_358] : memref<2x3x8192xf32, #tpu.memory_space<hbm>> -> memref<1x1x8192xf32, #tpu.memory_space<hbm>>
      %dma_wait3A_360 = arith.constant 0 : i32
      %dma_wait3A_361 = arith.constant 0 : i32
      %dma_wait3A_362 = tpu.memref_slice %arg3[%arg0, %dma_wait3A_360, %dma_wait3A_361] : memref<2x3x8192xf32, #tpu.memory_space<hbm>> -> memref<1x1x8192xf32, #tpu.memory_space<hbm>>
      tpu.wait_dma2 semaphore(%run_scoped3A : memref<!tpu.dma_semaphore, #tpu.memory_space<semaphore_mem>>) src(%dma_wait3A_362 : memref<1x1x8192xf32, #tpu.memory_space<hbm>>) dst(%arg8 : memref<1x1x8192xf32, #tpu.memory_space<vmem>>)
      tpu.yield
    }) : () -> ()
    "tpu.region"() ({
      %run_scoped3A = tpu.sem_alloc : memref<!tpu.dma_semaphore, #tpu.memory_space<semaphore_mem>>
      %dma_start3A = arith.constant 1 : i32
      %dma_start3A_353 = arith.constant 0 : i32
      %dma_start3A_354 = tpu.memref_slice %arg3[%arg0, %dma_start3A, %dma_start3A_353] : memref<2x3x8192xf32, #tpu.memory_space<hbm>> -> memref<1x1x8192xf32, #tpu.memory_space<hbm>>
      %dma_start3A_355 = arith.constant 1 : i32
      %dma_start3A_356 = arith.constant 0 : i32
      %dma_start3A_357 = tpu.memref_slice %arg3[%arg0, %dma_start3A_355, %dma_start3A_356] : memref<2x3x8192xf32, #tpu.memory_space<hbm>> -> memref<1x1x8192xf32, #tpu.memory_space<hbm>>
      tpu.enqueue_dma source(%dma_start3A_357 : memref<1x1x8192xf32, #tpu.memory_space<hbm>>) target(%arg9 : memref<1x1x8192xf32, #tpu.memory_space<vmem>>) target_semaphore(%run_scoped3A : memref<!tpu.dma_semaphore, #tpu.memory_space<semaphore_mem>>)
      %dma_wait3A = arith.constant 1 : i32
      %dma_wait3A_358 = arith.constant 0 : i32
      %dma_wait3A_359 = tpu.memref_slice %arg3[%arg0, %dma_wait3A, %dma_wait3A_358] : memref<2x3x8192xf32, #tpu.memory_space<hbm>> -> memref<1x1x8192xf32, #tpu.memory_space<hbm>>
      %dma_wait3A_360 = arith.constant 1 : i32
      %dma_wait3A_361 = arith.constant 0 : i32
      %dma_wait3A_362 = tpu.memref_slice %arg3[%arg0, %dma_wait3A_360, %dma_wait3A_361] : memref<2x3x8192xf32, #tpu.memory_space<hbm>> -> memref<1x1x8192xf32, #tpu.memory_space<hbm>>
      tpu.wait_dma2 semaphore(%run_scoped3A : memref<!tpu.dma_semaphore, #tpu.memory_space<semaphore_mem>>) src(%dma_wait3A_362 : memref<1x1x8192xf32, #tpu.memory_space<hbm>>) dst(%arg9 : memref<1x1x8192xf32, #tpu.memory_space<vmem>>)
      tpu.yield
    }) : () -> ()
    "tpu.region"() ({
      %run_scoped3A = tpu.sem_alloc : memref<!tpu.dma_semaphore, #tpu.memory_space<semaphore_mem>>
      %dma_start3A = arith.constant 2 : i32
      %dma_start3A_353 = arith.constant 0 : i32
      %dma_start3A_354 = tpu.memref_slice %arg3[%arg0, %dma_start3A, %dma_start3A_353] : memref<2x3x8192xf32, #tpu.memory_space<hbm>> -> memref<1x1x8192xf32, #tpu.memory_space<hbm>>
      %dma_start3A_355 = arith.constant 2 : i32
      %dma_start3A_356 = arith.constant 0 : i32
      %dma_start3A_357 = tpu.memref_slice %arg3[%arg0, %dma_start3A_355, %dma_start3A_356] : memref<2x3x8192xf32, #tpu.memory_space<hbm>> -> memref<1x1x8192xf32, #tpu.memory_space<hbm>>
      tpu.enqueue_dma source(%dma_start3A_357 : memref<1x1x8192xf32, #tpu.memory_space<hbm>>) target(%arg10 : memref<1x1x8192xf32, #tpu.memory_space<vmem>>) target_semaphore(%run_scoped3A : memref<!tpu.dma_semaphore, #tpu.memory_space<semaphore_mem>>)
      %dma_wait3A = arith.constant 2 : i32
      %dma_wait3A_358 = arith.constant 0 : i32
      %dma_wait3A_359 = tpu.memref_slice %arg3[%arg0, %dma_wait3A, %dma_wait3A_358] : memref<2x3x8192xf32, #tpu.memory_space<hbm>> -> memref<1x1x8192xf32, #tpu.memory_space<hbm>>
      %dma_wait3A_360 = arith.constant 2 : i32
      %dma_wait3A_361 = arith.constant 0 : i32
      %dma_wait3A_362 = tpu.memref_slice %arg3[%arg0, %dma_wait3A_360, %dma_wait3A_361] : memref<2x3x8192xf32, #tpu.memory_space<hbm>> -> memref<1x1x8192xf32, #tpu.memory_space<hbm>>
      tpu.wait_dma2 semaphore(%run_scoped3A : memref<!tpu.dma_semaphore, #tpu.memory_space<semaphore_mem>>) src(%dma_wait3A_362 : memref<1x1x8192xf32, #tpu.memory_space<hbm>>) dst(%arg10 : memref<1x1x8192xf32, #tpu.memory_space<vmem>>)
      tpu.yield
    }) : () -> ()
    "tpu.region"() ({
      %run_scoped3A = tpu.sem_alloc : memref<!tpu.dma_semaphore, #tpu.memory_space<semaphore_mem>>
      %dma_start3A = arith.constant 0 : i32
      %dma_start3A_353 = arith.constant 0 : i32
      %dma_start3A_354 = tpu.memref_slice %arg4[%arg0, %dma_start3A, %dma_start3A_353] : memref<2x3x8192xf32, #tpu.memory_space<hbm>> -> memref<1x1x8192xf32, #tpu.memory_space<hbm>>
      %dma_start3A_355 = arith.constant 0 : i32
      %dma_start3A_356 = arith.constant 0 : i32
      %dma_start3A_357 = tpu.memref_slice %arg4[%arg0, %dma_start3A_355, %dma_start3A_356] : memref<2x3x8192xf32, #tpu.memory_space<hbm>> -> memref<1x1x8192xf32, #tpu.memory_space<hbm>>
      tpu.enqueue_dma source(%dma_start3A_357 : memref<1x1x8192xf32, #tpu.memory_space<hbm>>) target(%arg11 : memref<1x1x8192xf32, #tpu.memory_space<vmem>>) target_semaphore(%run_scoped3A : memref<!tpu.dma_semaphore, #tpu.memory_space<semaphore_mem>>)
      %dma_wait3A = arith.constant 0 : i32
      %dma_wait3A_358 = arith.constant 0 : i32
      %dma_wait3A_359 = tpu.memref_slice %arg4[%arg0, %dma_wait3A, %dma_wait3A_358] : memref<2x3x8192xf32, #tpu.memory_space<hbm>> -> memref<1x1x8192xf32, #tpu.memory_space<hbm>>
      %dma_wait3A_360 = arith.constant 0 : i32
      %dma_wait3A_361 = arith.constant 0 : i32
      %dma_wait3A_362 = tpu.memref_slice %arg4[%arg0, %dma_wait3A_360, %dma_wait3A_361] : memref<2x3x8192xf32, #tpu.memory_space<hbm>> -> memref<1x1x8192xf32, #tpu.memory_space<hbm>>
      tpu.wait_dma2 semaphore(%run_scoped3A : memref<!tpu.dma_semaphore, #tpu.memory_space<semaphore_mem>>) src(%dma_wait3A_362 : memref<1x1x8192xf32, #tpu.memory_space<hbm>>) dst(%arg11 : memref<1x1x8192xf32, #tpu.memory_space<vmem>>)
      tpu.yield
    }) : () -> ()
    "tpu.region"() ({
      %run_scoped3A = tpu.sem_alloc : memref<!tpu.dma_semaphore, #tpu.memory_space<semaphore_mem>>
      %dma_start3A = arith.constant 1 : i32
      %dma_start3A_353 = arith.constant 0 : i32
      %dma_start3A_354 = tpu.memref_slice %arg4[%arg0, %dma_start3A, %dma_start3A_353] : memref<2x3x8192xf32, #tpu.memory_space<hbm>> -> memref<1x1x8192xf32, #tpu.memory_space<hbm>>
      %dma_start3A_355 = arith.constant 1 : i32
      %dma_start3A_356 = arith.constant 0 : i32
      %dma_start3A_357 = tpu.memref_slice %arg4[%arg0, %dma_start3A_355, %dma_start3A_356] : memref<2x3x8192xf32, #tpu.memory_space<hbm>> -> memref<1x1x8192xf32, #tpu.memory_space<hbm>>
      tpu.enqueue_dma source(%dma_start3A_357 : memref<1x1x8192xf32, #tpu.memory_space<hbm>>) target(%arg12 : memref<1x1x8192xf32, #tpu.memory_space<vmem>>) target_semaphore(%run_scoped3A : memref<!tpu.dma_semaphore, #tpu.memory_space<semaphore_mem>>)
      %dma_wait3A = arith.constant 1 : i32
      %dma_wait3A_358 = arith.constant 0 : i32
      %dma_wait3A_359 = tpu.memref_slice %arg4[%arg0, %dma_wait3A, %dma_wait3A_358] : memref<2x3x8192xf32, #tpu.memory_space<hbm>> -> memref<1x1x8192xf32, #tpu.memory_space<hbm>>
      %dma_wait3A_360 = arith.constant 1 : i32
      %dma_wait3A_361 = arith.constant 0 : i32
      %dma_wait3A_362 = tpu.memref_slice %arg4[%arg0, %dma_wait3A_360, %dma_wait3A_361] : memref<2x3x8192xf32, #tpu.memory_space<hbm>> -> memref<1x1x8192xf32, #tpu.memory_space<hbm>>
      tpu.wait_dma2 semaphore(%run_scoped3A : memref<!tpu.dma_semaphore, #tpu.memory_space<semaphore_mem>>) src(%dma_wait3A_362 : memref<1x1x8192xf32, #tpu.memory_space<hbm>>) dst(%arg12 : memref<1x1x8192xf32, #tpu.memory_space<vmem>>)
      tpu.yield
    }) : () -> ()
    "tpu.region"() ({
      %run_scoped3A = tpu.sem_alloc : memref<!tpu.dma_semaphore, #tpu.memory_space<semaphore_mem>>
      %dma_start3A = arith.constant 2 : i32
      %dma_start3A_353 = arith.constant 0 : i32
      %dma_start3A_354 = tpu.memref_slice %arg4[%arg0, %dma_start3A, %dma_start3A_353] : memref<2x3x8192xf32, #tpu.memory_space<hbm>> -> memref<1x1x8192xf32, #tpu.memory_space<hbm>>
      %dma_start3A_355 = arith.constant 2 : i32
      %dma_start3A_356 = arith.constant 0 : i32
      %dma_start3A_357 = tpu.memref_slice %arg4[%arg0, %dma_start3A_355, %dma_start3A_356] : memref<2x3x8192xf32, #tpu.memory_space<hbm>> -> memref<1x1x8192xf32, #tpu.memory_space<hbm>>
      tpu.enqueue_dma source(%dma_start3A_357 : memref<1x1x8192xf32, #tpu.memory_space<hbm>>) target(%arg13 : memref<1x1x8192xf32, #tpu.memory_space<vmem>>) target_semaphore(%run_scoped3A : memref<!tpu.dma_semaphore, #tpu.memory_space<semaphore_mem>>)
      %dma_wait3A = arith.constant 2 : i32
      %dma_wait3A_358 = arith.constant 0 : i32
      %dma_wait3A_359 = tpu.memref_slice %arg4[%arg0, %dma_wait3A, %dma_wait3A_358] : memref<2x3x8192xf32, #tpu.memory_space<hbm>> -> memref<1x1x8192xf32, #tpu.memory_space<hbm>>
      %dma_wait3A_360 = arith.constant 2 : i32
      %dma_wait3A_361 = arith.constant 0 : i32
      %dma_wait3A_362 = tpu.memref_slice %arg4[%arg0, %dma_wait3A_360, %dma_wait3A_361] : memref<2x3x8192xf32, #tpu.memory_space<hbm>> -> memref<1x1x8192xf32, #tpu.memory_space<hbm>>
      tpu.wait_dma2 semaphore(%run_scoped3A : memref<!tpu.dma_semaphore, #tpu.memory_space<semaphore_mem>>) src(%dma_wait3A_362 : memref<1x1x8192xf32, #tpu.memory_space<hbm>>) dst(%arg13 : memref<1x1x8192xf32, #tpu.memory_space<vmem>>)
      tpu.yield
    }) : () -> ()
    %mul3A_1 = arith.constant 1024 : i32
    %mul3A_2 = arith.muli %arg0, %mul3A_1 : i32
    %add3A = arith.addi %mul3A_2, %mul3A_0 : i32
    %mul3A_3 = arith.constant 3 : i32
    %mul3A_4 = arith.muli %add3A, %mul3A_3 : i32
    "tpu.region"() ({
      %run_scoped3A = tpu.sem_alloc : memref<!tpu.dma_semaphore, #tpu.memory_space<semaphore_mem>>
      %dma_start3A = tpu.memref_slice %arg2[%mul3A_4] : memref<6144xf32, #tpu.memory_space<hbm>> -> memref<192xf32, #tpu.memory_space<hbm>>
      %dma_start3A_353 = tpu.memref_slice %arg2[%mul3A_4] : memref<6144xf32, #tpu.memory_space<hbm>> -> memref<192xf32, #tpu.memory_space<hbm>>
      tpu.enqueue_dma source(%dma_start3A_353 : memref<192xf32, #tpu.memory_space<hbm>>) target(%arg18 : memref<192xf32, #tpu.memory_space<vmem>>) target_semaphore(%run_scoped3A : memref<!tpu.dma_semaphore, #tpu.memory_space<semaphore_mem>>)
      %dma_wait3A = tpu.memref_slice %arg2[%mul3A_4] : memref<6144xf32, #tpu.memory_space<hbm>> -> memref<192xf32, #tpu.memory_space<hbm>>
      %dma_wait3A_354 = tpu.memref_slice %arg2[%mul3A_4] : memref<6144xf32, #tpu.memory_space<hbm>> -> memref<192xf32, #tpu.memory_space<hbm>>
      tpu.wait_dma2 semaphore(%run_scoped3A : memref<!tpu.dma_semaphore, #tpu.memory_space<semaphore_mem>>) src(%dma_wait3A_354 : memref<192xf32, #tpu.memory_space<hbm>>) dst(%arg18 : memref<192xf32, #tpu.memory_space<vmem>>)
      tpu.yield
    }) : () -> ()
    %iota3A = tpu.iota {dimensions = array<i32: 0>} : vector<16xi32>
    %scan3A = arith.constant 0 : i32
    %scan3A_5 = arith.constant 0 : i32
    %scan3A_6 = arith.constant 512 : i32
    %scan3A_7 = arith.addi %scan3A_5, %scan3A_6 : i32
    %scan3A_8 = arith.constant 1 : i32
    scf.for %scan3A_353 = %scan3A_5 to %scan3A_7 step %scan3A_8  : i32 {
      %mul3A_354 = arith.constant 16 : i32
      %mul3A_355 = arith.muli %scan3A_353, %mul3A_354 : i32
      %get3A = arith.constant 0 : i32
      %get3A_356 = arith.constant 0 : i32
      %get3A_357 = arith.index_cast %get3A : i32 to index
      %get3A_358 = arith.index_cast %get3A_356 : i32 to index
      %get3A_359 = arith.index_cast %mul3A_355 : i32 to index
      %get3A_360 = tpu.vector_load %arg8[%get3A_357, %get3A_358, %get3A_359] {strides = array<i32>} : memref<1x1x8192xf32, #tpu.memory_space<vmem>>, vector<16xf32>,
      %get3A_361 = arith.constant 0 : i32
      %get3A_362 = arith.constant 0 : i32
      %get3A_363 = arith.index_cast %get3A_361 : i32 to index
      %get3A_364 = arith.index_cast %get3A_362 : i32 to index
      %get3A_365 = arith.index_cast %mul3A_355 : i32 to index
      %get3A_366 = tpu.vector_load %arg9[%get3A_363, %get3A_364, %get3A_365] {strides = array<i32>} : memref<1x1x8192xf32, #tpu.memory_space<vmem>>, vector<16xf32>,
      %get3A_367 = arith.constant 0 : i32
      %get3A_368 = arith.constant 0 : i32
      %get3A_369 = arith.index_cast %get3A_367 : i32 to index
      %get3A_370 = arith.index_cast %get3A_368 : i32 to index
      %get3A_371 = arith.index_cast %mul3A_355 : i32 to index
      %get3A_372 = tpu.vector_load %arg10[%get3A_369, %get3A_370, %get3A_371] {strides = array<i32>} : memref<1x1x8192xf32, #tpu.memory_space<vmem>>, vector<16xf32>,
      %bitcast3A = vector.bitcast %get3A_360 : vector<16xf32> to vector<16xi32>
      %add3A_373 = arith.constant 32767 : i32
      %add3A_374 = vector.broadcast %add3A_373 : i32 to vector<16xi32>
      %add3A_375 = arith.addi %bitcast3A, %add3A_374 : vector<16xi32>
      %shift_right_logical3A = arith.constant 16 : i32
      %shift_right_logical3A_376 = vector.broadcast %shift_right_logical3A : i32 to vector<16xi32>
      %shift_right_logical3A_377 = arith.shrui %bitcast3A, %shift_right_logical3A_376 : vector<16xi32>
      %and3A = arith.constant 1 : i32
      %and3A_378 = vector.broadcast %and3A : i32 to vector<16xi32>
      %and3A_379 = arith.andi %shift_right_logical3A_377, %and3A_378 : vector<16xi32>
      %add3A_380 = arith.addi %add3A_375, %and3A_379 : vector<16xi32>
      %and3A_381 = arith.constant -65536 : i32
      %and3A_382 = vector.broadcast %and3A_381 : i32 to vector<16xi32>
      %and3A_383 = arith.andi %add3A_380, %and3A_382 : vector<16xi32>
      %bitcast3A_384 = vector.bitcast %and3A_383 : vector<16xi32> to vector<16xf32>
      %swap3A = arith.index_cast %mul3A_355 : i32 to index
      %swap3A_385 = tpu.vector_load %arg14[%swap3A] {strides = array<i32>} : memref<8192xf32, #tpu.memory_space<vmem>>, vector<16xf32>,
      tpu.vector_store %arg14[%swap3A], %bitcast3A_384 {strides = array<i32>} : memref<8192xf32, #tpu.memory_space<vmem>>, vector<16xf32>,
      %bitcast3A_386 = vector.bitcast %get3A_366 : vector<16xf32> to vector<16xi32>
      %add3A_387 = arith.constant 32767 : i32
      %add3A_388 = vector.broadcast %add3A_387 : i32 to vector<16xi32>
      %add3A_389 = arith.addi %bitcast3A_386, %add3A_388 : vector<16xi32>
      %shift_right_logical3A_390 = arith.constant 16 : i32
      %shift_right_logical3A_391 = vector.broadcast %shift_right_logical3A_390 : i32 to vector<16xi32>
      %shift_right_logical3A_392 = arith.shrui %bitcast3A_386, %shift_right_logical3A_391 : vector<16xi32>
      %and3A_393 = arith.constant 1 : i32
      %and3A_394 = vector.broadcast %and3A_393 : i32 to vector<16xi32>
      %and3A_395 = arith.andi %shift_right_logical3A_392, %and3A_394 : vector<16xi32>
      %add3A_396 = arith.addi %add3A_389, %and3A_395 : vector<16xi32>
      %and3A_397 = arith.constant -65536 : i32
      %and3A_398 = vector.broadcast %and3A_397 : i32 to vector<16xi32>
      %and3A_399 = arith.andi %add3A_396, %and3A_398 : vector<16xi32>
      %bitcast3A_400 = vector.bitcast %and3A_399 : vector<16xi32> to vector<16xf32>
      %swap3A_401 = arith.index_cast %mul3A_355 : i32 to index
      %swap3A_402 = tpu.vector_load %arg15[%swap3A_401] {strides = array<i32>} : memref<8192xf32, #tpu.memory_space<vmem>>, vector<16xf32>,
      tpu.vector_store %arg15[%swap3A_401], %bitcast3A_400 {strides = array<i32>} : memref<8192xf32, #tpu.memory_space<vmem>>, vector<16xf32>,
      %bitcast3A_403 = vector.bitcast %get3A_372 : vector<16xf32> to vector<16xi32>
      %add3A_404 = arith.constant 32767 : i32
      %add3A_405 = vector.broadcast %add3A_404 : i32 to vector<16xi32>
      %add3A_406 = arith.addi %bitcast3A_403, %add3A_405 : vector<16xi32>
      %shift_right_logical3A_407 = arith.constant 16 : i32
      %shift_right_logical3A_408 = vector.broadcast %shift_right_logical3A_407 : i32 to vector<16xi32>
      %shift_right_logical3A_409 = arith.shrui %bitcast3A_403, %shift_right_logical3A_408 : vector<16xi32>
      %and3A_410 = arith.constant 1 : i32
      %and3A_411 = vector.broadcast %and3A_410 : i32 to vector<16xi32>
      %and3A_412 = arith.andi %shift_right_logical3A_409, %and3A_411 : vector<16xi32>
      %add3A_413 = arith.addi %add3A_406, %and3A_412 : vector<16xi32>
      %and3A_414 = arith.constant -65536 : i32
      %and3A_415 = vector.broadcast %and3A_414 : i32 to vector<16xi32>
      %and3A_416 = arith.andi %add3A_413, %and3A_415 : vector<16xi32>
      %bitcast3A_417 = vector.bitcast %and3A_416 : vector<16xi32> to vector<16xf32>
      %swap3A_418 = arith.index_cast %mul3A_355 : i32 to index
      %swap3A_419 = tpu.vector_load %arg16[%swap3A_418] {strides = array<i32>} : memref<8192xf32, #tpu.memory_space<vmem>>, vector<16xf32>,
      tpu.vector_store %arg16[%swap3A_418], %bitcast3A_417 {strides = array<i32>} : memref<8192xf32, #tpu.memory_space<vmem>>, vector<16xf32>,
      %mul3A_420 = arith.mulf %get3A_360, %get3A_360 : vector<16xf32>
      %mul3A_421 = arith.mulf %get3A_366, %get3A_366 : vector<16xf32>
      %add3A_422 = arith.addf %mul3A_420, %mul3A_421 : vector<16xf32>
      %mul3A_423 = arith.mulf %get3A_372, %get3A_372 : vector<16xf32>
      %add3A_424 = arith.addf %add3A_422, %mul3A_423 : vector<16xf32>
      %swap3A_425 = arith.index_cast %mul3A_355 : i32 to index
      %swap3A_426 = tpu.vector_load %arg17[%swap3A_425] {strides = array<i32>} : memref<8192xf32, #tpu.memory_space<vmem>>, vector<16xf32>,
      tpu.vector_store %arg17[%swap3A_425], %add3A_424 {strides = array<i32>} : memref<8192xf32, #tpu.memory_space<vmem>>, vector<16xf32>,
    }
    %scan3A_9 = arith.constant 512 : i32
    %broadcast_in_dim3A = arith.constant 0 : i32
    %broadcast_in_dim3A_10 = vector.broadcast %broadcast_in_dim3A : i32 to vector<16xi32>
    %broadcast_in_dim3A_11 = arith.constant 8191 : i32
    %broadcast_in_dim3A_12 = vector.broadcast %broadcast_in_dim3A_11 : i32 to vector<16xi32>
    %scan3A_13 = arith.constant 0 : i32
    %scan3A_14 = arith.constant 4.000000e-02 : f32
    %scan3A_15 = arith.constant 0 : i32
    %scan3A_16 = arith.constant 64 : i32
    %scan3A_17 = arith.addi %scan3A_15, %scan3A_16 : i32
    %scan3A_18 = arith.constant 1 : i32
    scf.for %scan3A_353 = %scan3A_15 to %scan3A_17 step %scan3A_18  : i32 {
      %add3A_354 = arith.constant 0 : i32
      %add3A_355 = arith.addi %add3A_354, %scan3A_353 : i32
      %mul3A_356 = arith.constant 3 : i32
      %mul3A_357 = arith.muli %add3A_355, %mul3A_356 : i32
      %broadcast_in_dim3A_358 = vector.broadcast %mul3A_357 : i32 to vector<16xi32>
      %gather3A = tpu.vector_load_idx %arg18[%broadcast_in_dim3A_358] : memref<192xf32, #tpu.memory_space<vmem>>[vector<16xi32>], vector<16xf32>,
      %add3A_359 = arith.constant 1 : i32
      %add3A_360 = arith.addi %mul3A_357, %add3A_359 : i32
      %broadcast_in_dim3A_361 = vector.broadcast %add3A_360 : i32 to vector<16xi32>
      %gather3A_362 = tpu.vector_load_idx %arg18[%broadcast_in_dim3A_361] : memref<192xf32, #tpu.memory_space<vmem>>[vector<16xi32>], vector<16xf32>,
      %add3A_363 = arith.constant 2 : i32
      %add3A_364 = arith.addi %mul3A_357, %add3A_363 : i32
      %broadcast_in_dim3A_365 = vector.broadcast %add3A_364 : i32 to vector<16xi32>
      %gather3A_366 = tpu.vector_load_idx %arg18[%broadcast_in_dim3A_365] : memref<192xf32, #tpu.memory_space<vmem>>[vector<16xi32>], vector<16xf32>,
      %mul3A_367 = arith.mulf %gather3A, %gather3A : vector<16xf32>
      %mul3A_368 = arith.mulf %gather3A_362, %gather3A_362 : vector<16xf32>
      %add3A_369 = arith.addf %mul3A_367, %mul3A_368 : vector<16xf32>
      %mul3A_370 = arith.mulf %gather3A_366, %gather3A_366 : vector<16xf32>
      %add3A_371 = arith.addf %add3A_369, %mul3A_370 : vector<16xf32>
      %bitcast3A = vector.bitcast %gather3A : vector<16xf32> to vector<16xi32>
      %add3A_372 = arith.constant 32767 : i32
      %add3A_373 = vector.broadcast %add3A_372 : i32 to vector<16xi32>
      %add3A_374 = arith.addi %bitcast3A, %add3A_373 : vector<16xi32>
      %shift_right_logical3A = arith.constant 16 : i32
      %shift_right_logical3A_375 = vector.broadcast %shift_right_logical3A : i32 to vector<16xi32>
      %shift_right_logical3A_376 = arith.shrui %bitcast3A, %shift_right_logical3A_375 : vector<16xi32>
      %and3A = arith.constant 1 : i32
      %and3A_377 = vector.broadcast %and3A : i32 to vector<16xi32>
      %and3A_378 = arith.andi %shift_right_logical3A_376, %and3A_377 : vector<16xi32>
      %add3A_379 = arith.addi %add3A_374, %and3A_378 : vector<16xi32>
      %and3A_380 = arith.constant -65536 : i32
      %and3A_381 = vector.broadcast %and3A_380 : i32 to vector<16xi32>
      %and3A_382 = arith.andi %add3A_379, %and3A_381 : vector<16xi32>
      %bitcast3A_383 = vector.bitcast %and3A_382 : vector<16xi32> to vector<16xf32>
      %bitcast3A_384 = vector.bitcast %gather3A_362 : vector<16xf32> to vector<16xi32>
      %add3A_385 = arith.constant 32767 : i32
      %add3A_386 = vector.broadcast %add3A_385 : i32 to vector<16xi32>
      %add3A_387 = arith.addi %bitcast3A_384, %add3A_386 : vector<16xi32>
      %shift_right_logical3A_388 = arith.constant 16 : i32
      %shift_right_logical3A_389 = vector.broadcast %shift_right_logical3A_388 : i32 to vector<16xi32>
      %shift_right_logical3A_390 = arith.shrui %bitcast3A_384, %shift_right_logical3A_389 : vector<16xi32>
      %and3A_391 = arith.constant 1 : i32
      %and3A_392 = vector.broadcast %and3A_391 : i32 to vector<16xi32>
      %and3A_393 = arith.andi %shift_right_logical3A_390, %and3A_392 : vector<16xi32>
      %add3A_394 = arith.addi %add3A_387, %and3A_393 : vector<16xi32>
      %and3A_395 = arith.constant -65536 : i32
      %and3A_396 = vector.broadcast %and3A_395 : i32 to vector<16xi32>
      %and3A_397 = arith.andi %add3A_394, %and3A_396 : vector<16xi32>
      %bitcast3A_398 = vector.bitcast %and3A_397 : vector<16xi32> to vector<16xf32>
      %bitcast3A_399 = vector.bitcast %gather3A_366 : vector<16xf32> to vector<16xi32>
      %add3A_400 = arith.constant 32767 : i32
      %add3A_401 = vector.broadcast %add3A_400 : i32 to vector<16xi32>
      %add3A_402 = arith.addi %bitcast3A_399, %add3A_401 : vector<16xi32>
      %shift_right_logical3A_403 = arith.constant 16 : i32
      %shift_right_logical3A_404 = vector.broadcast %shift_right_logical3A_403 : i32 to vector<16xi32>
      %shift_right_logical3A_405 = arith.shrui %bitcast3A_399, %shift_right_logical3A_404 : vector<16xi32>
      %and3A_406 = arith.constant 1 : i32
      %and3A_407 = vector.broadcast %and3A_406 : i32 to vector<16xi32>
      %and3A_408 = arith.andi %shift_right_logical3A_405, %and3A_407 : vector<16xi32>
      %add3A_409 = arith.addi %add3A_402, %and3A_408 : vector<16xi32>
      %and3A_410 = arith.constant -65536 : i32
      %and3A_411 = vector.broadcast %and3A_410 : i32 to vector<16xi32>
      %and3A_412 = arith.andi %add3A_409, %and3A_411 : vector<16xi32>
      %bitcast3A_413 = vector.bitcast %and3A_412 : vector<16xi32> to vector<16xf32>
      %swap3A = arith.constant 0 : index
      %swap3A_414 = tpu.vector_load %arg19[%swap3A] {strides = array<i32>} : memref<160xi32, #tpu.memory_space<vmem>>, vector<16xi32>,
      tpu.vector_store %arg19[%swap3A], %broadcast_in_dim3A_12 {strides = array<i32>} : memref<160xi32, #tpu.memory_space<vmem>>, vector<16xi32>,
      %while3A = arith.constant 0 : i32
      %while3A_415 = arith.constant 0 : i32
      %while3A_416:2 = scf.while (%while3A_560 = %while3A, %while3A_561 = %while3A_415) : (i32, i32) -> (i32, i32) {
        %lt3A = arith.constant 8192 : i32
        %lt3A_562 = arith.cmpi slt, %while3A_560, %lt3A : i32
        %lt3A_563 = arith.constant 64 : i32
        %lt3A_564 = arith.cmpi slt, %while3A_561, %lt3A_563 : i32
        %and3A_565 = arith.andi %lt3A_562, %lt3A_564 : i1
        scf.condition(%and3A_565) %while3A_560, %while3A_561 : i32, i32
      } do {
      ^bb0(%while3A_560: i32, %while3A_561: i32):
        %add3A_562 = arith.constant 16 : i32
        %add3A_563 = arith.addi %while3A_560, %add3A_562 : i32
        %get3A_564 = arith.index_cast %while3A_560 : i32 to index
        %get3A_565 = tpu.vector_load %arg14[%get3A_564] {strides = array<i32>} : memref<8192xf32, #tpu.memory_space<vmem>>, vector<16xf32>,
        %mul3A_566 = arith.mulf %bitcast3A_383, %get3A_565 : vector<16xf32>
        %get3A_567 = arith.index_cast %while3A_560 : i32 to index
        %get3A_568 = tpu.vector_load %arg15[%get3A_567] {strides = array<i32>} : memref<8192xf32, #tpu.memory_space<vmem>>, vector<16xf32>,
        %mul3A_569 = arith.mulf %bitcast3A_398, %get3A_568 : vector<16xf32>
        %add3A_570 = arith.addf %mul3A_566, %mul3A_569 : vector<16xf32>
        %get3A_571 = arith.index_cast %while3A_560 : i32 to index
        %get3A_572 = tpu.vector_load %arg16[%get3A_571] {strides = array<i32>} : memref<8192xf32, #tpu.memory_space<vmem>>, vector<16xf32>,
        %mul3A_573 = arith.mulf %bitcast3A_413, %get3A_572 : vector<16xf32>
        %add3A_574 = arith.addf %add3A_570, %mul3A_573 : vector<16xf32>
        %get3A_575 = arith.index_cast %add3A_563 : i32 to index
        %get3A_576 = tpu.vector_load %arg14[%get3A_575] {strides = array<i32>} : memref<8192xf32, #tpu.memory_space<vmem>>, vector<16xf32>,
        %mul3A_577 = arith.mulf %bitcast3A_383, %get3A_576 : vector<16xf32>
        %get3A_578 = arith.index_cast %add3A_563 : i32 to index
        %get3A_579 = tpu.vector_load %arg15[%get3A_578] {strides = array<i32>} : memref<8192xf32, #tpu.memory_space<vmem>>, vector<16xf32>,
        %mul3A_580 = arith.mulf %bitcast3A_398, %get3A_579 : vector<16xf32>
        %add3A_581 = arith.addf %mul3A_577, %mul3A_580 : vector<16xf32>
        %get3A_582 = arith.index_cast %add3A_563 : i32 to index
        %get3A_583 = tpu.vector_load %arg16[%get3A_582] {strides = array<i32>} : memref<8192xf32, #tpu.memory_space<vmem>>, vector<16xf32>,
        %mul3A_584 = arith.mulf %bitcast3A_413, %get3A_583 : vector<16xf32>
        %add3A_585 = arith.addf %add3A_581, %mul3A_584 : vector<16xf32>
        %mul3A_586 = arith.constant -2.000000e+00 : f32
        %mul3A_587 = vector.broadcast %mul3A_586 : f32 to vector<16xf32>
        %mul3A_588 = arith.mulf %mul3A_587, %add3A_574 : vector<16xf32>
        %add3A_589 = arith.addf %mul3A_588, %add3A_371 : vector<16xf32>
        %get3A_590 = arith.index_cast %while3A_560 : i32 to index
        %get3A_591 = tpu.vector_load %arg17[%get3A_590] {strides = array<i32>} : memref<8192xf32, #tpu.memory_space<vmem>>, vector<16xf32>,
        %add3A_592 = arith.addf %add3A_589, %get3A_591 : vector<16xf32>
        %le3A = vector.broadcast %scan3A_14 : f32 to vector<16xf32>
        %le3A_593 = arith.cmpf ole, %add3A_592, %le3A : vector<16xf32>
        %mul3A_594 = arith.constant -2.000000e+00 : f32
        %mul3A_595 = vector.broadcast %mul3A_594 : f32 to vector<16xf32>
        %mul3A_596 = arith.mulf %mul3A_595, %add3A_585 : vector<16xf32>
        %add3A_597 = arith.addf %mul3A_596, %add3A_371 : vector<16xf32>
        %get3A_598 = arith.index_cast %add3A_563 : i32 to index
        %get3A_599 = tpu.vector_load %arg17[%get3A_598] {strides = array<i32>} : memref<8192xf32, #tpu.memory_space<vmem>>, vector<16xf32>,
        %add3A_600 = arith.addf %add3A_597, %get3A_599 : vector<16xf32>
        %le3A_601 = vector.broadcast %scan3A_14 : f32 to vector<16xf32>
        %le3A_602 = arith.cmpf ole, %add3A_600, %le3A_601 : vector<16xf32>
        %add3A_603 = vector.broadcast %while3A_560 : i32 to vector<16xi32>
        %add3A_604 = arith.addi %iota3A, %add3A_603 : vector<16xi32>
        %swap3A_605 = arith.index_cast %while3A_561 : i32 to index
        %swap3A_606 = tpu.vector_load %arg19[%swap3A_605] masked %le3A_593 {strides = array<i32>} : memref<160xi32, #tpu.memory_space<vmem>>, vector<16xi32>, vector<16xi1>
        tpu.vector_store %arg19[%swap3A_605], %add3A_604 masked %le3A_593 {strides = array<i32>} : memref<160xi32, #tpu.memory_space<vmem>>, vector<16xi32>, vector<16xi1>
        %convert_element_type3A = arith.extui %le3A_593 : vector<16xi1> to vector<16xi32>
        %reduce_sum3A = arith.constant true
        %reduce_sum3A_607 = vector.broadcast %reduce_sum3A : i1 to vector<16xi1>
        %reduce_sum3A_608 = tpu.scan <sum>, %convert_element_type3A masked %reduce_sum3A_607 : vector<16xi32>, vector<16xi1> -> vector<16xi32>
        %reduce_sum3A_609 = vector.extract %reduce_sum3A_608[15] : i32 from vector<16xi32>
        %add3A_610 = arith.addi %while3A_561, %reduce_sum3A_609 : i32
        %add3A_611 = arith.constant 16 : i32
        %add3A_612 = arith.addi %while3A_560, %add3A_611 : i32
        %add3A_613 = vector.broadcast %add3A_612 : i32 to vector<16xi32>
        %add3A_614 = arith.addi %iota3A, %add3A_613 : vector<16xi32>
        %swap3A_615 = arith.index_cast %add3A_610 : i32 to index
        %swap3A_616 = tpu.vector_load %arg19[%swap3A_615] masked %le3A_602 {strides = array<i32>} : memref<160xi32, #tpu.memory_space<vmem>>, vector<16xi32>, vector<16xi1>
        tpu.vector_store %arg19[%swap3A_615], %add3A_614 masked %le3A_602 {strides = array<i32>} : memref<160xi32, #tpu.memory_space<vmem>>, vector<16xi32>, vector<16xi1>
        %convert_element_type3A_617 = arith.extui %le3A_602 : vector<16xi1> to vector<16xi32>
        %reduce_sum3A_618 = arith.constant true
        %reduce_sum3A_619 = vector.broadcast %reduce_sum3A_618 : i1 to vector<16xi1>
        %reduce_sum3A_620 = tpu.scan <sum>, %convert_element_type3A_617 masked %reduce_sum3A_619 : vector<16xi32>, vector<16xi1> -> vector<16xi32>
        %reduce_sum3A_621 = vector.extract %reduce_sum3A_620[15] : i32 from vector<16xi32>
        %add3A_622 = arith.constant 32 : i32
        %add3A_623 = arith.addi %while3A_560, %add3A_622 : i32
        %add3A_624 = arith.addi %while3A_561, %reduce_sum3A_609 : i32
        %add3A_625 = arith.addi %add3A_624, %reduce_sum3A_621 : i32
        scf.yield %add3A_623, %add3A_625 : i32, i32
      }
      %gather3A_417 = tpu.vector_load_idx %arg19[%broadcast_in_dim3A_10] : memref<160xi32, #tpu.memory_space<vmem>>[vector<16xi32>], vector<16xi32>,
      %min3A = arith.constant 64 : i32
      %min3A_418 = arith.minsi %while3A_416#1, %min3A : i32
      %while3A_419 = scf.while (%while3A_560 = %min3A_418) : (i32) -> i32 {
        %lt3A = arith.constant 64 : i32
        %lt3A_561 = arith.cmpi slt, %while3A_560, %lt3A : i32
        scf.condition(%lt3A_561) %while3A_560 : i32
      } do {
      ^bb0(%while3A_560: i32):
        %swap3A_561 = arith.index_cast %while3A_560 : i32 to index
        %swap3A_562 = tpu.vector_load %arg19[%swap3A_561] {strides = array<i32>} : memref<160xi32, #tpu.memory_space<vmem>>, vector<16xi32>,
        tpu.vector_store %arg19[%swap3A_561], %gather3A_417 {strides = array<i32>} : memref<160xi32, #tpu.memory_space<vmem>>, vector<16xi32>,
        %add3A_563 = arith.constant 16 : i32
        %add3A_564 = arith.addi %while3A_560, %add3A_563 : i32
        scf.yield %add3A_564 : i32
      }
      %mul3A_420 = arith.constant 64 : i32
      %mul3A_421 = arith.muli %scan3A_353, %mul3A_420 : i32
      %get3A = arith.constant 0 : index
      %get3A_422 = tpu.vector_load %arg19[%get3A] {strides = array<i32>} : memref<160xi32, #tpu.memory_space<vmem>>, vector<16xi32>,
      %gather3A_423 = tpu.vector_load_idx %arg8[%broadcast_in_dim3A_10, %broadcast_in_dim3A_10, %get3A_422] : memref<1x1x8192xf32, #tpu.memory_space<vmem>>[vector<16xi32>, vector<16xi32>, vector<16xi32>], vector<16xf32>,
      %sub3A = arith.subf %gather3A_423, %gather3A : vector<16xf32>
      %gather3A_424 = tpu.vector_load_idx %arg9[%broadcast_in_dim3A_10, %broadcast_in_dim3A_10, %get3A_422] : memref<1x1x8192xf32, #tpu.memory_space<vmem>>[vector<16xi32>, vector<16xi32>, vector<16xi32>], vector<16xf32>,
      %sub3A_425 = arith.subf %gather3A_424, %gather3A_362 : vector<16xf32>
      %gather3A_426 = tpu.vector_load_idx %arg10[%broadcast_in_dim3A_10, %broadcast_in_dim3A_10, %get3A_422] : memref<1x1x8192xf32, #tpu.memory_space<vmem>>[vector<16xi32>, vector<16xi32>, vector<16xi32>], vector<16xf32>,
      %sub3A_427 = arith.subf %gather3A_426, %gather3A_366 : vector<16xf32>
      %gather3A_428 = tpu.vector_load_idx %arg11[%broadcast_in_dim3A_10, %broadcast_in_dim3A_10, %get3A_422] : memref<1x1x8192xf32, #tpu.memory_space<vmem>>[vector<16xi32>, vector<16xi32>, vector<16xi32>], vector<16xf32>,
      %gather3A_429 = tpu.vector_load_idx %arg12[%broadcast_in_dim3A_10, %broadcast_in_dim3A_10, %get3A_422] : memref<1x1x8192xf32, #tpu.memory_space<vmem>>[vector<16xi32>, vector<16xi32>, vector<16xi32>], vector<16xf32>,
      %gather3A_430 = tpu.vector_load_idx %arg13[%broadcast_in_dim3A_10, %broadcast_in_dim3A_10, %get3A_422] : memref<1x1x8192xf32, #tpu.memory_space<vmem>>[vector<16xi32>, vector<16xi32>, vector<16xi32>], vector<16xf32>,
      %add3A_431 = arith.constant 0 : i32
      %add3A_432 = arith.addi %mul3A_421, %add3A_431 : i32
      %swap3A_433 = arith.index_cast %add3A_432 : i32 to index
      %swap3A_434 = tpu.vector_load %arg20[%swap3A_433] {strides = array<i32>} : memref<4096xf32, #tpu.memory_space<vmem>>, vector<16xf32>,
      tpu.vector_store %arg20[%swap3A_433], %gather3A_428 {strides = array<i32>} : memref<4096xf32, #tpu.memory_space<vmem>>, vector<16xf32>,
      %add3A_435 = arith.constant 0 : i32
      %add3A_436 = arith.addi %mul3A_421, %add3A_435 : i32
      %swap3A_437 = arith.index_cast %add3A_436 : i32 to index
      %swap3A_438 = tpu.vector_load %arg21[%swap3A_437] {strides = array<i32>} : memref<4096xf32, #tpu.memory_space<vmem>>, vector<16xf32>,
      tpu.vector_store %arg21[%swap3A_437], %gather3A_429 {strides = array<i32>} : memref<4096xf32, #tpu.memory_space<vmem>>, vector<16xf32>,
      %add3A_439 = arith.constant 0 : i32
      %add3A_440 = arith.addi %mul3A_421, %add3A_439 : i32
      %swap3A_441 = arith.index_cast %add3A_440 : i32 to index
      %swap3A_442 = tpu.vector_load %arg22[%swap3A_441] {strides = array<i32>} : memref<4096xf32, #tpu.memory_space<vmem>>, vector<16xf32>,
      tpu.vector_store %arg22[%swap3A_441], %gather3A_430 {strides = array<i32>} : memref<4096xf32, #tpu.memory_space<vmem>>, vector<16xf32>,
      %add3A_443 = arith.constant 0 : i32
      %add3A_444 = arith.addi %mul3A_421, %add3A_443 : i32
      %swap3A_445 = arith.index_cast %add3A_444 : i32 to index
      %swap3A_446 = tpu.vector_load %arg23[%swap3A_445] {strides = array<i32>} : memref<4096xf32, #tpu.memory_space<vmem>>, vector<16xf32>,
      tpu.vector_store %arg23[%swap3A_445], %sub3A {strides = array<i32>} : memref<4096xf32, #tpu.memory_space<vmem>>, vector<16xf32>,
      %add3A_447 = arith.constant 0 : i32
      %add3A_448 = arith.addi %mul3A_421, %add3A_447 : i32
      %swap3A_449 = arith.index_cast %add3A_448 : i32 to index
      %swap3A_450 = tpu.vector_load %arg24[%swap3A_449] {strides = array<i32>} : memref<4096xf32, #tpu.memory_space<vmem>>, vector<16xf32>,
      tpu.vector_store %arg24[%swap3A_449], %sub3A_425 {strides = array<i32>} : memref<4096xf32, #tpu.memory_space<vmem>>, vector<16xf32>,
      %add3A_451 = arith.constant 0 : i32
      %add3A_452 = arith.addi %mul3A_421, %add3A_451 : i32
      %swap3A_453 = arith.index_cast %add3A_452 : i32 to index
      %swap3A_454 = tpu.vector_load %arg25[%swap3A_453] {strides = array<i32>} : memref<4096xf32, #tpu.memory_space<vmem>>, vector<16xf32>,
      tpu.vector_store %arg25[%swap3A_453], %sub3A_427 {strides = array<i32>} : memref<4096xf32, #tpu.memory_space<vmem>>, vector<16xf32>,
      %get3A_455 = arith.constant 16 : index
      %get3A_456 = tpu.vector_load %arg19[%get3A_455] {strides = array<i32>} : memref<160xi32, #tpu.memory_space<vmem>>, vector<16xi32>,
      %gather3A_457 = tpu.vector_load_idx %arg8[%broadcast_in_dim3A_10, %broadcast_in_dim3A_10, %get3A_456] : memref<1x1x8192xf32, #tpu.memory_space<vmem>>[vector<16xi32>, vector<16xi32>, vector<16xi32>], vector<16xf32>,
      %sub3A_458 = arith.subf %gather3A_457, %gather3A : vector<16xf32>
      %gather3A_459 = tpu.vector_load_idx %arg9[%broadcast_in_dim3A_10, %broadcast_in_dim3A_10, %get3A_456] : memref<1x1x8192xf32, #tpu.memory_space<vmem>>[vector<16xi32>, vector<16xi32>, vector<16xi32>], vector<16xf32>,
      %sub3A_460 = arith.subf %gather3A_459, %gather3A_362 : vector<16xf32>
      %gather3A_461 = tpu.vector_load_idx %arg10[%broadcast_in_dim3A_10, %broadcast_in_dim3A_10, %get3A_456] : memref<1x1x8192xf32, #tpu.memory_space<vmem>>[vector<16xi32>, vector<16xi32>, vector<16xi32>], vector<16xf32>,
      %sub3A_462 = arith.subf %gather3A_461, %gather3A_366 : vector<16xf32>
      %gather3A_463 = tpu.vector_load_idx %arg11[%broadcast_in_dim3A_10, %broadcast_in_dim3A_10, %get3A_456] : memref<1x1x8192xf32, #tpu.memory_space<vmem>>[vector<16xi32>, vector<16xi32>, vector<16xi32>], vector<16xf32>,
      %gather3A_464 = tpu.vector_load_idx %arg12[%broadcast_in_dim3A_10, %broadcast_in_dim3A_10, %get3A_456] : memref<1x1x8192xf32, #tpu.memory_space<vmem>>[vector<16xi32>, vector<16xi32>, vector<16xi32>], vector<16xf32>,
      %gather3A_465 = tpu.vector_load_idx %arg13[%broadcast_in_dim3A_10, %broadcast_in_dim3A_10, %get3A_456] : memref<1x1x8192xf32, #tpu.memory_space<vmem>>[vector<16xi32>, vector<16xi32>, vector<16xi32>], vector<16xf32>,
      %add3A_466 = arith.constant 16 : i32
      %add3A_467 = arith.addi %mul3A_421, %add3A_466 : i32
      %swap3A_468 = arith.index_cast %add3A_467 : i32 to index
      %swap3A_469 = tpu.vector_load %arg20[%swap3A_468] {strides = array<i32>} : memref<4096xf32, #tpu.memory_space<vmem>>, vector<16xf32>,
      tpu.vector_store %arg20[%swap3A_468], %gather3A_463 {strides = array<i32>} : memref<4096xf32, #tpu.memory_space<vmem>>, vector<16xf32>,
      %add3A_470 = arith.constant 16 : i32
      %add3A_471 = arith.addi %mul3A_421, %add3A_470 : i32
      %swap3A_472 = arith.index_cast %add3A_471 : i32 to index
      %swap3A_473 = tpu.vector_load %arg21[%swap3A_472] {strides = array<i32>} : memref<4096xf32, #tpu.memory_space<vmem>>, vector<16xf32>,
      tpu.vector_store %arg21[%swap3A_472], %gather3A_464 {strides = array<i32>} : memref<4096xf32, #tpu.memory_space<vmem>>, vector<16xf32>,
      %add3A_474 = arith.constant 16 : i32
      %add3A_475 = arith.addi %mul3A_421, %add3A_474 : i32
      %swap3A_476 = arith.index_cast %add3A_475 : i32 to index
      %swap3A_477 = tpu.vector_load %arg22[%swap3A_476] {strides = array<i32>} : memref<4096xf32, #tpu.memory_space<vmem>>, vector<16xf32>,
      tpu.vector_store %arg22[%swap3A_476], %gather3A_465 {strides = array<i32>} : memref<4096xf32, #tpu.memory_space<vmem>>, vector<16xf32>,
      %add3A_478 = arith.constant 16 : i32
      %add3A_479 = arith.addi %mul3A_421, %add3A_478 : i32
      %swap3A_480 = arith.index_cast %add3A_479 : i32 to index
      %swap3A_481 = tpu.vector_load %arg23[%swap3A_480] {strides = array<i32>} : memref<4096xf32, #tpu.memory_space<vmem>>, vector<16xf32>,
      tpu.vector_store %arg23[%swap3A_480], %sub3A_458 {strides = array<i32>} : memref<4096xf32, #tpu.memory_space<vmem>>, vector<16xf32>,
      %add3A_482 = arith.constant 16 : i32
      %add3A_483 = arith.addi %mul3A_421, %add3A_482 : i32
      %swap3A_484 = arith.index_cast %add3A_483 : i32 to index
      %swap3A_485 = tpu.vector_load %arg24[%swap3A_484] {strides = array<i32>} : memref<4096xf32, #tpu.memory_space<vmem>>, vector<16xf32>,
      tpu.vector_store %arg24[%swap3A_484], %sub3A_460 {strides = array<i32>} : memref<4096xf32, #tpu.memory_space<vmem>>, vector<16xf32>,
      %add3A_486 = arith.constant 16 : i32
      %add3A_487 = arith.addi %mul3A_421, %add3A_486 : i32
      %swap3A_488 = arith.index_cast %add3A_487 : i32 to index
      %swap3A_489 = tpu.vector_load %arg25[%swap3A_488] {strides = array<i32>} : memref<4096xf32, #tpu.memory_space<vmem>>, vector<16xf32>,
      tpu.vector_store %arg25[%swap3A_488], %sub3A_462 {strides = array<i32>} : memref<4096xf32, #tpu.memory_space<vmem>>, vector<16xf32>,
      %get3A_490 = arith.constant 32 : index
      %get3A_491 = tpu.vector_load %arg19[%get3A_490] {strides = array<i32>} : memref<160xi32, #tpu.memory_space<vmem>>, vector<16xi32>,
      %gather3A_492 = tpu.vector_load_idx %arg8[%broadcast_in_dim3A_10, %broadcast_in_dim3A_10, %get3A_491] : memref<1x1x8192xf32, #tpu.memory_space<vmem>>[vector<16xi32>, vector<16xi32>, vector<16xi32>], vector<16xf32>,
      %sub3A_493 = arith.subf %gather3A_492, %gather3A : vector<16xf32>
      %gather3A_494 = tpu.vector_load_idx %arg9[%broadcast_in_dim3A_10, %broadcast_in_dim3A_10, %get3A_491] : memref<1x1x8192xf32, #tpu.memory_space<vmem>>[vector<16xi32>, vector<16xi32>, vector<16xi32>], vector<16xf32>,
      %sub3A_495 = arith.subf %gather3A_494, %gather3A_362 : vector<16xf32>
      %gather3A_496 = tpu.vector_load_idx %arg10[%broadcast_in_dim3A_10, %broadcast_in_dim3A_10, %get3A_491] : memref<1x1x8192xf32, #tpu.memory_space<vmem>>[vector<16xi32>, vector<16xi32>, vector<16xi32>], vector<16xf32>,
      %sub3A_497 = arith.subf %gather3A_496, %gather3A_366 : vector<16xf32>
      %gather3A_498 = tpu.vector_load_idx %arg11[%broadcast_in_dim3A_10, %broadcast_in_dim3A_10, %get3A_491] : memref<1x1x8192xf32, #tpu.memory_space<vmem>>[vector<16xi32>, vector<16xi32>, vector<16xi32>], vector<16xf32>,
      %gather3A_499 = tpu.vector_load_idx %arg12[%broadcast_in_dim3A_10, %broadcast_in_dim3A_10, %get3A_491] : memref<1x1x8192xf32, #tpu.memory_space<vmem>>[vector<16xi32>, vector<16xi32>, vector<16xi32>], vector<16xf32>,
      %gather3A_500 = tpu.vector_load_idx %arg13[%broadcast_in_dim3A_10, %broadcast_in_dim3A_10, %get3A_491] : memref<1x1x8192xf32, #tpu.memory_space<vmem>>[vector<16xi32>, vector<16xi32>, vector<16xi32>], vector<16xf32>,
      %add3A_501 = arith.constant 32 : i32
      %add3A_502 = arith.addi %mul3A_421, %add3A_501 : i32
      %swap3A_503 = arith.index_cast %add3A_502 : i32 to index
      %swap3A_504 = tpu.vector_load %arg20[%swap3A_503] {strides = array<i32>} : memref<4096xf32, #tpu.memory_space<vmem>>, vector<16xf32>,
      tpu.vector_store %arg20[%swap3A_503], %gather3A_498 {strides = array<i32>} : memref<4096xf32, #tpu.memory_space<vmem>>, vector<16xf32>,
      %add3A_505 = arith.constant 32 : i32
      %add3A_506 = arith.addi %mul3A_421, %add3A_505 : i32
      %swap3A_507 = arith.index_cast %add3A_506 : i32 to index
      %swap3A_508 = tpu.vector_load %arg21[%swap3A_507] {strides = array<i32>} : memref<4096xf32, #tpu.memory_space<vmem>>, vector<16xf32>,
      tpu.vector_store %arg21[%swap3A_507], %gather3A_499 {strides = array<i32>} : memref<4096xf32, #tpu.memory_space<vmem>>, vector<16xf32>,
      %add3A_509 = arith.constant 32 : i32
      %add3A_510 = arith.addi %mul3A_421, %add3A_509 : i32
      %swap3A_511 = arith.index_cast %add3A_510 : i32 to index
      %swap3A_512 = tpu.vector_load %arg22[%swap3A_511] {strides = array<i32>} : memref<4096xf32, #tpu.memory_space<vmem>>, vector<16xf32>,
      tpu.vector_store %arg22[%swap3A_511], %gather3A_500 {strides = array<i32>} : memref<4096xf32, #tpu.memory_space<vmem>>, vector<16xf32>,
      %add3A_513 = arith.constant 32 : i32
      %add3A_514 = arith.addi %mul3A_421, %add3A_513 : i32
      %swap3A_515 = arith.index_cast %add3A_514 : i32 to index
      %swap3A_516 = tpu.vector_load %arg23[%swap3A_515] {strides = array<i32>} : memref<4096xf32, #tpu.memory_space<vmem>>, vector<16xf32>,
      tpu.vector_store %arg23[%swap3A_515], %sub3A_493 {strides = array<i32>} : memref<4096xf32, #tpu.memory_space<vmem>>, vector<16xf32>,
      %add3A_517 = arith.constant 32 : i32
      %add3A_518 = arith.addi %mul3A_421, %add3A_517 : i32
      %swap3A_519 = arith.index_cast %add3A_518 : i32 to index
      %swap3A_520 = tpu.vector_load %arg24[%swap3A_519] {strides = array<i32>} : memref<4096xf32, #tpu.memory_space<vmem>>, vector<16xf32>,
      tpu.vector_store %arg24[%swap3A_519], %sub3A_495 {strides = array<i32>} : memref<4096xf32, #tpu.memory_space<vmem>>, vector<16xf32>,
      %add3A_521 = arith.constant 32 : i32
      %add3A_522 = arith.addi %mul3A_421, %add3A_521 : i32
      %swap3A_523 = arith.index_cast %add3A_522 : i32 to index
      %swap3A_524 = tpu.vector_load %arg25[%swap3A_523] {strides = array<i32>} : memref<4096xf32, #tpu.memory_space<vmem>>, vector<16xf32>,
      tpu.vector_store %arg25[%swap3A_523], %sub3A_497 {strides = array<i32>} : memref<4096xf32, #tpu.memory_space<vmem>>, vector<16xf32>,
      %get3A_525 = arith.constant 48 : index
      %get3A_526 = tpu.vector_load %arg19[%get3A_525] {strides = array<i32>} : memref<160xi32, #tpu.memory_space<vmem>>, vector<16xi32>,
      %gather3A_527 = tpu.vector_load_idx %arg8[%broadcast_in_dim3A_10, %broadcast_in_dim3A_10, %get3A_526] : memref<1x1x8192xf32, #tpu.memory_space<vmem>>[vector<16xi32>, vector<16xi32>, vector<16xi32>], vector<16xf32>,
      %sub3A_528 = arith.subf %gather3A_527, %gather3A : vector<16xf32>
      %gather3A_529 = tpu.vector_load_idx %arg9[%broadcast_in_dim3A_10, %broadcast_in_dim3A_10, %get3A_526] : memref<1x1x8192xf32, #tpu.memory_space<vmem>>[vector<16xi32>, vector<16xi32>, vector<16xi32>], vector<16xf32>,
      %sub3A_530 = arith.subf %gather3A_529, %gather3A_362 : vector<16xf32>
      %gather3A_531 = tpu.vector_load_idx %arg10[%broadcast_in_dim3A_10, %broadcast_in_dim3A_10, %get3A_526] : memref<1x1x8192xf32, #tpu.memory_space<vmem>>[vector<16xi32>, vector<16xi32>, vector<16xi32>], vector<16xf32>,
      %sub3A_532 = arith.subf %gather3A_531, %gather3A_366 : vector<16xf32>
      %gather3A_533 = tpu.vector_load_idx %arg11[%broadcast_in_dim3A_10, %broadcast_in_dim3A_10, %get3A_526] : memref<1x1x8192xf32, #tpu.memory_space<vmem>>[vector<16xi32>, vector<16xi32>, vector<16xi32>], vector<16xf32>,
      %gather3A_534 = tpu.vector_load_idx %arg12[%broadcast_in_dim3A_10, %broadcast_in_dim3A_10, %get3A_526] : memref<1x1x8192xf32, #tpu.memory_space<vmem>>[vector<16xi32>, vector<16xi32>, vector<16xi32>], vector<16xf32>,
      %gather3A_535 = tpu.vector_load_idx %arg13[%broadcast_in_dim3A_10, %broadcast_in_dim3A_10, %get3A_526] : memref<1x1x8192xf32, #tpu.memory_space<vmem>>[vector<16xi32>, vector<16xi32>, vector<16xi32>], vector<16xf32>,
      %add3A_536 = arith.constant 48 : i32
      %add3A_537 = arith.addi %mul3A_421, %add3A_536 : i32
      %swap3A_538 = arith.index_cast %add3A_537 : i32 to index
      %swap3A_539 = tpu.vector_load %arg20[%swap3A_538] {strides = array<i32>} : memref<4096xf32, #tpu.memory_space<vmem>>, vector<16xf32>,
      tpu.vector_store %arg20[%swap3A_538], %gather3A_533 {strides = array<i32>} : memref<4096xf32, #tpu.memory_space<vmem>>, vector<16xf32>,
      %add3A_540 = arith.constant 48 : i32
      %add3A_541 = arith.addi %mul3A_421, %add3A_540 : i32
      %swap3A_542 = arith.index_cast %add3A_541 : i32 to index
      %swap3A_543 = tpu.vector_load %arg21[%swap3A_542] {strides = array<i32>} : memref<4096xf32, #tpu.memory_space<vmem>>, vector<16xf32>,
      tpu.vector_store %arg21[%swap3A_542], %gather3A_534 {strides = array<i32>} : memref<4096xf32, #tpu.memory_space<vmem>>, vector<16xf32>,
      %add3A_544 = arith.constant 48 : i32
      %add3A_545 = arith.addi %mul3A_421, %add3A_544 : i32
      %swap3A_546 = arith.index_cast %add3A_545 : i32 to index
      %swap3A_547 = tpu.vector_load %arg22[%swap3A_546] {strides = array<i32>} : memref<4096xf32, #tpu.memory_space<vmem>>, vector<16xf32>,
      tpu.vector_store %arg22[%swap3A_546], %gather3A_535 {strides = array<i32>} : memref<4096xf32, #tpu.memory_space<vmem>>, vector<16xf32>,
      %add3A_548 = arith.constant 48 : i32
      %add3A_549 = arith.addi %mul3A_421, %add3A_548 : i32
      %swap3A_550 = arith.index_cast %add3A_549 : i32 to index
      %swap3A_551 = tpu.vector_load %arg23[%swap3A_550] {strides = array<i32>} : memref<4096xf32, #tpu.memory_space<vmem>>, vector<16xf32>,
      tpu.vector_store %arg23[%swap3A_550], %sub3A_528 {strides = array<i32>} : memref<4096xf32, #tpu.memory_space<vmem>>, vector<16xf32>,
      %add3A_552 = arith.constant 48 : i32
      %add3A_553 = arith.addi %mul3A_421, %add3A_552 : i32
      %swap3A_554 = arith.index_cast %add3A_553 : i32 to index
      %swap3A_555 = tpu.vector_load %arg24[%swap3A_554] {strides = array<i32>} : memref<4096xf32, #tpu.memory_space<vmem>>, vector<16xf32>,
      tpu.vector_store %arg24[%swap3A_554], %sub3A_530 {strides = array<i32>} : memref<4096xf32, #tpu.memory_space<vmem>>, vector<16xf32>,
      %add3A_556 = arith.constant 48 : i32
      %add3A_557 = arith.addi %mul3A_421, %add3A_556 : i32
      %swap3A_558 = arith.index_cast %add3A_557 : i32 to index
      %swap3A_559 = tpu.vector_load %arg25[%swap3A_558] {strides = array<i32>} : memref<4096xf32, #tpu.memory_space<vmem>>, vector<16xf32>,
      tpu.vector_store %arg25[%swap3A_558], %sub3A_532 {strides = array<i32>} : memref<4096xf32, #tpu.memory_space<vmem>>, vector<16xf32>,
    }
    %scan3A_19 = arith.constant 64 : i32
    %mul3A_20 = arith.constant 6 : i32
    %mul3A_21 = arith.muli %arg0, %mul3A_20 : i32
    %add3A_22 = arith.constant 0 : i32
    %add3A_23 = arith.addi %mul3A_21, %add3A_22 : i32
    %mul3A_24 = arith.constant 1024 : i32
    %mul3A_25 = arith.muli %add3A_23, %mul3A_24 : i32
    %mul3A_26 = arith.constant 64 : i32
    %mul3A_27 = arith.muli %mul3A_25, %mul3A_26 : i32
    %add3A_28 = arith.constant 0 : i32
    %add3A_29 = arith.addi %mul3A_0, %add3A_28 : i32
    %mul3A_30 = arith.constant 64 : i32
    %mul3A_31 = arith.muli %add3A_29, %mul3A_30 : i32
    %add3A_32 = arith.addi %mul3A_27, %mul3A_31 : i32
    "tpu.region"() ({
      %run_scoped3A = tpu.sem_alloc : memref<!tpu.dma_semaphore, #tpu.memory_space<semaphore_mem>>
      %dma_start3A = arith.constant 0 : i32
      %dma_start3A_353 = tpu.memref_slice %arg20[%dma_start3A] : memref<4096xf32, #tpu.memory_space<vmem>> -> memref<4096xf32, #tpu.memory_space<vmem>>
      %dma_start3A_354 = tpu.memref_slice %arg5[%add3A_32] : memref<786432xf32, #tpu.memory_space<hbm>> -> memref<4096xf32, #tpu.memory_space<hbm>>
      %dma_start3A_355 = tpu.memref_slice %arg5[%add3A_32] : memref<786432xf32, #tpu.memory_space<hbm>> -> memref<4096xf32, #tpu.memory_space<hbm>>
      %dma_start3A_356 = arith.constant 0 : i32
      %dma_start3A_357 = tpu.memref_slice %arg20[%dma_start3A_356] : memref<4096xf32, #tpu.memory_space<vmem>> -> memref<4096xf32, #tpu.memory_space<vmem>>
      tpu.enqueue_dma source(%dma_start3A_357 : memref<4096xf32, #tpu.memory_space<vmem>>) target(%dma_start3A_355 : memref<4096xf32, #tpu.memory_space<hbm>>) target_semaphore(%run_scoped3A : memref<!tpu.dma_semaphore, #tpu.memory_space<semaphore_mem>>)
      %dma_wait3A = arith.constant 0 : i32
      %dma_wait3A_358 = tpu.memref_slice %arg20[%dma_wait3A] : memref<4096xf32, #tpu.memory_space<vmem>> -> memref<4096xf32, #tpu.memory_space<vmem>>
      %dma_wait3A_359 = tpu.memref_slice %arg5[%add3A_32] : memref<786432xf32, #tpu.memory_space<hbm>> -> memref<4096xf32, #tpu.memory_space<hbm>>
      %dma_wait3A_360 = tpu.memref_slice %arg5[%add3A_32] : memref<786432xf32, #tpu.memory_space<hbm>> -> memref<4096xf32, #tpu.memory_space<hbm>>
      %dma_wait3A_361 = arith.constant 0 : i32
      %dma_wait3A_362 = tpu.memref_slice %arg20[%dma_wait3A_361] : memref<4096xf32, #tpu.memory_space<vmem>> -> memref<4096xf32, #tpu.memory_space<vmem>>
      tpu.wait_dma2 semaphore(%run_scoped3A : memref<!tpu.dma_semaphore, #tpu.memory_space<semaphore_mem>>) src(%dma_wait3A_362 : memref<4096xf32, #tpu.memory_space<vmem>>) dst(%dma_wait3A_360 : memref<4096xf32, #tpu.memory_space<hbm>>)
      tpu.yield
    }) : () -> ()
    %mul3A_33 = arith.constant 6 : i32
    %mul3A_34 = arith.muli %arg0, %mul3A_33 : i32
    %add3A_35 = arith.constant 1 : i32
    %add3A_36 = arith.addi %mul3A_34, %add3A_35 : i32
    %mul3A_37 = arith.constant 1024 : i32
    %mul3A_38 = arith.muli %add3A_36, %mul3A_37 : i32
    %mul3A_39 = arith.constant 64 : i32
    %mul3A_40 = arith.muli %mul3A_38, %mul3A_39 : i32
    %add3A_41 = arith.constant 0 : i32
    %add3A_42 = arith.addi %mul3A_0, %add3A_41 : i32
    %mul3A_43 = arith.constant 64 : i32
    %mul3A_44 = arith.muli %add3A_42, %mul3A_43 : i32
    %add3A_45 = arith.addi %mul3A_40, %mul3A_44 : i32
    "tpu.region"() ({
      %run_scoped3A = tpu.sem_alloc : memref<!tpu.dma_semaphore, #tpu.memory_space<semaphore_mem>>
      %dma_start3A = arith.constant 0 : i32
      %dma_start3A_353 = tpu.memref_slice %arg21[%dma_start3A] : memref<4096xf32, #tpu.memory_space<vmem>> -> memref<4096xf32, #tpu.memory_space<vmem>>
      %dma_start3A_354 = tpu.memref_slice %arg5[%add3A_45] : memref<786432xf32, #tpu.memory_space<hbm>> -> memref<4096xf32, #tpu.memory_space<hbm>>
      %dma_start3A_355 = tpu.memref_slice %arg5[%add3A_45] : memref<786432xf32, #tpu.memory_space<hbm>> -> memref<4096xf32, #tpu.memory_space<hbm>>
      %dma_start3A_356 = arith.constant 0 : i32
      %dma_start3A_357 = tpu.memref_slice %arg21[%dma_start3A_356] : memref<4096xf32, #tpu.memory_space<vmem>> -> memref<4096xf32, #tpu.memory_space<vmem>>
      tpu.enqueue_dma source(%dma_start3A_357 : memref<4096xf32, #tpu.memory_space<vmem>>) target(%dma_start3A_355 : memref<4096xf32, #tpu.memory_space<hbm>>) target_semaphore(%run_scoped3A : memref<!tpu.dma_semaphore, #tpu.memory_space<semaphore_mem>>)
      %dma_wait3A = arith.constant 0 : i32
      %dma_wait3A_358 = tpu.memref_slice %arg21[%dma_wait3A] : memref<4096xf32, #tpu.memory_space<vmem>> -> memref<4096xf32, #tpu.memory_space<vmem>>
      %dma_wait3A_359 = tpu.memref_slice %arg5[%add3A_45] : memref<786432xf32, #tpu.memory_space<hbm>> -> memref<4096xf32, #tpu.memory_space<hbm>>
      %dma_wait3A_360 = tpu.memref_slice %arg5[%add3A_45] : memref<786432xf32, #tpu.memory_space<hbm>> -> memref<4096xf32, #tpu.memory_space<hbm>>
      %dma_wait3A_361 = arith.constant 0 : i32
      %dma_wait3A_362 = tpu.memref_slice %arg21[%dma_wait3A_361] : memref<4096xf32, #tpu.memory_space<vmem>> -> memref<4096xf32, #tpu.memory_space<vmem>>
      tpu.wait_dma2 semaphore(%run_scoped3A : memref<!tpu.dma_semaphore, #tpu.memory_space<semaphore_mem>>) src(%dma_wait3A_362 : memref<4096xf32, #tpu.memory_space<vmem>>) dst(%dma_wait3A_360 : memref<4096xf32, #tpu.memory_space<hbm>>)
      tpu.yield
    }) : () -> ()
    %mul3A_46 = arith.constant 6 : i32
    %mul3A_47 = arith.muli %arg0, %mul3A_46 : i32
    %add3A_48 = arith.constant 2 : i32
    %add3A_49 = arith.addi %mul3A_47, %add3A_48 : i32
    %mul3A_50 = arith.constant 1024 : i32
    %mul3A_51 = arith.muli %add3A_49, %mul3A_50 : i32
    %mul3A_52 = arith.constant 64 : i32
    %mul3A_53 = arith.muli %mul3A_51, %mul3A_52 : i32
    %add3A_54 = arith.constant 0 : i32
    %add3A_55 = arith.addi %mul3A_0, %add3A_54 : i32
    %mul3A_56 = arith.constant 64 : i32
    %mul3A_57 = arith.muli %add3A_55, %mul3A_56 : i32
    %add3A_58 = arith.addi %mul3A_53, %mul3A_57 : i32
    "tpu.region"() ({
      %run_scoped3A = tpu.sem_alloc : memref<!tpu.dma_semaphore, #tpu.memory_space<semaphore_mem>>
      %dma_start3A = arith.constant 0 : i32
      %dma_start3A_353 = tpu.memref_slice %arg22[%dma_start3A] : memref<4096xf32, #tpu.memory_space<vmem>> -> memref<4096xf32, #tpu.memory_space<vmem>>
      %dma_start3A_354 = tpu.memref_slice %arg5[%add3A_58] : memref<786432xf32, #tpu.memory_space<hbm>> -> memref<4096xf32, #tpu.memory_space<hbm>>
      %dma_start3A_355 = tpu.memref_slice %arg5[%add3A_58] : memref<786432xf32, #tpu.memory_space<hbm>> -> memref<4096xf32, #tpu.memory_space<hbm>>
      %dma_start3A_356 = arith.constant 0 : i32
      %dma_start3A_357 = tpu.memref_slice %arg22[%dma_start3A_356] : memref<4096xf32, #tpu.memory_space<vmem>> -> memref<4096xf32, #tpu.memory_space<vmem>>
      tpu.enqueue_dma source(%dma_start3A_357 : memref<4096xf32, #tpu.memory_space<vmem>>) target(%dma_start3A_355 : memref<4096xf32, #tpu.memory_space<hbm>>) target_semaphore(%run_scoped3A : memref<!tpu.dma_semaphore, #tpu.memory_space<semaphore_mem>>)
      %dma_wait3A = arith.constant 0 : i32
      %dma_wait3A_358 = tpu.memref_slice %arg22[%dma_wait3A] : memref<4096xf32, #tpu.memory_space<vmem>> -> memref<4096xf32, #tpu.memory_space<vmem>>
      %dma_wait3A_359 = tpu.memref_slice %arg5[%add3A_58] : memref<786432xf32, #tpu.memory_space<hbm>> -> memref<4096xf32, #tpu.memory_space<hbm>>
      %dma_wait3A_360 = tpu.memref_slice %arg5[%add3A_58] : memref<786432xf32, #tpu.memory_space<hbm>> -> memref<4096xf32, #tpu.memory_space<hbm>>
      %dma_wait3A_361 = arith.constant 0 : i32
      %dma_wait3A_362 = tpu.memref_slice %arg22[%dma_wait3A_361] : memref<4096xf32, #tpu.memory_space<vmem>> -> memref<4096xf32, #tpu.memory_space<vmem>>
      tpu.wait_dma2 semaphore(%run_scoped3A : memref<!tpu.dma_semaphore, #tpu.memory_space<semaphore_mem>>) src(%dma_wait3A_362 : memref<4096xf32, #tpu.memory_space<vmem>>) dst(%dma_wait3A_360 : memref<4096xf32, #tpu.memory_space<hbm>>)
      tpu.yield
    }) : () -> ()
    %mul3A_59 = arith.constant 6 : i32
    %mul3A_60 = arith.muli %arg0, %mul3A_59 : i32
    %add3A_61 = arith.constant 3 : i32
    %add3A_62 = arith.addi %mul3A_60, %add3A_61 : i32
    %mul3A_63 = arith.constant 1024 : i32
    %mul3A_64 = arith.muli %add3A_62, %mul3A_63 : i32
    %mul3A_65 = arith.constant 64 : i32
    %mul3A_66 = arith.muli %mul3A_64, %mul3A_65 : i32
    %add3A_67 = arith.constant 0 : i32
    %add3A_68 = arith.addi %mul3A_0, %add3A_67 : i32
    %mul3A_69 = arith.constant 64 : i32
    %mul3A_70 = arith.muli %add3A_68, %mul3A_69 : i32
    %add3A_71 = arith.addi %mul3A_66, %mul3A_70 : i32
    "tpu.region"() ({
      %run_scoped3A = tpu.sem_alloc : memref<!tpu.dma_semaphore, #tpu.memory_space<semaphore_mem>>
      %dma_start3A = arith.constant 0 : i32
      %dma_start3A_353 = tpu.memref_slice %arg23[%dma_start3A] : memref<4096xf32, #tpu.memory_space<vmem>> -> memref<4096xf32, #tpu.memory_space<vmem>>
      %dma_start3A_354 = tpu.memref_slice %arg5[%add3A_71] : memref<786432xf32, #tpu.memory_space<hbm>> -> memref<4096xf32, #tpu.memory_space<hbm>>
      %dma_start3A_355 = tpu.memref_slice %arg5[%add3A_71] : memref<786432xf32, #tpu.memory_space<hbm>> -> memref<4096xf32, #tpu.memory_space<hbm>>
      %dma_start3A_356 = arith.constant 0 : i32
      %dma_start3A_357 = tpu.memref_slice %arg23[%dma_start3A_356] : memref<4096xf32, #tpu.memory_space<vmem>> -> memref<4096xf32, #tpu.memory_space<vmem>>
      tpu.enqueue_dma source(%dma_start3A_357 : memref<4096xf32, #tpu.memory_space<vmem>>) target(%dma_start3A_355 : memref<4096xf32, #tpu.memory_space<hbm>>) target_semaphore(%run_scoped3A : memref<!tpu.dma_semaphore, #tpu.memory_space<semaphore_mem>>)
      %dma_wait3A = arith.constant 0 : i32
      %dma_wait3A_358 = tpu.memref_slice %arg23[%dma_wait3A] : memref<4096xf32, #tpu.memory_space<vmem>> -> memref<4096xf32, #tpu.memory_space<vmem>>
      %dma_wait3A_359 = tpu.memref_slice %arg5[%add3A_71] : memref<786432xf32, #tpu.memory_space<hbm>> -> memref<4096xf32, #tpu.memory_space<hbm>>
      %dma_wait3A_360 = tpu.memref_slice %arg5[%add3A_71] : memref<786432xf32, #tpu.memory_space<hbm>> -> memref<4096xf32, #tpu.memory_space<hbm>>
      %dma_wait3A_361 = arith.constant 0 : i32
      %dma_wait3A_362 = tpu.memref_slice %arg23[%dma_wait3A_361] : memref<4096xf32, #tpu.memory_space<vmem>> -> memref<4096xf32, #tpu.memory_space<vmem>>
      tpu.wait_dma2 semaphore(%run_scoped3A : memref<!tpu.dma_semaphore, #tpu.memory_space<semaphore_mem>>) src(%dma_wait3A_362 : memref<4096xf32, #tpu.memory_space<vmem>>) dst(%dma_wait3A_360 : memref<4096xf32, #tpu.memory_space<hbm>>)
      tpu.yield
    }) : () -> ()
    %mul3A_72 = arith.constant 6 : i32
    %mul3A_73 = arith.muli %arg0, %mul3A_72 : i32
    %add3A_74 = arith.constant 4 : i32
    %add3A_75 = arith.addi %mul3A_73, %add3A_74 : i32
    %mul3A_76 = arith.constant 1024 : i32
    %mul3A_77 = arith.muli %add3A_75, %mul3A_76 : i32
    %mul3A_78 = arith.constant 64 : i32
    %mul3A_79 = arith.muli %mul3A_77, %mul3A_78 : i32
    %add3A_80 = arith.constant 0 : i32
    %add3A_81 = arith.addi %mul3A_0, %add3A_80 : i32
    %mul3A_82 = arith.constant 64 : i32
    %mul3A_83 = arith.muli %add3A_81, %mul3A_82 : i32
    %add3A_84 = arith.addi %mul3A_79, %mul3A_83 : i32
    "tpu.region"() ({
      %run_scoped3A = tpu.sem_alloc : memref<!tpu.dma_semaphore, #tpu.memory_space<semaphore_mem>>
      %dma_start3A = arith.constant 0 : i32
      %dma_start3A_353 = tpu.memref_slice %arg24[%dma_start3A] : memref<4096xf32, #tpu.memory_space<vmem>> -> memref<4096xf32, #tpu.memory_space<vmem>>
      %dma_start3A_354 = tpu.memref_slice %arg5[%add3A_84] : memref<786432xf32, #tpu.memory_space<hbm>> -> memref<4096xf32, #tpu.memory_space<hbm>>
      %dma_start3A_355 = tpu.memref_slice %arg5[%add3A_84] : memref<786432xf32, #tpu.memory_space<hbm>> -> memref<4096xf32, #tpu.memory_space<hbm>>
      %dma_start3A_356 = arith.constant 0 : i32
      %dma_start3A_357 = tpu.memref_slice %arg24[%dma_start3A_356] : memref<4096xf32, #tpu.memory_space<vmem>> -> memref<4096xf32, #tpu.memory_space<vmem>>
      tpu.enqueue_dma source(%dma_start3A_357 : memref<4096xf32, #tpu.memory_space<vmem>>) target(%dma_start3A_355 : memref<4096xf32, #tpu.memory_space<hbm>>) target_semaphore(%run_scoped3A : memref<!tpu.dma_semaphore, #tpu.memory_space<semaphore_mem>>)
      %dma_wait3A = arith.constant 0 : i32
      %dma_wait3A_358 = tpu.memref_slice %arg24[%dma_wait3A] : memref<4096xf32, #tpu.memory_space<vmem>> -> memref<4096xf32, #tpu.memory_space<vmem>>
      %dma_wait3A_359 = tpu.memref_slice %arg5[%add3A_84] : memref<786432xf32, #tpu.memory_space<hbm>> -> memref<4096xf32, #tpu.memory_space<hbm>>
      %dma_wait3A_360 = tpu.memref_slice %arg5[%add3A_84] : memref<786432xf32, #tpu.memory_space<hbm>> -> memref<4096xf32, #tpu.memory_space<hbm>>
      %dma_wait3A_361 = arith.constant 0 : i32
      %dma_wait3A_362 = tpu.memref_slice %arg24[%dma_wait3A_361] : memref<4096xf32, #tpu.memory_space<vmem>> -> memref<4096xf32, #tpu.memory_space<vmem>>
      tpu.wait_dma2 semaphore(%run_scoped3A : memref<!tpu.dma_semaphore, #tpu.memory_space<semaphore_mem>>) src(%dma_wait3A_362 : memref<4096xf32, #tpu.memory_space<vmem>>) dst(%dma_wait3A_360 : memref<4096xf32, #tpu.memory_space<hbm>>)
      tpu.yield
    }) : () -> ()
    %mul3A_85 = arith.constant 6 : i32
    %mul3A_86 = arith.muli %arg0, %mul3A_85 : i32
    %add3A_87 = arith.constant 5 : i32
    %add3A_88 = arith.addi %mul3A_86, %add3A_87 : i32
    %mul3A_89 = arith.constant 1024 : i32
    %mul3A_90 = arith.muli %add3A_88, %mul3A_89 : i32
    %mul3A_91 = arith.constant 64 : i32
    %mul3A_92 = arith.muli %mul3A_90, %mul3A_91 : i32
    %add3A_93 = arith.constant 0 : i32
    %add3A_94 = arith.addi %mul3A_0, %add3A_93 : i32
    %mul3A_95 = arith.constant 64 : i32
    %mul3A_96 = arith.muli %add3A_94, %mul3A_95 : i32
    %add3A_97 = arith.addi %mul3A_92, %mul3A_96 : i32
    "tpu.region"() ({
      %run_scoped3A = tpu.sem_alloc : memref<!tpu.dma_semaphore, #tpu.memory_space<semaphore_mem>>
      %dma_start3A = arith.constant 0 : i32
      %dma_start3A_353 = tpu.memref_slice %arg25[%dma_start3A] : memref<4096xf32, #tpu.memory_space<vmem>> -> memref<4096xf32, #tpu.memory_space<vmem>>
      %dma_start3A_354 = tpu.memref_slice %arg5[%add3A_97] : memref<786432xf32, #tpu.memory_space<hbm>> -> memref<4096xf32, #tpu.memory_space<hbm>>
      %dma_start3A_355 = tpu.memref_slice %arg5[%add3A_97] : memref<786432xf32, #tpu.memory_space<hbm>> -> memref<4096xf32, #tpu.memory_space<hbm>>
      %dma_start3A_356 = arith.constant 0 : i32
      %dma_start3A_357 = tpu.memref_slice %arg25[%dma_start3A_356] : memref<4096xf32, #tpu.memory_space<vmem>> -> memref<4096xf32, #tpu.memory_space<vmem>>
      tpu.enqueue_dma source(%dma_start3A_357 : memref<4096xf32, #tpu.memory_space<vmem>>) target(%dma_start3A_355 : memref<4096xf32, #tpu.memory_space<hbm>>) target_semaphore(%run_scoped3A : memref<!tpu.dma_semaphore, #tpu.memory_space<semaphore_mem>>)
      %dma_wait3A = arith.constant 0 : i32
      %dma_wait3A_358 = tpu.memref_slice %arg25[%dma_wait3A] : memref<4096xf32, #tpu.memory_space<vmem>> -> memref<4096xf32, #tpu.memory_space<vmem>>
      %dma_wait3A_359 = tpu.memref_slice %arg5[%add3A_97] : memref<786432xf32, #tpu.memory_space<hbm>> -> memref<4096xf32, #tpu.memory_space<hbm>>
      %dma_wait3A_360 = tpu.memref_slice %arg5[%add3A_97] : memref<786432xf32, #tpu.memory_space<hbm>> -> memref<4096xf32, #tpu.memory_space<hbm>>
      %dma_wait3A_361 = arith.constant 0 : i32
      %dma_wait3A_362 = tpu.memref_slice %arg25[%dma_wait3A_361] : memref<4096xf32, #tpu.memory_space<vmem>> -> memref<4096xf32, #tpu.memory_space<vmem>>
      tpu.wait_dma2 semaphore(%run_scoped3A : memref<!tpu.dma_semaphore, #tpu.memory_space<semaphore_mem>>) src(%dma_wait3A_362 : memref<4096xf32, #tpu.memory_space<vmem>>) dst(%dma_wait3A_360 : memref<4096xf32, #tpu.memory_space<hbm>>)
      tpu.yield
    }) : () -> ()
    %scan3A_98 = arith.constant 0 : i32
    %scan3A_99 = arith.constant 9.000000e-02 : f32
    %scan3A_100 = arith.constant 0 : i32
    %scan3A_101 = arith.constant 64 : i32
    %scan3A_102 = arith.addi %scan3A_100, %scan3A_101 : i32
    %scan3A_103 = arith.constant 1 : i32
    scf.for %scan3A_353 = %scan3A_100 to %scan3A_102 step %scan3A_103  : i32 {
      %add3A_354 = arith.constant 0 : i32
      %add3A_355 = arith.addi %add3A_354, %scan3A_353 : i32
      %mul3A_356 = arith.constant 3 : i32
      %mul3A_357 = arith.muli %add3A_355, %mul3A_356 : i32
      %broadcast_in_dim3A_358 = vector.broadcast %mul3A_357 : i32 to vector<16xi32>
      %gather3A = tpu.vector_load_idx %arg18[%broadcast_in_dim3A_358] : memref<192xf32, #tpu.memory_space<vmem>>[vector<16xi32>], vector<16xf32>,
      %add3A_359 = arith.constant 1 : i32
      %add3A_360 = arith.addi %mul3A_357, %add3A_359 : i32
      %broadcast_in_dim3A_361 = vector.broadcast %add3A_360 : i32 to vector<16xi32>
      %gather3A_362 = tpu.vector_load_idx %arg18[%broadcast_in_dim3A_361] : memref<192xf32, #tpu.memory_space<vmem>>[vector<16xi32>], vector<16xf32>,
      %add3A_363 = arith.constant 2 : i32
      %add3A_364 = arith.addi %mul3A_357, %add3A_363 : i32
      %broadcast_in_dim3A_365 = vector.broadcast %add3A_364 : i32 to vector<16xi32>
      %gather3A_366 = tpu.vector_load_idx %arg18[%broadcast_in_dim3A_365] : memref<192xf32, #tpu.memory_space<vmem>>[vector<16xi32>], vector<16xf32>,
      %mul3A_367 = arith.mulf %gather3A, %gather3A : vector<16xf32>
      %mul3A_368 = arith.mulf %gather3A_362, %gather3A_362 : vector<16xf32>
      %add3A_369 = arith.addf %mul3A_367, %mul3A_368 : vector<16xf32>
      %mul3A_370 = arith.mulf %gather3A_366, %gather3A_366 : vector<16xf32>
      %add3A_371 = arith.addf %add3A_369, %mul3A_370 : vector<16xf32>
      %bitcast3A = vector.bitcast %gather3A : vector<16xf32> to vector<16xi32>
      %add3A_372 = arith.constant 32767 : i32
      %add3A_373 = vector.broadcast %add3A_372 : i32 to vector<16xi32>
      %add3A_374 = arith.addi %bitcast3A, %add3A_373 : vector<16xi32>
      %shift_right_logical3A = arith.constant 16 : i32
      %shift_right_logical3A_375 = vector.broadcast %shift_right_logical3A : i32 to vector<16xi32>
      %shift_right_logical3A_376 = arith.shrui %bitcast3A, %shift_right_logical3A_375 : vector<16xi32>
      %and3A = arith.constant 1 : i32
      %and3A_377 = vector.broadcast %and3A : i32 to vector<16xi32>
      %and3A_378 = arith.andi %shift_right_logical3A_376, %and3A_377 : vector<16xi32>
      %add3A_379 = arith.addi %add3A_374, %and3A_378 : vector<16xi32>
      %and3A_380 = arith.constant -65536 : i32
      %and3A_381 = vector.broadcast %and3A_380 : i32 to vector<16xi32>
      %and3A_382 = arith.andi %add3A_379, %and3A_381 : vector<16xi32>
      %bitcast3A_383 = vector.bitcast %and3A_382 : vector<16xi32> to vector<16xf32>
      %bitcast3A_384 = vector.bitcast %gather3A_362 : vector<16xf32> to vector<16xi32>
      %add3A_385 = arith.constant 32767 : i32
      %add3A_386 = vector.broadcast %add3A_385 : i32 to vector<16xi32>
      %add3A_387 = arith.addi %bitcast3A_384, %add3A_386 : vector<16xi32>
      %shift_right_logical3A_388 = arith.constant 16 : i32
      %shift_right_logical3A_389 = vector.broadcast %shift_right_logical3A_388 : i32 to vector<16xi32>
      %shift_right_logical3A_390 = arith.shrui %bitcast3A_384, %shift_right_logical3A_389 : vector<16xi32>
      %and3A_391 = arith.constant 1 : i32
      %and3A_392 = vector.broadcast %and3A_391 : i32 to vector<16xi32>
      %and3A_393 = arith.andi %shift_right_logical3A_390, %and3A_392 : vector<16xi32>
      %add3A_394 = arith.addi %add3A_387, %and3A_393 : vector<16xi32>
      %and3A_395 = arith.constant -65536 : i32
      %and3A_396 = vector.broadcast %and3A_395 : i32 to vector<16xi32>
      %and3A_397 = arith.andi %add3A_394, %and3A_396 : vector<16xi32>
      %bitcast3A_398 = vector.bitcast %and3A_397 : vector<16xi32> to vector<16xf32>
      %bitcast3A_399 = vector.bitcast %gather3A_366 : vector<16xf32> to vector<16xi32>
      %add3A_400 = arith.constant 32767 : i32
      %add3A_401 = vector.broadcast %add3A_400 : i32 to vector<16xi32>
      %add3A_402 = arith.addi %bitcast3A_399, %add3A_401 : vector<16xi32>
      %shift_right_logical3A_403 = arith.constant 16 : i32
      %shift_right_logical3A_404 = vector.broadcast %shift_right_logical3A_403 : i32 to vector<16xi32>
      %shift_right_logical3A_405 = arith.shrui %bitcast3A_399, %shift_right_logical3A_404 : vector<16xi32>
      %and3A_406 = arith.constant 1 : i32
      %and3A_407 = vector.broadcast %and3A_406 : i32 to vector<16xi32>
      %and3A_408 = arith.andi %shift_right_logical3A_405, %and3A_407 : vector<16xi32>
      %add3A_409 = arith.addi %add3A_402, %and3A_408 : vector<16xi32>
      %and3A_410 = arith.constant -65536 : i32
      %and3A_411 = vector.broadcast %and3A_410 : i32 to vector<16xi32>
      %and3A_412 = arith.andi %add3A_409, %and3A_411 : vector<16xi32>
      %bitcast3A_413 = vector.bitcast %and3A_412 : vector<16xi32> to vector<16xf32>
      %swap3A = arith.constant 0 : index
      %swap3A_414 = tpu.vector_load %arg19[%swap3A] {strides = array<i32>} : memref<160xi32, #tpu.memory_space<vmem>>, vector<16xi32>,
      tpu.vector_store %arg19[%swap3A], %broadcast_in_dim3A_12 {strides = array<i32>} : memref<160xi32, #tpu.memory_space<vmem>>, vector<16xi32>,
      %while3A = arith.constant 0 : i32
      %while3A_415 = arith.constant 0 : i32
      %while3A_416:2 = scf.while (%while3A_560 = %while3A, %while3A_561 = %while3A_415) : (i32, i32) -> (i32, i32) {
        %lt3A = arith.constant 8192 : i32
        %lt3A_562 = arith.cmpi slt, %while3A_560, %lt3A : i32
        %lt3A_563 = arith.constant 64 : i32
        %lt3A_564 = arith.cmpi slt, %while3A_561, %lt3A_563 : i32
        %and3A_565 = arith.andi %lt3A_562, %lt3A_564 : i1
        scf.condition(%and3A_565) %while3A_560, %while3A_561 : i32, i32
      } do {
      ^bb0(%while3A_560: i32, %while3A_561: i32):
        %add3A_562 = arith.constant 16 : i32
        %add3A_563 = arith.addi %while3A_560, %add3A_562 : i32
        %get3A_564 = arith.index_cast %while3A_560 : i32 to index
        %get3A_565 = tpu.vector_load %arg14[%get3A_564] {strides = array<i32>} : memref<8192xf32, #tpu.memory_space<vmem>>, vector<16xf32>,
        %mul3A_566 = arith.mulf %bitcast3A_383, %get3A_565 : vector<16xf32>
        %get3A_567 = arith.index_cast %while3A_560 : i32 to index
        %get3A_568 = tpu.vector_load %arg15[%get3A_567] {strides = array<i32>} : memref<8192xf32, #tpu.memory_space<vmem>>, vector<16xf32>,
        %mul3A_569 = arith.mulf %bitcast3A_398, %get3A_568 : vector<16xf32>
        %add3A_570 = arith.addf %mul3A_566, %mul3A_569 : vector<16xf32>
        %get3A_571 = arith.index_cast %while3A_560 : i32 to index
        %get3A_572 = tpu.vector_load %arg16[%get3A_571] {strides = array<i32>} : memref<8192xf32, #tpu.memory_space<vmem>>, vector<16xf32>,
        %mul3A_573 = arith.mulf %bitcast3A_413, %get3A_572 : vector<16xf32>
        %add3A_574 = arith.addf %add3A_570, %mul3A_573 : vector<16xf32>
        %get3A_575 = arith.index_cast %add3A_563 : i32 to index
        %get3A_576 = tpu.vector_load %arg14[%get3A_575] {strides = array<i32>} : memref<8192xf32, #tpu.memory_space<vmem>>, vector<16xf32>,
        %mul3A_577 = arith.mulf %bitcast3A_383, %get3A_576 : vector<16xf32>
        %get3A_578 = arith.index_cast %add3A_563 : i32 to index
        %get3A_579 = tpu.vector_load %arg15[%get3A_578] {strides = array<i32>} : memref<8192xf32, #tpu.memory_space<vmem>>, vector<16xf32>,
        %mul3A_580 = arith.mulf %bitcast3A_398, %get3A_579 : vector<16xf32>
        %add3A_581 = arith.addf %mul3A_577, %mul3A_580 : vector<16xf32>
        %get3A_582 = arith.index_cast %add3A_563 : i32 to index
        %get3A_583 = tpu.vector_load %arg16[%get3A_582] {strides = array<i32>} : memref<8192xf32, #tpu.memory_space<vmem>>, vector<16xf32>,
        %mul3A_584 = arith.mulf %bitcast3A_413, %get3A_583 : vector<16xf32>
        %add3A_585 = arith.addf %add3A_581, %mul3A_584 : vector<16xf32>
        %mul3A_586 = arith.constant -2.000000e+00 : f32
        %mul3A_587 = vector.broadcast %mul3A_586 : f32 to vector<16xf32>
        %mul3A_588 = arith.mulf %mul3A_587, %add3A_574 : vector<16xf32>
        %add3A_589 = arith.addf %mul3A_588, %add3A_371 : vector<16xf32>
        %get3A_590 = arith.index_cast %while3A_560 : i32 to index
        %get3A_591 = tpu.vector_load %arg17[%get3A_590] {strides = array<i32>} : memref<8192xf32, #tpu.memory_space<vmem>>, vector<16xf32>,
        %add3A_592 = arith.addf %add3A_589, %get3A_591 : vector<16xf32>
        %le3A = vector.broadcast %scan3A_99 : f32 to vector<16xf32>
        %le3A_593 = arith.cmpf ole, %add3A_592, %le3A : vector<16xf32>
        %mul3A_594 = arith.constant -2.000000e+00 : f32
        %mul3A_595 = vector.broadcast %mul3A_594 : f32 to vector<16xf32>
        %mul3A_596 = arith.mulf %mul3A_595, %add3A_585 : vector<16xf32>
        %add3A_597 = arith.addf %mul3A_596, %add3A_371 : vector<16xf32>
        %get3A_598 = arith.index_cast %add3A_563 : i32 to index
        %get3A_599 = tpu.vector_load %arg17[%get3A_598] {strides = array<i32>} : memref<8192xf32, #tpu.memory_space<vmem>>, vector<16xf32>,
        %add3A_600 = arith.addf %add3A_597, %get3A_599 : vector<16xf32>
        %le3A_601 = vector.broadcast %scan3A_99 : f32 to vector<16xf32>
        %le3A_602 = arith.cmpf ole, %add3A_600, %le3A_601 : vector<16xf32>
        %add3A_603 = vector.broadcast %while3A_560 : i32 to vector<16xi32>
        %add3A_604 = arith.addi %iota3A, %add3A_603 : vector<16xi32>
        %swap3A_605 = arith.index_cast %while3A_561 : i32 to index
        %swap3A_606 = tpu.vector_load %arg19[%swap3A_605] masked %le3A_593 {strides = array<i32>} : memref<160xi32, #tpu.memory_space<vmem>>, vector<16xi32>, vector<16xi1>
        tpu.vector_store %arg19[%swap3A_605], %add3A_604 masked %le3A_593 {strides = array<i32>} : memref<160xi32, #tpu.memory_space<vmem>>, vector<16xi32>, vector<16xi1>
        %convert_element_type3A = arith.extui %le3A_593 : vector<16xi1> to vector<16xi32>
        %reduce_sum3A = arith.constant true
        %reduce_sum3A_607 = vector.broadcast %reduce_sum3A : i1 to vector<16xi1>
        %reduce_sum3A_608 = tpu.scan <sum>, %convert_element_type3A masked %reduce_sum3A_607 : vector<16xi32>, vector<16xi1> -> vector<16xi32>
        %reduce_sum3A_609 = vector.extract %reduce_sum3A_608[15] : i32 from vector<16xi32>
        %add3A_610 = arith.addi %while3A_561, %reduce_sum3A_609 : i32
        %add3A_611 = arith.constant 16 : i32
        %add3A_612 = arith.addi %while3A_560, %add3A_611 : i32
        %add3A_613 = vector.broadcast %add3A_612 : i32 to vector<16xi32>
        %add3A_614 = arith.addi %iota3A, %add3A_613 : vector<16xi32>
        %swap3A_615 = arith.index_cast %add3A_610 : i32 to index
        %swap3A_616 = tpu.vector_load %arg19[%swap3A_615] masked %le3A_602 {strides = array<i32>} : memref<160xi32, #tpu.memory_space<vmem>>, vector<16xi32>, vector<16xi1>
        tpu.vector_store %arg19[%swap3A_615], %add3A_614 masked %le3A_602 {strides = array<i32>} : memref<160xi32, #tpu.memory_space<vmem>>, vector<16xi32>, vector<16xi1>
        %convert_element_type3A_617 = arith.extui %le3A_602 : vector<16xi1> to vector<16xi32>
        %reduce_sum3A_618 = arith.constant true
        %reduce_sum3A_619 = vector.broadcast %reduce_sum3A_618 : i1 to vector<16xi1>
        %reduce_sum3A_620 = tpu.scan <sum>, %convert_element_type3A_617 masked %reduce_sum3A_619 : vector<16xi32>, vector<16xi1> -> vector<16xi32>
        %reduce_sum3A_621 = vector.extract %reduce_sum3A_620[15] : i32 from vector<16xi32>
        %add3A_622 = arith.constant 32 : i32
        %add3A_623 = arith.addi %while3A_560, %add3A_622 : i32
        %add3A_624 = arith.addi %while3A_561, %reduce_sum3A_609 : i32
        %add3A_625 = arith.addi %add3A_624, %reduce_sum3A_621 : i32
        scf.yield %add3A_623, %add3A_625 : i32, i32
      }
      %gather3A_417 = tpu.vector_load_idx %arg19[%broadcast_in_dim3A_10] : memref<160xi32, #tpu.memory_space<vmem>>[vector<16xi32>], vector<16xi32>,
      %min3A = arith.constant 64 : i32
      %min3A_418 = arith.minsi %while3A_416#1, %min3A : i32
      %while3A_419 = scf.while (%while3A_560 = %min3A_418) : (i32) -> i32 {
        %lt3A = arith.constant 64 : i32
        %lt3A_561 = arith.cmpi slt, %while3A_560, %lt3A : i32
        scf.condition(%lt3A_561) %while3A_560 : i32
      } do {
      ^bb0(%while3A_560: i32):
        %swap3A_561 = arith.index_cast %while3A_560 : i32 to index
        %swap3A_562 = tpu.vector_load %arg19[%swap3A_561] {strides = array<i32>} : memref<160xi32, #tpu.memory_space<vmem>>, vector<16xi32>,
        tpu.vector_store %arg19[%swap3A_561], %gather3A_417 {strides = array<i32>} : memref<160xi32, #tpu.memory_space<vmem>>, vector<16xi32>,
        %add3A_563 = arith.constant 16 : i32
        %add3A_564 = arith.addi %while3A_560, %add3A_563 : i32
        scf.yield %add3A_564 : i32
      }
      %mul3A_420 = arith.constant 64 : i32
      %mul3A_421 = arith.muli %scan3A_353, %mul3A_420 : i32
      %get3A = arith.constant 0 : index
      %get3A_422 = tpu.vector_load %arg19[%get3A] {strides = array<i32>} : memref<160xi32, #tpu.memory_space<vmem>>, vector<16xi32>,
      %gather3A_423 = tpu.vector_load_idx %arg8[%broadcast_in_dim3A_10, %broadcast_in_dim3A_10, %get3A_422] : memref<1x1x8192xf32, #tpu.memory_space<vmem>>[vector<16xi32>, vector<16xi32>, vector<16xi32>], vector<16xf32>,
      %sub3A = arith.subf %gather3A_423, %gather3A : vector<16xf32>
      %gather3A_424 = tpu.vector_load_idx %arg9[%broadcast_in_dim3A_10, %broadcast_in_dim3A_10, %get3A_422] : memref<1x1x8192xf32, #tpu.memory_space<vmem>>[vector<16xi32>, vector<16xi32>, vector<16xi32>], vector<16xf32>,
      %sub3A_425 = arith.subf %gather3A_424, %gather3A_362 : vector<16xf32>
      %gather3A_426 = tpu.vector_load_idx %arg10[%broadcast_in_dim3A_10, %broadcast_in_dim3A_10, %get3A_422] : memref<1x1x8192xf32, #tpu.memory_space<vmem>>[vector<16xi32>, vector<16xi32>, vector<16xi32>], vector<16xf32>,
      %sub3A_427 = arith.subf %gather3A_426, %gather3A_366 : vector<16xf32>
      %gather3A_428 = tpu.vector_load_idx %arg11[%broadcast_in_dim3A_10, %broadcast_in_dim3A_10, %get3A_422] : memref<1x1x8192xf32, #tpu.memory_space<vmem>>[vector<16xi32>, vector<16xi32>, vector<16xi32>], vector<16xf32>,
      %gather3A_429 = tpu.vector_load_idx %arg12[%broadcast_in_dim3A_10, %broadcast_in_dim3A_10, %get3A_422] : memref<1x1x8192xf32, #tpu.memory_space<vmem>>[vector<16xi32>, vector<16xi32>, vector<16xi32>], vector<16xf32>,
      %gather3A_430 = tpu.vector_load_idx %arg13[%broadcast_in_dim3A_10, %broadcast_in_dim3A_10, %get3A_422] : memref<1x1x8192xf32, #tpu.memory_space<vmem>>[vector<16xi32>, vector<16xi32>, vector<16xi32>], vector<16xf32>,
      %add3A_431 = arith.constant 0 : i32
      %add3A_432 = arith.addi %mul3A_421, %add3A_431 : i32
      %swap3A_433 = arith.index_cast %add3A_432 : i32 to index
      %swap3A_434 = tpu.vector_load %arg20[%swap3A_433] {strides = array<i32>} : memref<4096xf32, #tpu.memory_space<vmem>>, vector<16xf32>,
      tpu.vector_store %arg20[%swap3A_433], %gather3A_428 {strides = array<i32>} : memref<4096xf32, #tpu.memory_space<vmem>>, vector<16xf32>,
      %add3A_435 = arith.constant 0 : i32
      %add3A_436 = arith.addi %mul3A_421, %add3A_435 : i32
      %swap3A_437 = arith.index_cast %add3A_436 : i32 to index
      %swap3A_438 = tpu.vector_load %arg21[%swap3A_437] {strides = array<i32>} : memref<4096xf32, #tpu.memory_space<vmem>>, vector<16xf32>,
      tpu.vector_store %arg21[%swap3A_437], %gather3A_429 {strides = array<i32>} : memref<4096xf32, #tpu.memory_space<vmem>>, vector<16xf32>,
      %add3A_439 = arith.constant 0 : i32
      %add3A_440 = arith.addi %mul3A_421, %add3A_439 : i32
      %swap3A_441 = arith.index_cast %add3A_440 : i32 to index
      %swap3A_442 = tpu.vector_load %arg22[%swap3A_441] {strides = array<i32>} : memref<4096xf32, #tpu.memory_space<vmem>>, vector<16xf32>,
      tpu.vector_store %arg22[%swap3A_441], %gather3A_430 {strides = array<i32>} : memref<4096xf32, #tpu.memory_space<vmem>>, vector<16xf32>,
      %add3A_443 = arith.constant 0 : i32
      %add3A_444 = arith.addi %mul3A_421, %add3A_443 : i32
      %swap3A_445 = arith.index_cast %add3A_444 : i32 to index
      %swap3A_446 = tpu.vector_load %arg23[%swap3A_445] {strides = array<i32>} : memref<4096xf32, #tpu.memory_space<vmem>>, vector<16xf32>,
      tpu.vector_store %arg23[%swap3A_445], %sub3A {strides = array<i32>} : memref<4096xf32, #tpu.memory_space<vmem>>, vector<16xf32>,
      %add3A_447 = arith.constant 0 : i32
      %add3A_448 = arith.addi %mul3A_421, %add3A_447 : i32
      %swap3A_449 = arith.index_cast %add3A_448 : i32 to index
      %swap3A_450 = tpu.vector_load %arg24[%swap3A_449] {strides = array<i32>} : memref<4096xf32, #tpu.memory_space<vmem>>, vector<16xf32>,
      tpu.vector_store %arg24[%swap3A_449], %sub3A_425 {strides = array<i32>} : memref<4096xf32, #tpu.memory_space<vmem>>, vector<16xf32>,
      %add3A_451 = arith.constant 0 : i32
      %add3A_452 = arith.addi %mul3A_421, %add3A_451 : i32
      %swap3A_453 = arith.index_cast %add3A_452 : i32 to index
      %swap3A_454 = tpu.vector_load %arg25[%swap3A_453] {strides = array<i32>} : memref<4096xf32, #tpu.memory_space<vmem>>, vector<16xf32>,
      tpu.vector_store %arg25[%swap3A_453], %sub3A_427 {strides = array<i32>} : memref<4096xf32, #tpu.memory_space<vmem>>, vector<16xf32>,
      %get3A_455 = arith.constant 16 : index
      %get3A_456 = tpu.vector_load %arg19[%get3A_455] {strides = array<i32>} : memref<160xi32, #tpu.memory_space<vmem>>, vector<16xi32>,
      %gather3A_457 = tpu.vector_load_idx %arg8[%broadcast_in_dim3A_10, %broadcast_in_dim3A_10, %get3A_456] : memref<1x1x8192xf32, #tpu.memory_space<vmem>>[vector<16xi32>, vector<16xi32>, vector<16xi32>], vector<16xf32>,
      %sub3A_458 = arith.subf %gather3A_457, %gather3A : vector<16xf32>
      %gather3A_459 = tpu.vector_load_idx %arg9[%broadcast_in_dim3A_10, %broadcast_in_dim3A_10, %get3A_456] : memref<1x1x8192xf32, #tpu.memory_space<vmem>>[vector<16xi32>, vector<16xi32>, vector<16xi32>], vector<16xf32>,
      %sub3A_460 = arith.subf %gather3A_459, %gather3A_362 : vector<16xf32>
      %gather3A_461 = tpu.vector_load_idx %arg10[%broadcast_in_dim3A_10, %broadcast_in_dim3A_10, %get3A_456] : memref<1x1x8192xf32, #tpu.memory_space<vmem>>[vector<16xi32>, vector<16xi32>, vector<16xi32>], vector<16xf32>,
      %sub3A_462 = arith.subf %gather3A_461, %gather3A_366 : vector<16xf32>
      %gather3A_463 = tpu.vector_load_idx %arg11[%broadcast_in_dim3A_10, %broadcast_in_dim3A_10, %get3A_456] : memref<1x1x8192xf32, #tpu.memory_space<vmem>>[vector<16xi32>, vector<16xi32>, vector<16xi32>], vector<16xf32>,
      %gather3A_464 = tpu.vector_load_idx %arg12[%broadcast_in_dim3A_10, %broadcast_in_dim3A_10, %get3A_456] : memref<1x1x8192xf32, #tpu.memory_space<vmem>>[vector<16xi32>, vector<16xi32>, vector<16xi32>], vector<16xf32>,
      %gather3A_465 = tpu.vector_load_idx %arg13[%broadcast_in_dim3A_10, %broadcast_in_dim3A_10, %get3A_456] : memref<1x1x8192xf32, #tpu.memory_space<vmem>>[vector<16xi32>, vector<16xi32>, vector<16xi32>], vector<16xf32>,
      %add3A_466 = arith.constant 16 : i32
      %add3A_467 = arith.addi %mul3A_421, %add3A_466 : i32
      %swap3A_468 = arith.index_cast %add3A_467 : i32 to index
      %swap3A_469 = tpu.vector_load %arg20[%swap3A_468] {strides = array<i32>} : memref<4096xf32, #tpu.memory_space<vmem>>, vector<16xf32>,
      tpu.vector_store %arg20[%swap3A_468], %gather3A_463 {strides = array<i32>} : memref<4096xf32, #tpu.memory_space<vmem>>, vector<16xf32>,
      %add3A_470 = arith.constant 16 : i32
      %add3A_471 = arith.addi %mul3A_421, %add3A_470 : i32
      %swap3A_472 = arith.index_cast %add3A_471 : i32 to index
      %swap3A_473 = tpu.vector_load %arg21[%swap3A_472] {strides = array<i32>} : memref<4096xf32, #tpu.memory_space<vmem>>, vector<16xf32>,
      tpu.vector_store %arg21[%swap3A_472], %gather3A_464 {strides = array<i32>} : memref<4096xf32, #tpu.memory_space<vmem>>, vector<16xf32>,
      %add3A_474 = arith.constant 16 : i32
      %add3A_475 = arith.addi %mul3A_421, %add3A_474 : i32
      %swap3A_476 = arith.index_cast %add3A_475 : i32 to index
      %swap3A_477 = tpu.vector_load %arg22[%swap3A_476] {strides = array<i32>} : memref<4096xf32, #tpu.memory_space<vmem>>, vector<16xf32>,
      tpu.vector_store %arg22[%swap3A_476], %gather3A_465 {strides = array<i32>} : memref<4096xf32, #tpu.memory_space<vmem>>, vector<16xf32>,
      %add3A_478 = arith.constant 16 : i32
      %add3A_479 = arith.addi %mul3A_421, %add3A_478 : i32
      %swap3A_480 = arith.index_cast %add3A_479 : i32 to index
      %swap3A_481 = tpu.vector_load %arg23[%swap3A_480] {strides = array<i32>} : memref<4096xf32, #tpu.memory_space<vmem>>, vector<16xf32>,
      tpu.vector_store %arg23[%swap3A_480], %sub3A_458 {strides = array<i32>} : memref<4096xf32, #tpu.memory_space<vmem>>, vector<16xf32>,
      %add3A_482 = arith.constant 16 : i32
      %add3A_483 = arith.addi %mul3A_421, %add3A_482 : i32
      %swap3A_484 = arith.index_cast %add3A_483 : i32 to index
      %swap3A_485 = tpu.vector_load %arg24[%swap3A_484] {strides = array<i32>} : memref<4096xf32, #tpu.memory_space<vmem>>, vector<16xf32>,
      tpu.vector_store %arg24[%swap3A_484], %sub3A_460 {strides = array<i32>} : memref<4096xf32, #tpu.memory_space<vmem>>, vector<16xf32>,
      %add3A_486 = arith.constant 16 : i32
      %add3A_487 = arith.addi %mul3A_421, %add3A_486 : i32
      %swap3A_488 = arith.index_cast %add3A_487 : i32 to index
      %swap3A_489 = tpu.vector_load %arg25[%swap3A_488] {strides = array<i32>} : memref<4096xf32, #tpu.memory_space<vmem>>, vector<16xf32>,
      tpu.vector_store %arg25[%swap3A_488], %sub3A_462 {strides = array<i32>} : memref<4096xf32, #tpu.memory_space<vmem>>, vector<16xf32>,
      %get3A_490 = arith.constant 32 : index
      %get3A_491 = tpu.vector_load %arg19[%get3A_490] {strides = array<i32>} : memref<160xi32, #tpu.memory_space<vmem>>, vector<16xi32>,
      %gather3A_492 = tpu.vector_load_idx %arg8[%broadcast_in_dim3A_10, %broadcast_in_dim3A_10, %get3A_491] : memref<1x1x8192xf32, #tpu.memory_space<vmem>>[vector<16xi32>, vector<16xi32>, vector<16xi32>], vector<16xf32>,
      %sub3A_493 = arith.subf %gather3A_492, %gather3A : vector<16xf32>
      %gather3A_494 = tpu.vector_load_idx %arg9[%broadcast_in_dim3A_10, %broadcast_in_dim3A_10, %get3A_491] : memref<1x1x8192xf32, #tpu.memory_space<vmem>>[vector<16xi32>, vector<16xi32>, vector<16xi32>], vector<16xf32>,
      %sub3A_495 = arith.subf %gather3A_494, %gather3A_362 : vector<16xf32>
      %gather3A_496 = tpu.vector_load_idx %arg10[%broadcast_in_dim3A_10, %broadcast_in_dim3A_10, %get3A_491] : memref<1x1x8192xf32, #tpu.memory_space<vmem>>[vector<16xi32>, vector<16xi32>, vector<16xi32>], vector<16xf32>,
      %sub3A_497 = arith.subf %gather3A_496, %gather3A_366 : vector<16xf32>
      %gather3A_498 = tpu.vector_load_idx %arg11[%broadcast_in_dim3A_10, %broadcast_in_dim3A_10, %get3A_491] : memref<1x1x8192xf32, #tpu.memory_space<vmem>>[vector<16xi32>, vector<16xi32>, vector<16xi32>], vector<16xf32>,
      %gather3A_499 = tpu.vector_load_idx %arg12[%broadcast_in_dim3A_10, %broadcast_in_dim3A_10, %get3A_491] : memref<1x1x8192xf32, #tpu.memory_space<vmem>>[vector<16xi32>, vector<16xi32>, vector<16xi32>], vector<16xf32>,
      %gather3A_500 = tpu.vector_load_idx %arg13[%broadcast_in_dim3A_10, %broadcast_in_dim3A_10, %get3A_491] : memref<1x1x8192xf32, #tpu.memory_space<vmem>>[vector<16xi32>, vector<16xi32>, vector<16xi32>], vector<16xf32>,
      %add3A_501 = arith.constant 32 : i32
      %add3A_502 = arith.addi %mul3A_421, %add3A_501 : i32
      %swap3A_503 = arith.index_cast %add3A_502 : i32 to index
      %swap3A_504 = tpu.vector_load %arg20[%swap3A_503] {strides = array<i32>} : memref<4096xf32, #tpu.memory_space<vmem>>, vector<16xf32>,
      tpu.vector_store %arg20[%swap3A_503], %gather3A_498 {strides = array<i32>} : memref<4096xf32, #tpu.memory_space<vmem>>, vector<16xf32>,
      %add3A_505 = arith.constant 32 : i32
      %add3A_506 = arith.addi %mul3A_421, %add3A_505 : i32
      %swap3A_507 = arith.index_cast %add3A_506 : i32 to index
      %swap3A_508 = tpu.vector_load %arg21[%swap3A_507] {strides = array<i32>} : memref<4096xf32, #tpu.memory_space<vmem>>, vector<16xf32>,
      tpu.vector_store %arg21[%swap3A_507], %gather3A_499 {strides = array<i32>} : memref<4096xf32, #tpu.memory_space<vmem>>, vector<16xf32>,
      %add3A_509 = arith.constant 32 : i32
      %add3A_510 = arith.addi %mul3A_421, %add3A_509 : i32
      %swap3A_511 = arith.index_cast %add3A_510 : i32 to index
      %swap3A_512 = tpu.vector_load %arg22[%swap3A_511] {strides = array<i32>} : memref<4096xf32, #tpu.memory_space<vmem>>, vector<16xf32>,
      tpu.vector_store %arg22[%swap3A_511], %gather3A_500 {strides = array<i32>} : memref<4096xf32, #tpu.memory_space<vmem>>, vector<16xf32>,
      %add3A_513 = arith.constant 32 : i32
      %add3A_514 = arith.addi %mul3A_421, %add3A_513 : i32
      %swap3A_515 = arith.index_cast %add3A_514 : i32 to index
      %swap3A_516 = tpu.vector_load %arg23[%swap3A_515] {strides = array<i32>} : memref<4096xf32, #tpu.memory_space<vmem>>, vector<16xf32>,
      tpu.vector_store %arg23[%swap3A_515], %sub3A_493 {strides = array<i32>} : memref<4096xf32, #tpu.memory_space<vmem>>, vector<16xf32>,
      %add3A_517 = arith.constant 32 : i32
      %add3A_518 = arith.addi %mul3A_421, %add3A_517 : i32
      %swap3A_519 = arith.index_cast %add3A_518 : i32 to index
      %swap3A_520 = tpu.vector_load %arg24[%swap3A_519] {strides = array<i32>} : memref<4096xf32, #tpu.memory_space<vmem>>, vector<16xf32>,
      tpu.vector_store %arg24[%swap3A_519], %sub3A_495 {strides = array<i32>} : memref<4096xf32, #tpu.memory_space<vmem>>, vector<16xf32>,
      %add3A_521 = arith.constant 32 : i32
      %add3A_522 = arith.addi %mul3A_421, %add3A_521 : i32
      %swap3A_523 = arith.index_cast %add3A_522 : i32 to index
      %swap3A_524 = tpu.vector_load %arg25[%swap3A_523] {strides = array<i32>} : memref<4096xf32, #tpu.memory_space<vmem>>, vector<16xf32>,
      tpu.vector_store %arg25[%swap3A_523], %sub3A_497 {strides = array<i32>} : memref<4096xf32, #tpu.memory_space<vmem>>, vector<16xf32>,
      %get3A_525 = arith.constant 48 : index
      %get3A_526 = tpu.vector_load %arg19[%get3A_525] {strides = array<i32>} : memref<160xi32, #tpu.memory_space<vmem>>, vector<16xi32>,
      %gather3A_527 = tpu.vector_load_idx %arg8[%broadcast_in_dim3A_10, %broadcast_in_dim3A_10, %get3A_526] : memref<1x1x8192xf32, #tpu.memory_space<vmem>>[vector<16xi32>, vector<16xi32>, vector<16xi32>], vector<16xf32>,
      %sub3A_528 = arith.subf %gather3A_527, %gather3A : vector<16xf32>
      %gather3A_529 = tpu.vector_load_idx %arg9[%broadcast_in_dim3A_10, %broadcast_in_dim3A_10, %get3A_526] : memref<1x1x8192xf32, #tpu.memory_space<vmem>>[vector<16xi32>, vector<16xi32>, vector<16xi32>], vector<16xf32>,
      %sub3A_530 = arith.subf %gather3A_529, %gather3A_362 : vector<16xf32>
      %gather3A_531 = tpu.vector_load_idx %arg10[%broadcast_in_dim3A_10, %broadcast_in_dim3A_10, %get3A_526] : memref<1x1x8192xf32, #tpu.memory_space<vmem>>[vector<16xi32>, vector<16xi32>, vector<16xi32>], vector<16xf32>,
      %sub3A_532 = arith.subf %gather3A_531, %gather3A_366 : vector<16xf32>
      %gather3A_533 = tpu.vector_load_idx %arg11[%broadcast_in_dim3A_10, %broadcast_in_dim3A_10, %get3A_526] : memref<1x1x8192xf32, #tpu.memory_space<vmem>>[vector<16xi32>, vector<16xi32>, vector<16xi32>], vector<16xf32>,
      %gather3A_534 = tpu.vector_load_idx %arg12[%broadcast_in_dim3A_10, %broadcast_in_dim3A_10, %get3A_526] : memref<1x1x8192xf32, #tpu.memory_space<vmem>>[vector<16xi32>, vector<16xi32>, vector<16xi32>], vector<16xf32>,
      %gather3A_535 = tpu.vector_load_idx %arg13[%broadcast_in_dim3A_10, %broadcast_in_dim3A_10, %get3A_526] : memref<1x1x8192xf32, #tpu.memory_space<vmem>>[vector<16xi32>, vector<16xi32>, vector<16xi32>], vector<16xf32>,
      %add3A_536 = arith.constant 48 : i32
      %add3A_537 = arith.addi %mul3A_421, %add3A_536 : i32
      %swap3A_538 = arith.index_cast %add3A_537 : i32 to index
      %swap3A_539 = tpu.vector_load %arg20[%swap3A_538] {strides = array<i32>} : memref<4096xf32, #tpu.memory_space<vmem>>, vector<16xf32>,
      tpu.vector_store %arg20[%swap3A_538], %gather3A_533 {strides = array<i32>} : memref<4096xf32, #tpu.memory_space<vmem>>, vector<16xf32>,
      %add3A_540 = arith.constant 48 : i32
      %add3A_541 = arith.addi %mul3A_421, %add3A_540 : i32
      %swap3A_542 = arith.index_cast %add3A_541 : i32 to index
      %swap3A_543 = tpu.vector_load %arg21[%swap3A_542] {strides = array<i32>} : memref<4096xf32, #tpu.memory_space<vmem>>, vector<16xf32>,
      tpu.vector_store %arg21[%swap3A_542], %gather3A_534 {strides = array<i32>} : memref<4096xf32, #tpu.memory_space<vmem>>, vector<16xf32>,
      %add3A_544 = arith.constant 48 : i32
      %add3A_545 = arith.addi %mul3A_421, %add3A_544 : i32
      %swap3A_546 = arith.index_cast %add3A_545 : i32 to index
      %swap3A_547 = tpu.vector_load %arg22[%swap3A_546] {strides = array<i32>} : memref<4096xf32, #tpu.memory_space<vmem>>, vector<16xf32>,
      tpu.vector_store %arg22[%swap3A_546], %gather3A_535 {strides = array<i32>} : memref<4096xf32, #tpu.memory_space<vmem>>, vector<16xf32>,
      %add3A_548 = arith.constant 48 : i32
      %add3A_549 = arith.addi %mul3A_421, %add3A_548 : i32
      %swap3A_550 = arith.index_cast %add3A_549 : i32 to index
      %swap3A_551 = tpu.vector_load %arg23[%swap3A_550] {strides = array<i32>} : memref<4096xf32, #tpu.memory_space<vmem>>, vector<16xf32>,
      tpu.vector_store %arg23[%swap3A_550], %sub3A_528 {strides = array<i32>} : memref<4096xf32, #tpu.memory_space<vmem>>, vector<16xf32>,
      %add3A_552 = arith.constant 48 : i32
      %add3A_553 = arith.addi %mul3A_421, %add3A_552 : i32
      %swap3A_554 = arith.index_cast %add3A_553 : i32 to index
      %swap3A_555 = tpu.vector_load %arg24[%swap3A_554] {strides = array<i32>} : memref<4096xf32, #tpu.memory_space<vmem>>, vector<16xf32>,
      tpu.vector_store %arg24[%swap3A_554], %sub3A_530 {strides = array<i32>} : memref<4096xf32, #tpu.memory_space<vmem>>, vector<16xf32>,
      %add3A_556 = arith.constant 48 : i32
      %add3A_557 = arith.addi %mul3A_421, %add3A_556 : i32
      %swap3A_558 = arith.index_cast %add3A_557 : i32 to index
      %swap3A_559 = tpu.vector_load %arg25[%swap3A_558] {strides = array<i32>} : memref<4096xf32, #tpu.memory_space<vmem>>, vector<16xf32>,
      tpu.vector_store %arg25[%swap3A_558], %sub3A_532 {strides = array<i32>} : memref<4096xf32, #tpu.memory_space<vmem>>, vector<16xf32>,
    }
    %scan3A_104 = arith.constant 64 : i32
    %mul3A_105 = arith.constant 6 : i32
    %mul3A_106 = arith.muli %arg0, %mul3A_105 : i32
    %add3A_107 = arith.constant 0 : i32
    %add3A_108 = arith.addi %mul3A_106, %add3A_107 : i32
    %mul3A_109 = arith.constant 1024 : i32
    %mul3A_110 = arith.muli %add3A_108, %mul3A_109 : i32
    %mul3A_111 = arith.constant 64 : i32
    %mul3A_112 = arith.muli %mul3A_110, %mul3A_111 : i32
    %add3A_113 = arith.constant 0 : i32
    %add3A_114 = arith.addi %mul3A_0, %add3A_113 : i32
    %mul3A_115 = arith.constant 64 : i32
    %mul3A_116 = arith.muli %add3A_114, %mul3A_115 : i32
    %add3A_117 = arith.addi %mul3A_112, %mul3A_116 : i32
    "tpu.region"() ({
      %run_scoped3A = tpu.sem_alloc : memref<!tpu.dma_semaphore, #tpu.memory_space<semaphore_mem>>
      %dma_start3A = arith.constant 0 : i32
      %dma_start3A_353 = tpu.memref_slice %arg20[%dma_start3A] : memref<4096xf32, #tpu.memory_space<vmem>> -> memref<4096xf32, #tpu.memory_space<vmem>>
      %dma_start3A_354 = tpu.memref_slice %arg6[%add3A_117] : memref<786432xf32, #tpu.memory_space<hbm>> -> memref<4096xf32, #tpu.memory_space<hbm>>
      %dma_start3A_355 = tpu.memref_slice %arg6[%add3A_117] : memref<786432xf32, #tpu.memory_space<hbm>> -> memref<4096xf32, #tpu.memory_space<hbm>>
      %dma_start3A_356 = arith.constant 0 : i32
      %dma_start3A_357 = tpu.memref_slice %arg20[%dma_start3A_356] : memref<4096xf32, #tpu.memory_space<vmem>> -> memref<4096xf32, #tpu.memory_space<vmem>>
      tpu.enqueue_dma source(%dma_start3A_357 : memref<4096xf32, #tpu.memory_space<vmem>>) target(%dma_start3A_355 : memref<4096xf32, #tpu.memory_space<hbm>>) target_semaphore(%run_scoped3A : memref<!tpu.dma_semaphore, #tpu.memory_space<semaphore_mem>>)
      %dma_wait3A = arith.constant 0 : i32
      %dma_wait3A_358 = tpu.memref_slice %arg20[%dma_wait3A] : memref<4096xf32, #tpu.memory_space<vmem>> -> memref<4096xf32, #tpu.memory_space<vmem>>
      %dma_wait3A_359 = tpu.memref_slice %arg6[%add3A_117] : memref<786432xf32, #tpu.memory_space<hbm>> -> memref<4096xf32, #tpu.memory_space<hbm>>
      %dma_wait3A_360 = tpu.memref_slice %arg6[%add3A_117] : memref<786432xf32, #tpu.memory_space<hbm>> -> memref<4096xf32, #tpu.memory_space<hbm>>
      %dma_wait3A_361 = arith.constant 0 : i32
      %dma_wait3A_362 = tpu.memref_slice %arg20[%dma_wait3A_361] : memref<4096xf32, #tpu.memory_space<vmem>> -> memref<4096xf32, #tpu.memory_space<vmem>>
      tpu.wait_dma2 semaphore(%run_scoped3A : memref<!tpu.dma_semaphore, #tpu.memory_space<semaphore_mem>>) src(%dma_wait3A_362 : memref<4096xf32, #tpu.memory_space<vmem>>) dst(%dma_wait3A_360 : memref<4096xf32, #tpu.memory_space<hbm>>)
      tpu.yield
    }) : () -> ()
    %mul3A_118 = arith.constant 6 : i32
    %mul3A_119 = arith.muli %arg0, %mul3A_118 : i32
    %add3A_120 = arith.constant 1 : i32
    %add3A_121 = arith.addi %mul3A_119, %add3A_120 : i32
    %mul3A_122 = arith.constant 1024 : i32
    %mul3A_123 = arith.muli %add3A_121, %mul3A_122 : i32
    %mul3A_124 = arith.constant 64 : i32
    %mul3A_125 = arith.muli %mul3A_123, %mul3A_124 : i32
    %add3A_126 = arith.constant 0 : i32
    %add3A_127 = arith.addi %mul3A_0, %add3A_126 : i32
    %mul3A_128 = arith.constant 64 : i32
    %mul3A_129 = arith.muli %add3A_127, %mul3A_128 : i32
    %add3A_130 = arith.addi %mul3A_125, %mul3A_129 : i32
    "tpu.region"() ({
      %run_scoped3A = tpu.sem_alloc : memref<!tpu.dma_semaphore, #tpu.memory_space<semaphore_mem>>
      %dma_start3A = arith.constant 0 : i32
      %dma_start3A_353 = tpu.memref_slice %arg21[%dma_start3A] : memref<4096xf32, #tpu.memory_space<vmem>> -> memref<4096xf32, #tpu.memory_space<vmem>>
      %dma_start3A_354 = tpu.memref_slice %arg6[%add3A_130] : memref<786432xf32, #tpu.memory_space<hbm>> -> memref<4096xf32, #tpu.memory_space<hbm>>
      %dma_start3A_355 = tpu.memref_slice %arg6[%add3A_130] : memref<786432xf32, #tpu.memory_space<hbm>> -> memref<4096xf32, #tpu.memory_space<hbm>>
      %dma_start3A_356 = arith.constant 0 : i32
      %dma_start3A_357 = tpu.memref_slice %arg21[%dma_start3A_356] : memref<4096xf32, #tpu.memory_space<vmem>> -> memref<4096xf32, #tpu.memory_space<vmem>>
      tpu.enqueue_dma source(%dma_start3A_357 : memref<4096xf32, #tpu.memory_space<vmem>>) target(%dma_start3A_355 : memref<4096xf32, #tpu.memory_space<hbm>>) target_semaphore(%run_scoped3A : memref<!tpu.dma_semaphore, #tpu.memory_space<semaphore_mem>>)
      %dma_wait3A = arith.constant 0 : i32
      %dma_wait3A_358 = tpu.memref_slice %arg21[%dma_wait3A] : memref<4096xf32, #tpu.memory_space<vmem>> -> memref<4096xf32, #tpu.memory_space<vmem>>
      %dma_wait3A_359 = tpu.memref_slice %arg6[%add3A_130] : memref<786432xf32, #tpu.memory_space<hbm>> -> memref<4096xf32, #tpu.memory_space<hbm>>
      %dma_wait3A_360 = tpu.memref_slice %arg6[%add3A_130] : memref<786432xf32, #tpu.memory_space<hbm>> -> memref<4096xf32, #tpu.memory_space<hbm>>
      %dma_wait3A_361 = arith.constant 0 : i32
      %dma_wait3A_362 = tpu.memref_slice %arg21[%dma_wait3A_361] : memref<4096xf32, #tpu.memory_space<vmem>> -> memref<4096xf32, #tpu.memory_space<vmem>>
      tpu.wait_dma2 semaphore(%run_scoped3A : memref<!tpu.dma_semaphore, #tpu.memory_space<semaphore_mem>>) src(%dma_wait3A_362 : memref<4096xf32, #tpu.memory_space<vmem>>) dst(%dma_wait3A_360 : memref<4096xf32, #tpu.memory_space<hbm>>)
      tpu.yield
    }) : () -> ()
    %mul3A_131 = arith.constant 6 : i32
    %mul3A_132 = arith.muli %arg0, %mul3A_131 : i32
    %add3A_133 = arith.constant 2 : i32
    %add3A_134 = arith.addi %mul3A_132, %add3A_133 : i32
    %mul3A_135 = arith.constant 1024 : i32
    %mul3A_136 = arith.muli %add3A_134, %mul3A_135 : i32
    %mul3A_137 = arith.constant 64 : i32
    %mul3A_138 = arith.muli %mul3A_136, %mul3A_137 : i32
    %add3A_139 = arith.constant 0 : i32
    %add3A_140 = arith.addi %mul3A_0, %add3A_139 : i32
    %mul3A_141 = arith.constant 64 : i32
    %mul3A_142 = arith.muli %add3A_140, %mul3A_141 : i32
    %add3A_143 = arith.addi %mul3A_138, %mul3A_142 : i32
    "tpu.region"() ({
      %run_scoped3A = tpu.sem_alloc : memref<!tpu.dma_semaphore, #tpu.memory_space<semaphore_mem>>
      %dma_start3A = arith.constant 0 : i32
      %dma_start3A_353 = tpu.memref_slice %arg22[%dma_start3A] : memref<4096xf32, #tpu.memory_space<vmem>> -> memref<4096xf32, #tpu.memory_space<vmem>>
      %dma_start3A_354 = tpu.memref_slice %arg6[%add3A_143] : memref<786432xf32, #tpu.memory_space<hbm>> -> memref<4096xf32, #tpu.memory_space<hbm>>
      %dma_start3A_355 = tpu.memref_slice %arg6[%add3A_143] : memref<786432xf32, #tpu.memory_space<hbm>> -> memref<4096xf32, #tpu.memory_space<hbm>>
      %dma_start3A_356 = arith.constant 0 : i32
      %dma_start3A_357 = tpu.memref_slice %arg22[%dma_start3A_356] : memref<4096xf32, #tpu.memory_space<vmem>> -> memref<4096xf32, #tpu.memory_space<vmem>>
      tpu.enqueue_dma source(%dma_start3A_357 : memref<4096xf32, #tpu.memory_space<vmem>>) target(%dma_start3A_355 : memref<4096xf32, #tpu.memory_space<hbm>>) target_semaphore(%run_scoped3A : memref<!tpu.dma_semaphore, #tpu.memory_space<semaphore_mem>>)
      %dma_wait3A = arith.constant 0 : i32
      %dma_wait3A_358 = tpu.memref_slice %arg22[%dma_wait3A] : memref<4096xf32, #tpu.memory_space<vmem>> -> memref<4096xf32, #tpu.memory_space<vmem>>
      %dma_wait3A_359 = tpu.memref_slice %arg6[%add3A_143] : memref<786432xf32, #tpu.memory_space<hbm>> -> memref<4096xf32, #tpu.memory_space<hbm>>
      %dma_wait3A_360 = tpu.memref_slice %arg6[%add3A_143] : memref<786432xf32, #tpu.memory_space<hbm>> -> memref<4096xf32, #tpu.memory_space<hbm>>
      %dma_wait3A_361 = arith.constant 0 : i32
      %dma_wait3A_362 = tpu.memref_slice %arg22[%dma_wait3A_361] : memref<4096xf32, #tpu.memory_space<vmem>> -> memref<4096xf32, #tpu.memory_space<vmem>>
      tpu.wait_dma2 semaphore(%run_scoped3A : memref<!tpu.dma_semaphore, #tpu.memory_space<semaphore_mem>>) src(%dma_wait3A_362 : memref<4096xf32, #tpu.memory_space<vmem>>) dst(%dma_wait3A_360 : memref<4096xf32, #tpu.memory_space<hbm>>)
      tpu.yield
    }) : () -> ()
    %mul3A_144 = arith.constant 6 : i32
    %mul3A_145 = arith.muli %arg0, %mul3A_144 : i32
    %add3A_146 = arith.constant 3 : i32
    %add3A_147 = arith.addi %mul3A_145, %add3A_146 : i32
    %mul3A_148 = arith.constant 1024 : i32
    %mul3A_149 = arith.muli %add3A_147, %mul3A_148 : i32
    %mul3A_150 = arith.constant 64 : i32
    %mul3A_151 = arith.muli %mul3A_149, %mul3A_150 : i32
    %add3A_152 = arith.constant 0 : i32
    %add3A_153 = arith.addi %mul3A_0, %add3A_152 : i32
    %mul3A_154 = arith.constant 64 : i32
    %mul3A_155 = arith.muli %add3A_153, %mul3A_154 : i32
    %add3A_156 = arith.addi %mul3A_151, %mul3A_155 : i32
    "tpu.region"() ({
      %run_scoped3A = tpu.sem_alloc : memref<!tpu.dma_semaphore, #tpu.memory_space<semaphore_mem>>
      %dma_start3A = arith.constant 0 : i32
      %dma_start3A_353 = tpu.memref_slice %arg23[%dma_start3A] : memref<4096xf32, #tpu.memory_space<vmem>> -> memref<4096xf32, #tpu.memory_space<vmem>>
      %dma_start3A_354 = tpu.memref_slice %arg6[%add3A_156] : memref<786432xf32, #tpu.memory_space<hbm>> -> memref<4096xf32, #tpu.memory_space<hbm>>
      %dma_start3A_355 = tpu.memref_slice %arg6[%add3A_156] : memref<786432xf32, #tpu.memory_space<hbm>> -> memref<4096xf32, #tpu.memory_space<hbm>>
      %dma_start3A_356 = arith.constant 0 : i32
      %dma_start3A_357 = tpu.memref_slice %arg23[%dma_start3A_356] : memref<4096xf32, #tpu.memory_space<vmem>> -> memref<4096xf32, #tpu.memory_space<vmem>>
      tpu.enqueue_dma source(%dma_start3A_357 : memref<4096xf32, #tpu.memory_space<vmem>>) target(%dma_start3A_355 : memref<4096xf32, #tpu.memory_space<hbm>>) target_semaphore(%run_scoped3A : memref<!tpu.dma_semaphore, #tpu.memory_space<semaphore_mem>>)
      %dma_wait3A = arith.constant 0 : i32
      %dma_wait3A_358 = tpu.memref_slice %arg23[%dma_wait3A] : memref<4096xf32, #tpu.memory_space<vmem>> -> memref<4096xf32, #tpu.memory_space<vmem>>
      %dma_wait3A_359 = tpu.memref_slice %arg6[%add3A_156] : memref<786432xf32, #tpu.memory_space<hbm>> -> memref<4096xf32, #tpu.memory_space<hbm>>
      %dma_wait3A_360 = tpu.memref_slice %arg6[%add3A_156] : memref<786432xf32, #tpu.memory_space<hbm>> -> memref<4096xf32, #tpu.memory_space<hbm>>
      %dma_wait3A_361 = arith.constant 0 : i32
      %dma_wait3A_362 = tpu.memref_slice %arg23[%dma_wait3A_361] : memref<4096xf32, #tpu.memory_space<vmem>> -> memref<4096xf32, #tpu.memory_space<vmem>>
      tpu.wait_dma2 semaphore(%run_scoped3A : memref<!tpu.dma_semaphore, #tpu.memory_space<semaphore_mem>>) src(%dma_wait3A_362 : memref<4096xf32, #tpu.memory_space<vmem>>) dst(%dma_wait3A_360 : memref<4096xf32, #tpu.memory_space<hbm>>)
      tpu.yield
    }) : () -> ()
    %mul3A_157 = arith.constant 6 : i32
    %mul3A_158 = arith.muli %arg0, %mul3A_157 : i32
    %add3A_159 = arith.constant 4 : i32
    %add3A_160 = arith.addi %mul3A_158, %add3A_159 : i32
    %mul3A_161 = arith.constant 1024 : i32
    %mul3A_162 = arith.muli %add3A_160, %mul3A_161 : i32
    %mul3A_163 = arith.constant 64 : i32
    %mul3A_164 = arith.muli %mul3A_162, %mul3A_163 : i32
    %add3A_165 = arith.constant 0 : i32
    %add3A_166 = arith.addi %mul3A_0, %add3A_165 : i32
    %mul3A_167 = arith.constant 64 : i32
    %mul3A_168 = arith.muli %add3A_166, %mul3A_167 : i32
    %add3A_169 = arith.addi %mul3A_164, %mul3A_168 : i32
    "tpu.region"() ({
      %run_scoped3A = tpu.sem_alloc : memref<!tpu.dma_semaphore, #tpu.memory_space<semaphore_mem>>
      %dma_start3A = arith.constant 0 : i32
      %dma_start3A_353 = tpu.memref_slice %arg24[%dma_start3A] : memref<4096xf32, #tpu.memory_space<vmem>> -> memref<4096xf32, #tpu.memory_space<vmem>>
      %dma_start3A_354 = tpu.memref_slice %arg6[%add3A_169] : memref<786432xf32, #tpu.memory_space<hbm>> -> memref<4096xf32, #tpu.memory_space<hbm>>
      %dma_start3A_355 = tpu.memref_slice %arg6[%add3A_169] : memref<786432xf32, #tpu.memory_space<hbm>> -> memref<4096xf32, #tpu.memory_space<hbm>>
      %dma_start3A_356 = arith.constant 0 : i32
      %dma_start3A_357 = tpu.memref_slice %arg24[%dma_start3A_356] : memref<4096xf32, #tpu.memory_space<vmem>> -> memref<4096xf32, #tpu.memory_space<vmem>>
      tpu.enqueue_dma source(%dma_start3A_357 : memref<4096xf32, #tpu.memory_space<vmem>>) target(%dma_start3A_355 : memref<4096xf32, #tpu.memory_space<hbm>>) target_semaphore(%run_scoped3A : memref<!tpu.dma_semaphore, #tpu.memory_space<semaphore_mem>>)
      %dma_wait3A = arith.constant 0 : i32
      %dma_wait3A_358 = tpu.memref_slice %arg24[%dma_wait3A] : memref<4096xf32, #tpu.memory_space<vmem>> -> memref<4096xf32, #tpu.memory_space<vmem>>
      %dma_wait3A_359 = tpu.memref_slice %arg6[%add3A_169] : memref<786432xf32, #tpu.memory_space<hbm>> -> memref<4096xf32, #tpu.memory_space<hbm>>
      %dma_wait3A_360 = tpu.memref_slice %arg6[%add3A_169] : memref<786432xf32, #tpu.memory_space<hbm>> -> memref<4096xf32, #tpu.memory_space<hbm>>
      %dma_wait3A_361 = arith.constant 0 : i32
      %dma_wait3A_362 = tpu.memref_slice %arg24[%dma_wait3A_361] : memref<4096xf32, #tpu.memory_space<vmem>> -> memref<4096xf32, #tpu.memory_space<vmem>>
      tpu.wait_dma2 semaphore(%run_scoped3A : memref<!tpu.dma_semaphore, #tpu.memory_space<semaphore_mem>>) src(%dma_wait3A_362 : memref<4096xf32, #tpu.memory_space<vmem>>) dst(%dma_wait3A_360 : memref<4096xf32, #tpu.memory_space<hbm>>)
      tpu.yield
    }) : () -> ()
    %mul3A_170 = arith.constant 6 : i32
    %mul3A_171 = arith.muli %arg0, %mul3A_170 : i32
    %add3A_172 = arith.constant 5 : i32
    %add3A_173 = arith.addi %mul3A_171, %add3A_172 : i32
    %mul3A_174 = arith.constant 1024 : i32
    %mul3A_175 = arith.muli %add3A_173, %mul3A_174 : i32
    %mul3A_176 = arith.constant 64 : i32
    %mul3A_177 = arith.muli %mul3A_175, %mul3A_176 : i32
    %add3A_178 = arith.constant 0 : i32
    %add3A_179 = arith.addi %mul3A_0, %add3A_178 : i32
    %mul3A_180 = arith.constant 64 : i32
    %mul3A_181 = arith.muli %add3A_179, %mul3A_180 : i32
    %add3A_182 = arith.addi %mul3A_177, %mul3A_181 : i32
    "tpu.region"() ({
      %run_scoped3A = tpu.sem_alloc : memref<!tpu.dma_semaphore, #tpu.memory_space<semaphore_mem>>
      %dma_start3A = arith.constant 0 : i32
      %dma_start3A_353 = tpu.memref_slice %arg25[%dma_start3A] : memref<4096xf32, #tpu.memory_space<vmem>> -> memref<4096xf32, #tpu.memory_space<vmem>>
      %dma_start3A_354 = tpu.memref_slice %arg6[%add3A_182] : memref<786432xf32, #tpu.memory_space<hbm>> -> memref<4096xf32, #tpu.memory_space<hbm>>
      %dma_start3A_355 = tpu.memref_slice %arg6[%add3A_182] : memref<786432xf32, #tpu.memory_space<hbm>> -> memref<4096xf32, #tpu.memory_space<hbm>>
      %dma_start3A_356 = arith.constant 0 : i32
      %dma_start3A_357 = tpu.memref_slice %arg25[%dma_start3A_356] : memref<4096xf32, #tpu.memory_space<vmem>> -> memref<4096xf32, #tpu.memory_space<vmem>>
      tpu.enqueue_dma source(%dma_start3A_357 : memref<4096xf32, #tpu.memory_space<vmem>>) target(%dma_start3A_355 : memref<4096xf32, #tpu.memory_space<hbm>>) target_semaphore(%run_scoped3A : memref<!tpu.dma_semaphore, #tpu.memory_space<semaphore_mem>>)
      %dma_wait3A = arith.constant 0 : i32
      %dma_wait3A_358 = tpu.memref_slice %arg25[%dma_wait3A] : memref<4096xf32, #tpu.memory_space<vmem>> -> memref<4096xf32, #tpu.memory_space<vmem>>
      %dma_wait3A_359 = tpu.memref_slice %arg6[%add3A_182] : memref<786432xf32, #tpu.memory_space<hbm>> -> memref<4096xf32, #tpu.memory_space<hbm>>
      %dma_wait3A_360 = tpu.memref_slice %arg6[%add3A_182] : memref<786432xf32, #tpu.memory_space<hbm>> -> memref<4096xf32, #tpu.memory_space<hbm>>
      %dma_wait3A_361 = arith.constant 0 : i32
      %dma_wait3A_362 = tpu.memref_slice %arg25[%dma_wait3A_361] : memref<4096xf32, #tpu.memory_space<vmem>> -> memref<4096xf32, #tpu.memory_space<vmem>>
      tpu.wait_dma2 semaphore(%run_scoped3A : memref<!tpu.dma_semaphore, #tpu.memory_space<semaphore_mem>>) src(%dma_wait3A_362 : memref<4096xf32, #tpu.memory_space<vmem>>) dst(%dma_wait3A_360 : memref<4096xf32, #tpu.memory_space<hbm>>)
      tpu.yield
    }) : () -> ()
    %scan3A_183 = arith.constant 0 : i32
    %scan3A_184 = arith.constant 2.500000e-01 : f32
    %scan3A_185 = arith.constant 0 : i32
    %scan3A_186 = arith.constant 32 : i32
    %scan3A_187 = arith.addi %scan3A_185, %scan3A_186 : i32
    %scan3A_188 = arith.constant 1 : i32
    scf.for %scan3A_353 = %scan3A_185 to %scan3A_187 step %scan3A_188  : i32 {
      %add3A_354 = arith.constant 0 : i32
      %add3A_355 = arith.addi %add3A_354, %scan3A_353 : i32
      %mul3A_356 = arith.constant 3 : i32
      %mul3A_357 = arith.muli %add3A_355, %mul3A_356 : i32
      %broadcast_in_dim3A_358 = vector.broadcast %mul3A_357 : i32 to vector<16xi32>
      %gather3A = tpu.vector_load_idx %arg18[%broadcast_in_dim3A_358] : memref<192xf32, #tpu.memory_space<vmem>>[vector<16xi32>], vector<16xf32>,
      %add3A_359 = arith.constant 1 : i32
      %add3A_360 = arith.addi %mul3A_357, %add3A_359 : i32
      %broadcast_in_dim3A_361 = vector.broadcast %add3A_360 : i32 to vector<16xi32>
      %gather3A_362 = tpu.vector_load_idx %arg18[%broadcast_in_dim3A_361] : memref<192xf32, #tpu.memory_space<vmem>>[vector<16xi32>], vector<16xf32>,
      %add3A_363 = arith.constant 2 : i32
      %add3A_364 = arith.addi %mul3A_357, %add3A_363 : i32
      %broadcast_in_dim3A_365 = vector.broadcast %add3A_364 : i32 to vector<16xi32>
      %gather3A_366 = tpu.vector_load_idx %arg18[%broadcast_in_dim3A_365] : memref<192xf32, #tpu.memory_space<vmem>>[vector<16xi32>], vector<16xf32>,
      %mul3A_367 = arith.mulf %gather3A, %gather3A : vector<16xf32>
      %mul3A_368 = arith.mulf %gather3A_362, %gather3A_362 : vector<16xf32>
      %add3A_369 = arith.addf %mul3A_367, %mul3A_368 : vector<16xf32>
      %mul3A_370 = arith.mulf %gather3A_366, %gather3A_366 : vector<16xf32>
      %add3A_371 = arith.addf %add3A_369, %mul3A_370 : vector<16xf32>
      %bitcast3A = vector.bitcast %gather3A : vector<16xf32> to vector<16xi32>
      %add3A_372 = arith.constant 32767 : i32
      %add3A_373 = vector.broadcast %add3A_372 : i32 to vector<16xi32>
      %add3A_374 = arith.addi %bitcast3A, %add3A_373 : vector<16xi32>
      %shift_right_logical3A = arith.constant 16 : i32
      %shift_right_logical3A_375 = vector.broadcast %shift_right_logical3A : i32 to vector<16xi32>
      %shift_right_logical3A_376 = arith.shrui %bitcast3A, %shift_right_logical3A_375 : vector<16xi32>
      %and3A = arith.constant 1 : i32
      %and3A_377 = vector.broadcast %and3A : i32 to vector<16xi32>
      %and3A_378 = arith.andi %shift_right_logical3A_376, %and3A_377 : vector<16xi32>
      %add3A_379 = arith.addi %add3A_374, %and3A_378 : vector<16xi32>
      %and3A_380 = arith.constant -65536 : i32
      %and3A_381 = vector.broadcast %and3A_380 : i32 to vector<16xi32>
      %and3A_382 = arith.andi %add3A_379, %and3A_381 : vector<16xi32>
      %bitcast3A_383 = vector.bitcast %and3A_382 : vector<16xi32> to vector<16xf32>
      %bitcast3A_384 = vector.bitcast %gather3A_362 : vector<16xf32> to vector<16xi32>
      %add3A_385 = arith.constant 32767 : i32
      %add3A_386 = vector.broadcast %add3A_385 : i32 to vector<16xi32>
      %add3A_387 = arith.addi %bitcast3A_384, %add3A_386 : vector<16xi32>
      %shift_right_logical3A_388 = arith.constant 16 : i32
      %shift_right_logical3A_389 = vector.broadcast %shift_right_logical3A_388 : i32 to vector<16xi32>
      %shift_right_logical3A_390 = arith.shrui %bitcast3A_384, %shift_right_logical3A_389 : vector<16xi32>
      %and3A_391 = arith.constant 1 : i32
      %and3A_392 = vector.broadcast %and3A_391 : i32 to vector<16xi32>
      %and3A_393 = arith.andi %shift_right_logical3A_390, %and3A_392 : vector<16xi32>
      %add3A_394 = arith.addi %add3A_387, %and3A_393 : vector<16xi32>
      %and3A_395 = arith.constant -65536 : i32
      %and3A_396 = vector.broadcast %and3A_395 : i32 to vector<16xi32>
      %and3A_397 = arith.andi %add3A_394, %and3A_396 : vector<16xi32>
      %bitcast3A_398 = vector.bitcast %and3A_397 : vector<16xi32> to vector<16xf32>
      %bitcast3A_399 = vector.bitcast %gather3A_366 : vector<16xf32> to vector<16xi32>
      %add3A_400 = arith.constant 32767 : i32
      %add3A_401 = vector.broadcast %add3A_400 : i32 to vector<16xi32>
      %add3A_402 = arith.addi %bitcast3A_399, %add3A_401 : vector<16xi32>
      %shift_right_logical3A_403 = arith.constant 16 : i32
      %shift_right_logical3A_404 = vector.broadcast %shift_right_logical3A_403 : i32 to vector<16xi32>
      %shift_right_logical3A_405 = arith.shrui %bitcast3A_399, %shift_right_logical3A_404 : vector<16xi32>
      %and3A_406 = arith.constant 1 : i32
      %and3A_407 = vector.broadcast %and3A_406 : i32 to vector<16xi32>
      %and3A_408 = arith.andi %shift_right_logical3A_405, %and3A_407 : vector<16xi32>
      %add3A_409 = arith.addi %add3A_402, %and3A_408 : vector<16xi32>
      %and3A_410 = arith.constant -65536 : i32
      %and3A_411 = vector.broadcast %and3A_410 : i32 to vector<16xi32>
      %and3A_412 = arith.andi %add3A_409, %and3A_411 : vector<16xi32>
      %bitcast3A_413 = vector.bitcast %and3A_412 : vector<16xi32> to vector<16xf32>
      %swap3A = arith.constant 0 : index
      %swap3A_414 = tpu.vector_load %arg19[%swap3A] {strides = array<i32>} : memref<160xi32, #tpu.memory_space<vmem>>, vector<16xi32>,
      tpu.vector_store %arg19[%swap3A], %broadcast_in_dim3A_12 {strides = array<i32>} : memref<160xi32, #tpu.memory_space<vmem>>, vector<16xi32>,
      %while3A = arith.constant 0 : i32
      %while3A_415 = arith.constant 0 : i32
      %while3A_416:2 = scf.while (%while3A_700 = %while3A, %while3A_701 = %while3A_415) : (i32, i32) -> (i32, i32) {
        %lt3A = arith.constant 8192 : i32
        %lt3A_702 = arith.cmpi slt, %while3A_700, %lt3A : i32
        %lt3A_703 = arith.constant 128 : i32
        %lt3A_704 = arith.cmpi slt, %while3A_701, %lt3A_703 : i32
        %and3A_705 = arith.andi %lt3A_702, %lt3A_704 : i1
        scf.condition(%and3A_705) %while3A_700, %while3A_701 : i32, i32
      } do {
      ^bb0(%while3A_700: i32, %while3A_701: i32):
        %add3A_702 = arith.constant 16 : i32
        %add3A_703 = arith.addi %while3A_700, %add3A_702 : i32
        %get3A_704 = arith.index_cast %while3A_700 : i32 to index
        %get3A_705 = tpu.vector_load %arg14[%get3A_704] {strides = array<i32>} : memref<8192xf32, #tpu.memory_space<vmem>>, vector<16xf32>,
        %mul3A_706 = arith.mulf %bitcast3A_383, %get3A_705 : vector<16xf32>
        %get3A_707 = arith.index_cast %while3A_700 : i32 to index
        %get3A_708 = tpu.vector_load %arg15[%get3A_707] {strides = array<i32>} : memref<8192xf32, #tpu.memory_space<vmem>>, vector<16xf32>,
        %mul3A_709 = arith.mulf %bitcast3A_398, %get3A_708 : vector<16xf32>
        %add3A_710 = arith.addf %mul3A_706, %mul3A_709 : vector<16xf32>
        %get3A_711 = arith.index_cast %while3A_700 : i32 to index
        %get3A_712 = tpu.vector_load %arg16[%get3A_711] {strides = array<i32>} : memref<8192xf32, #tpu.memory_space<vmem>>, vector<16xf32>,
        %mul3A_713 = arith.mulf %bitcast3A_413, %get3A_712 : vector<16xf32>
        %add3A_714 = arith.addf %add3A_710, %mul3A_713 : vector<16xf32>
        %get3A_715 = arith.index_cast %add3A_703 : i32 to index
        %get3A_716 = tpu.vector_load %arg14[%get3A_715] {strides = array<i32>} : memref<8192xf32, #tpu.memory_space<vmem>>, vector<16xf32>,
        %mul3A_717 = arith.mulf %bitcast3A_383, %get3A_716 : vector<16xf32>
        %get3A_718 = arith.index_cast %add3A_703 : i32 to index
        %get3A_719 = tpu.vector_load %arg15[%get3A_718] {strides = array<i32>} : memref<8192xf32, #tpu.memory_space<vmem>>, vector<16xf32>,
        %mul3A_720 = arith.mulf %bitcast3A_398, %get3A_719 : vector<16xf32>
        %add3A_721 = arith.addf %mul3A_717, %mul3A_720 : vector<16xf32>
        %get3A_722 = arith.index_cast %add3A_703 : i32 to index
        %get3A_723 = tpu.vector_load %arg16[%get3A_722] {strides = array<i32>} : memref<8192xf32, #tpu.memory_space<vmem>>, vector<16xf32>,
        %mul3A_724 = arith.mulf %bitcast3A_413, %get3A_723 : vector<16xf32>
        %add3A_725 = arith.addf %add3A_721, %mul3A_724 : vector<16xf32>
        %mul3A_726 = arith.constant -2.000000e+00 : f32
        %mul3A_727 = vector.broadcast %mul3A_726 : f32 to vector<16xf32>
        %mul3A_728 = arith.mulf %mul3A_727, %add3A_714 : vector<16xf32>
        %add3A_729 = arith.addf %mul3A_728, %add3A_371 : vector<16xf32>
        %get3A_730 = arith.index_cast %while3A_700 : i32 to index
        %get3A_731 = tpu.vector_load %arg17[%get3A_730] {strides = array<i32>} : memref<8192xf32, #tpu.memory_space<vmem>>, vector<16xf32>,
        %add3A_732 = arith.addf %add3A_729, %get3A_731 : vector<16xf32>
        %le3A = vector.broadcast %scan3A_184 : f32 to vector<16xf32>
        %le3A_733 = arith.cmpf ole, %add3A_732, %le3A : vector<16xf32>
        %mul3A_734 = arith.constant -2.000000e+00 : f32
        %mul3A_735 = vector.broadcast %mul3A_734 : f32 to vector<16xf32>
        %mul3A_736 = arith.mulf %mul3A_735, %add3A_725 : vector<16xf32>
        %add3A_737 = arith.addf %mul3A_736, %add3A_371 : vector<16xf32>
        %get3A_738 = arith.index_cast %add3A_703 : i32 to index
        %get3A_739 = tpu.vector_load %arg17[%get3A_738] {strides = array<i32>} : memref<8192xf32, #tpu.memory_space<vmem>>, vector<16xf32>,
        %add3A_740 = arith.addf %add3A_737, %get3A_739 : vector<16xf32>
        %le3A_741 = vector.broadcast %scan3A_184 : f32 to vector<16xf32>
        %le3A_742 = arith.cmpf ole, %add3A_740, %le3A_741 : vector<16xf32>
        %add3A_743 = vector.broadcast %while3A_700 : i32 to vector<16xi32>
        %add3A_744 = arith.addi %iota3A, %add3A_743 : vector<16xi32>
        %swap3A_745 = arith.index_cast %while3A_701 : i32 to index
        %swap3A_746 = tpu.vector_load %arg19[%swap3A_745] masked %le3A_733 {strides = array<i32>} : memref<160xi32, #tpu.memory_space<vmem>>, vector<16xi32>, vector<16xi1>
        tpu.vector_store %arg19[%swap3A_745], %add3A_744 masked %le3A_733 {strides = array<i32>} : memref<160xi32, #tpu.memory_space<vmem>>, vector<16xi32>, vector<16xi1>
        %convert_element_type3A = arith.extui %le3A_733 : vector<16xi1> to vector<16xi32>
        %reduce_sum3A = arith.constant true
        %reduce_sum3A_747 = vector.broadcast %reduce_sum3A : i1 to vector<16xi1>
        %reduce_sum3A_748 = tpu.scan <sum>, %convert_element_type3A masked %reduce_sum3A_747 : vector<16xi32>, vector<16xi1> -> vector<16xi32>
        %reduce_sum3A_749 = vector.extract %reduce_sum3A_748[15] : i32 from vector<16xi32>
        %add3A_750 = arith.addi %while3A_701, %reduce_sum3A_749 : i32
        %add3A_751 = arith.constant 16 : i32
        %add3A_752 = arith.addi %while3A_700, %add3A_751 : i32
        %add3A_753 = vector.broadcast %add3A_752 : i32 to vector<16xi32>
        %add3A_754 = arith.addi %iota3A, %add3A_753 : vector<16xi32>
        %swap3A_755 = arith.index_cast %add3A_750 : i32 to index
        %swap3A_756 = tpu.vector_load %arg19[%swap3A_755] masked %le3A_742 {strides = array<i32>} : memref<160xi32, #tpu.memory_space<vmem>>, vector<16xi32>, vector<16xi1>
        tpu.vector_store %arg19[%swap3A_755], %add3A_754 masked %le3A_742 {strides = array<i32>} : memref<160xi32, #tpu.memory_space<vmem>>, vector<16xi32>, vector<16xi1>
        %convert_element_type3A_757 = arith.extui %le3A_742 : vector<16xi1> to vector<16xi32>
        %reduce_sum3A_758 = arith.constant true
        %reduce_sum3A_759 = vector.broadcast %reduce_sum3A_758 : i1 to vector<16xi1>
        %reduce_sum3A_760 = tpu.scan <sum>, %convert_element_type3A_757 masked %reduce_sum3A_759 : vector<16xi32>, vector<16xi1> -> vector<16xi32>
        %reduce_sum3A_761 = vector.extract %reduce_sum3A_760[15] : i32 from vector<16xi32>
        %add3A_762 = arith.constant 32 : i32
        %add3A_763 = arith.addi %while3A_700, %add3A_762 : i32
        %add3A_764 = arith.addi %while3A_701, %reduce_sum3A_749 : i32
        %add3A_765 = arith.addi %add3A_764, %reduce_sum3A_761 : i32
        scf.yield %add3A_763, %add3A_765 : i32, i32
      }
      %gather3A_417 = tpu.vector_load_idx %arg19[%broadcast_in_dim3A_10] : memref<160xi32, #tpu.memory_space<vmem>>[vector<16xi32>], vector<16xi32>,
      %min3A = arith.constant 128 : i32
      %min3A_418 = arith.minsi %while3A_416#1, %min3A : i32
      %while3A_419 = scf.while (%while3A_700 = %min3A_418) : (i32) -> i32 {
        %lt3A = arith.constant 128 : i32
        %lt3A_701 = arith.cmpi slt, %while3A_700, %lt3A : i32
        scf.condition(%lt3A_701) %while3A_700 : i32
      } do {
      ^bb0(%while3A_700: i32):
        %swap3A_701 = arith.index_cast %while3A_700 : i32 to index
        %swap3A_702 = tpu.vector_load %arg19[%swap3A_701] {strides = array<i32>} : memref<160xi32, #tpu.memory_space<vmem>>, vector<16xi32>,
        tpu.vector_store %arg19[%swap3A_701], %gather3A_417 {strides = array<i32>} : memref<160xi32, #tpu.memory_space<vmem>>, vector<16xi32>,
        %add3A_703 = arith.constant 16 : i32
        %add3A_704 = arith.addi %while3A_700, %add3A_703 : i32
        scf.yield %add3A_704 : i32
      }
      %mul3A_420 = arith.constant 128 : i32
      %mul3A_421 = arith.muli %scan3A_353, %mul3A_420 : i32
      %get3A = arith.constant 0 : index
      %get3A_422 = tpu.vector_load %arg19[%get3A] {strides = array<i32>} : memref<160xi32, #tpu.memory_space<vmem>>, vector<16xi32>,
      %gather3A_423 = tpu.vector_load_idx %arg8[%broadcast_in_dim3A_10, %broadcast_in_dim3A_10, %get3A_422] : memref<1x1x8192xf32, #tpu.memory_space<vmem>>[vector<16xi32>, vector<16xi32>, vector<16xi32>], vector<16xf32>,
      %sub3A = arith.subf %gather3A_423, %gather3A : vector<16xf32>
      %gather3A_424 = tpu.vector_load_idx %arg9[%broadcast_in_dim3A_10, %broadcast_in_dim3A_10, %get3A_422] : memref<1x1x8192xf32, #tpu.memory_space<vmem>>[vector<16xi32>, vector<16xi32>, vector<16xi32>], vector<16xf32>,
      %sub3A_425 = arith.subf %gather3A_424, %gather3A_362 : vector<16xf32>
      %gather3A_426 = tpu.vector_load_idx %arg10[%broadcast_in_dim3A_10, %broadcast_in_dim3A_10, %get3A_422] : memref<1x1x8192xf32, #tpu.memory_space<vmem>>[vector<16xi32>, vector<16xi32>, vector<16xi32>], vector<16xf32>,
      %sub3A_427 = arith.subf %gather3A_426, %gather3A_366 : vector<16xf32>
      %gather3A_428 = tpu.vector_load_idx %arg11[%broadcast_in_dim3A_10, %broadcast_in_dim3A_10, %get3A_422] : memref<1x1x8192xf32, #tpu.memory_space<vmem>>[vector<16xi32>, vector<16xi32>, vector<16xi32>], vector<16xf32>,
      %gather3A_429 = tpu.vector_load_idx %arg12[%broadcast_in_dim3A_10, %broadcast_in_dim3A_10, %get3A_422] : memref<1x1x8192xf32, #tpu.memory_space<vmem>>[vector<16xi32>, vector<16xi32>, vector<16xi32>], vector<16xf32>,
      %gather3A_430 = tpu.vector_load_idx %arg13[%broadcast_in_dim3A_10, %broadcast_in_dim3A_10, %get3A_422] : memref<1x1x8192xf32, #tpu.memory_space<vmem>>[vector<16xi32>, vector<16xi32>, vector<16xi32>], vector<16xf32>,
      %add3A_431 = arith.constant 0 : i32
      %add3A_432 = arith.addi %mul3A_421, %add3A_431 : i32
      %swap3A_433 = arith.index_cast %add3A_432 : i32 to index
      %swap3A_434 = tpu.vector_load %arg20[%swap3A_433] {strides = array<i32>} : memref<4096xf32, #tpu.memory_space<vmem>>, vector<16xf32>,
      tpu.vector_store %arg20[%swap3A_433], %gather3A_428 {strides = array<i32>} : memref<4096xf32, #tpu.memory_space<vmem>>, vector<16xf32>,
      %add3A_435 = arith.constant 0 : i32
      %add3A_436 = arith.addi %mul3A_421, %add3A_435 : i32
      %swap3A_437 = arith.index_cast %add3A_436 : i32 to index
      %swap3A_438 = tpu.vector_load %arg21[%swap3A_437] {strides = array<i32>} : memref<4096xf32, #tpu.memory_space<vmem>>, vector<16xf32>,
      tpu.vector_store %arg21[%swap3A_437], %gather3A_429 {strides = array<i32>} : memref<4096xf32, #tpu.memory_space<vmem>>, vector<16xf32>,
      %add3A_439 = arith.constant 0 : i32
      %add3A_440 = arith.addi %mul3A_421, %add3A_439 : i32
      %swap3A_441 = arith.index_cast %add3A_440 : i32 to index
      %swap3A_442 = tpu.vector_load %arg22[%swap3A_441] {strides = array<i32>} : memref<4096xf32, #tpu.memory_space<vmem>>, vector<16xf32>,
      tpu.vector_store %arg22[%swap3A_441], %gather3A_430 {strides = array<i32>} : memref<4096xf32, #tpu.memory_space<vmem>>, vector<16xf32>,
      %add3A_443 = arith.constant 0 : i32
      %add3A_444 = arith.addi %mul3A_421, %add3A_443 : i32
      %swap3A_445 = arith.index_cast %add3A_444 : i32 to index
      %swap3A_446 = tpu.vector_load %arg23[%swap3A_445] {strides = array<i32>} : memref<4096xf32, #tpu.memory_space<vmem>>, vector<16xf32>,
      tpu.vector_store %arg23[%swap3A_445], %sub3A {strides = array<i32>} : memref<4096xf32, #tpu.memory_space<vmem>>, vector<16xf32>,
      %add3A_447 = arith.constant 0 : i32
      %add3A_448 = arith.addi %mul3A_421, %add3A_447 : i32
      %swap3A_449 = arith.index_cast %add3A_448 : i32 to index
      %swap3A_450 = tpu.vector_load %arg24[%swap3A_449] {strides = array<i32>} : memref<4096xf32, #tpu.memory_space<vmem>>, vector<16xf32>,
      tpu.vector_store %arg24[%swap3A_449], %sub3A_425 {strides = array<i32>} : memref<4096xf32, #tpu.memory_space<vmem>>, vector<16xf32>,
      %add3A_451 = arith.constant 0 : i32
      %add3A_452 = arith.addi %mul3A_421, %add3A_451 : i32
      %swap3A_453 = arith.index_cast %add3A_452 : i32 to index
      %swap3A_454 = tpu.vector_load %arg25[%swap3A_453] {strides = array<i32>} : memref<4096xf32, #tpu.memory_space<vmem>>, vector<16xf32>,
      tpu.vector_store %arg25[%swap3A_453], %sub3A_427 {strides = array<i32>} : memref<4096xf32, #tpu.memory_space<vmem>>, vector<16xf32>,
      %get3A_455 = arith.constant 16 : index
      %get3A_456 = tpu.vector_load %arg19[%get3A_455] {strides = array<i32>} : memref<160xi32, #tpu.memory_space<vmem>>, vector<16xi32>,
      %gather3A_457 = tpu.vector_load_idx %arg8[%broadcast_in_dim3A_10, %broadcast_in_dim3A_10, %get3A_456] : memref<1x1x8192xf32, #tpu.memory_space<vmem>>[vector<16xi32>, vector<16xi32>, vector<16xi32>], vector<16xf32>,
      %sub3A_458 = arith.subf %gather3A_457, %gather3A : vector<16xf32>
      %gather3A_459 = tpu.vector_load_idx %arg9[%broadcast_in_dim3A_10, %broadcast_in_dim3A_10, %get3A_456] : memref<1x1x8192xf32, #tpu.memory_space<vmem>>[vector<16xi32>, vector<16xi32>, vector<16xi32>], vector<16xf32>,
      %sub3A_460 = arith.subf %gather3A_459, %gather3A_362 : vector<16xf32>
      %gather3A_461 = tpu.vector_load_idx %arg10[%broadcast_in_dim3A_10, %broadcast_in_dim3A_10, %get3A_456] : memref<1x1x8192xf32, #tpu.memory_space<vmem>>[vector<16xi32>, vector<16xi32>, vector<16xi32>], vector<16xf32>,
      %sub3A_462 = arith.subf %gather3A_461, %gather3A_366 : vector<16xf32>
      %gather3A_463 = tpu.vector_load_idx %arg11[%broadcast_in_dim3A_10, %broadcast_in_dim3A_10, %get3A_456] : memref<1x1x8192xf32, #tpu.memory_space<vmem>>[vector<16xi32>, vector<16xi32>, vector<16xi32>], vector<16xf32>,
      %gather3A_464 = tpu.vector_load_idx %arg12[%broadcast_in_dim3A_10, %broadcast_in_dim3A_10, %get3A_456] : memref<1x1x8192xf32, #tpu.memory_space<vmem>>[vector<16xi32>, vector<16xi32>, vector<16xi32>], vector<16xf32>,
      %gather3A_465 = tpu.vector_load_idx %arg13[%broadcast_in_dim3A_10, %broadcast_in_dim3A_10, %get3A_456] : memref<1x1x8192xf32, #tpu.memory_space<vmem>>[vector<16xi32>, vector<16xi32>, vector<16xi32>], vector<16xf32>,
      %add3A_466 = arith.constant 16 : i32
      %add3A_467 = arith.addi %mul3A_421, %add3A_466 : i32
      %swap3A_468 = arith.index_cast %add3A_467 : i32 to index
      %swap3A_469 = tpu.vector_load %arg20[%swap3A_468] {strides = array<i32>} : memref<4096xf32, #tpu.memory_space<vmem>>, vector<16xf32>,
      tpu.vector_store %arg20[%swap3A_468], %gather3A_463 {strides = array<i32>} : memref<4096xf32, #tpu.memory_space<vmem>>, vector<16xf32>,
      %add3A_470 = arith.constant 16 : i32
      %add3A_471 = arith.addi %mul3A_421, %add3A_470 : i32
      %swap3A_472 = arith.index_cast %add3A_471 : i32 to index
      %swap3A_473 = tpu.vector_load %arg21[%swap3A_472] {strides = array<i32>} : memref<4096xf32, #tpu.memory_space<vmem>>, vector<16xf32>,
      tpu.vector_store %arg21[%swap3A_472], %gather3A_464 {strides = array<i32>} : memref<4096xf32, #tpu.memory_space<vmem>>, vector<16xf32>,
      %add3A_474 = arith.constant 16 : i32
      %add3A_475 = arith.addi %mul3A_421, %add3A_474 : i32
      %swap3A_476 = arith.index_cast %add3A_475 : i32 to index
      %swap3A_477 = tpu.vector_load %arg22[%swap3A_476] {strides = array<i32>} : memref<4096xf32, #tpu.memory_space<vmem>>, vector<16xf32>,
      tpu.vector_store %arg22[%swap3A_476], %gather3A_465 {strides = array<i32>} : memref<4096xf32, #tpu.memory_space<vmem>>, vector<16xf32>,
      %add3A_478 = arith.constant 16 : i32
      %add3A_479 = arith.addi %mul3A_421, %add3A_478 : i32
      %swap3A_480 = arith.index_cast %add3A_479 : i32 to index
      %swap3A_481 = tpu.vector_load %arg23[%swap3A_480] {strides = array<i32>} : memref<4096xf32, #tpu.memory_space<vmem>>, vector<16xf32>,
      tpu.vector_store %arg23[%swap3A_480], %sub3A_458 {strides = array<i32>} : memref<4096xf32, #tpu.memory_space<vmem>>, vector<16xf32>,
      %add3A_482 = arith.constant 16 : i32
      %add3A_483 = arith.addi %mul3A_421, %add3A_482 : i32
      %swap3A_484 = arith.index_cast %add3A_483 : i32 to index
      %swap3A_485 = tpu.vector_load %arg24[%swap3A_484] {strides = array<i32>} : memref<4096xf32, #tpu.memory_space<vmem>>, vector<16xf32>,
      tpu.vector_store %arg24[%swap3A_484], %sub3A_460 {strides = array<i32>} : memref<4096xf32, #tpu.memory_space<vmem>>, vector<16xf32>,
      %add3A_486 = arith.constant 16 : i32
      %add3A_487 = arith.addi %mul3A_421, %add3A_486 : i32
      %swap3A_488 = arith.index_cast %add3A_487 : i32 to index
      %swap3A_489 = tpu.vector_load %arg25[%swap3A_488] {strides = array<i32>} : memref<4096xf32, #tpu.memory_space<vmem>>, vector<16xf32>,
      tpu.vector_store %arg25[%swap3A_488], %sub3A_462 {strides = array<i32>} : memref<4096xf32, #tpu.memory_space<vmem>>, vector<16xf32>,
      %get3A_490 = arith.constant 32 : index
      %get3A_491 = tpu.vector_load %arg19[%get3A_490] {strides = array<i32>} : memref<160xi32, #tpu.memory_space<vmem>>, vector<16xi32>,
      %gather3A_492 = tpu.vector_load_idx %arg8[%broadcast_in_dim3A_10, %broadcast_in_dim3A_10, %get3A_491] : memref<1x1x8192xf32, #tpu.memory_space<vmem>>[vector<16xi32>, vector<16xi32>, vector<16xi32>], vector<16xf32>,
      %sub3A_493 = arith.subf %gather3A_492, %gather3A : vector<16xf32>
      %gather3A_494 = tpu.vector_load_idx %arg9[%broadcast_in_dim3A_10, %broadcast_in_dim3A_10, %get3A_491] : memref<1x1x8192xf32, #tpu.memory_space<vmem>>[vector<16xi32>, vector<16xi32>, vector<16xi32>], vector<16xf32>,
      %sub3A_495 = arith.subf %gather3A_494, %gather3A_362 : vector<16xf32>
      %gather3A_496 = tpu.vector_load_idx %arg10[%broadcast_in_dim3A_10, %broadcast_in_dim3A_10, %get3A_491] : memref<1x1x8192xf32, #tpu.memory_space<vmem>>[vector<16xi32>, vector<16xi32>, vector<16xi32>], vector<16xf32>,
      %sub3A_497 = arith.subf %gather3A_496, %gather3A_366 : vector<16xf32>
      %gather3A_498 = tpu.vector_load_idx %arg11[%broadcast_in_dim3A_10, %broadcast_in_dim3A_10, %get3A_491] : memref<1x1x8192xf32, #tpu.memory_space<vmem>>[vector<16xi32>, vector<16xi32>, vector<16xi32>], vector<16xf32>,
      %gather3A_499 = tpu.vector_load_idx %arg12[%broadcast_in_dim3A_10, %broadcast_in_dim3A_10, %get3A_491] : memref<1x1x8192xf32, #tpu.memory_space<vmem>>[vector<16xi32>, vector<16xi32>, vector<16xi32>], vector<16xf32>,
      %gather3A_500 = tpu.vector_load_idx %arg13[%broadcast_in_dim3A_10, %broadcast_in_dim3A_10, %get3A_491] : memref<1x1x8192xf32, #tpu.memory_space<vmem>>[vector<16xi32>, vector<16xi32>, vector<16xi32>], vector<16xf32>,
      %add3A_501 = arith.constant 32 : i32
      %add3A_502 = arith.addi %mul3A_421, %add3A_501 : i32
      %swap3A_503 = arith.index_cast %add3A_502 : i32 to index
      %swap3A_504 = tpu.vector_load %arg20[%swap3A_503] {strides = array<i32>} : memref<4096xf32, #tpu.memory_space<vmem>>, vector<16xf32>,
      tpu.vector_store %arg20[%swap3A_503], %gather3A_498 {strides = array<i32>} : memref<4096xf32, #tpu.memory_space<vmem>>, vector<16xf32>,
      %add3A_505 = arith.constant 32 : i32
      %add3A_506 = arith.addi %mul3A_421, %add3A_505 : i32
      %swap3A_507 = arith.index_cast %add3A_506 : i32 to index
      %swap3A_508 = tpu.vector_load %arg21[%swap3A_507] {strides = array<i32>} : memref<4096xf32, #tpu.memory_space<vmem>>, vector<16xf32>,
      tpu.vector_store %arg21[%swap3A_507], %gather3A_499 {strides = array<i32>} : memref<4096xf32, #tpu.memory_space<vmem>>, vector<16xf32>,
      %add3A_509 = arith.constant 32 : i32
      %add3A_510 = arith.addi %mul3A_421, %add3A_509 : i32
      %swap3A_511 = arith.index_cast %add3A_510 : i32 to index
      %swap3A_512 = tpu.vector_load %arg22[%swap3A_511] {strides = array<i32>} : memref<4096xf32, #tpu.memory_space<vmem>>, vector<16xf32>,
      tpu.vector_store %arg22[%swap3A_511], %gather3A_500 {strides = array<i32>} : memref<4096xf32, #tpu.memory_space<vmem>>, vector<16xf32>,
      %add3A_513 = arith.constant 32 : i32
      %add3A_514 = arith.addi %mul3A_421, %add3A_513 : i32
      %swap3A_515 = arith.index_cast %add3A_514 : i32 to index
      %swap3A_516 = tpu.vector_load %arg23[%swap3A_515] {strides = array<i32>} : memref<4096xf32, #tpu.memory_space<vmem>>, vector<16xf32>,
      tpu.vector_store %arg23[%swap3A_515], %sub3A_493 {strides = array<i32>} : memref<4096xf32, #tpu.memory_space<vmem>>, vector<16xf32>,
      %add3A_517 = arith.constant 32 : i32
      %add3A_518 = arith.addi %mul3A_421, %add3A_517 : i32
      %swap3A_519 = arith.index_cast %add3A_518 : i32 to index
      %swap3A_520 = tpu.vector_load %arg24[%swap3A_519] {strides = array<i32>} : memref<4096xf32, #tpu.memory_space<vmem>>, vector<16xf32>,
      tpu.vector_store %arg24[%swap3A_519], %sub3A_495 {strides = array<i32>} : memref<4096xf32, #tpu.memory_space<vmem>>, vector<16xf32>,
      %add3A_521 = arith.constant 32 : i32
      %add3A_522 = arith.addi %mul3A_421, %add3A_521 : i32
      %swap3A_523 = arith.index_cast %add3A_522 : i32 to index
      %swap3A_524 = tpu.vector_load %arg25[%swap3A_523] {strides = array<i32>} : memref<4096xf32, #tpu.memory_space<vmem>>, vector<16xf32>,
      tpu.vector_store %arg25[%swap3A_523], %sub3A_497 {strides = array<i32>} : memref<4096xf32, #tpu.memory_space<vmem>>, vector<16xf32>,
      %get3A_525 = arith.constant 48 : index
      %get3A_526 = tpu.vector_load %arg19[%get3A_525] {strides = array<i32>} : memref<160xi32, #tpu.memory_space<vmem>>, vector<16xi32>,
      %gather3A_527 = tpu.vector_load_idx %arg8[%broadcast_in_dim3A_10, %broadcast_in_dim3A_10, %get3A_526] : memref<1x1x8192xf32, #tpu.memory_space<vmem>>[vector<16xi32>, vector<16xi32>, vector<16xi32>], vector<16xf32>,
      %sub3A_528 = arith.subf %gather3A_527, %gather3A : vector<16xf32>
      %gather3A_529 = tpu.vector_load_idx %arg9[%broadcast_in_dim3A_10, %broadcast_in_dim3A_10, %get3A_526] : memref<1x1x8192xf32, #tpu.memory_space<vmem>>[vector<16xi32>, vector<16xi32>, vector<16xi32>], vector<16xf32>,
      %sub3A_530 = arith.subf %gather3A_529, %gather3A_362 : vector<16xf32>
      %gather3A_531 = tpu.vector_load_idx %arg10[%broadcast_in_dim3A_10, %broadcast_in_dim3A_10, %get3A_526] : memref<1x1x8192xf32, #tpu.memory_space<vmem>>[vector<16xi32>, vector<16xi32>, vector<16xi32>], vector<16xf32>,
      %sub3A_532 = arith.subf %gather3A_531, %gather3A_366 : vector<16xf32>
      %gather3A_533 = tpu.vector_load_idx %arg11[%broadcast_in_dim3A_10, %broadcast_in_dim3A_10, %get3A_526] : memref<1x1x8192xf32, #tpu.memory_space<vmem>>[vector<16xi32>, vector<16xi32>, vector<16xi32>], vector<16xf32>,
      %gather3A_534 = tpu.vector_load_idx %arg12[%broadcast_in_dim3A_10, %broadcast_in_dim3A_10, %get3A_526] : memref<1x1x8192xf32, #tpu.memory_space<vmem>>[vector<16xi32>, vector<16xi32>, vector<16xi32>], vector<16xf32>,
      %gather3A_535 = tpu.vector_load_idx %arg13[%broadcast_in_dim3A_10, %broadcast_in_dim3A_10, %get3A_526] : memref<1x1x8192xf32, #tpu.memory_space<vmem>>[vector<16xi32>, vector<16xi32>, vector<16xi32>], vector<16xf32>,
      %add3A_536 = arith.constant 48 : i32
      %add3A_537 = arith.addi %mul3A_421, %add3A_536 : i32
      %swap3A_538 = arith.index_cast %add3A_537 : i32 to index
      %swap3A_539 = tpu.vector_load %arg20[%swap3A_538] {strides = array<i32>} : memref<4096xf32, #tpu.memory_space<vmem>>, vector<16xf32>,
      tpu.vector_store %arg20[%swap3A_538], %gather3A_533 {strides = array<i32>} : memref<4096xf32, #tpu.memory_space<vmem>>, vector<16xf32>,
      %add3A_540 = arith.constant 48 : i32
      %add3A_541 = arith.addi %mul3A_421, %add3A_540 : i32
      %swap3A_542 = arith.index_cast %add3A_541 : i32 to index
      %swap3A_543 = tpu.vector_load %arg21[%swap3A_542] {strides = array<i32>} : memref<4096xf32, #tpu.memory_space<vmem>>, vector<16xf32>,
      tpu.vector_store %arg21[%swap3A_542], %gather3A_534 {strides = array<i32>} : memref<4096xf32, #tpu.memory_space<vmem>>, vector<16xf32>,
      %add3A_544 = arith.constant 48 : i32
      %add3A_545 = arith.addi %mul3A_421, %add3A_544 : i32
      %swap3A_546 = arith.index_cast %add3A_545 : i32 to index
      %swap3A_547 = tpu.vector_load %arg22[%swap3A_546] {strides = array<i32>} : memref<4096xf32, #tpu.memory_space<vmem>>, vector<16xf32>,
      tpu.vector_store %arg22[%swap3A_546], %gather3A_535 {strides = array<i32>} : memref<4096xf32, #tpu.memory_space<vmem>>, vector<16xf32>,
      %add3A_548 = arith.constant 48 : i32
      %add3A_549 = arith.addi %mul3A_421, %add3A_548 : i32
      %swap3A_550 = arith.index_cast %add3A_549 : i32 to index
      %swap3A_551 = tpu.vector_load %arg23[%swap3A_550] {strides = array<i32>} : memref<4096xf32, #tpu.memory_space<vmem>>, vector<16xf32>,
      tpu.vector_store %arg23[%swap3A_550], %sub3A_528 {strides = array<i32>} : memref<4096xf32, #tpu.memory_space<vmem>>, vector<16xf32>,
      %add3A_552 = arith.constant 48 : i32
      %add3A_553 = arith.addi %mul3A_421, %add3A_552 : i32
      %swap3A_554 = arith.index_cast %add3A_553 : i32 to index
      %swap3A_555 = tpu.vector_load %arg24[%swap3A_554] {strides = array<i32>} : memref<4096xf32, #tpu.memory_space<vmem>>, vector<16xf32>,
      tpu.vector_store %arg24[%swap3A_554], %sub3A_530 {strides = array<i32>} : memref<4096xf32, #tpu.memory_space<vmem>>, vector<16xf32>,
      %add3A_556 = arith.constant 48 : i32
      %add3A_557 = arith.addi %mul3A_421, %add3A_556 : i32
      %swap3A_558 = arith.index_cast %add3A_557 : i32 to index
      %swap3A_559 = tpu.vector_load %arg25[%swap3A_558] {strides = array<i32>} : memref<4096xf32, #tpu.memory_space<vmem>>, vector<16xf32>,
      tpu.vector_store %arg25[%swap3A_558], %sub3A_532 {strides = array<i32>} : memref<4096xf32, #tpu.memory_space<vmem>>, vector<16xf32>,
      %get3A_560 = arith.constant 64 : index
      %get3A_561 = tpu.vector_load %arg19[%get3A_560] {strides = array<i32>} : memref<160xi32, #tpu.memory_space<vmem>>, vector<16xi32>,
      %gather3A_562 = tpu.vector_load_idx %arg8[%broadcast_in_dim3A_10, %broadcast_in_dim3A_10, %get3A_561] : memref<1x1x8192xf32, #tpu.memory_space<vmem>>[vector<16xi32>, vector<16xi32>, vector<16xi32>], vector<16xf32>,
      %sub3A_563 = arith.subf %gather3A_562, %gather3A : vector<16xf32>
      %gather3A_564 = tpu.vector_load_idx %arg9[%broadcast_in_dim3A_10, %broadcast_in_dim3A_10, %get3A_561] : memref<1x1x8192xf32, #tpu.memory_space<vmem>>[vector<16xi32>, vector<16xi32>, vector<16xi32>], vector<16xf32>,
      %sub3A_565 = arith.subf %gather3A_564, %gather3A_362 : vector<16xf32>
      %gather3A_566 = tpu.vector_load_idx %arg10[%broadcast_in_dim3A_10, %broadcast_in_dim3A_10, %get3A_561] : memref<1x1x8192xf32, #tpu.memory_space<vmem>>[vector<16xi32>, vector<16xi32>, vector<16xi32>], vector<16xf32>,
      %sub3A_567 = arith.subf %gather3A_566, %gather3A_366 : vector<16xf32>
      %gather3A_568 = tpu.vector_load_idx %arg11[%broadcast_in_dim3A_10, %broadcast_in_dim3A_10, %get3A_561] : memref<1x1x8192xf32, #tpu.memory_space<vmem>>[vector<16xi32>, vector<16xi32>, vector<16xi32>], vector<16xf32>,
      %gather3A_569 = tpu.vector_load_idx %arg12[%broadcast_in_dim3A_10, %broadcast_in_dim3A_10, %get3A_561] : memref<1x1x8192xf32, #tpu.memory_space<vmem>>[vector<16xi32>, vector<16xi32>, vector<16xi32>], vector<16xf32>,
      %gather3A_570 = tpu.vector_load_idx %arg13[%broadcast_in_dim3A_10, %broadcast_in_dim3A_10, %get3A_561] : memref<1x1x8192xf32, #tpu.memory_space<vmem>>[vector<16xi32>, vector<16xi32>, vector<16xi32>], vector<16xf32>,
      %add3A_571 = arith.constant 64 : i32
      %add3A_572 = arith.addi %mul3A_421, %add3A_571 : i32
      %swap3A_573 = arith.index_cast %add3A_572 : i32 to index
      %swap3A_574 = tpu.vector_load %arg20[%swap3A_573] {strides = array<i32>} : memref<4096xf32, #tpu.memory_space<vmem>>, vector<16xf32>,
      tpu.vector_store %arg20[%swap3A_573], %gather3A_568 {strides = array<i32>} : memref<4096xf32, #tpu.memory_space<vmem>>, vector<16xf32>,
      %add3A_575 = arith.constant 64 : i32
      %add3A_576 = arith.addi %mul3A_421, %add3A_575 : i32
      %swap3A_577 = arith.index_cast %add3A_576 : i32 to index
      %swap3A_578 = tpu.vector_load %arg21[%swap3A_577] {strides = array<i32>} : memref<4096xf32, #tpu.memory_space<vmem>>, vector<16xf32>,
      tpu.vector_store %arg21[%swap3A_577], %gather3A_569 {strides = array<i32>} : memref<4096xf32, #tpu.memory_space<vmem>>, vector<16xf32>,
      %add3A_579 = arith.constant 64 : i32
      %add3A_580 = arith.addi %mul3A_421, %add3A_579 : i32
      %swap3A_581 = arith.index_cast %add3A_580 : i32 to index
      %swap3A_582 = tpu.vector_load %arg22[%swap3A_581] {strides = array<i32>} : memref<4096xf32, #tpu.memory_space<vmem>>, vector<16xf32>,
      tpu.vector_store %arg22[%swap3A_581], %gather3A_570 {strides = array<i32>} : memref<4096xf32, #tpu.memory_space<vmem>>, vector<16xf32>,
      %add3A_583 = arith.constant 64 : i32
      %add3A_584 = arith.addi %mul3A_421, %add3A_583 : i32
      %swap3A_585 = arith.index_cast %add3A_584 : i32 to index
      %swap3A_586 = tpu.vector_load %arg23[%swap3A_585] {strides = array<i32>} : memref<4096xf32, #tpu.memory_space<vmem>>, vector<16xf32>,
      tpu.vector_store %arg23[%swap3A_585], %sub3A_563 {strides = array<i32>} : memref<4096xf32, #tpu.memory_space<vmem>>, vector<16xf32>,
      %add3A_587 = arith.constant 64 : i32
      %add3A_588 = arith.addi %mul3A_421, %add3A_587 : i32
      %swap3A_589 = arith.index_cast %add3A_588 : i32 to index
      %swap3A_590 = tpu.vector_load %arg24[%swap3A_589] {strides = array<i32>} : memref<4096xf32, #tpu.memory_space<vmem>>, vector<16xf32>,
      tpu.vector_store %arg24[%swap3A_589], %sub3A_565 {strides = array<i32>} : memref<4096xf32, #tpu.memory_space<vmem>>, vector<16xf32>,
      %add3A_591 = arith.constant 64 : i32
      %add3A_592 = arith.addi %mul3A_421, %add3A_591 : i32
      %swap3A_593 = arith.index_cast %add3A_592 : i32 to index
      %swap3A_594 = tpu.vector_load %arg25[%swap3A_593] {strides = array<i32>} : memref<4096xf32, #tpu.memory_space<vmem>>, vector<16xf32>,
      tpu.vector_store %arg25[%swap3A_593], %sub3A_567 {strides = array<i32>} : memref<4096xf32, #tpu.memory_space<vmem>>, vector<16xf32>,
      %get3A_595 = arith.constant 80 : index
      %get3A_596 = tpu.vector_load %arg19[%get3A_595] {strides = array<i32>} : memref<160xi32, #tpu.memory_space<vmem>>, vector<16xi32>,
      %gather3A_597 = tpu.vector_load_idx %arg8[%broadcast_in_dim3A_10, %broadcast_in_dim3A_10, %get3A_596] : memref<1x1x8192xf32, #tpu.memory_space<vmem>>[vector<16xi32>, vector<16xi32>, vector<16xi32>], vector<16xf32>,
      %sub3A_598 = arith.subf %gather3A_597, %gather3A : vector<16xf32>
      %gather3A_599 = tpu.vector_load_idx %arg9[%broadcast_in_dim3A_10, %broadcast_in_dim3A_10, %get3A_596] : memref<1x1x8192xf32, #tpu.memory_space<vmem>>[vector<16xi32>, vector<16xi32>, vector<16xi32>], vector<16xf32>,
      %sub3A_600 = arith.subf %gather3A_599, %gather3A_362 : vector<16xf32>
      %gather3A_601 = tpu.vector_load_idx %arg10[%broadcast_in_dim3A_10, %broadcast_in_dim3A_10, %get3A_596] : memref<1x1x8192xf32, #tpu.memory_space<vmem>>[vector<16xi32>, vector<16xi32>, vector<16xi32>], vector<16xf32>,
      %sub3A_602 = arith.subf %gather3A_601, %gather3A_366 : vector<16xf32>
      %gather3A_603 = tpu.vector_load_idx %arg11[%broadcast_in_dim3A_10, %broadcast_in_dim3A_10, %get3A_596] : memref<1x1x8192xf32, #tpu.memory_space<vmem>>[vector<16xi32>, vector<16xi32>, vector<16xi32>], vector<16xf32>,
      %gather3A_604 = tpu.vector_load_idx %arg12[%broadcast_in_dim3A_10, %broadcast_in_dim3A_10, %get3A_596] : memref<1x1x8192xf32, #tpu.memory_space<vmem>>[vector<16xi32>, vector<16xi32>, vector<16xi32>], vector<16xf32>,
      %gather3A_605 = tpu.vector_load_idx %arg13[%broadcast_in_dim3A_10, %broadcast_in_dim3A_10, %get3A_596] : memref<1x1x8192xf32, #tpu.memory_space<vmem>>[vector<16xi32>, vector<16xi32>, vector<16xi32>], vector<16xf32>,
      %add3A_606 = arith.constant 80 : i32
      %add3A_607 = arith.addi %mul3A_421, %add3A_606 : i32
      %swap3A_608 = arith.index_cast %add3A_607 : i32 to index
      %swap3A_609 = tpu.vector_load %arg20[%swap3A_608] {strides = array<i32>} : memref<4096xf32, #tpu.memory_space<vmem>>, vector<16xf32>,
      tpu.vector_store %arg20[%swap3A_608], %gather3A_603 {strides = array<i32>} : memref<4096xf32, #tpu.memory_space<vmem>>, vector<16xf32>,
      %add3A_610 = arith.constant 80 : i32
      %add3A_611 = arith.addi %mul3A_421, %add3A_610 : i32
      %swap3A_612 = arith.index_cast %add3A_611 : i32 to index
      %swap3A_613 = tpu.vector_load %arg21[%swap3A_612] {strides = array<i32>} : memref<4096xf32, #tpu.memory_space<vmem>>, vector<16xf32>,
      tpu.vector_store %arg21[%swap3A_612], %gather3A_604 {strides = array<i32>} : memref<4096xf32, #tpu.memory_space<vmem>>, vector<16xf32>,
      %add3A_614 = arith.constant 80 : i32
      %add3A_615 = arith.addi %mul3A_421, %add3A_614 : i32
      %swap3A_616 = arith.index_cast %add3A_615 : i32 to index
      %swap3A_617 = tpu.vector_load %arg22[%swap3A_616] {strides = array<i32>} : memref<4096xf32, #tpu.memory_space<vmem>>, vector<16xf32>,
      tpu.vector_store %arg22[%swap3A_616], %gather3A_605 {strides = array<i32>} : memref<4096xf32, #tpu.memory_space<vmem>>, vector<16xf32>,
      %add3A_618 = arith.constant 80 : i32
      %add3A_619 = arith.addi %mul3A_421, %add3A_618 : i32
      %swap3A_620 = arith.index_cast %add3A_619 : i32 to index
      %swap3A_621 = tpu.vector_load %arg23[%swap3A_620] {strides = array<i32>} : memref<4096xf32, #tpu.memory_space<vmem>>, vector<16xf32>,
      tpu.vector_store %arg23[%swap3A_620], %sub3A_598 {strides = array<i32>} : memref<4096xf32, #tpu.memory_space<vmem>>, vector<16xf32>,
      %add3A_622 = arith.constant 80 : i32
      %add3A_623 = arith.addi %mul3A_421, %add3A_622 : i32
      %swap3A_624 = arith.index_cast %add3A_623 : i32 to index
      %swap3A_625 = tpu.vector_load %arg24[%swap3A_624] {strides = array<i32>} : memref<4096xf32, #tpu.memory_space<vmem>>, vector<16xf32>,
      tpu.vector_store %arg24[%swap3A_624], %sub3A_600 {strides = array<i32>} : memref<4096xf32, #tpu.memory_space<vmem>>, vector<16xf32>,
      %add3A_626 = arith.constant 80 : i32
      %add3A_627 = arith.addi %mul3A_421, %add3A_626 : i32
      %swap3A_628 = arith.index_cast %add3A_627 : i32 to index
      %swap3A_629 = tpu.vector_load %arg25[%swap3A_628] {strides = array<i32>} : memref<4096xf32, #tpu.memory_space<vmem>>, vector<16xf32>,
      tpu.vector_store %arg25[%swap3A_628], %sub3A_602 {strides = array<i32>} : memref<4096xf32, #tpu.memory_space<vmem>>, vector<16xf32>,
      %get3A_630 = arith.constant 96 : index
      %get3A_631 = tpu.vector_load %arg19[%get3A_630] {strides = array<i32>} : memref<160xi32, #tpu.memory_space<vmem>>, vector<16xi32>,
      %gather3A_632 = tpu.vector_load_idx %arg8[%broadcast_in_dim3A_10, %broadcast_in_dim3A_10, %get3A_631] : memref<1x1x8192xf32, #tpu.memory_space<vmem>>[vector<16xi32>, vector<16xi32>, vector<16xi32>], vector<16xf32>,
      %sub3A_633 = arith.subf %gather3A_632, %gather3A : vector<16xf32>
      %gather3A_634 = tpu.vector_load_idx %arg9[%broadcast_in_dim3A_10, %broadcast_in_dim3A_10, %get3A_631] : memref<1x1x8192xf32, #tpu.memory_space<vmem>>[vector<16xi32>, vector<16xi32>, vector<16xi32>], vector<16xf32>,
      %sub3A_635 = arith.subf %gather3A_634, %gather3A_362 : vector<16xf32>
      %gather3A_636 = tpu.vector_load_idx %arg10[%broadcast_in_dim3A_10, %broadcast_in_dim3A_10, %get3A_631] : memref<1x1x8192xf32, #tpu.memory_space<vmem>>[vector<16xi32>, vector<16xi32>, vector<16xi32>], vector<16xf32>,
      %sub3A_637 = arith.subf %gather3A_636, %gather3A_366 : vector<16xf32>
      %gather3A_638 = tpu.vector_load_idx %arg11[%broadcast_in_dim3A_10, %broadcast_in_dim3A_10, %get3A_631] : memref<1x1x8192xf32, #tpu.memory_space<vmem>>[vector<16xi32>, vector<16xi32>, vector<16xi32>], vector<16xf32>,
      %gather3A_639 = tpu.vector_load_idx %arg12[%broadcast_in_dim3A_10, %broadcast_in_dim3A_10, %get3A_631] : memref<1x1x8192xf32, #tpu.memory_space<vmem>>[vector<16xi32>, vector<16xi32>, vector<16xi32>], vector<16xf32>,
      %gather3A_640 = tpu.vector_load_idx %arg13[%broadcast_in_dim3A_10, %broadcast_in_dim3A_10, %get3A_631] : memref<1x1x8192xf32, #tpu.memory_space<vmem>>[vector<16xi32>, vector<16xi32>, vector<16xi32>], vector<16xf32>,
      %add3A_641 = arith.constant 96 : i32
      %add3A_642 = arith.addi %mul3A_421, %add3A_641 : i32
      %swap3A_643 = arith.index_cast %add3A_642 : i32 to index
      %swap3A_644 = tpu.vector_load %arg20[%swap3A_643] {strides = array<i32>} : memref<4096xf32, #tpu.memory_space<vmem>>, vector<16xf32>,
      tpu.vector_store %arg20[%swap3A_643], %gather3A_638 {strides = array<i32>} : memref<4096xf32, #tpu.memory_space<vmem>>, vector<16xf32>,
      %add3A_645 = arith.constant 96 : i32
      %add3A_646 = arith.addi %mul3A_421, %add3A_645 : i32
      %swap3A_647 = arith.index_cast %add3A_646 : i32 to index
      %swap3A_648 = tpu.vector_load %arg21[%swap3A_647] {strides = array<i32>} : memref<4096xf32, #tpu.memory_space<vmem>>, vector<16xf32>,
      tpu.vector_store %arg21[%swap3A_647], %gather3A_639 {strides = array<i32>} : memref<4096xf32, #tpu.memory_space<vmem>>, vector<16xf32>,
      %add3A_649 = arith.constant 96 : i32
      %add3A_650 = arith.addi %mul3A_421, %add3A_649 : i32
      %swap3A_651 = arith.index_cast %add3A_650 : i32 to index
      %swap3A_652 = tpu.vector_load %arg22[%swap3A_651] {strides = array<i32>} : memref<4096xf32, #tpu.memory_space<vmem>>, vector<16xf32>,
      tpu.vector_store %arg22[%swap3A_651], %gather3A_640 {strides = array<i32>} : memref<4096xf32, #tpu.memory_space<vmem>>, vector<16xf32>,
      %add3A_653 = arith.constant 96 : i32
      %add3A_654 = arith.addi %mul3A_421, %add3A_653 : i32
      %swap3A_655 = arith.index_cast %add3A_654 : i32 to index
      %swap3A_656 = tpu.vector_load %arg23[%swap3A_655] {strides = array<i32>} : memref<4096xf32, #tpu.memory_space<vmem>>, vector<16xf32>,
      tpu.vector_store %arg23[%swap3A_655], %sub3A_633 {strides = array<i32>} : memref<4096xf32, #tpu.memory_space<vmem>>, vector<16xf32>,
      %add3A_657 = arith.constant 96 : i32
      %add3A_658 = arith.addi %mul3A_421, %add3A_657 : i32
      %swap3A_659 = arith.index_cast %add3A_658 : i32 to index
      %swap3A_660 = tpu.vector_load %arg24[%swap3A_659] {strides = array<i32>} : memref<4096xf32, #tpu.memory_space<vmem>>, vector<16xf32>,
      tpu.vector_store %arg24[%swap3A_659], %sub3A_635 {strides = array<i32>} : memref<4096xf32, #tpu.memory_space<vmem>>, vector<16xf32>,
      %add3A_661 = arith.constant 96 : i32
      %add3A_662 = arith.addi %mul3A_421, %add3A_661 : i32
      %swap3A_663 = arith.index_cast %add3A_662 : i32 to index
      %swap3A_664 = tpu.vector_load %arg25[%swap3A_663] {strides = array<i32>} : memref<4096xf32, #tpu.memory_space<vmem>>, vector<16xf32>,
      tpu.vector_store %arg25[%swap3A_663], %sub3A_637 {strides = array<i32>} : memref<4096xf32, #tpu.memory_space<vmem>>, vector<16xf32>,
      %get3A_665 = arith.constant 112 : index
      %get3A_666 = tpu.vector_load %arg19[%get3A_665] {strides = array<i32>} : memref<160xi32, #tpu.memory_space<vmem>>, vector<16xi32>,
      %gather3A_667 = tpu.vector_load_idx %arg8[%broadcast_in_dim3A_10, %broadcast_in_dim3A_10, %get3A_666] : memref<1x1x8192xf32, #tpu.memory_space<vmem>>[vector<16xi32>, vector<16xi32>, vector<16xi32>], vector<16xf32>,
      %sub3A_668 = arith.subf %gather3A_667, %gather3A : vector<16xf32>
      %gather3A_669 = tpu.vector_load_idx %arg9[%broadcast_in_dim3A_10, %broadcast_in_dim3A_10, %get3A_666] : memref<1x1x8192xf32, #tpu.memory_space<vmem>>[vector<16xi32>, vector<16xi32>, vector<16xi32>], vector<16xf32>,
      %sub3A_670 = arith.subf %gather3A_669, %gather3A_362 : vector<16xf32>
      %gather3A_671 = tpu.vector_load_idx %arg10[%broadcast_in_dim3A_10, %broadcast_in_dim3A_10, %get3A_666] : memref<1x1x8192xf32, #tpu.memory_space<vmem>>[vector<16xi32>, vector<16xi32>, vector<16xi32>], vector<16xf32>,
      %sub3A_672 = arith.subf %gather3A_671, %gather3A_366 : vector<16xf32>
      %gather3A_673 = tpu.vector_load_idx %arg11[%broadcast_in_dim3A_10, %broadcast_in_dim3A_10, %get3A_666] : memref<1x1x8192xf32, #tpu.memory_space<vmem>>[vector<16xi32>, vector<16xi32>, vector<16xi32>], vector<16xf32>,
      %gather3A_674 = tpu.vector_load_idx %arg12[%broadcast_in_dim3A_10, %broadcast_in_dim3A_10, %get3A_666] : memref<1x1x8192xf32, #tpu.memory_space<vmem>>[vector<16xi32>, vector<16xi32>, vector<16xi32>], vector<16xf32>,
      %gather3A_675 = tpu.vector_load_idx %arg13[%broadcast_in_dim3A_10, %broadcast_in_dim3A_10, %get3A_666] : memref<1x1x8192xf32, #tpu.memory_space<vmem>>[vector<16xi32>, vector<16xi32>, vector<16xi32>], vector<16xf32>,
      %add3A_676 = arith.constant 112 : i32
      %add3A_677 = arith.addi %mul3A_421, %add3A_676 : i32
      %swap3A_678 = arith.index_cast %add3A_677 : i32 to index
      %swap3A_679 = tpu.vector_load %arg20[%swap3A_678] {strides = array<i32>} : memref<4096xf32, #tpu.memory_space<vmem>>, vector<16xf32>,
      tpu.vector_store %arg20[%swap3A_678], %gather3A_673 {strides = array<i32>} : memref<4096xf32, #tpu.memory_space<vmem>>, vector<16xf32>,
      %add3A_680 = arith.constant 112 : i32
      %add3A_681 = arith.addi %mul3A_421, %add3A_680 : i32
      %swap3A_682 = arith.index_cast %add3A_681 : i32 to index
      %swap3A_683 = tpu.vector_load %arg21[%swap3A_682] {strides = array<i32>} : memref<4096xf32, #tpu.memory_space<vmem>>, vector<16xf32>,
      tpu.vector_store %arg21[%swap3A_682], %gather3A_674 {strides = array<i32>} : memref<4096xf32, #tpu.memory_space<vmem>>, vector<16xf32>,
      %add3A_684 = arith.constant 112 : i32
      %add3A_685 = arith.addi %mul3A_421, %add3A_684 : i32
      %swap3A_686 = arith.index_cast %add3A_685 : i32 to index
      %swap3A_687 = tpu.vector_load %arg22[%swap3A_686] {strides = array<i32>} : memref<4096xf32, #tpu.memory_space<vmem>>, vector<16xf32>,
      tpu.vector_store %arg22[%swap3A_686], %gather3A_675 {strides = array<i32>} : memref<4096xf32, #tpu.memory_space<vmem>>, vector<16xf32>,
      %add3A_688 = arith.constant 112 : i32
      %add3A_689 = arith.addi %mul3A_421, %add3A_688 : i32
      %swap3A_690 = arith.index_cast %add3A_689 : i32 to index
      %swap3A_691 = tpu.vector_load %arg23[%swap3A_690] {strides = array<i32>} : memref<4096xf32, #tpu.memory_space<vmem>>, vector<16xf32>,
      tpu.vector_store %arg23[%swap3A_690], %sub3A_668 {strides = array<i32>} : memref<4096xf32, #tpu.memory_space<vmem>>, vector<16xf32>,
      %add3A_692 = arith.constant 112 : i32
      %add3A_693 = arith.addi %mul3A_421, %add3A_692 : i32
      %swap3A_694 = arith.index_cast %add3A_693 : i32 to index
      %swap3A_695 = tpu.vector_load %arg24[%swap3A_694] {strides = array<i32>} : memref<4096xf32, #tpu.memory_space<vmem>>, vector<16xf32>,
      tpu.vector_store %arg24[%swap3A_694], %sub3A_670 {strides = array<i32>} : memref<4096xf32, #tpu.memory_space<vmem>>, vector<16xf32>,
      %add3A_696 = arith.constant 112 : i32
      %add3A_697 = arith.addi %mul3A_421, %add3A_696 : i32
      %swap3A_698 = arith.index_cast %add3A_697 : i32 to index
      %swap3A_699 = tpu.vector_load %arg25[%swap3A_698] {strides = array<i32>} : memref<4096xf32, #tpu.memory_space<vmem>>, vector<16xf32>,
      tpu.vector_store %arg25[%swap3A_698], %sub3A_672 {strides = array<i32>} : memref<4096xf32, #tpu.memory_space<vmem>>, vector<16xf32>,
    }
    %scan3A_189 = arith.constant 32 : i32
    %mul3A_190 = arith.constant 6 : i32
    %mul3A_191 = arith.muli %arg0, %mul3A_190 : i32
    %add3A_192 = arith.constant 0 : i32
    %add3A_193 = arith.addi %mul3A_191, %add3A_192 : i32
    %mul3A_194 = arith.constant 1024 : i32
    %mul3A_195 = arith.muli %add3A_193, %mul3A_194 : i32
    %mul3A_196 = arith.constant 128 : i32
    %mul3A_197 = arith.muli %mul3A_195, %mul3A_196 : i32
    %add3A_198 = arith.constant 0 : i32
    %add3A_199 = arith.addi %mul3A_0, %add3A_198 : i32
    %mul3A_200 = arith.constant 128 : i32
    %mul3A_201 = arith.muli %add3A_199, %mul3A_200 : i32
    %add3A_202 = arith.addi %mul3A_197, %mul3A_201 : i32
    "tpu.region"() ({
      %run_scoped3A = tpu.sem_alloc : memref<!tpu.dma_semaphore, #tpu.memory_space<semaphore_mem>>
      %dma_start3A = arith.constant 0 : i32
      %dma_start3A_353 = tpu.memref_slice %arg20[%dma_start3A] : memref<4096xf32, #tpu.memory_space<vmem>> -> memref<4096xf32, #tpu.memory_space<vmem>>
      %dma_start3A_354 = tpu.memref_slice %arg7[%add3A_202] : memref<1572864xf32, #tpu.memory_space<hbm>> -> memref<4096xf32, #tpu.memory_space<hbm>>
      %dma_start3A_355 = tpu.memref_slice %arg7[%add3A_202] : memref<1572864xf32, #tpu.memory_space<hbm>> -> memref<4096xf32, #tpu.memory_space<hbm>>
      %dma_start3A_356 = arith.constant 0 : i32
      %dma_start3A_357 = tpu.memref_slice %arg20[%dma_start3A_356] : memref<4096xf32, #tpu.memory_space<vmem>> -> memref<4096xf32, #tpu.memory_space<vmem>>
      tpu.enqueue_dma source(%dma_start3A_357 : memref<4096xf32, #tpu.memory_space<vmem>>) target(%dma_start3A_355 : memref<4096xf32, #tpu.memory_space<hbm>>) target_semaphore(%run_scoped3A : memref<!tpu.dma_semaphore, #tpu.memory_space<semaphore_mem>>)
      %dma_wait3A = arith.constant 0 : i32
      %dma_wait3A_358 = tpu.memref_slice %arg20[%dma_wait3A] : memref<4096xf32, #tpu.memory_space<vmem>> -> memref<4096xf32, #tpu.memory_space<vmem>>
      %dma_wait3A_359 = tpu.memref_slice %arg7[%add3A_202] : memref<1572864xf32, #tpu.memory_space<hbm>> -> memref<4096xf32, #tpu.memory_space<hbm>>
      %dma_wait3A_360 = tpu.memref_slice %arg7[%add3A_202] : memref<1572864xf32, #tpu.memory_space<hbm>> -> memref<4096xf32, #tpu.memory_space<hbm>>
      %dma_wait3A_361 = arith.constant 0 : i32
      %dma_wait3A_362 = tpu.memref_slice %arg20[%dma_wait3A_361] : memref<4096xf32, #tpu.memory_space<vmem>> -> memref<4096xf32, #tpu.memory_space<vmem>>
      tpu.wait_dma2 semaphore(%run_scoped3A : memref<!tpu.dma_semaphore, #tpu.memory_space<semaphore_mem>>) src(%dma_wait3A_362 : memref<4096xf32, #tpu.memory_space<vmem>>) dst(%dma_wait3A_360 : memref<4096xf32, #tpu.memory_space<hbm>>)
      tpu.yield
    }) : () -> ()
    %mul3A_203 = arith.constant 6 : i32
    %mul3A_204 = arith.muli %arg0, %mul3A_203 : i32
    %add3A_205 = arith.constant 1 : i32
    %add3A_206 = arith.addi %mul3A_204, %add3A_205 : i32
    %mul3A_207 = arith.constant 1024 : i32
    %mul3A_208 = arith.muli %add3A_206, %mul3A_207 : i32
    %mul3A_209 = arith.constant 128 : i32
    %mul3A_210 = arith.muli %mul3A_208, %mul3A_209 : i32
    %add3A_211 = arith.constant 0 : i32
    %add3A_212 = arith.addi %mul3A_0, %add3A_211 : i32
    %mul3A_213 = arith.constant 128 : i32
    %mul3A_214 = arith.muli %add3A_212, %mul3A_213 : i32
    %add3A_215 = arith.addi %mul3A_210, %mul3A_214 : i32
    "tpu.region"() ({
      %run_scoped3A = tpu.sem_alloc : memref<!tpu.dma_semaphore, #tpu.memory_space<semaphore_mem>>
      %dma_start3A = arith.constant 0 : i32
      %dma_start3A_353 = tpu.memref_slice %arg21[%dma_start3A] : memref<4096xf32, #tpu.memory_space<vmem>> -> memref<4096xf32, #tpu.memory_space<vmem>>
      %dma_start3A_354 = tpu.memref_slice %arg7[%add3A_215] : memref<1572864xf32, #tpu.memory_space<hbm>> -> memref<4096xf32, #tpu.memory_space<hbm>>
      %dma_start3A_355 = tpu.memref_slice %arg7[%add3A_215] : memref<1572864xf32, #tpu.memory_space<hbm>> -> memref<4096xf32, #tpu.memory_space<hbm>>
      %dma_start3A_356 = arith.constant 0 : i32
      %dma_start3A_357 = tpu.memref_slice %arg21[%dma_start3A_356] : memref<4096xf32, #tpu.memory_space<vmem>> -> memref<4096xf32, #tpu.memory_space<vmem>>
      tpu.enqueue_dma source(%dma_start3A_357 : memref<4096xf32, #tpu.memory_space<vmem>>) target(%dma_start3A_355 : memref<4096xf32, #tpu.memory_space<hbm>>) target_semaphore(%run_scoped3A : memref<!tpu.dma_semaphore, #tpu.memory_space<semaphore_mem>>)
      %dma_wait3A = arith.constant 0 : i32
      %dma_wait3A_358 = tpu.memref_slice %arg21[%dma_wait3A] : memref<4096xf32, #tpu.memory_space<vmem>> -> memref<4096xf32, #tpu.memory_space<vmem>>
      %dma_wait3A_359 = tpu.memref_slice %arg7[%add3A_215] : memref<1572864xf32, #tpu.memory_space<hbm>> -> memref<4096xf32, #tpu.memory_space<hbm>>
      %dma_wait3A_360 = tpu.memref_slice %arg7[%add3A_215] : memref<1572864xf32, #tpu.memory_space<hbm>> -> memref<4096xf32, #tpu.memory_space<hbm>>
      %dma_wait3A_361 = arith.constant 0 : i32
      %dma_wait3A_362 = tpu.memref_slice %arg21[%dma_wait3A_361] : memref<4096xf32, #tpu.memory_space<vmem>> -> memref<4096xf32, #tpu.memory_space<vmem>>
      tpu.wait_dma2 semaphore(%run_scoped3A : memref<!tpu.dma_semaphore, #tpu.memory_space<semaphore_mem>>) src(%dma_wait3A_362 : memref<4096xf32, #tpu.memory_space<vmem>>) dst(%dma_wait3A_360 : memref<4096xf32, #tpu.memory_space<hbm>>)
      tpu.yield
    }) : () -> ()
    %mul3A_216 = arith.constant 6 : i32
    %mul3A_217 = arith.muli %arg0, %mul3A_216 : i32
    %add3A_218 = arith.constant 2 : i32
    %add3A_219 = arith.addi %mul3A_217, %add3A_218 : i32
    %mul3A_220 = arith.constant 1024 : i32
    %mul3A_221 = arith.muli %add3A_219, %mul3A_220 : i32
    %mul3A_222 = arith.constant 128 : i32
    %mul3A_223 = arith.muli %mul3A_221, %mul3A_222 : i32
    %add3A_224 = arith.constant 0 : i32
    %add3A_225 = arith.addi %mul3A_0, %add3A_224 : i32
    %mul3A_226 = arith.constant 128 : i32
    %mul3A_227 = arith.muli %add3A_225, %mul3A_226 : i32
    %add3A_228 = arith.addi %mul3A_223, %mul3A_227 : i32
    "tpu.region"() ({
      %run_scoped3A = tpu.sem_alloc : memref<!tpu.dma_semaphore, #tpu.memory_space<semaphore_mem>>
      %dma_start3A = arith.constant 0 : i32
      %dma_start3A_353 = tpu.memref_slice %arg22[%dma_start3A] : memref<4096xf32, #tpu.memory_space<vmem>> -> memref<4096xf32, #tpu.memory_space<vmem>>
      %dma_start3A_354 = tpu.memref_slice %arg7[%add3A_228] : memref<1572864xf32, #tpu.memory_space<hbm>> -> memref<4096xf32, #tpu.memory_space<hbm>>
      %dma_start3A_355 = tpu.memref_slice %arg7[%add3A_228] : memref<1572864xf32, #tpu.memory_space<hbm>> -> memref<4096xf32, #tpu.memory_space<hbm>>
      %dma_start3A_356 = arith.constant 0 : i32
      %dma_start3A_357 = tpu.memref_slice %arg22[%dma_start3A_356] : memref<4096xf32, #tpu.memory_space<vmem>> -> memref<4096xf32, #tpu.memory_space<vmem>>
      tpu.enqueue_dma source(%dma_start3A_357 : memref<4096xf32, #tpu.memory_space<vmem>>) target(%dma_start3A_355 : memref<4096xf32, #tpu.memory_space<hbm>>) target_semaphore(%run_scoped3A : memref<!tpu.dma_semaphore, #tpu.memory_space<semaphore_mem>>)
      %dma_wait3A = arith.constant 0 : i32
      %dma_wait3A_358 = tpu.memref_slice %arg22[%dma_wait3A] : memref<4096xf32, #tpu.memory_space<vmem>> -> memref<4096xf32, #tpu.memory_space<vmem>>
      %dma_wait3A_359 = tpu.memref_slice %arg7[%add3A_228] : memref<1572864xf32, #tpu.memory_space<hbm>> -> memref<4096xf32, #tpu.memory_space<hbm>>
      %dma_wait3A_360 = tpu.memref_slice %arg7[%add3A_228] : memref<1572864xf32, #tpu.memory_space<hbm>> -> memref<4096xf32, #tpu.memory_space<hbm>>
      %dma_wait3A_361 = arith.constant 0 : i32
      %dma_wait3A_362 = tpu.memref_slice %arg22[%dma_wait3A_361] : memref<4096xf32, #tpu.memory_space<vmem>> -> memref<4096xf32, #tpu.memory_space<vmem>>
      tpu.wait_dma2 semaphore(%run_scoped3A : memref<!tpu.dma_semaphore, #tpu.memory_space<semaphore_mem>>) src(%dma_wait3A_362 : memref<4096xf32, #tpu.memory_space<vmem>>) dst(%dma_wait3A_360 : memref<4096xf32, #tpu.memory_space<hbm>>)
      tpu.yield
    }) : () -> ()
    %mul3A_229 = arith.constant 6 : i32
    %mul3A_230 = arith.muli %arg0, %mul3A_229 : i32
    %add3A_231 = arith.constant 3 : i32
    %add3A_232 = arith.addi %mul3A_230, %add3A_231 : i32
    %mul3A_233 = arith.constant 1024 : i32
    %mul3A_234 = arith.muli %add3A_232, %mul3A_233 : i32
    %mul3A_235 = arith.constant 128 : i32
    %mul3A_236 = arith.muli %mul3A_234, %mul3A_235 : i32
    %add3A_237 = arith.constant 0 : i32
    %add3A_238 = arith.addi %mul3A_0, %add3A_237 : i32
    %mul3A_239 = arith.constant 128 : i32
    %mul3A_240 = arith.muli %add3A_238, %mul3A_239 : i32
    %add3A_241 = arith.addi %mul3A_236, %mul3A_240 : i32
    "tpu.region"() ({
      %run_scoped3A = tpu.sem_alloc : memref<!tpu.dma_semaphore, #tpu.memory_space<semaphore_mem>>
      %dma_start3A = arith.constant 0 : i32
      %dma_start3A_353 = tpu.memref_slice %arg23[%dma_start3A] : memref<4096xf32, #tpu.memory_space<vmem>> -> memref<4096xf32, #tpu.memory_space<vmem>>
      %dma_start3A_354 = tpu.memref_slice %arg7[%add3A_241] : memref<1572864xf32, #tpu.memory_space<hbm>> -> memref<4096xf32, #tpu.memory_space<hbm>>
      %dma_start3A_355 = tpu.memref_slice %arg7[%add3A_241] : memref<1572864xf32, #tpu.memory_space<hbm>> -> memref<4096xf32, #tpu.memory_space<hbm>>
      %dma_start3A_356 = arith.constant 0 : i32
      %dma_start3A_357 = tpu.memref_slice %arg23[%dma_start3A_356] : memref<4096xf32, #tpu.memory_space<vmem>> -> memref<4096xf32, #tpu.memory_space<vmem>>
      tpu.enqueue_dma source(%dma_start3A_357 : memref<4096xf32, #tpu.memory_space<vmem>>) target(%dma_start3A_355 : memref<4096xf32, #tpu.memory_space<hbm>>) target_semaphore(%run_scoped3A : memref<!tpu.dma_semaphore, #tpu.memory_space<semaphore_mem>>)
      %dma_wait3A = arith.constant 0 : i32
      %dma_wait3A_358 = tpu.memref_slice %arg23[%dma_wait3A] : memref<4096xf32, #tpu.memory_space<vmem>> -> memref<4096xf32, #tpu.memory_space<vmem>>
      %dma_wait3A_359 = tpu.memref_slice %arg7[%add3A_241] : memref<1572864xf32, #tpu.memory_space<hbm>> -> memref<4096xf32, #tpu.memory_space<hbm>>
      %dma_wait3A_360 = tpu.memref_slice %arg7[%add3A_241] : memref<1572864xf32, #tpu.memory_space<hbm>> -> memref<4096xf32, #tpu.memory_space<hbm>>
      %dma_wait3A_361 = arith.constant 0 : i32
      %dma_wait3A_362 = tpu.memref_slice %arg23[%dma_wait3A_361] : memref<4096xf32, #tpu.memory_space<vmem>> -> memref<4096xf32, #tpu.memory_space<vmem>>
      tpu.wait_dma2 semaphore(%run_scoped3A : memref<!tpu.dma_semaphore, #tpu.memory_space<semaphore_mem>>) src(%dma_wait3A_362 : memref<4096xf32, #tpu.memory_space<vmem>>) dst(%dma_wait3A_360 : memref<4096xf32, #tpu.memory_space<hbm>>)
      tpu.yield
    }) : () -> ()
    %mul3A_242 = arith.constant 6 : i32
    %mul3A_243 = arith.muli %arg0, %mul3A_242 : i32
    %add3A_244 = arith.constant 4 : i32
    %add3A_245 = arith.addi %mul3A_243, %add3A_244 : i32
    %mul3A_246 = arith.constant 1024 : i32
    %mul3A_247 = arith.muli %add3A_245, %mul3A_246 : i32
    %mul3A_248 = arith.constant 128 : i32
    %mul3A_249 = arith.muli %mul3A_247, %mul3A_248 : i32
    %add3A_250 = arith.constant 0 : i32
    %add3A_251 = arith.addi %mul3A_0, %add3A_250 : i32
    %mul3A_252 = arith.constant 128 : i32
    %mul3A_253 = arith.muli %add3A_251, %mul3A_252 : i32
    %add3A_254 = arith.addi %mul3A_249, %mul3A_253 : i32
    "tpu.region"() ({
      %run_scoped3A = tpu.sem_alloc : memref<!tpu.dma_semaphore, #tpu.memory_space<semaphore_mem>>
      %dma_start3A = arith.constant 0 : i32
      %dma_start3A_353 = tpu.memref_slice %arg24[%dma_start3A] : memref<4096xf32, #tpu.memory_space<vmem>> -> memref<4096xf32, #tpu.memory_space<vmem>>
      %dma_start3A_354 = tpu.memref_slice %arg7[%add3A_254] : memref<1572864xf32, #tpu.memory_space<hbm>> -> memref<4096xf32, #tpu.memory_space<hbm>>
      %dma_start3A_355 = tpu.memref_slice %arg7[%add3A_254] : memref<1572864xf32, #tpu.memory_space<hbm>> -> memref<4096xf32, #tpu.memory_space<hbm>>
      %dma_start3A_356 = arith.constant 0 : i32
      %dma_start3A_357 = tpu.memref_slice %arg24[%dma_start3A_356] : memref<4096xf32, #tpu.memory_space<vmem>> -> memref<4096xf32, #tpu.memory_space<vmem>>
      tpu.enqueue_dma source(%dma_start3A_357 : memref<4096xf32, #tpu.memory_space<vmem>>) target(%dma_start3A_355 : memref<4096xf32, #tpu.memory_space<hbm>>) target_semaphore(%run_scoped3A : memref<!tpu.dma_semaphore, #tpu.memory_space<semaphore_mem>>)
      %dma_wait3A = arith.constant 0 : i32
      %dma_wait3A_358 = tpu.memref_slice %arg24[%dma_wait3A] : memref<4096xf32, #tpu.memory_space<vmem>> -> memref<4096xf32, #tpu.memory_space<vmem>>
      %dma_wait3A_359 = tpu.memref_slice %arg7[%add3A_254] : memref<1572864xf32, #tpu.memory_space<hbm>> -> memref<4096xf32, #tpu.memory_space<hbm>>
      %dma_wait3A_360 = tpu.memref_slice %arg7[%add3A_254] : memref<1572864xf32, #tpu.memory_space<hbm>> -> memref<4096xf32, #tpu.memory_space<hbm>>
      %dma_wait3A_361 = arith.constant 0 : i32
      %dma_wait3A_362 = tpu.memref_slice %arg24[%dma_wait3A_361] : memref<4096xf32, #tpu.memory_space<vmem>> -> memref<4096xf32, #tpu.memory_space<vmem>>
      tpu.wait_dma2 semaphore(%run_scoped3A : memref<!tpu.dma_semaphore, #tpu.memory_space<semaphore_mem>>) src(%dma_wait3A_362 : memref<4096xf32, #tpu.memory_space<vmem>>) dst(%dma_wait3A_360 : memref<4096xf32, #tpu.memory_space<hbm>>)
      tpu.yield
    }) : () -> ()
    %mul3A_255 = arith.constant 6 : i32
    %mul3A_256 = arith.muli %arg0, %mul3A_255 : i32
    %add3A_257 = arith.constant 5 : i32
    %add3A_258 = arith.addi %mul3A_256, %add3A_257 : i32
    %mul3A_259 = arith.constant 1024 : i32
    %mul3A_260 = arith.muli %add3A_258, %mul3A_259 : i32
    %mul3A_261 = arith.constant 128 : i32
    %mul3A_262 = arith.muli %mul3A_260, %mul3A_261 : i32
    %add3A_263 = arith.constant 0 : i32
    %add3A_264 = arith.addi %mul3A_0, %add3A_263 : i32
    %mul3A_265 = arith.constant 128 : i32
    %mul3A_266 = arith.muli %add3A_264, %mul3A_265 : i32
    %add3A_267 = arith.addi %mul3A_262, %mul3A_266 : i32
    "tpu.region"() ({
      %run_scoped3A = tpu.sem_alloc : memref<!tpu.dma_semaphore, #tpu.memory_space<semaphore_mem>>
      %dma_start3A = arith.constant 0 : i32
      %dma_start3A_353 = tpu.memref_slice %arg25[%dma_start3A] : memref<4096xf32, #tpu.memory_space<vmem>> -> memref<4096xf32, #tpu.memory_space<vmem>>
      %dma_start3A_354 = tpu.memref_slice %arg7[%add3A_267] : memref<1572864xf32, #tpu.memory_space<hbm>> -> memref<4096xf32, #tpu.memory_space<hbm>>
      %dma_start3A_355 = tpu.memref_slice %arg7[%add3A_267] : memref<1572864xf32, #tpu.memory_space<hbm>> -> memref<4096xf32, #tpu.memory_space<hbm>>
      %dma_start3A_356 = arith.constant 0 : i32
      %dma_start3A_357 = tpu.memref_slice %arg25[%dma_start3A_356] : memref<4096xf32, #tpu.memory_space<vmem>> -> memref<4096xf32, #tpu.memory_space<vmem>>
      tpu.enqueue_dma source(%dma_start3A_357 : memref<4096xf32, #tpu.memory_space<vmem>>) target(%dma_start3A_355 : memref<4096xf32, #tpu.memory_space<hbm>>) target_semaphore(%run_scoped3A : memref<!tpu.dma_semaphore, #tpu.memory_space<semaphore_mem>>)
      %dma_wait3A = arith.constant 0 : i32
      %dma_wait3A_358 = tpu.memref_slice %arg25[%dma_wait3A] : memref<4096xf32, #tpu.memory_space<vmem>> -> memref<4096xf32, #tpu.memory_space<vmem>>
      %dma_wait3A_359 = tpu.memref_slice %arg7[%add3A_267] : memref<1572864xf32, #tpu.memory_space<hbm>> -> memref<4096xf32, #tpu.memory_space<hbm>>
      %dma_wait3A_360 = tpu.memref_slice %arg7[%add3A_267] : memref<1572864xf32, #tpu.memory_space<hbm>> -> memref<4096xf32, #tpu.memory_space<hbm>>
      %dma_wait3A_361 = arith.constant 0 : i32
      %dma_wait3A_362 = tpu.memref_slice %arg25[%dma_wait3A_361] : memref<4096xf32, #tpu.memory_space<vmem>> -> memref<4096xf32, #tpu.memory_space<vmem>>
      tpu.wait_dma2 semaphore(%run_scoped3A : memref<!tpu.dma_semaphore, #tpu.memory_space<semaphore_mem>>) src(%dma_wait3A_362 : memref<4096xf32, #tpu.memory_space<vmem>>) dst(%dma_wait3A_360 : memref<4096xf32, #tpu.memory_space<hbm>>)
      tpu.yield
    }) : () -> ()
    %scan3A_268 = arith.constant 0 : i32
    %scan3A_269 = arith.constant 2.500000e-01 : f32
    %scan3A_270 = arith.constant 0 : i32
    %scan3A_271 = arith.constant 32 : i32
    %scan3A_272 = arith.addi %scan3A_270, %scan3A_271 : i32
    %scan3A_273 = arith.constant 1 : i32
    scf.for %scan3A_353 = %scan3A_270 to %scan3A_272 step %scan3A_273  : i32 {
      %add3A_354 = arith.constant 32 : i32
      %add3A_355 = arith.addi %add3A_354, %scan3A_353 : i32
      %mul3A_356 = arith.constant 3 : i32
      %mul3A_357 = arith.muli %add3A_355, %mul3A_356 : i32
      %broadcast_in_dim3A_358 = vector.broadcast %mul3A_357 : i32 to vector<16xi32>
      %gather3A = tpu.vector_load_idx %arg18[%broadcast_in_dim3A_358] : memref<192xf32, #tpu.memory_space<vmem>>[vector<16xi32>], vector<16xf32>,
      %add3A_359 = arith.constant 1 : i32
      %add3A_360 = arith.addi %mul3A_357, %add3A_359 : i32
      %broadcast_in_dim3A_361 = vector.broadcast %add3A_360 : i32 to vector<16xi32>
      %gather3A_362 = tpu.vector_load_idx %arg18[%broadcast_in_dim3A_361] : memref<192xf32, #tpu.memory_space<vmem>>[vector<16xi32>], vector<16xf32>,
      %add3A_363 = arith.constant 2 : i32
      %add3A_364 = arith.addi %mul3A_357, %add3A_363 : i32
      %broadcast_in_dim3A_365 = vector.broadcast %add3A_364 : i32 to vector<16xi32>
      %gather3A_366 = tpu.vector_load_idx %arg18[%broadcast_in_dim3A_365] : memref<192xf32, #tpu.memory_space<vmem>>[vector<16xi32>], vector<16xf32>,
      %mul3A_367 = arith.mulf %gather3A, %gather3A : vector<16xf32>
      %mul3A_368 = arith.mulf %gather3A_362, %gather3A_362 : vector<16xf32>
      %add3A_369 = arith.addf %mul3A_367, %mul3A_368 : vector<16xf32>
      %mul3A_370 = arith.mulf %gather3A_366, %gather3A_366 : vector<16xf32>
      %add3A_371 = arith.addf %add3A_369, %mul3A_370 : vector<16xf32>
      %bitcast3A = vector.bitcast %gather3A : vector<16xf32> to vector<16xi32>
      %add3A_372 = arith.constant 32767 : i32
      %add3A_373 = vector.broadcast %add3A_372 : i32 to vector<16xi32>
      %add3A_374 = arith.addi %bitcast3A, %add3A_373 : vector<16xi32>
      %shift_right_logical3A = arith.constant 16 : i32
      %shift_right_logical3A_375 = vector.broadcast %shift_right_logical3A : i32 to vector<16xi32>
      %shift_right_logical3A_376 = arith.shrui %bitcast3A, %shift_right_logical3A_375 : vector<16xi32>
      %and3A = arith.constant 1 : i32
      %and3A_377 = vector.broadcast %and3A : i32 to vector<16xi32>
      %and3A_378 = arith.andi %shift_right_logical3A_376, %and3A_377 : vector<16xi32>
      %add3A_379 = arith.addi %add3A_374, %and3A_378 : vector<16xi32>
      %and3A_380 = arith.constant -65536 : i32
      %and3A_381 = vector.broadcast %and3A_380 : i32 to vector<16xi32>
      %and3A_382 = arith.andi %add3A_379, %and3A_381 : vector<16xi32>
      %bitcast3A_383 = vector.bitcast %and3A_382 : vector<16xi32> to vector<16xf32>
      %bitcast3A_384 = vector.bitcast %gather3A_362 : vector<16xf32> to vector<16xi32>
      %add3A_385 = arith.constant 32767 : i32
      %add3A_386 = vector.broadcast %add3A_385 : i32 to vector<16xi32>
      %add3A_387 = arith.addi %bitcast3A_384, %add3A_386 : vector<16xi32>
      %shift_right_logical3A_388 = arith.constant 16 : i32
      %shift_right_logical3A_389 = vector.broadcast %shift_right_logical3A_388 : i32 to vector<16xi32>
      %shift_right_logical3A_390 = arith.shrui %bitcast3A_384, %shift_right_logical3A_389 : vector<16xi32>
      %and3A_391 = arith.constant 1 : i32
      %and3A_392 = vector.broadcast %and3A_391 : i32 to vector<16xi32>
      %and3A_393 = arith.andi %shift_right_logical3A_390, %and3A_392 : vector<16xi32>
      %add3A_394 = arith.addi %add3A_387, %and3A_393 : vector<16xi32>
      %and3A_395 = arith.constant -65536 : i32
      %and3A_396 = vector.broadcast %and3A_395 : i32 to vector<16xi32>
      %and3A_397 = arith.andi %add3A_394, %and3A_396 : vector<16xi32>
      %bitcast3A_398 = vector.bitcast %and3A_397 : vector<16xi32> to vector<16xf32>
      %bitcast3A_399 = vector.bitcast %gather3A_366 : vector<16xf32> to vector<16xi32>
      %add3A_400 = arith.constant 32767 : i32
      %add3A_401 = vector.broadcast %add3A_400 : i32 to vector<16xi32>
      %add3A_402 = arith.addi %bitcast3A_399, %add3A_401 : vector<16xi32>
      %shift_right_logical3A_403 = arith.constant 16 : i32
      %shift_right_logical3A_404 = vector.broadcast %shift_right_logical3A_403 : i32 to vector<16xi32>
      %shift_right_logical3A_405 = arith.shrui %bitcast3A_399, %shift_right_logical3A_404 : vector<16xi32>
      %and3A_406 = arith.constant 1 : i32
      %and3A_407 = vector.broadcast %and3A_406 : i32 to vector<16xi32>
      %and3A_408 = arith.andi %shift_right_logical3A_405, %and3A_407 : vector<16xi32>
      %add3A_409 = arith.addi %add3A_402, %and3A_408 : vector<16xi32>
      %and3A_410 = arith.constant -65536 : i32
      %and3A_411 = vector.broadcast %and3A_410 : i32 to vector<16xi32>
      %and3A_412 = arith.andi %add3A_409, %and3A_411 : vector<16xi32>
      %bitcast3A_413 = vector.bitcast %and3A_412 : vector<16xi32> to vector<16xf32>
      %swap3A = arith.constant 0 : index
      %swap3A_414 = tpu.vector_load %arg19[%swap3A] {strides = array<i32>} : memref<160xi32, #tpu.memory_space<vmem>>, vector<16xi32>,
      tpu.vector_store %arg19[%swap3A], %broadcast_in_dim3A_12 {strides = array<i32>} : memref<160xi32, #tpu.memory_space<vmem>>, vector<16xi32>,
      %while3A = arith.constant 0 : i32
      %while3A_415 = arith.constant 0 : i32
      %while3A_416:2 = scf.while (%while3A_700 = %while3A, %while3A_701 = %while3A_415) : (i32, i32) -> (i32, i32) {
        %lt3A = arith.constant 8192 : i32
        %lt3A_702 = arith.cmpi slt, %while3A_700, %lt3A : i32
        %lt3A_703 = arith.constant 128 : i32
        %lt3A_704 = arith.cmpi slt, %while3A_701, %lt3A_703 : i32
        %and3A_705 = arith.andi %lt3A_702, %lt3A_704 : i1
        scf.condition(%and3A_705) %while3A_700, %while3A_701 : i32, i32
      } do {
      ^bb0(%while3A_700: i32, %while3A_701: i32):
        %add3A_702 = arith.constant 16 : i32
        %add3A_703 = arith.addi %while3A_700, %add3A_702 : i32
        %get3A_704 = arith.index_cast %while3A_700 : i32 to index
        %get3A_705 = tpu.vector_load %arg14[%get3A_704] {strides = array<i32>} : memref<8192xf32, #tpu.memory_space<vmem>>, vector<16xf32>,
        %mul3A_706 = arith.mulf %bitcast3A_383, %get3A_705 : vector<16xf32>
        %get3A_707 = arith.index_cast %while3A_700 : i32 to index
        %get3A_708 = tpu.vector_load %arg15[%get3A_707] {strides = array<i32>} : memref<8192xf32, #tpu.memory_space<vmem>>, vector<16xf32>,
        %mul3A_709 = arith.mulf %bitcast3A_398, %get3A_708 : vector<16xf32>
        %add3A_710 = arith.addf %mul3A_706, %mul3A_709 : vector<16xf32>
        %get3A_711 = arith.index_cast %while3A_700 : i32 to index
        %get3A_712 = tpu.vector_load %arg16[%get3A_711] {strides = array<i32>} : memref<8192xf32, #tpu.memory_space<vmem>>, vector<16xf32>,
        %mul3A_713 = arith.mulf %bitcast3A_413, %get3A_712 : vector<16xf32>
        %add3A_714 = arith.addf %add3A_710, %mul3A_713 : vector<16xf32>
        %get3A_715 = arith.index_cast %add3A_703 : i32 to index
        %get3A_716 = tpu.vector_load %arg14[%get3A_715] {strides = array<i32>} : memref<8192xf32, #tpu.memory_space<vmem>>, vector<16xf32>,
        %mul3A_717 = arith.mulf %bitcast3A_383, %get3A_716 : vector<16xf32>
        %get3A_718 = arith.index_cast %add3A_703 : i32 to index
        %get3A_719 = tpu.vector_load %arg15[%get3A_718] {strides = array<i32>} : memref<8192xf32, #tpu.memory_space<vmem>>, vector<16xf32>,
        %mul3A_720 = arith.mulf %bitcast3A_398, %get3A_719 : vector<16xf32>
        %add3A_721 = arith.addf %mul3A_717, %mul3A_720 : vector<16xf32>
        %get3A_722 = arith.index_cast %add3A_703 : i32 to index
        %get3A_723 = tpu.vector_load %arg16[%get3A_722] {strides = array<i32>} : memref<8192xf32, #tpu.memory_space<vmem>>, vector<16xf32>,
        %mul3A_724 = arith.mulf %bitcast3A_413, %get3A_723 : vector<16xf32>
        %add3A_725 = arith.addf %add3A_721, %mul3A_724 : vector<16xf32>
        %mul3A_726 = arith.constant -2.000000e+00 : f32
        %mul3A_727 = vector.broadcast %mul3A_726 : f32 to vector<16xf32>
        %mul3A_728 = arith.mulf %mul3A_727, %add3A_714 : vector<16xf32>
        %add3A_729 = arith.addf %mul3A_728, %add3A_371 : vector<16xf32>
        %get3A_730 = arith.index_cast %while3A_700 : i32 to index
        %get3A_731 = tpu.vector_load %arg17[%get3A_730] {strides = array<i32>} : memref<8192xf32, #tpu.memory_space<vmem>>, vector<16xf32>,
        %add3A_732 = arith.addf %add3A_729, %get3A_731 : vector<16xf32>
        %le3A = vector.broadcast %scan3A_269 : f32 to vector<16xf32>
        %le3A_733 = arith.cmpf ole, %add3A_732, %le3A : vector<16xf32>
        %mul3A_734 = arith.constant -2.000000e+00 : f32
        %mul3A_735 = vector.broadcast %mul3A_734 : f32 to vector<16xf32>
        %mul3A_736 = arith.mulf %mul3A_735, %add3A_725 : vector<16xf32>
        %add3A_737 = arith.addf %mul3A_736, %add3A_371 : vector<16xf32>
        %get3A_738 = arith.index_cast %add3A_703 : i32 to index
        %get3A_739 = tpu.vector_load %arg17[%get3A_738] {strides = array<i32>} : memref<8192xf32, #tpu.memory_space<vmem>>, vector<16xf32>,
        %add3A_740 = arith.addf %add3A_737, %get3A_739 : vector<16xf32>
        %le3A_741 = vector.broadcast %scan3A_269 : f32 to vector<16xf32>
        %le3A_742 = arith.cmpf ole, %add3A_740, %le3A_741 : vector<16xf32>
        %add3A_743 = vector.broadcast %while3A_700 : i32 to vector<16xi32>
        %add3A_744 = arith.addi %iota3A, %add3A_743 : vector<16xi32>
        %swap3A_745 = arith.index_cast %while3A_701 : i32 to index
        %swap3A_746 = tpu.vector_load %arg19[%swap3A_745] masked %le3A_733 {strides = array<i32>} : memref<160xi32, #tpu.memory_space<vmem>>, vector<16xi32>, vector<16xi1>
        tpu.vector_store %arg19[%swap3A_745], %add3A_744 masked %le3A_733 {strides = array<i32>} : memref<160xi32, #tpu.memory_space<vmem>>, vector<16xi32>, vector<16xi1>
        %convert_element_type3A = arith.extui %le3A_733 : vector<16xi1> to vector<16xi32>
        %reduce_sum3A = arith.constant true
        %reduce_sum3A_747 = vector.broadcast %reduce_sum3A : i1 to vector<16xi1>
        %reduce_sum3A_748 = tpu.scan <sum>, %convert_element_type3A masked %reduce_sum3A_747 : vector<16xi32>, vector<16xi1> -> vector<16xi32>
        %reduce_sum3A_749 = vector.extract %reduce_sum3A_748[15] : i32 from vector<16xi32>
        %add3A_750 = arith.addi %while3A_701, %reduce_sum3A_749 : i32
        %add3A_751 = arith.constant 16 : i32
        %add3A_752 = arith.addi %while3A_700, %add3A_751 : i32
        %add3A_753 = vector.broadcast %add3A_752 : i32 to vector<16xi32>
        %add3A_754 = arith.addi %iota3A, %add3A_753 : vector<16xi32>
        %swap3A_755 = arith.index_cast %add3A_750 : i32 to index
        %swap3A_756 = tpu.vector_load %arg19[%swap3A_755] masked %le3A_742 {strides = array<i32>} : memref<160xi32, #tpu.memory_space<vmem>>, vector<16xi32>, vector<16xi1>
        tpu.vector_store %arg19[%swap3A_755], %add3A_754 masked %le3A_742 {strides = array<i32>} : memref<160xi32, #tpu.memory_space<vmem>>, vector<16xi32>, vector<16xi1>
        %convert_element_type3A_757 = arith.extui %le3A_742 : vector<16xi1> to vector<16xi32>
        %reduce_sum3A_758 = arith.constant true
        %reduce_sum3A_759 = vector.broadcast %reduce_sum3A_758 : i1 to vector<16xi1>
        %reduce_sum3A_760 = tpu.scan <sum>, %convert_element_type3A_757 masked %reduce_sum3A_759 : vector<16xi32>, vector<16xi1> -> vector<16xi32>
        %reduce_sum3A_761 = vector.extract %reduce_sum3A_760[15] : i32 from vector<16xi32>
        %add3A_762 = arith.constant 32 : i32
        %add3A_763 = arith.addi %while3A_700, %add3A_762 : i32
        %add3A_764 = arith.addi %while3A_701, %reduce_sum3A_749 : i32
        %add3A_765 = arith.addi %add3A_764, %reduce_sum3A_761 : i32
        scf.yield %add3A_763, %add3A_765 : i32, i32
      }
      %gather3A_417 = tpu.vector_load_idx %arg19[%broadcast_in_dim3A_10] : memref<160xi32, #tpu.memory_space<vmem>>[vector<16xi32>], vector<16xi32>,
      %min3A = arith.constant 128 : i32
      %min3A_418 = arith.minsi %while3A_416#1, %min3A : i32
      %while3A_419 = scf.while (%while3A_700 = %min3A_418) : (i32) -> i32 {
        %lt3A = arith.constant 128 : i32
        %lt3A_701 = arith.cmpi slt, %while3A_700, %lt3A : i32
        scf.condition(%lt3A_701) %while3A_700 : i32
      } do {
      ^bb0(%while3A_700: i32):
        %swap3A_701 = arith.index_cast %while3A_700 : i32 to index
        %swap3A_702 = tpu.vector_load %arg19[%swap3A_701] {strides = array<i32>} : memref<160xi32, #tpu.memory_space<vmem>>, vector<16xi32>,
        tpu.vector_store %arg19[%swap3A_701], %gather3A_417 {strides = array<i32>} : memref<160xi32, #tpu.memory_space<vmem>>, vector<16xi32>,
        %add3A_703 = arith.constant 16 : i32
        %add3A_704 = arith.addi %while3A_700, %add3A_703 : i32
        scf.yield %add3A_704 : i32
      }
      %mul3A_420 = arith.constant 128 : i32
      %mul3A_421 = arith.muli %scan3A_353, %mul3A_420 : i32
      %get3A = arith.constant 0 : index
      %get3A_422 = tpu.vector_load %arg19[%get3A] {strides = array<i32>} : memref<160xi32, #tpu.memory_space<vmem>>, vector<16xi32>,
      %gather3A_423 = tpu.vector_load_idx %arg8[%broadcast_in_dim3A_10, %broadcast_in_dim3A_10, %get3A_422] : memref<1x1x8192xf32, #tpu.memory_space<vmem>>[vector<16xi32>, vector<16xi32>, vector<16xi32>], vector<16xf32>,
      %sub3A = arith.subf %gather3A_423, %gather3A : vector<16xf32>
      %gather3A_424 = tpu.vector_load_idx %arg9[%broadcast_in_dim3A_10, %broadcast_in_dim3A_10, %get3A_422] : memref<1x1x8192xf32, #tpu.memory_space<vmem>>[vector<16xi32>, vector<16xi32>, vector<16xi32>], vector<16xf32>,
      %sub3A_425 = arith.subf %gather3A_424, %gather3A_362 : vector<16xf32>
      %gather3A_426 = tpu.vector_load_idx %arg10[%broadcast_in_dim3A_10, %broadcast_in_dim3A_10, %get3A_422] : memref<1x1x8192xf32, #tpu.memory_space<vmem>>[vector<16xi32>, vector<16xi32>, vector<16xi32>], vector<16xf32>,
      %sub3A_427 = arith.subf %gather3A_426, %gather3A_366 : vector<16xf32>
      %gather3A_428 = tpu.vector_load_idx %arg11[%broadcast_in_dim3A_10, %broadcast_in_dim3A_10, %get3A_422] : memref<1x1x8192xf32, #tpu.memory_space<vmem>>[vector<16xi32>, vector<16xi32>, vector<16xi32>], vector<16xf32>,
      %gather3A_429 = tpu.vector_load_idx %arg12[%broadcast_in_dim3A_10, %broadcast_in_dim3A_10, %get3A_422] : memref<1x1x8192xf32, #tpu.memory_space<vmem>>[vector<16xi32>, vector<16xi32>, vector<16xi32>], vector<16xf32>,
      %gather3A_430 = tpu.vector_load_idx %arg13[%broadcast_in_dim3A_10, %broadcast_in_dim3A_10, %get3A_422] : memref<1x1x8192xf32, #tpu.memory_space<vmem>>[vector<16xi32>, vector<16xi32>, vector<16xi32>], vector<16xf32>,
      %add3A_431 = arith.constant 0 : i32
      %add3A_432 = arith.addi %mul3A_421, %add3A_431 : i32
      %swap3A_433 = arith.index_cast %add3A_432 : i32 to index
      %swap3A_434 = tpu.vector_load %arg20[%swap3A_433] {strides = array<i32>} : memref<4096xf32, #tpu.memory_space<vmem>>, vector<16xf32>,
      tpu.vector_store %arg20[%swap3A_433], %gather3A_428 {strides = array<i32>} : memref<4096xf32, #tpu.memory_space<vmem>>, vector<16xf32>,
      %add3A_435 = arith.constant 0 : i32
      %add3A_436 = arith.addi %mul3A_421, %add3A_435 : i32
      %swap3A_437 = arith.index_cast %add3A_436 : i32 to index
      %swap3A_438 = tpu.vector_load %arg21[%swap3A_437] {strides = array<i32>} : memref<4096xf32, #tpu.memory_space<vmem>>, vector<16xf32>,
      tpu.vector_store %arg21[%swap3A_437], %gather3A_429 {strides = array<i32>} : memref<4096xf32, #tpu.memory_space<vmem>>, vector<16xf32>,
      %add3A_439 = arith.constant 0 : i32
      %add3A_440 = arith.addi %mul3A_421, %add3A_439 : i32
      %swap3A_441 = arith.index_cast %add3A_440 : i32 to index
      %swap3A_442 = tpu.vector_load %arg22[%swap3A_441] {strides = array<i32>} : memref<4096xf32, #tpu.memory_space<vmem>>, vector<16xf32>,
      tpu.vector_store %arg22[%swap3A_441], %gather3A_430 {strides = array<i32>} : memref<4096xf32, #tpu.memory_space<vmem>>, vector<16xf32>,
      %add3A_443 = arith.constant 0 : i32
      %add3A_444 = arith.addi %mul3A_421, %add3A_443 : i32
      %swap3A_445 = arith.index_cast %add3A_444 : i32 to index
      %swap3A_446 = tpu.vector_load %arg23[%swap3A_445] {strides = array<i32>} : memref<4096xf32, #tpu.memory_space<vmem>>, vector<16xf32>,
      tpu.vector_store %arg23[%swap3A_445], %sub3A {strides = array<i32>} : memref<4096xf32, #tpu.memory_space<vmem>>, vector<16xf32>,
      %add3A_447 = arith.constant 0 : i32
      %add3A_448 = arith.addi %mul3A_421, %add3A_447 : i32
      %swap3A_449 = arith.index_cast %add3A_448 : i32 to index
      %swap3A_450 = tpu.vector_load %arg24[%swap3A_449] {strides = array<i32>} : memref<4096xf32, #tpu.memory_space<vmem>>, vector<16xf32>,
      tpu.vector_store %arg24[%swap3A_449], %sub3A_425 {strides = array<i32>} : memref<4096xf32, #tpu.memory_space<vmem>>, vector<16xf32>,
      %add3A_451 = arith.constant 0 : i32
      %add3A_452 = arith.addi %mul3A_421, %add3A_451 : i32
      %swap3A_453 = arith.index_cast %add3A_452 : i32 to index
      %swap3A_454 = tpu.vector_load %arg25[%swap3A_453] {strides = array<i32>} : memref<4096xf32, #tpu.memory_space<vmem>>, vector<16xf32>,
      tpu.vector_store %arg25[%swap3A_453], %sub3A_427 {strides = array<i32>} : memref<4096xf32, #tpu.memory_space<vmem>>, vector<16xf32>,
      %get3A_455 = arith.constant 16 : index
      %get3A_456 = tpu.vector_load %arg19[%get3A_455] {strides = array<i32>} : memref<160xi32, #tpu.memory_space<vmem>>, vector<16xi32>,
      %gather3A_457 = tpu.vector_load_idx %arg8[%broadcast_in_dim3A_10, %broadcast_in_dim3A_10, %get3A_456] : memref<1x1x8192xf32, #tpu.memory_space<vmem>>[vector<16xi32>, vector<16xi32>, vector<16xi32>], vector<16xf32>,
      %sub3A_458 = arith.subf %gather3A_457, %gather3A : vector<16xf32>
      %gather3A_459 = tpu.vector_load_idx %arg9[%broadcast_in_dim3A_10, %broadcast_in_dim3A_10, %get3A_456] : memref<1x1x8192xf32, #tpu.memory_space<vmem>>[vector<16xi32>, vector<16xi32>, vector<16xi32>], vector<16xf32>,
      %sub3A_460 = arith.subf %gather3A_459, %gather3A_362 : vector<16xf32>
      %gather3A_461 = tpu.vector_load_idx %arg10[%broadcast_in_dim3A_10, %broadcast_in_dim3A_10, %get3A_456] : memref<1x1x8192xf32, #tpu.memory_space<vmem>>[vector<16xi32>, vector<16xi32>, vector<16xi32>], vector<16xf32>,
      %sub3A_462 = arith.subf %gather3A_461, %gather3A_366 : vector<16xf32>
      %gather3A_463 = tpu.vector_load_idx %arg11[%broadcast_in_dim3A_10, %broadcast_in_dim3A_10, %get3A_456] : memref<1x1x8192xf32, #tpu.memory_space<vmem>>[vector<16xi32>, vector<16xi32>, vector<16xi32>], vector<16xf32>,
      %gather3A_464 = tpu.vector_load_idx %arg12[%broadcast_in_dim3A_10, %broadcast_in_dim3A_10, %get3A_456] : memref<1x1x8192xf32, #tpu.memory_space<vmem>>[vector<16xi32>, vector<16xi32>, vector<16xi32>], vector<16xf32>,
      %gather3A_465 = tpu.vector_load_idx %arg13[%broadcast_in_dim3A_10, %broadcast_in_dim3A_10, %get3A_456] : memref<1x1x8192xf32, #tpu.memory_space<vmem>>[vector<16xi32>, vector<16xi32>, vector<16xi32>], vector<16xf32>,
      %add3A_466 = arith.constant 16 : i32
      %add3A_467 = arith.addi %mul3A_421, %add3A_466 : i32
      %swap3A_468 = arith.index_cast %add3A_467 : i32 to index
      %swap3A_469 = tpu.vector_load %arg20[%swap3A_468] {strides = array<i32>} : memref<4096xf32, #tpu.memory_space<vmem>>, vector<16xf32>,
      tpu.vector_store %arg20[%swap3A_468], %gather3A_463 {strides = array<i32>} : memref<4096xf32, #tpu.memory_space<vmem>>, vector<16xf32>,
      %add3A_470 = arith.constant 16 : i32
      %add3A_471 = arith.addi %mul3A_421, %add3A_470 : i32
      %swap3A_472 = arith.index_cast %add3A_471 : i32 to index
      %swap3A_473 = tpu.vector_load %arg21[%swap3A_472] {strides = array<i32>} : memref<4096xf32, #tpu.memory_space<vmem>>, vector<16xf32>,
      tpu.vector_store %arg21[%swap3A_472], %gather3A_464 {strides = array<i32>} : memref<4096xf32, #tpu.memory_space<vmem>>, vector<16xf32>,
      %add3A_474 = arith.constant 16 : i32
      %add3A_475 = arith.addi %mul3A_421, %add3A_474 : i32
      %swap3A_476 = arith.index_cast %add3A_475 : i32 to index
      %swap3A_477 = tpu.vector_load %arg22[%swap3A_476] {strides = array<i32>} : memref<4096xf32, #tpu.memory_space<vmem>>, vector<16xf32>,
      tpu.vector_store %arg22[%swap3A_476], %gather3A_465 {strides = array<i32>} : memref<4096xf32, #tpu.memory_space<vmem>>, vector<16xf32>,
      %add3A_478 = arith.constant 16 : i32
      %add3A_479 = arith.addi %mul3A_421, %add3A_478 : i32
      %swap3A_480 = arith.index_cast %add3A_479 : i32 to index
      %swap3A_481 = tpu.vector_load %arg23[%swap3A_480] {strides = array<i32>} : memref<4096xf32, #tpu.memory_space<vmem>>, vector<16xf32>,
      tpu.vector_store %arg23[%swap3A_480], %sub3A_458 {strides = array<i32>} : memref<4096xf32, #tpu.memory_space<vmem>>, vector<16xf32>,
      %add3A_482 = arith.constant 16 : i32
      %add3A_483 = arith.addi %mul3A_421, %add3A_482 : i32
      %swap3A_484 = arith.index_cast %add3A_483 : i32 to index
      %swap3A_485 = tpu.vector_load %arg24[%swap3A_484] {strides = array<i32>} : memref<4096xf32, #tpu.memory_space<vmem>>, vector<16xf32>,
      tpu.vector_store %arg24[%swap3A_484], %sub3A_460 {strides = array<i32>} : memref<4096xf32, #tpu.memory_space<vmem>>, vector<16xf32>,
      %add3A_486 = arith.constant 16 : i32
      %add3A_487 = arith.addi %mul3A_421, %add3A_486 : i32
      %swap3A_488 = arith.index_cast %add3A_487 : i32 to index
      %swap3A_489 = tpu.vector_load %arg25[%swap3A_488] {strides = array<i32>} : memref<4096xf32, #tpu.memory_space<vmem>>, vector<16xf32>,
      tpu.vector_store %arg25[%swap3A_488], %sub3A_462 {strides = array<i32>} : memref<4096xf32, #tpu.memory_space<vmem>>, vector<16xf32>,
      %get3A_490 = arith.constant 32 : index
      %get3A_491 = tpu.vector_load %arg19[%get3A_490] {strides = array<i32>} : memref<160xi32, #tpu.memory_space<vmem>>, vector<16xi32>,
      %gather3A_492 = tpu.vector_load_idx %arg8[%broadcast_in_dim3A_10, %broadcast_in_dim3A_10, %get3A_491] : memref<1x1x8192xf32, #tpu.memory_space<vmem>>[vector<16xi32>, vector<16xi32>, vector<16xi32>], vector<16xf32>,
      %sub3A_493 = arith.subf %gather3A_492, %gather3A : vector<16xf32>
      %gather3A_494 = tpu.vector_load_idx %arg9[%broadcast_in_dim3A_10, %broadcast_in_dim3A_10, %get3A_491] : memref<1x1x8192xf32, #tpu.memory_space<vmem>>[vector<16xi32>, vector<16xi32>, vector<16xi32>], vector<16xf32>,
      %sub3A_495 = arith.subf %gather3A_494, %gather3A_362 : vector<16xf32>
      %gather3A_496 = tpu.vector_load_idx %arg10[%broadcast_in_dim3A_10, %broadcast_in_dim3A_10, %get3A_491] : memref<1x1x8192xf32, #tpu.memory_space<vmem>>[vector<16xi32>, vector<16xi32>, vector<16xi32>], vector<16xf32>,
      %sub3A_497 = arith.subf %gather3A_496, %gather3A_366 : vector<16xf32>
      %gather3A_498 = tpu.vector_load_idx %arg11[%broadcast_in_dim3A_10, %broadcast_in_dim3A_10, %get3A_491] : memref<1x1x8192xf32, #tpu.memory_space<vmem>>[vector<16xi32>, vector<16xi32>, vector<16xi32>], vector<16xf32>,
      %gather3A_499 = tpu.vector_load_idx %arg12[%broadcast_in_dim3A_10, %broadcast_in_dim3A_10, %get3A_491] : memref<1x1x8192xf32, #tpu.memory_space<vmem>>[vector<16xi32>, vector<16xi32>, vector<16xi32>], vector<16xf32>,
      %gather3A_500 = tpu.vector_load_idx %arg13[%broadcast_in_dim3A_10, %broadcast_in_dim3A_10, %get3A_491] : memref<1x1x8192xf32, #tpu.memory_space<vmem>>[vector<16xi32>, vector<16xi32>, vector<16xi32>], vector<16xf32>,
      %add3A_501 = arith.constant 32 : i32
      %add3A_502 = arith.addi %mul3A_421, %add3A_501 : i32
      %swap3A_503 = arith.index_cast %add3A_502 : i32 to index
      %swap3A_504 = tpu.vector_load %arg20[%swap3A_503] {strides = array<i32>} : memref<4096xf32, #tpu.memory_space<vmem>>, vector<16xf32>,
      tpu.vector_store %arg20[%swap3A_503], %gather3A_498 {strides = array<i32>} : memref<4096xf32, #tpu.memory_space<vmem>>, vector<16xf32>,
      %add3A_505 = arith.constant 32 : i32
      %add3A_506 = arith.addi %mul3A_421, %add3A_505 : i32
      %swap3A_507 = arith.index_cast %add3A_506 : i32 to index
      %swap3A_508 = tpu.vector_load %arg21[%swap3A_507] {strides = array<i32>} : memref<4096xf32, #tpu.memory_space<vmem>>, vector<16xf32>,
      tpu.vector_store %arg21[%swap3A_507], %gather3A_499 {strides = array<i32>} : memref<4096xf32, #tpu.memory_space<vmem>>, vector<16xf32>,
      %add3A_509 = arith.constant 32 : i32
      %add3A_510 = arith.addi %mul3A_421, %add3A_509 : i32
      %swap3A_511 = arith.index_cast %add3A_510 : i32 to index
      %swap3A_512 = tpu.vector_load %arg22[%swap3A_511] {strides = array<i32>} : memref<4096xf32, #tpu.memory_space<vmem>>, vector<16xf32>,
      tpu.vector_store %arg22[%swap3A_511], %gather3A_500 {strides = array<i32>} : memref<4096xf32, #tpu.memory_space<vmem>>, vector<16xf32>,
      %add3A_513 = arith.constant 32 : i32
      %add3A_514 = arith.addi %mul3A_421, %add3A_513 : i32
      %swap3A_515 = arith.index_cast %add3A_514 : i32 to index
      %swap3A_516 = tpu.vector_load %arg23[%swap3A_515] {strides = array<i32>} : memref<4096xf32, #tpu.memory_space<vmem>>, vector<16xf32>,
      tpu.vector_store %arg23[%swap3A_515], %sub3A_493 {strides = array<i32>} : memref<4096xf32, #tpu.memory_space<vmem>>, vector<16xf32>,
      %add3A_517 = arith.constant 32 : i32
      %add3A_518 = arith.addi %mul3A_421, %add3A_517 : i32
      %swap3A_519 = arith.index_cast %add3A_518 : i32 to index
      %swap3A_520 = tpu.vector_load %arg24[%swap3A_519] {strides = array<i32>} : memref<4096xf32, #tpu.memory_space<vmem>>, vector<16xf32>,
      tpu.vector_store %arg24[%swap3A_519], %sub3A_495 {strides = array<i32>} : memref<4096xf32, #tpu.memory_space<vmem>>, vector<16xf32>,
      %add3A_521 = arith.constant 32 : i32
      %add3A_522 = arith.addi %mul3A_421, %add3A_521 : i32
      %swap3A_523 = arith.index_cast %add3A_522 : i32 to index
      %swap3A_524 = tpu.vector_load %arg25[%swap3A_523] {strides = array<i32>} : memref<4096xf32, #tpu.memory_space<vmem>>, vector<16xf32>,
      tpu.vector_store %arg25[%swap3A_523], %sub3A_497 {strides = array<i32>} : memref<4096xf32, #tpu.memory_space<vmem>>, vector<16xf32>,
      %get3A_525 = arith.constant 48 : index
      %get3A_526 = tpu.vector_load %arg19[%get3A_525] {strides = array<i32>} : memref<160xi32, #tpu.memory_space<vmem>>, vector<16xi32>,
      %gather3A_527 = tpu.vector_load_idx %arg8[%broadcast_in_dim3A_10, %broadcast_in_dim3A_10, %get3A_526] : memref<1x1x8192xf32, #tpu.memory_space<vmem>>[vector<16xi32>, vector<16xi32>, vector<16xi32>], vector<16xf32>,
      %sub3A_528 = arith.subf %gather3A_527, %gather3A : vector<16xf32>
      %gather3A_529 = tpu.vector_load_idx %arg9[%broadcast_in_dim3A_10, %broadcast_in_dim3A_10, %get3A_526] : memref<1x1x8192xf32, #tpu.memory_space<vmem>>[vector<16xi32>, vector<16xi32>, vector<16xi32>], vector<16xf32>,
      %sub3A_530 = arith.subf %gather3A_529, %gather3A_362 : vector<16xf32>
      %gather3A_531 = tpu.vector_load_idx %arg10[%broadcast_in_dim3A_10, %broadcast_in_dim3A_10, %get3A_526] : memref<1x1x8192xf32, #tpu.memory_space<vmem>>[vector<16xi32>, vector<16xi32>, vector<16xi32>], vector<16xf32>,
      %sub3A_532 = arith.subf %gather3A_531, %gather3A_366 : vector<16xf32>
      %gather3A_533 = tpu.vector_load_idx %arg11[%broadcast_in_dim3A_10, %broadcast_in_dim3A_10, %get3A_526] : memref<1x1x8192xf32, #tpu.memory_space<vmem>>[vector<16xi32>, vector<16xi32>, vector<16xi32>], vector<16xf32>,
      %gather3A_534 = tpu.vector_load_idx %arg12[%broadcast_in_dim3A_10, %broadcast_in_dim3A_10, %get3A_526] : memref<1x1x8192xf32, #tpu.memory_space<vmem>>[vector<16xi32>, vector<16xi32>, vector<16xi32>], vector<16xf32>,
      %gather3A_535 = tpu.vector_load_idx %arg13[%broadcast_in_dim3A_10, %broadcast_in_dim3A_10, %get3A_526] : memref<1x1x8192xf32, #tpu.memory_space<vmem>>[vector<16xi32>, vector<16xi32>, vector<16xi32>], vector<16xf32>,
      %add3A_536 = arith.constant 48 : i32
      %add3A_537 = arith.addi %mul3A_421, %add3A_536 : i32
      %swap3A_538 = arith.index_cast %add3A_537 : i32 to index
      %swap3A_539 = tpu.vector_load %arg20[%swap3A_538] {strides = array<i32>} : memref<4096xf32, #tpu.memory_space<vmem>>, vector<16xf32>,
      tpu.vector_store %arg20[%swap3A_538], %gather3A_533 {strides = array<i32>} : memref<4096xf32, #tpu.memory_space<vmem>>, vector<16xf32>,
      %add3A_540 = arith.constant 48 : i32
      %add3A_541 = arith.addi %mul3A_421, %add3A_540 : i32
      %swap3A_542 = arith.index_cast %add3A_541 : i32 to index
      %swap3A_543 = tpu.vector_load %arg21[%swap3A_542] {strides = array<i32>} : memref<4096xf32, #tpu.memory_space<vmem>>, vector<16xf32>,
      tpu.vector_store %arg21[%swap3A_542], %gather3A_534 {strides = array<i32>} : memref<4096xf32, #tpu.memory_space<vmem>>, vector<16xf32>,
      %add3A_544 = arith.constant 48 : i32
      %add3A_545 = arith.addi %mul3A_421, %add3A_544 : i32
      %swap3A_546 = arith.index_cast %add3A_545 : i32 to index
      %swap3A_547 = tpu.vector_load %arg22[%swap3A_546] {strides = array<i32>} : memref<4096xf32, #tpu.memory_space<vmem>>, vector<16xf32>,
      tpu.vector_store %arg22[%swap3A_546], %gather3A_535 {strides = array<i32>} : memref<4096xf32, #tpu.memory_space<vmem>>, vector<16xf32>,
      %add3A_548 = arith.constant 48 : i32
      %add3A_549 = arith.addi %mul3A_421, %add3A_548 : i32
      %swap3A_550 = arith.index_cast %add3A_549 : i32 to index
      %swap3A_551 = tpu.vector_load %arg23[%swap3A_550] {strides = array<i32>} : memref<4096xf32, #tpu.memory_space<vmem>>, vector<16xf32>,
      tpu.vector_store %arg23[%swap3A_550], %sub3A_528 {strides = array<i32>} : memref<4096xf32, #tpu.memory_space<vmem>>, vector<16xf32>,
      %add3A_552 = arith.constant 48 : i32
      %add3A_553 = arith.addi %mul3A_421, %add3A_552 : i32
      %swap3A_554 = arith.index_cast %add3A_553 : i32 to index
      %swap3A_555 = tpu.vector_load %arg24[%swap3A_554] {strides = array<i32>} : memref<4096xf32, #tpu.memory_space<vmem>>, vector<16xf32>,
      tpu.vector_store %arg24[%swap3A_554], %sub3A_530 {strides = array<i32>} : memref<4096xf32, #tpu.memory_space<vmem>>, vector<16xf32>,
      %add3A_556 = arith.constant 48 : i32
      %add3A_557 = arith.addi %mul3A_421, %add3A_556 : i32
      %swap3A_558 = arith.index_cast %add3A_557 : i32 to index
      %swap3A_559 = tpu.vector_load %arg25[%swap3A_558] {strides = array<i32>} : memref<4096xf32, #tpu.memory_space<vmem>>, vector<16xf32>,
      tpu.vector_store %arg25[%swap3A_558], %sub3A_532 {strides = array<i32>} : memref<4096xf32, #tpu.memory_space<vmem>>, vector<16xf32>,
      %get3A_560 = arith.constant 64 : index
      %get3A_561 = tpu.vector_load %arg19[%get3A_560] {strides = array<i32>} : memref<160xi32, #tpu.memory_space<vmem>>, vector<16xi32>,
      %gather3A_562 = tpu.vector_load_idx %arg8[%broadcast_in_dim3A_10, %broadcast_in_dim3A_10, %get3A_561] : memref<1x1x8192xf32, #tpu.memory_space<vmem>>[vector<16xi32>, vector<16xi32>, vector<16xi32>], vector<16xf32>,
      %sub3A_563 = arith.subf %gather3A_562, %gather3A : vector<16xf32>
      %gather3A_564 = tpu.vector_load_idx %arg9[%broadcast_in_dim3A_10, %broadcast_in_dim3A_10, %get3A_561] : memref<1x1x8192xf32, #tpu.memory_space<vmem>>[vector<16xi32>, vector<16xi32>, vector<16xi32>], vector<16xf32>,
      %sub3A_565 = arith.subf %gather3A_564, %gather3A_362 : vector<16xf32>
      %gather3A_566 = tpu.vector_load_idx %arg10[%broadcast_in_dim3A_10, %broadcast_in_dim3A_10, %get3A_561] : memref<1x1x8192xf32, #tpu.memory_space<vmem>>[vector<16xi32>, vector<16xi32>, vector<16xi32>], vector<16xf32>,
      %sub3A_567 = arith.subf %gather3A_566, %gather3A_366 : vector<16xf32>
      %gather3A_568 = tpu.vector_load_idx %arg11[%broadcast_in_dim3A_10, %broadcast_in_dim3A_10, %get3A_561] : memref<1x1x8192xf32, #tpu.memory_space<vmem>>[vector<16xi32>, vector<16xi32>, vector<16xi32>], vector<16xf32>,
      %gather3A_569 = tpu.vector_load_idx %arg12[%broadcast_in_dim3A_10, %broadcast_in_dim3A_10, %get3A_561] : memref<1x1x8192xf32, #tpu.memory_space<vmem>>[vector<16xi32>, vector<16xi32>, vector<16xi32>], vector<16xf32>,
      %gather3A_570 = tpu.vector_load_idx %arg13[%broadcast_in_dim3A_10, %broadcast_in_dim3A_10, %get3A_561] : memref<1x1x8192xf32, #tpu.memory_space<vmem>>[vector<16xi32>, vector<16xi32>, vector<16xi32>], vector<16xf32>,
      %add3A_571 = arith.constant 64 : i32
      %add3A_572 = arith.addi %mul3A_421, %add3A_571 : i32
      %swap3A_573 = arith.index_cast %add3A_572 : i32 to index
      %swap3A_574 = tpu.vector_load %arg20[%swap3A_573] {strides = array<i32>} : memref<4096xf32, #tpu.memory_space<vmem>>, vector<16xf32>,
      tpu.vector_store %arg20[%swap3A_573], %gather3A_568 {strides = array<i32>} : memref<4096xf32, #tpu.memory_space<vmem>>, vector<16xf32>,
      %add3A_575 = arith.constant 64 : i32
      %add3A_576 = arith.addi %mul3A_421, %add3A_575 : i32
      %swap3A_577 = arith.index_cast %add3A_576 : i32 to index
      %swap3A_578 = tpu.vector_load %arg21[%swap3A_577] {strides = array<i32>} : memref<4096xf32, #tpu.memory_space<vmem>>, vector<16xf32>,
      tpu.vector_store %arg21[%swap3A_577], %gather3A_569 {strides = array<i32>} : memref<4096xf32, #tpu.memory_space<vmem>>, vector<16xf32>,
      %add3A_579 = arith.constant 64 : i32
      %add3A_580 = arith.addi %mul3A_421, %add3A_579 : i32
      %swap3A_581 = arith.index_cast %add3A_580 : i32 to index
      %swap3A_582 = tpu.vector_load %arg22[%swap3A_581] {strides = array<i32>} : memref<4096xf32, #tpu.memory_space<vmem>>, vector<16xf32>,
      tpu.vector_store %arg22[%swap3A_581], %gather3A_570 {strides = array<i32>} : memref<4096xf32, #tpu.memory_space<vmem>>, vector<16xf32>,
      %add3A_583 = arith.constant 64 : i32
      %add3A_584 = arith.addi %mul3A_421, %add3A_583 : i32
      %swap3A_585 = arith.index_cast %add3A_584 : i32 to index
      %swap3A_586 = tpu.vector_load %arg23[%swap3A_585] {strides = array<i32>} : memref<4096xf32, #tpu.memory_space<vmem>>, vector<16xf32>,
      tpu.vector_store %arg23[%swap3A_585], %sub3A_563 {strides = array<i32>} : memref<4096xf32, #tpu.memory_space<vmem>>, vector<16xf32>,
      %add3A_587 = arith.constant 64 : i32
      %add3A_588 = arith.addi %mul3A_421, %add3A_587 : i32
      %swap3A_589 = arith.index_cast %add3A_588 : i32 to index
      %swap3A_590 = tpu.vector_load %arg24[%swap3A_589] {strides = array<i32>} : memref<4096xf32, #tpu.memory_space<vmem>>, vector<16xf32>,
      tpu.vector_store %arg24[%swap3A_589], %sub3A_565 {strides = array<i32>} : memref<4096xf32, #tpu.memory_space<vmem>>, vector<16xf32>,
      %add3A_591 = arith.constant 64 : i32
      %add3A_592 = arith.addi %mul3A_421, %add3A_591 : i32
      %swap3A_593 = arith.index_cast %add3A_592 : i32 to index
      %swap3A_594 = tpu.vector_load %arg25[%swap3A_593] {strides = array<i32>} : memref<4096xf32, #tpu.memory_space<vmem>>, vector<16xf32>,
      tpu.vector_store %arg25[%swap3A_593], %sub3A_567 {strides = array<i32>} : memref<4096xf32, #tpu.memory_space<vmem>>, vector<16xf32>,
      %get3A_595 = arith.constant 80 : index
      %get3A_596 = tpu.vector_load %arg19[%get3A_595] {strides = array<i32>} : memref<160xi32, #tpu.memory_space<vmem>>, vector<16xi32>,
      %gather3A_597 = tpu.vector_load_idx %arg8[%broadcast_in_dim3A_10, %broadcast_in_dim3A_10, %get3A_596] : memref<1x1x8192xf32, #tpu.memory_space<vmem>>[vector<16xi32>, vector<16xi32>, vector<16xi32>], vector<16xf32>,
      %sub3A_598 = arith.subf %gather3A_597, %gather3A : vector<16xf32>
      %gather3A_599 = tpu.vector_load_idx %arg9[%broadcast_in_dim3A_10, %broadcast_in_dim3A_10, %get3A_596] : memref<1x1x8192xf32, #tpu.memory_space<vmem>>[vector<16xi32>, vector<16xi32>, vector<16xi32>], vector<16xf32>,
      %sub3A_600 = arith.subf %gather3A_599, %gather3A_362 : vector<16xf32>
      %gather3A_601 = tpu.vector_load_idx %arg10[%broadcast_in_dim3A_10, %broadcast_in_dim3A_10, %get3A_596] : memref<1x1x8192xf32, #tpu.memory_space<vmem>>[vector<16xi32>, vector<16xi32>, vector<16xi32>], vector<16xf32>,
      %sub3A_602 = arith.subf %gather3A_601, %gather3A_366 : vector<16xf32>
      %gather3A_603 = tpu.vector_load_idx %arg11[%broadcast_in_dim3A_10, %broadcast_in_dim3A_10, %get3A_596] : memref<1x1x8192xf32, #tpu.memory_space<vmem>>[vector<16xi32>, vector<16xi32>, vector<16xi32>], vector<16xf32>,
      %gather3A_604 = tpu.vector_load_idx %arg12[%broadcast_in_dim3A_10, %broadcast_in_dim3A_10, %get3A_596] : memref<1x1x8192xf32, #tpu.memory_space<vmem>>[vector<16xi32>, vector<16xi32>, vector<16xi32>], vector<16xf32>,
      %gather3A_605 = tpu.vector_load_idx %arg13[%broadcast_in_dim3A_10, %broadcast_in_dim3A_10, %get3A_596] : memref<1x1x8192xf32, #tpu.memory_space<vmem>>[vector<16xi32>, vector<16xi32>, vector<16xi32>], vector<16xf32>,
      %add3A_606 = arith.constant 80 : i32
      %add3A_607 = arith.addi %mul3A_421, %add3A_606 : i32
      %swap3A_608 = arith.index_cast %add3A_607 : i32 to index
      %swap3A_609 = tpu.vector_load %arg20[%swap3A_608] {strides = array<i32>} : memref<4096xf32, #tpu.memory_space<vmem>>, vector<16xf32>,
      tpu.vector_store %arg20[%swap3A_608], %gather3A_603 {strides = array<i32>} : memref<4096xf32, #tpu.memory_space<vmem>>, vector<16xf32>,
      %add3A_610 = arith.constant 80 : i32
      %add3A_611 = arith.addi %mul3A_421, %add3A_610 : i32
      %swap3A_612 = arith.index_cast %add3A_611 : i32 to index
      %swap3A_613 = tpu.vector_load %arg21[%swap3A_612] {strides = array<i32>} : memref<4096xf32, #tpu.memory_space<vmem>>, vector<16xf32>,
      tpu.vector_store %arg21[%swap3A_612], %gather3A_604 {strides = array<i32>} : memref<4096xf32, #tpu.memory_space<vmem>>, vector<16xf32>,
      %add3A_614 = arith.constant 80 : i32
      %add3A_615 = arith.addi %mul3A_421, %add3A_614 : i32
      %swap3A_616 = arith.index_cast %add3A_615 : i32 to index
      %swap3A_617 = tpu.vector_load %arg22[%swap3A_616] {strides = array<i32>} : memref<4096xf32, #tpu.memory_space<vmem>>, vector<16xf32>,
      tpu.vector_store %arg22[%swap3A_616], %gather3A_605 {strides = array<i32>} : memref<4096xf32, #tpu.memory_space<vmem>>, vector<16xf32>,
      %add3A_618 = arith.constant 80 : i32
      %add3A_619 = arith.addi %mul3A_421, %add3A_618 : i32
      %swap3A_620 = arith.index_cast %add3A_619 : i32 to index
      %swap3A_621 = tpu.vector_load %arg23[%swap3A_620] {strides = array<i32>} : memref<4096xf32, #tpu.memory_space<vmem>>, vector<16xf32>,
      tpu.vector_store %arg23[%swap3A_620], %sub3A_598 {strides = array<i32>} : memref<4096xf32, #tpu.memory_space<vmem>>, vector<16xf32>,
      %add3A_622 = arith.constant 80 : i32
      %add3A_623 = arith.addi %mul3A_421, %add3A_622 : i32
      %swap3A_624 = arith.index_cast %add3A_623 : i32 to index
      %swap3A_625 = tpu.vector_load %arg24[%swap3A_624] {strides = array<i32>} : memref<4096xf32, #tpu.memory_space<vmem>>, vector<16xf32>,
      tpu.vector_store %arg24[%swap3A_624], %sub3A_600 {strides = array<i32>} : memref<4096xf32, #tpu.memory_space<vmem>>, vector<16xf32>,
      %add3A_626 = arith.constant 80 : i32
      %add3A_627 = arith.addi %mul3A_421, %add3A_626 : i32
      %swap3A_628 = arith.index_cast %add3A_627 : i32 to index
      %swap3A_629 = tpu.vector_load %arg25[%swap3A_628] {strides = array<i32>} : memref<4096xf32, #tpu.memory_space<vmem>>, vector<16xf32>,
      tpu.vector_store %arg25[%swap3A_628], %sub3A_602 {strides = array<i32>} : memref<4096xf32, #tpu.memory_space<vmem>>, vector<16xf32>,
      %get3A_630 = arith.constant 96 : index
      %get3A_631 = tpu.vector_load %arg19[%get3A_630] {strides = array<i32>} : memref<160xi32, #tpu.memory_space<vmem>>, vector<16xi32>,
      %gather3A_632 = tpu.vector_load_idx %arg8[%broadcast_in_dim3A_10, %broadcast_in_dim3A_10, %get3A_631] : memref<1x1x8192xf32, #tpu.memory_space<vmem>>[vector<16xi32>, vector<16xi32>, vector<16xi32>], vector<16xf32>,
      %sub3A_633 = arith.subf %gather3A_632, %gather3A : vector<16xf32>
      %gather3A_634 = tpu.vector_load_idx %arg9[%broadcast_in_dim3A_10, %broadcast_in_dim3A_10, %get3A_631] : memref<1x1x8192xf32, #tpu.memory_space<vmem>>[vector<16xi32>, vector<16xi32>, vector<16xi32>], vector<16xf32>,
      %sub3A_635 = arith.subf %gather3A_634, %gather3A_362 : vector<16xf32>
      %gather3A_636 = tpu.vector_load_idx %arg10[%broadcast_in_dim3A_10, %broadcast_in_dim3A_10, %get3A_631] : memref<1x1x8192xf32, #tpu.memory_space<vmem>>[vector<16xi32>, vector<16xi32>, vector<16xi32>], vector<16xf32>,
      %sub3A_637 = arith.subf %gather3A_636, %gather3A_366 : vector<16xf32>
      %gather3A_638 = tpu.vector_load_idx %arg11[%broadcast_in_dim3A_10, %broadcast_in_dim3A_10, %get3A_631] : memref<1x1x8192xf32, #tpu.memory_space<vmem>>[vector<16xi32>, vector<16xi32>, vector<16xi32>], vector<16xf32>,
      %gather3A_639 = tpu.vector_load_idx %arg12[%broadcast_in_dim3A_10, %broadcast_in_dim3A_10, %get3A_631] : memref<1x1x8192xf32, #tpu.memory_space<vmem>>[vector<16xi32>, vector<16xi32>, vector<16xi32>], vector<16xf32>,
      %gather3A_640 = tpu.vector_load_idx %arg13[%broadcast_in_dim3A_10, %broadcast_in_dim3A_10, %get3A_631] : memref<1x1x8192xf32, #tpu.memory_space<vmem>>[vector<16xi32>, vector<16xi32>, vector<16xi32>], vector<16xf32>,
      %add3A_641 = arith.constant 96 : i32
      %add3A_642 = arith.addi %mul3A_421, %add3A_641 : i32
      %swap3A_643 = arith.index_cast %add3A_642 : i32 to index
      %swap3A_644 = tpu.vector_load %arg20[%swap3A_643] {strides = array<i32>} : memref<4096xf32, #tpu.memory_space<vmem>>, vector<16xf32>,
      tpu.vector_store %arg20[%swap3A_643], %gather3A_638 {strides = array<i32>} : memref<4096xf32, #tpu.memory_space<vmem>>, vector<16xf32>,
      %add3A_645 = arith.constant 96 : i32
      %add3A_646 = arith.addi %mul3A_421, %add3A_645 : i32
      %swap3A_647 = arith.index_cast %add3A_646 : i32 to index
      %swap3A_648 = tpu.vector_load %arg21[%swap3A_647] {strides = array<i32>} : memref<4096xf32, #tpu.memory_space<vmem>>, vector<16xf32>,
      tpu.vector_store %arg21[%swap3A_647], %gather3A_639 {strides = array<i32>} : memref<4096xf32, #tpu.memory_space<vmem>>, vector<16xf32>,
      %add3A_649 = arith.constant 96 : i32
      %add3A_650 = arith.addi %mul3A_421, %add3A_649 : i32
      %swap3A_651 = arith.index_cast %add3A_650 : i32 to index
      %swap3A_652 = tpu.vector_load %arg22[%swap3A_651] {strides = array<i32>} : memref<4096xf32, #tpu.memory_space<vmem>>, vector<16xf32>,
      tpu.vector_store %arg22[%swap3A_651], %gather3A_640 {strides = array<i32>} : memref<4096xf32, #tpu.memory_space<vmem>>, vector<16xf32>,
      %add3A_653 = arith.constant 96 : i32
      %add3A_654 = arith.addi %mul3A_421, %add3A_653 : i32
      %swap3A_655 = arith.index_cast %add3A_654 : i32 to index
      %swap3A_656 = tpu.vector_load %arg23[%swap3A_655] {strides = array<i32>} : memref<4096xf32, #tpu.memory_space<vmem>>, vector<16xf32>,
      tpu.vector_store %arg23[%swap3A_655], %sub3A_633 {strides = array<i32>} : memref<4096xf32, #tpu.memory_space<vmem>>, vector<16xf32>,
      %add3A_657 = arith.constant 96 : i32
      %add3A_658 = arith.addi %mul3A_421, %add3A_657 : i32
      %swap3A_659 = arith.index_cast %add3A_658 : i32 to index
      %swap3A_660 = tpu.vector_load %arg24[%swap3A_659] {strides = array<i32>} : memref<4096xf32, #tpu.memory_space<vmem>>, vector<16xf32>,
      tpu.vector_store %arg24[%swap3A_659], %sub3A_635 {strides = array<i32>} : memref<4096xf32, #tpu.memory_space<vmem>>, vector<16xf32>,
      %add3A_661 = arith.constant 96 : i32
      %add3A_662 = arith.addi %mul3A_421, %add3A_661 : i32
      %swap3A_663 = arith.index_cast %add3A_662 : i32 to index
      %swap3A_664 = tpu.vector_load %arg25[%swap3A_663] {strides = array<i32>} : memref<4096xf32, #tpu.memory_space<vmem>>, vector<16xf32>,
      tpu.vector_store %arg25[%swap3A_663], %sub3A_637 {strides = array<i32>} : memref<4096xf32, #tpu.memory_space<vmem>>, vector<16xf32>,
      %get3A_665 = arith.constant 112 : index
      %get3A_666 = tpu.vector_load %arg19[%get3A_665] {strides = array<i32>} : memref<160xi32, #tpu.memory_space<vmem>>, vector<16xi32>,
      %gather3A_667 = tpu.vector_load_idx %arg8[%broadcast_in_dim3A_10, %broadcast_in_dim3A_10, %get3A_666] : memref<1x1x8192xf32, #tpu.memory_space<vmem>>[vector<16xi32>, vector<16xi32>, vector<16xi32>], vector<16xf32>,
      %sub3A_668 = arith.subf %gather3A_667, %gather3A : vector<16xf32>
      %gather3A_669 = tpu.vector_load_idx %arg9[%broadcast_in_dim3A_10, %broadcast_in_dim3A_10, %get3A_666] : memref<1x1x8192xf32, #tpu.memory_space<vmem>>[vector<16xi32>, vector<16xi32>, vector<16xi32>], vector<16xf32>,
      %sub3A_670 = arith.subf %gather3A_669, %gather3A_362 : vector<16xf32>
      %gather3A_671 = tpu.vector_load_idx %arg10[%broadcast_in_dim3A_10, %broadcast_in_dim3A_10, %get3A_666] : memref<1x1x8192xf32, #tpu.memory_space<vmem>>[vector<16xi32>, vector<16xi32>, vector<16xi32>], vector<16xf32>,
      %sub3A_672 = arith.subf %gather3A_671, %gather3A_366 : vector<16xf32>
      %gather3A_673 = tpu.vector_load_idx %arg11[%broadcast_in_dim3A_10, %broadcast_in_dim3A_10, %get3A_666] : memref<1x1x8192xf32, #tpu.memory_space<vmem>>[vector<16xi32>, vector<16xi32>, vector<16xi32>], vector<16xf32>,
      %gather3A_674 = tpu.vector_load_idx %arg12[%broadcast_in_dim3A_10, %broadcast_in_dim3A_10, %get3A_666] : memref<1x1x8192xf32, #tpu.memory_space<vmem>>[vector<16xi32>, vector<16xi32>, vector<16xi32>], vector<16xf32>,
      %gather3A_675 = tpu.vector_load_idx %arg13[%broadcast_in_dim3A_10, %broadcast_in_dim3A_10, %get3A_666] : memref<1x1x8192xf32, #tpu.memory_space<vmem>>[vector<16xi32>, vector<16xi32>, vector<16xi32>], vector<16xf32>,
      %add3A_676 = arith.constant 112 : i32
      %add3A_677 = arith.addi %mul3A_421, %add3A_676 : i32
      %swap3A_678 = arith.index_cast %add3A_677 : i32 to index
      %swap3A_679 = tpu.vector_load %arg20[%swap3A_678] {strides = array<i32>} : memref<4096xf32, #tpu.memory_space<vmem>>, vector<16xf32>,
      tpu.vector_store %arg20[%swap3A_678], %gather3A_673 {strides = array<i32>} : memref<4096xf32, #tpu.memory_space<vmem>>, vector<16xf32>,
      %add3A_680 = arith.constant 112 : i32
      %add3A_681 = arith.addi %mul3A_421, %add3A_680 : i32
      %swap3A_682 = arith.index_cast %add3A_681 : i32 to index
      %swap3A_683 = tpu.vector_load %arg21[%swap3A_682] {strides = array<i32>} : memref<4096xf32, #tpu.memory_space<vmem>>, vector<16xf32>,
      tpu.vector_store %arg21[%swap3A_682], %gather3A_674 {strides = array<i32>} : memref<4096xf32, #tpu.memory_space<vmem>>, vector<16xf32>,
      %add3A_684 = arith.constant 112 : i32
      %add3A_685 = arith.addi %mul3A_421, %add3A_684 : i32
      %swap3A_686 = arith.index_cast %add3A_685 : i32 to index
      %swap3A_687 = tpu.vector_load %arg22[%swap3A_686] {strides = array<i32>} : memref<4096xf32, #tpu.memory_space<vmem>>, vector<16xf32>,
      tpu.vector_store %arg22[%swap3A_686], %gather3A_675 {strides = array<i32>} : memref<4096xf32, #tpu.memory_space<vmem>>, vector<16xf32>,
      %add3A_688 = arith.constant 112 : i32
      %add3A_689 = arith.addi %mul3A_421, %add3A_688 : i32
      %swap3A_690 = arith.index_cast %add3A_689 : i32 to index
      %swap3A_691 = tpu.vector_load %arg23[%swap3A_690] {strides = array<i32>} : memref<4096xf32, #tpu.memory_space<vmem>>, vector<16xf32>,
      tpu.vector_store %arg23[%swap3A_690], %sub3A_668 {strides = array<i32>} : memref<4096xf32, #tpu.memory_space<vmem>>, vector<16xf32>,
      %add3A_692 = arith.constant 112 : i32
      %add3A_693 = arith.addi %mul3A_421, %add3A_692 : i32
      %swap3A_694 = arith.index_cast %add3A_693 : i32 to index
      %swap3A_695 = tpu.vector_load %arg24[%swap3A_694] {strides = array<i32>} : memref<4096xf32, #tpu.memory_space<vmem>>, vector<16xf32>,
      tpu.vector_store %arg24[%swap3A_694], %sub3A_670 {strides = array<i32>} : memref<4096xf32, #tpu.memory_space<vmem>>, vector<16xf32>,
      %add3A_696 = arith.constant 112 : i32
      %add3A_697 = arith.addi %mul3A_421, %add3A_696 : i32
      %swap3A_698 = arith.index_cast %add3A_697 : i32 to index
      %swap3A_699 = tpu.vector_load %arg25[%swap3A_698] {strides = array<i32>} : memref<4096xf32, #tpu.memory_space<vmem>>, vector<16xf32>,
      tpu.vector_store %arg25[%swap3A_698], %sub3A_672 {strides = array<i32>} : memref<4096xf32, #tpu.memory_space<vmem>>, vector<16xf32>,
    }
    %scan3A_274 = arith.constant 32 : i32
    %mul3A_275 = arith.constant 6 : i32
    %mul3A_276 = arith.muli %arg0, %mul3A_275 : i32
    %add3A_277 = arith.constant 0 : i32
    %add3A_278 = arith.addi %mul3A_276, %add3A_277 : i32
    %mul3A_279 = arith.constant 1024 : i32
    %mul3A_280 = arith.muli %add3A_278, %mul3A_279 : i32
    %mul3A_281 = arith.constant 128 : i32
    %mul3A_282 = arith.muli %mul3A_280, %mul3A_281 : i32
    %add3A_283 = arith.constant 32 : i32
    %add3A_284 = arith.addi %mul3A_0, %add3A_283 : i32
    %mul3A_285 = arith.constant 128 : i32
    %mul3A_286 = arith.muli %add3A_284, %mul3A_285 : i32
    %add3A_287 = arith.addi %mul3A_282, %mul3A_286 : i32
    "tpu.region"() ({
      %run_scoped3A = tpu.sem_alloc : memref<!tpu.dma_semaphore, #tpu.memory_space<semaphore_mem>>
      %dma_start3A = arith.constant 0 : i32
      %dma_start3A_353 = tpu.memref_slice %arg20[%dma_start3A] : memref<4096xf32, #tpu.memory_space<vmem>> -> memref<4096xf32, #tpu.memory_space<vmem>>
      %dma_start3A_354 = tpu.memref_slice %arg7[%add3A_287] : memref<1572864xf32, #tpu.memory_space<hbm>> -> memref<4096xf32, #tpu.memory_space<hbm>>
      %dma_start3A_355 = tpu.memref_slice %arg7[%add3A_287] : memref<1572864xf32, #tpu.memory_space<hbm>> -> memref<4096xf32, #tpu.memory_space<hbm>>
      %dma_start3A_356 = arith.constant 0 : i32
      %dma_start3A_357 = tpu.memref_slice %arg20[%dma_start3A_356] : memref<4096xf32, #tpu.memory_space<vmem>> -> memref<4096xf32, #tpu.memory_space<vmem>>
      tpu.enqueue_dma source(%dma_start3A_357 : memref<4096xf32, #tpu.memory_space<vmem>>) target(%dma_start3A_355 : memref<4096xf32, #tpu.memory_space<hbm>>) target_semaphore(%run_scoped3A : memref<!tpu.dma_semaphore, #tpu.memory_space<semaphore_mem>>)
      %dma_wait3A = arith.constant 0 : i32
      %dma_wait3A_358 = tpu.memref_slice %arg20[%dma_wait3A] : memref<4096xf32, #tpu.memory_space<vmem>> -> memref<4096xf32, #tpu.memory_space<vmem>>
      %dma_wait3A_359 = tpu.memref_slice %arg7[%add3A_287] : memref<1572864xf32, #tpu.memory_space<hbm>> -> memref<4096xf32, #tpu.memory_space<hbm>>
      %dma_wait3A_360 = tpu.memref_slice %arg7[%add3A_287] : memref<1572864xf32, #tpu.memory_space<hbm>> -> memref<4096xf32, #tpu.memory_space<hbm>>
      %dma_wait3A_361 = arith.constant 0 : i32
      %dma_wait3A_362 = tpu.memref_slice %arg20[%dma_wait3A_361] : memref<4096xf32, #tpu.memory_space<vmem>> -> memref<4096xf32, #tpu.memory_space<vmem>>
      tpu.wait_dma2 semaphore(%run_scoped3A : memref<!tpu.dma_semaphore, #tpu.memory_space<semaphore_mem>>) src(%dma_wait3A_362 : memref<4096xf32, #tpu.memory_space<vmem>>) dst(%dma_wait3A_360 : memref<4096xf32, #tpu.memory_space<hbm>>)
      tpu.yield
    }) : () -> ()
    %mul3A_288 = arith.constant 6 : i32
    %mul3A_289 = arith.muli %arg0, %mul3A_288 : i32
    %add3A_290 = arith.constant 1 : i32
    %add3A_291 = arith.addi %mul3A_289, %add3A_290 : i32
    %mul3A_292 = arith.constant 1024 : i32
    %mul3A_293 = arith.muli %add3A_291, %mul3A_292 : i32
    %mul3A_294 = arith.constant 128 : i32
    %mul3A_295 = arith.muli %mul3A_293, %mul3A_294 : i32
    %add3A_296 = arith.constant 32 : i32
    %add3A_297 = arith.addi %mul3A_0, %add3A_296 : i32
    %mul3A_298 = arith.constant 128 : i32
    %mul3A_299 = arith.muli %add3A_297, %mul3A_298 : i32
    %add3A_300 = arith.addi %mul3A_295, %mul3A_299 : i32
    "tpu.region"() ({
      %run_scoped3A = tpu.sem_alloc : memref<!tpu.dma_semaphore, #tpu.memory_space<semaphore_mem>>
      %dma_start3A = arith.constant 0 : i32
      %dma_start3A_353 = tpu.memref_slice %arg21[%dma_start3A] : memref<4096xf32, #tpu.memory_space<vmem>> -> memref<4096xf32, #tpu.memory_space<vmem>>
      %dma_start3A_354 = tpu.memref_slice %arg7[%add3A_300] : memref<1572864xf32, #tpu.memory_space<hbm>> -> memref<4096xf32, #tpu.memory_space<hbm>>
      %dma_start3A_355 = tpu.memref_slice %arg7[%add3A_300] : memref<1572864xf32, #tpu.memory_space<hbm>> -> memref<4096xf32, #tpu.memory_space<hbm>>
      %dma_start3A_356 = arith.constant 0 : i32
      %dma_start3A_357 = tpu.memref_slice %arg21[%dma_start3A_356] : memref<4096xf32, #tpu.memory_space<vmem>> -> memref<4096xf32, #tpu.memory_space<vmem>>
      tpu.enqueue_dma source(%dma_start3A_357 : memref<4096xf32, #tpu.memory_space<vmem>>) target(%dma_start3A_355 : memref<4096xf32, #tpu.memory_space<hbm>>) target_semaphore(%run_scoped3A : memref<!tpu.dma_semaphore, #tpu.memory_space<semaphore_mem>>)
      %dma_wait3A = arith.constant 0 : i32
      %dma_wait3A_358 = tpu.memref_slice %arg21[%dma_wait3A] : memref<4096xf32, #tpu.memory_space<vmem>> -> memref<4096xf32, #tpu.memory_space<vmem>>
      %dma_wait3A_359 = tpu.memref_slice %arg7[%add3A_300] : memref<1572864xf32, #tpu.memory_space<hbm>> -> memref<4096xf32, #tpu.memory_space<hbm>>
      %dma_wait3A_360 = tpu.memref_slice %arg7[%add3A_300] : memref<1572864xf32, #tpu.memory_space<hbm>> -> memref<4096xf32, #tpu.memory_space<hbm>>
      %dma_wait3A_361 = arith.constant 0 : i32
      %dma_wait3A_362 = tpu.memref_slice %arg21[%dma_wait3A_361] : memref<4096xf32, #tpu.memory_space<vmem>> -> memref<4096xf32, #tpu.memory_space<vmem>>
      tpu.wait_dma2 semaphore(%run_scoped3A : memref<!tpu.dma_semaphore, #tpu.memory_space<semaphore_mem>>) src(%dma_wait3A_362 : memref<4096xf32, #tpu.memory_space<vmem>>) dst(%dma_wait3A_360 : memref<4096xf32, #tpu.memory_space<hbm>>)
      tpu.yield
    }) : () -> ()
    %mul3A_301 = arith.constant 6 : i32
    %mul3A_302 = arith.muli %arg0, %mul3A_301 : i32
    %add3A_303 = arith.constant 2 : i32
    %add3A_304 = arith.addi %mul3A_302, %add3A_303 : i32
    %mul3A_305 = arith.constant 1024 : i32
    %mul3A_306 = arith.muli %add3A_304, %mul3A_305 : i32
    %mul3A_307 = arith.constant 128 : i32
    %mul3A_308 = arith.muli %mul3A_306, %mul3A_307 : i32
    %add3A_309 = arith.constant 32 : i32
    %add3A_310 = arith.addi %mul3A_0, %add3A_309 : i32
    %mul3A_311 = arith.constant 128 : i32
    %mul3A_312 = arith.muli %add3A_310, %mul3A_311 : i32
    %add3A_313 = arith.addi %mul3A_308, %mul3A_312 : i32
    "tpu.region"() ({
      %run_scoped3A = tpu.sem_alloc : memref<!tpu.dma_semaphore, #tpu.memory_space<semaphore_mem>>
      %dma_start3A = arith.constant 0 : i32
      %dma_start3A_353 = tpu.memref_slice %arg22[%dma_start3A] : memref<4096xf32, #tpu.memory_space<vmem>> -> memref<4096xf32, #tpu.memory_space<vmem>>
      %dma_start3A_354 = tpu.memref_slice %arg7[%add3A_313] : memref<1572864xf32, #tpu.memory_space<hbm>> -> memref<4096xf32, #tpu.memory_space<hbm>>
      %dma_start3A_355 = tpu.memref_slice %arg7[%add3A_313] : memref<1572864xf32, #tpu.memory_space<hbm>> -> memref<4096xf32, #tpu.memory_space<hbm>>
      %dma_start3A_356 = arith.constant 0 : i32
      %dma_start3A_357 = tpu.memref_slice %arg22[%dma_start3A_356] : memref<4096xf32, #tpu.memory_space<vmem>> -> memref<4096xf32, #tpu.memory_space<vmem>>
      tpu.enqueue_dma source(%dma_start3A_357 : memref<4096xf32, #tpu.memory_space<vmem>>) target(%dma_start3A_355 : memref<4096xf32, #tpu.memory_space<hbm>>) target_semaphore(%run_scoped3A : memref<!tpu.dma_semaphore, #tpu.memory_space<semaphore_mem>>)
      %dma_wait3A = arith.constant 0 : i32
      %dma_wait3A_358 = tpu.memref_slice %arg22[%dma_wait3A] : memref<4096xf32, #tpu.memory_space<vmem>> -> memref<4096xf32, #tpu.memory_space<vmem>>
      %dma_wait3A_359 = tpu.memref_slice %arg7[%add3A_313] : memref<1572864xf32, #tpu.memory_space<hbm>> -> memref<4096xf32, #tpu.memory_space<hbm>>
      %dma_wait3A_360 = tpu.memref_slice %arg7[%add3A_313] : memref<1572864xf32, #tpu.memory_space<hbm>> -> memref<4096xf32, #tpu.memory_space<hbm>>
      %dma_wait3A_361 = arith.constant 0 : i32
      %dma_wait3A_362 = tpu.memref_slice %arg22[%dma_wait3A_361] : memref<4096xf32, #tpu.memory_space<vmem>> -> memref<4096xf32, #tpu.memory_space<vmem>>
      tpu.wait_dma2 semaphore(%run_scoped3A : memref<!tpu.dma_semaphore, #tpu.memory_space<semaphore_mem>>) src(%dma_wait3A_362 : memref<4096xf32, #tpu.memory_space<vmem>>) dst(%dma_wait3A_360 : memref<4096xf32, #tpu.memory_space<hbm>>)
      tpu.yield
    }) : () -> ()
    %mul3A_314 = arith.constant 6 : i32
    %mul3A_315 = arith.muli %arg0, %mul3A_314 : i32
    %add3A_316 = arith.constant 3 : i32
    %add3A_317 = arith.addi %mul3A_315, %add3A_316 : i32
    %mul3A_318 = arith.constant 1024 : i32
    %mul3A_319 = arith.muli %add3A_317, %mul3A_318 : i32
    %mul3A_320 = arith.constant 128 : i32
    %mul3A_321 = arith.muli %mul3A_319, %mul3A_320 : i32
    %add3A_322 = arith.constant 32 : i32
    %add3A_323 = arith.addi %mul3A_0, %add3A_322 : i32
    %mul3A_324 = arith.constant 128 : i32
    %mul3A_325 = arith.muli %add3A_323, %mul3A_324 : i32
    %add3A_326 = arith.addi %mul3A_321, %mul3A_325 : i32
    "tpu.region"() ({
      %run_scoped3A = tpu.sem_alloc : memref<!tpu.dma_semaphore, #tpu.memory_space<semaphore_mem>>
      %dma_start3A = arith.constant 0 : i32
      %dma_start3A_353 = tpu.memref_slice %arg23[%dma_start3A] : memref<4096xf32, #tpu.memory_space<vmem>> -> memref<4096xf32, #tpu.memory_space<vmem>>
      %dma_start3A_354 = tpu.memref_slice %arg7[%add3A_326] : memref<1572864xf32, #tpu.memory_space<hbm>> -> memref<4096xf32, #tpu.memory_space<hbm>>
      %dma_start3A_355 = tpu.memref_slice %arg7[%add3A_326] : memref<1572864xf32, #tpu.memory_space<hbm>> -> memref<4096xf32, #tpu.memory_space<hbm>>
      %dma_start3A_356 = arith.constant 0 : i32
      %dma_start3A_357 = tpu.memref_slice %arg23[%dma_start3A_356] : memref<4096xf32, #tpu.memory_space<vmem>> -> memref<4096xf32, #tpu.memory_space<vmem>>
      tpu.enqueue_dma source(%dma_start3A_357 : memref<4096xf32, #tpu.memory_space<vmem>>) target(%dma_start3A_355 : memref<4096xf32, #tpu.memory_space<hbm>>) target_semaphore(%run_scoped3A : memref<!tpu.dma_semaphore, #tpu.memory_space<semaphore_mem>>)
      %dma_wait3A = arith.constant 0 : i32
      %dma_wait3A_358 = tpu.memref_slice %arg23[%dma_wait3A] : memref<4096xf32, #tpu.memory_space<vmem>> -> memref<4096xf32, #tpu.memory_space<vmem>>
      %dma_wait3A_359 = tpu.memref_slice %arg7[%add3A_326] : memref<1572864xf32, #tpu.memory_space<hbm>> -> memref<4096xf32, #tpu.memory_space<hbm>>
      %dma_wait3A_360 = tpu.memref_slice %arg7[%add3A_326] : memref<1572864xf32, #tpu.memory_space<hbm>> -> memref<4096xf32, #tpu.memory_space<hbm>>
      %dma_wait3A_361 = arith.constant 0 : i32
      %dma_wait3A_362 = tpu.memref_slice %arg23[%dma_wait3A_361] : memref<4096xf32, #tpu.memory_space<vmem>> -> memref<4096xf32, #tpu.memory_space<vmem>>
      tpu.wait_dma2 semaphore(%run_scoped3A : memref<!tpu.dma_semaphore, #tpu.memory_space<semaphore_mem>>) src(%dma_wait3A_362 : memref<4096xf32, #tpu.memory_space<vmem>>) dst(%dma_wait3A_360 : memref<4096xf32, #tpu.memory_space<hbm>>)
      tpu.yield
    }) : () -> ()
    %mul3A_327 = arith.constant 6 : i32
    %mul3A_328 = arith.muli %arg0, %mul3A_327 : i32
    %add3A_329 = arith.constant 4 : i32
    %add3A_330 = arith.addi %mul3A_328, %add3A_329 : i32
    %mul3A_331 = arith.constant 1024 : i32
    %mul3A_332 = arith.muli %add3A_330, %mul3A_331 : i32
    %mul3A_333 = arith.constant 128 : i32
    %mul3A_334 = arith.muli %mul3A_332, %mul3A_333 : i32
    %add3A_335 = arith.constant 32 : i32
    %add3A_336 = arith.addi %mul3A_0, %add3A_335 : i32
    %mul3A_337 = arith.constant 128 : i32
    %mul3A_338 = arith.muli %add3A_336, %mul3A_337 : i32
    %add3A_339 = arith.addi %mul3A_334, %mul3A_338 : i32
    "tpu.region"() ({
      %run_scoped3A = tpu.sem_alloc : memref<!tpu.dma_semaphore, #tpu.memory_space<semaphore_mem>>
      %dma_start3A = arith.constant 0 : i32
      %dma_start3A_353 = tpu.memref_slice %arg24[%dma_start3A] : memref<4096xf32, #tpu.memory_space<vmem>> -> memref<4096xf32, #tpu.memory_space<vmem>>
      %dma_start3A_354 = tpu.memref_slice %arg7[%add3A_339] : memref<1572864xf32, #tpu.memory_space<hbm>> -> memref<4096xf32, #tpu.memory_space<hbm>>
      %dma_start3A_355 = tpu.memref_slice %arg7[%add3A_339] : memref<1572864xf32, #tpu.memory_space<hbm>> -> memref<4096xf32, #tpu.memory_space<hbm>>
      %dma_start3A_356 = arith.constant 0 : i32
      %dma_start3A_357 = tpu.memref_slice %arg24[%dma_start3A_356] : memref<4096xf32, #tpu.memory_space<vmem>> -> memref<4096xf32, #tpu.memory_space<vmem>>
      tpu.enqueue_dma source(%dma_start3A_357 : memref<4096xf32, #tpu.memory_space<vmem>>) target(%dma_start3A_355 : memref<4096xf32, #tpu.memory_space<hbm>>) target_semaphore(%run_scoped3A : memref<!tpu.dma_semaphore, #tpu.memory_space<semaphore_mem>>)
      %dma_wait3A = arith.constant 0 : i32
      %dma_wait3A_358 = tpu.memref_slice %arg24[%dma_wait3A] : memref<4096xf32, #tpu.memory_space<vmem>> -> memref<4096xf32, #tpu.memory_space<vmem>>
      %dma_wait3A_359 = tpu.memref_slice %arg7[%add3A_339] : memref<1572864xf32, #tpu.memory_space<hbm>> -> memref<4096xf32, #tpu.memory_space<hbm>>
      %dma_wait3A_360 = tpu.memref_slice %arg7[%add3A_339] : memref<1572864xf32, #tpu.memory_space<hbm>> -> memref<4096xf32, #tpu.memory_space<hbm>>
      %dma_wait3A_361 = arith.constant 0 : i32
      %dma_wait3A_362 = tpu.memref_slice %arg24[%dma_wait3A_361] : memref<4096xf32, #tpu.memory_space<vmem>> -> memref<4096xf32, #tpu.memory_space<vmem>>
      tpu.wait_dma2 semaphore(%run_scoped3A : memref<!tpu.dma_semaphore, #tpu.memory_space<semaphore_mem>>) src(%dma_wait3A_362 : memref<4096xf32, #tpu.memory_space<vmem>>) dst(%dma_wait3A_360 : memref<4096xf32, #tpu.memory_space<hbm>>)
      tpu.yield
    }) : () -> ()
    %mul3A_340 = arith.constant 6 : i32
    %mul3A_341 = arith.muli %arg0, %mul3A_340 : i32
    %add3A_342 = arith.constant 5 : i32
    %add3A_343 = arith.addi %mul3A_341, %add3A_342 : i32
    %mul3A_344 = arith.constant 1024 : i32
    %mul3A_345 = arith.muli %add3A_343, %mul3A_344 : i32
    %mul3A_346 = arith.constant 128 : i32
    %mul3A_347 = arith.muli %mul3A_345, %mul3A_346 : i32
    %add3A_348 = arith.constant 32 : i32
    %add3A_349 = arith.addi %mul3A_0, %add3A_348 : i32
    %mul3A_350 = arith.constant 128 : i32
    %mul3A_351 = arith.muli %add3A_349, %mul3A_350 : i32
    %add3A_352 = arith.addi %mul3A_347, %mul3A_351 : i32
    "tpu.region"() ({
      %run_scoped3A = tpu.sem_alloc : memref<!tpu.dma_semaphore, #tpu.memory_space<semaphore_mem>>
      %dma_start3A = arith.constant 0 : i32
      %dma_start3A_353 = tpu.memref_slice %arg25[%dma_start3A] : memref<4096xf32, #tpu.memory_space<vmem>> -> memref<4096xf32, #tpu.memory_space<vmem>>
      %dma_start3A_354 = tpu.memref_slice %arg7[%add3A_352] : memref<1572864xf32, #tpu.memory_space<hbm>> -> memref<4096xf32, #tpu.memory_space<hbm>>
      %dma_start3A_355 = tpu.memref_slice %arg7[%add3A_352] : memref<1572864xf32, #tpu.memory_space<hbm>> -> memref<4096xf32, #tpu.memory_space<hbm>>
      %dma_start3A_356 = arith.constant 0 : i32
      %dma_start3A_357 = tpu.memref_slice %arg25[%dma_start3A_356] : memref<4096xf32, #tpu.memory_space<vmem>> -> memref<4096xf32, #tpu.memory_space<vmem>>
      tpu.enqueue_dma source(%dma_start3A_357 : memref<4096xf32, #tpu.memory_space<vmem>>) target(%dma_start3A_355 : memref<4096xf32, #tpu.memory_space<hbm>>) target_semaphore(%run_scoped3A : memref<!tpu.dma_semaphore, #tpu.memory_space<semaphore_mem>>)
      %dma_wait3A = arith.constant 0 : i32
      %dma_wait3A_358 = tpu.memref_slice %arg25[%dma_wait3A] : memref<4096xf32, #tpu.memory_space<vmem>> -> memref<4096xf32, #tpu.memory_space<vmem>>
      %dma_wait3A_359 = tpu.memref_slice %arg7[%add3A_352] : memref<1572864xf32, #tpu.memory_space<hbm>> -> memref<4096xf32, #tpu.memory_space<hbm>>
      %dma_wait3A_360 = tpu.memref_slice %arg7[%add3A_352] : memref<1572864xf32, #tpu.memory_space<hbm>> -> memref<4096xf32, #tpu.memory_space<hbm>>
      %dma_wait3A_361 = arith.constant 0 : i32
      %dma_wait3A_362 = tpu.memref_slice %arg25[%dma_wait3A_361] : memref<4096xf32, #tpu.memory_space<vmem>> -> memref<4096xf32, #tpu.memory_space<vmem>>
      tpu.wait_dma2 semaphore(%run_scoped3A : memref<!tpu.dma_semaphore, #tpu.memory_space<semaphore_mem>>) src(%dma_wait3A_362 : memref<4096xf32, #tpu.memory_space<vmem>>) dst(%dma_wait3A_360 : memref<4096xf32, #tpu.memory_space<hbm>>)
      tpu.yield
    }) : () -> ()
    return
  }
}

module attributes {stable_mosaic.version = 14 : i64} {
  func.func @_mom_kernel(%arg0: i32, %arg1: i32, %arg2: memref<1x6x16384xf32, #tpu.memory_space<vmem>>, %arg3: memref<8x8xf32, #tpu.memory_space<vmem>>) attributes {dimension_semantics = [#tpu.dimension_semantics<arbitrary>, #tpu.dimension_semantics<arbitrary>], iteration_bounds = array<i64: 2, 8>, scalar_prefetch = 0 : i64, scratch_operands = 0 : i64, tpu.core_type = #tpu.core_type<tc>, window_params = [{transform_indices = @transform_0, window_bounds = array<i64: 1, 6, 16384>}, {pipeline_mode = #tpu.pipeline_mode<synchronous>, transform_indices = @transform_1, window_bounds = array<i64: 8, 8>}]} {
    %eq3A = arith.constant 0 : i32
    %eq3A_0 = arith.cmpi eq, %arg0, %eq3A : i32
    %eq3A_1 = arith.constant 0 : i32
    %eq3A_2 = arith.cmpi eq, %arg1, %eq3A_1 : i32
    %and3A = arith.andi %eq3A_0, %eq3A_2 : i1
    %convert_element_type3A = arith.extui %and3A : i1 to i32
    %cond3A = arith.constant 0 : i32
    %cond3A_3 = arith.cmpi ne, %convert_element_type3A, %cond3A : i32
    scf.if %cond3A_3 {
      %broadcast_in_dim3A_17 = arith.constant 0.000000e+00 : f32
      %broadcast_in_dim3A_18 = vector.broadcast %broadcast_in_dim3A_17 : f32 to vector<8x8xf32>
      %swap3A_19 = arith.constant 0 : index
      %swap3A_20 = arith.constant 0 : index
      %swap3A_21 = vector.load %arg3[%swap3A_19, %swap3A_20] : memref<8x8xf32, #tpu.memory_space<vmem>>, vector<8x8xf32>
      tpu.vector_store %arg3[%swap3A_19, %swap3A_20], %broadcast_in_dim3A_18 {strides = array<i32>} : memref<8x8xf32, #tpu.memory_space<vmem>>, vector<8x8xf32>,
    } else {
    }
    %get3A = arith.constant 0 : index
    %get3A_4 = arith.constant 0 : index
    %get3A_5 = arith.constant 0 : index
    %get3A_6 = vector.load %arg2[%get3A, %get3A_4, %get3A_5] : memref<1x6x16384xf32, #tpu.memory_space<vmem>>, vector<1x6x16384xf32>
    %get3A_7 = vector.shape_cast %get3A_6 : vector<1x6x16384xf32> to vector<6x16384xf32>
    %broadcast_in_dim3A = arith.constant 1.000000e+00 : f32
    %broadcast_in_dim3A_8 = vector.broadcast %broadcast_in_dim3A : f32 to vector<1x16384xf32>
    %broadcast_in_dim3A_9 = arith.constant 0.000000e+00 : f32
    %broadcast_in_dim3A_10 = vector.broadcast %broadcast_in_dim3A_9 : f32 to vector<1x16384xf32>
    %concatenate3A = tpu.concatenate %get3A_7, %broadcast_in_dim3A_8, %broadcast_in_dim3A_10 in 0 : vector<6x16384xf32>, vector<1x16384xf32>, vector<1x16384xf32> -> vector<8x16384xf32>
    %get3A_11 = arith.constant 0 : index
    %get3A_12 = arith.constant 0 : index
    %get3A_13 = vector.load %arg3[%get3A_11, %get3A_12] : memref<8x8xf32, #tpu.memory_space<vmem>>, vector<8x8xf32>
    %dot_general3A = arith.constant dense<0.000000e+00> : vector<8x8xf32>
    %dot_general3A_14 = tpu.matmul %concatenate3A, %concatenate3A, %dot_general3A {dimension_numbers = #tpu.dot_dimension_numbers<[1], [1], [0], [0], [0, 0, 1, 0], [], []>, precision = #tpu.contract_precision<fp32>, transpose_lhs_hint = false} : vector<8x16384xf32>, vector<8x16384xf32>, vector<8x8xf32> -> vector<8x8xf32>
    %add3A = arith.addf %get3A_13, %dot_general3A_14 : vector<8x8xf32>
    %swap3A = arith.constant 0 : index
    %swap3A_15 = arith.constant 0 : index
    %swap3A_16 = vector.load %arg3[%swap3A, %swap3A_15] : memref<8x8xf32, #tpu.memory_space<vmem>>, vector<8x8xf32>
    tpu.vector_store %arg3[%swap3A, %swap3A_15], %add3A {strides = array<i32>} : memref<8x8xf32, #tpu.memory_space<vmem>>, vector<8x8xf32>,
    return
  }
  func.func @transform_0(%arg0: i32, %arg1: i32) -> (i32, i32, i32) {
    %c0_i32 = arith.constant 0 : i32
    %c0_i32_0 = arith.constant 0 : i32
    return %arg0, %c0_i32, %arg1 : i32, i32, i32
  }
  func.func @transform_1(%arg0: i32, %arg1: i32) -> (i32, i32) {
    %c0_i32 = arith.constant 0 : i32
    %c0_i32_0 = arith.constant 0 : i32
    %c0_i32_1 = arith.constant 0 : i32
    return %c0_i32, %c0_i32_0 : i32, i32
  }
}

module attributes {stable_mosaic.version = 14 : i64} {
  func.func @_layer_kernel(%arg0: i32, %arg1: i32, %arg2: memref<1x6x16384xf32, #tpu.memory_space<vmem>>, %arg3: memref<64x6xf32, #tpu.memory_space<vmem>>, %arg4: memref<64x3xf32, #tpu.memory_space<vmem>>, %arg5: memref<8x8xf32, #tpu.memory_space<vmem>>, %arg6: memref<1x64x16384xf32, #tpu.memory_space<vmem>>, %arg7: memref<72x72xf32, #tpu.memory_space<vmem>>) attributes {dimension_semantics = [#tpu.dimension_semantics<arbitrary>, #tpu.dimension_semantics<arbitrary>], iteration_bounds = array<i64: 2, 8>, scalar_prefetch = 0 : i64, scratch_operands = 0 : i64, tpu.core_type = #tpu.core_type<tc>, window_params = [{transform_indices = @transform_0, window_bounds = array<i64: 1, 6, 16384>}, {pipeline_mode = #tpu.pipeline_mode<synchronous>, transform_indices = @transform_1, window_bounds = array<i64: 64, 6>}, {pipeline_mode = #tpu.pipeline_mode<synchronous>, transform_indices = @transform_2, window_bounds = array<i64: 64, 3>}, {pipeline_mode = #tpu.pipeline_mode<synchronous>, transform_indices = @transform_3, window_bounds = array<i64: 8, 8>}, {transform_indices = @transform_4, window_bounds = array<i64: 1, 64, 16384>}, {pipeline_mode = #tpu.pipeline_mode<synchronous>, transform_indices = @transform_5, window_bounds = array<i64: 72, 72>}]} {
    %get3A = arith.constant 0 : index
    %get3A_0 = arith.constant 0 : index
    %get3A_1 = vector.load %arg3[%get3A, %get3A_0] : memref<64x6xf32, #tpu.memory_space<vmem>>, vector<64x6xf32>
    %get3A_2 = arith.constant 0 : index
    %get3A_3 = arith.constant 6 : index
    %get3A_4 = vector.load %arg5[%get3A_2, %get3A_3] : memref<8x8xf32, #tpu.memory_space<vmem>>, vector<6x1xf32>
    %mul3A = arith.constant 3.81469727E-6 : f32
    %mul3A_5 = vector.broadcast %mul3A : f32 to vector<6x1xf32>
    %mul3A_6 = arith.mulf %get3A_4, %mul3A_5 : vector<6x1xf32>
    %get3A_7 = arith.constant 0 : index
    %get3A_8 = arith.constant 0 : index
    %get3A_9 = vector.load %arg5[%get3A_7, %get3A_8] : memref<8x8xf32, #tpu.memory_space<vmem>>, vector<6x6xf32>
    %mul3A_10 = arith.constant 3.81469727E-6 : f32
    %mul3A_11 = vector.broadcast %mul3A_10 : f32 to vector<6x6xf32>
    %mul3A_12 = arith.mulf %get3A_9, %mul3A_11 : vector<6x6xf32>
    %transpose3A = tpu.transpose %mul3A_6, [1, 0] : vector<6x1xf32> -> vector<1x6xf32>
    %dot_general3A = arith.constant dense<0.000000e+00> : vector<6x6xf32>
    %dot_general3A_13 = tpu.matmul %mul3A_6, %transpose3A, %dot_general3A {dimension_numbers = #tpu.dot_dimension_numbers<[1], [0], [0], [1], [0, 0, 1, 1], [], []>, precision = #tpu.contract_precision<fp32>, transpose_lhs_hint = false} : vector<6x1xf32>, vector<1x6xf32>, vector<6x6xf32> -> vector<6x6xf32>
    %sub3A = arith.subf %mul3A_12, %dot_general3A_13 : vector<6x6xf32>
    %get3A_14 = arith.constant 0 : index
    %get3A_15 = arith.constant 0 : index
    %get3A_16 = vector.load %arg4[%get3A_14, %get3A_15] : memref<64x3xf32, #tpu.memory_space<vmem>>, vector<64x1xf32>
    %get3A_17 = arith.constant 0 : index
    %get3A_18 = arith.constant 1 : index
    %get3A_19 = vector.load %arg4[%get3A_17, %get3A_18] : memref<64x3xf32, #tpu.memory_space<vmem>>, vector<64x1xf32>
    %get3A_20 = arith.constant 0 : index
    %get3A_21 = arith.constant 2 : index
    %get3A_22 = vector.load %arg4[%get3A_20, %get3A_21] : memref<64x3xf32, #tpu.memory_space<vmem>>, vector<64x1xf32>
    %dot_general3A_23 = arith.constant dense<0.000000e+00> : vector<64x1xf32>
    %dot_general3A_24 = tpu.matmul %get3A_1, %mul3A_6, %dot_general3A_23 {dimension_numbers = #tpu.dot_dimension_numbers<[1], [0], [0], [1], [0, 0, 1, 1], [], []>, precision = #tpu.contract_precision<fp32>, transpose_lhs_hint = false} : vector<64x6xf32>, vector<6x1xf32>, vector<64x1xf32> -> vector<64x1xf32>
    %add3A = arith.addf %dot_general3A_24, %get3A_16 : vector<64x1xf32>
    %dot_general3A_25 = arith.constant dense<0.000000e+00> : vector<64x6xf32>
    %dot_general3A_26 = tpu.matmul %get3A_1, %sub3A, %dot_general3A_25 {dimension_numbers = #tpu.dot_dimension_numbers<[1], [0], [0], [1], [0, 0, 1, 1], [], []>, precision = #tpu.contract_precision<fp32>, transpose_lhs_hint = false} : vector<64x6xf32>, vector<6x6xf32>, vector<64x6xf32> -> vector<64x6xf32>
    %mul3A_27 = arith.mulf %dot_general3A_26, %get3A_1 : vector<64x6xf32>
    %reduce_sum3A = arith.constant dense<0.000000e+00> : vector<64xf32>
    %reduce_sum3A_28 = vector.multi_reduction <add>, %mul3A_27, %reduce_sum3A [1] : vector<64x6xf32> to vector<64xf32>
    %broadcast_in_dim3A = vector.shape_cast %reduce_sum3A_28 : vector<64xf32> to vector<64x1xf32>
    %add3A_29 = arith.constant 9.99999974E-6 : f32
    %add3A_30 = vector.broadcast %add3A_29 : f32 to vector<64x1xf32>
    %add3A_31 = arith.addf %broadcast_in_dim3A, %add3A_30 : vector<64x1xf32>
    %rsqrt3A = math.rsqrt %add3A_31 : vector<64x1xf32>
    %mul3A_32 = arith.mulf %get3A_19, %rsqrt3A : vector<64x1xf32>
    %sub3A_33 = arith.subf %get3A_16, %add3A : vector<64x1xf32>
    %mul3A_34 = arith.mulf %sub3A_33, %mul3A_32 : vector<64x1xf32>
    %add3A_35 = arith.addf %mul3A_34, %get3A_22 : vector<64x1xf32>
    %get3A_36 = arith.constant 0 : index
    %get3A_37 = arith.constant 0 : index
    %get3A_38 = arith.constant 0 : index
    %get3A_39 = vector.load %arg2[%get3A_36, %get3A_37, %get3A_38] : memref<1x6x16384xf32, #tpu.memory_space<vmem>>, vector<1x6x16384xf32>
    %get3A_40 = vector.shape_cast %get3A_39 : vector<1x6x16384xf32> to vector<6x16384xf32>
    %dot_general3A_41 = arith.constant dense<0.000000e+00> : vector<64x16384xf32>
    %dot_general3A_42 = tpu.matmul %get3A_1, %get3A_40, %dot_general3A_41 {dimension_numbers = #tpu.dot_dimension_numbers<[1], [0], [0], [1], [0, 0, 1, 1], [], []>, precision = #tpu.contract_precision<fp32>, transpose_lhs_hint = false} : vector<64x6xf32>, vector<6x16384xf32>, vector<64x16384xf32> -> vector<64x16384xf32>
    %mul3A_43 = vector.broadcast %mul3A_32 : vector<64x1xf32> to vector<64x16384xf32>
    %mul3A_44 = arith.mulf %dot_general3A_42, %mul3A_43 : vector<64x16384xf32>
    %add3A_45 = vector.broadcast %add3A_35 : vector<64x1xf32> to vector<64x16384xf32>
    %add3A_46 = arith.addf %mul3A_44, %add3A_45 : vector<64x16384xf32>
    %max3A = arith.constant 0.000000e+00 : f32
    %max3A_47 = vector.broadcast %max3A : f32 to vector<64x16384xf32>
    %max3A_48 = arith.maximumf %add3A_46, %max3A_47 : vector<64x16384xf32>
    %swap3A = arith.constant 0 : index
    %swap3A_49 = arith.constant 0 : index
    %swap3A_50 = arith.constant 0 : index
    %swap3A_51 = vector.load %arg6[%swap3A, %swap3A_49, %swap3A_50] : memref<1x64x16384xf32, #tpu.memory_space<vmem>>, vector<1x64x16384xf32>
    %swap3A_52 = vector.shape_cast %swap3A_51 : vector<1x64x16384xf32> to vector<64x16384xf32>
    %swap3A_53 = vector.shape_cast %max3A_48 : vector<64x16384xf32> to vector<1x64x16384xf32>
    tpu.vector_store %arg6[%swap3A, %swap3A_49, %swap3A_50], %swap3A_53 {strides = array<i32>} : memref<1x64x16384xf32, #tpu.memory_space<vmem>>, vector<1x64x16384xf32>,
    %eq3A = arith.constant 0 : i32
    %eq3A_54 = arith.cmpi eq, %arg0, %eq3A : i32
    %eq3A_55 = arith.constant 0 : i32
    %eq3A_56 = arith.cmpi eq, %arg1, %eq3A_55 : i32
    %and3A = arith.andi %eq3A_54, %eq3A_56 : i1
    %convert_element_type3A = arith.extui %and3A : i1 to i32
    %cond3A = arith.constant 0 : i32
    %cond3A_57 = arith.cmpi ne, %convert_element_type3A, %cond3A : i32
    scf.if %cond3A_57 {
      %broadcast_in_dim3A_71 = arith.constant 0.000000e+00 : f32
      %broadcast_in_dim3A_72 = vector.broadcast %broadcast_in_dim3A_71 : f32 to vector<72x72xf32>
      %swap3A_73 = arith.constant 0 : index
      %swap3A_74 = arith.constant 0 : index
      %swap3A_75 = vector.load %arg7[%swap3A_73, %swap3A_74] : memref<72x72xf32, #tpu.memory_space<vmem>>, vector<72x72xf32>
      tpu.vector_store %arg7[%swap3A_73, %swap3A_74], %broadcast_in_dim3A_72 {strides = array<i32>} : memref<72x72xf32, #tpu.memory_space<vmem>>, vector<72x72xf32>,
    } else {
    }
    %broadcast_in_dim3A_58 = arith.constant 1.000000e+00 : f32
    %broadcast_in_dim3A_59 = vector.broadcast %broadcast_in_dim3A_58 : f32 to vector<1x16384xf32>
    %broadcast_in_dim3A_60 = arith.constant 0.000000e+00 : f32
    %broadcast_in_dim3A_61 = vector.broadcast %broadcast_in_dim3A_60 : f32 to vector<7x16384xf32>
    %concatenate3A = tpu.concatenate %max3A_48, %broadcast_in_dim3A_59, %broadcast_in_dim3A_61 in 0 : vector<64x16384xf32>, vector<1x16384xf32>, vector<7x16384xf32> -> vector<72x16384xf32>
    %get3A_62 = arith.constant 0 : index
    %get3A_63 = arith.constant 0 : index
    %get3A_64 = vector.load %arg7[%get3A_62, %get3A_63] : memref<72x72xf32, #tpu.memory_space<vmem>>, vector<72x72xf32>
    %dot_general3A_65 = arith.constant dense<0.000000e+00> : vector<72x72xf32>
    %dot_general3A_66 = tpu.matmul %concatenate3A, %concatenate3A, %dot_general3A_65 {dimension_numbers = #tpu.dot_dimension_numbers<[1], [1], [0], [0], [0, 0, 1, 0], [], []>, precision = #tpu.contract_precision<fp32>, transpose_lhs_hint = false} : vector<72x16384xf32>, vector<72x16384xf32>, vector<72x72xf32> -> vector<72x72xf32>
    %add3A_67 = arith.addf %get3A_64, %dot_general3A_66 : vector<72x72xf32>
    %swap3A_68 = arith.constant 0 : index
    %swap3A_69 = arith.constant 0 : index
    %swap3A_70 = vector.load %arg7[%swap3A_68, %swap3A_69] : memref<72x72xf32, #tpu.memory_space<vmem>>, vector<72x72xf32>
    tpu.vector_store %arg7[%swap3A_68, %swap3A_69], %add3A_67 {strides = array<i32>} : memref<72x72xf32, #tpu.memory_space<vmem>>, vector<72x72xf32>,
    return
  }
  func.func @transform_0(%arg0: i32, %arg1: i32) -> (i32, i32, i32) {
    %c0_i32 = arith.constant 0 : i32
    %c0_i32_0 = arith.constant 0 : i32
    return %arg0, %c0_i32, %arg1 : i32, i32, i32
  }
  func.func @transform_1(%arg0: i32, %arg1: i32) -> (i32, i32) {
    %c0_i32 = arith.constant 0 : i32
    %c0_i32_0 = arith.constant 0 : i32
    %c0_i32_1 = arith.constant 0 : i32
    return %c0_i32, %c0_i32_0 : i32, i32
  }
  func.func @transform_2(%arg0: i32, %arg1: i32) -> (i32, i32) {
    %c0_i32 = arith.constant 0 : i32
    %c0_i32_0 = arith.constant 0 : i32
    %c0_i32_1 = arith.constant 0 : i32
    return %c0_i32, %c0_i32_0 : i32, i32
  }
  func.func @transform_3(%arg0: i32, %arg1: i32) -> (i32, i32) {
    %c0_i32 = arith.constant 0 : i32
    %c0_i32_0 = arith.constant 0 : i32
    %c0_i32_1 = arith.constant 0 : i32
    return %c0_i32, %c0_i32_0 : i32, i32
  }
  func.func @transform_4(%arg0: i32, %arg1: i32) -> (i32, i32, i32) {
    %c0_i32 = arith.constant 0 : i32
    %c0_i32_0 = arith.constant 0 : i32
    return %arg0, %c0_i32, %arg1 : i32, i32, i32
  }
  func.func @transform_5(%arg0: i32, %arg1: i32) -> (i32, i32) {
    %c0_i32 = arith.constant 0 : i32
    %c0_i32_0 = arith.constant 0 : i32
    %c0_i32_1 = arith.constant 0 : i32
    return %c0_i32, %c0_i32_0 : i32, i32
  }
}

module attributes {stable_mosaic.version = 14 : i64} {
  func.func @_layer_kernel(%arg0: i32, %arg1: i32, %arg2: memref<1x64x16384xf32, #tpu.memory_space<vmem>>, %arg3: memref<96x64xf32, #tpu.memory_space<vmem>>, %arg4: memref<96x3xf32, #tpu.memory_space<vmem>>, %arg5: memref<72x72xf32, #tpu.memory_space<vmem>>, %arg6: memref<1x96x16384xf32, #tpu.memory_space<vmem>>, %arg7: memref<104x104xf32, #tpu.memory_space<vmem>>) attributes {dimension_semantics = [#tpu.dimension_semantics<arbitrary>, #tpu.dimension_semantics<arbitrary>], iteration_bounds = array<i64: 2, 8>, scalar_prefetch = 0 : i64, scratch_operands = 0 : i64, tpu.core_type = #tpu.core_type<tc>, window_params = [{transform_indices = @transform_0, window_bounds = array<i64: 1, 64, 16384>}, {pipeline_mode = #tpu.pipeline_mode<synchronous>, transform_indices = @transform_1, window_bounds = array<i64: 96, 64>}, {pipeline_mode = #tpu.pipeline_mode<synchronous>, transform_indices = @transform_2, window_bounds = array<i64: 96, 3>}, {pipeline_mode = #tpu.pipeline_mode<synchronous>, transform_indices = @transform_3, window_bounds = array<i64: 72, 72>}, {transform_indices = @transform_4, window_bounds = array<i64: 1, 96, 16384>}, {pipeline_mode = #tpu.pipeline_mode<synchronous>, transform_indices = @transform_5, window_bounds = array<i64: 104, 104>}]} {
    %get3A = arith.constant 0 : index
    %get3A_0 = arith.constant 0 : index
    %get3A_1 = vector.load %arg3[%get3A, %get3A_0] : memref<96x64xf32, #tpu.memory_space<vmem>>, vector<96x64xf32>
    %get3A_2 = arith.constant 0 : index
    %get3A_3 = arith.constant 64 : index
    %get3A_4 = vector.load %arg5[%get3A_2, %get3A_3] : memref<72x72xf32, #tpu.memory_space<vmem>>, vector<64x1xf32>
    %mul3A = arith.constant 3.81469727E-6 : f32
    %mul3A_5 = vector.broadcast %mul3A : f32 to vector<64x1xf32>
    %mul3A_6 = arith.mulf %get3A_4, %mul3A_5 : vector<64x1xf32>
    %get3A_7 = arith.constant 0 : index
    %get3A_8 = arith.constant 0 : index
    %get3A_9 = vector.load %arg5[%get3A_7, %get3A_8] : memref<72x72xf32, #tpu.memory_space<vmem>>, vector<64x64xf32>
    %mul3A_10 = arith.constant 3.81469727E-6 : f32
    %mul3A_11 = vector.broadcast %mul3A_10 : f32 to vector<64x64xf32>
    %mul3A_12 = arith.mulf %get3A_9, %mul3A_11 : vector<64x64xf32>
    %transpose3A = tpu.transpose %mul3A_6, [1, 0] : vector<64x1xf32> -> vector<1x64xf32>
    %dot_general3A = arith.constant dense<0.000000e+00> : vector<64x64xf32>
    %dot_general3A_13 = tpu.matmul %mul3A_6, %transpose3A, %dot_general3A {dimension_numbers = #tpu.dot_dimension_numbers<[1], [0], [0], [1], [0, 0, 1, 1], [], []>, precision = #tpu.contract_precision<fp32>, transpose_lhs_hint = false} : vector<64x1xf32>, vector<1x64xf32>, vector<64x64xf32> -> vector<64x64xf32>
    %sub3A = arith.subf %mul3A_12, %dot_general3A_13 : vector<64x64xf32>
    %get3A_14 = arith.constant 0 : index
    %get3A_15 = arith.constant 0 : index
    %get3A_16 = vector.load %arg4[%get3A_14, %get3A_15] : memref<96x3xf32, #tpu.memory_space<vmem>>, vector<96x1xf32>
    %get3A_17 = arith.constant 0 : index
    %get3A_18 = arith.constant 1 : index
    %get3A_19 = vector.load %arg4[%get3A_17, %get3A_18] : memref<96x3xf32, #tpu.memory_space<vmem>>, vector<96x1xf32>
    %get3A_20 = arith.constant 0 : index
    %get3A_21 = arith.constant 2 : index
    %get3A_22 = vector.load %arg4[%get3A_20, %get3A_21] : memref<96x3xf32, #tpu.memory_space<vmem>>, vector<96x1xf32>
    %dot_general3A_23 = arith.constant dense<0.000000e+00> : vector<96x1xf32>
    %dot_general3A_24 = tpu.matmul %get3A_1, %mul3A_6, %dot_general3A_23 {dimension_numbers = #tpu.dot_dimension_numbers<[1], [0], [0], [1], [0, 0, 1, 1], [], []>, precision = #tpu.contract_precision<fp32>, transpose_lhs_hint = false} : vector<96x64xf32>, vector<64x1xf32>, vector<96x1xf32> -> vector<96x1xf32>
    %add3A = arith.addf %dot_general3A_24, %get3A_16 : vector<96x1xf32>
    %dot_general3A_25 = arith.constant dense<0.000000e+00> : vector<96x64xf32>
    %dot_general3A_26 = tpu.matmul %get3A_1, %sub3A, %dot_general3A_25 {dimension_numbers = #tpu.dot_dimension_numbers<[1], [0], [0], [1], [0, 0, 1, 1], [], []>, precision = #tpu.contract_precision<fp32>, transpose_lhs_hint = false} : vector<96x64xf32>, vector<64x64xf32>, vector<96x64xf32> -> vector<96x64xf32>
    %mul3A_27 = arith.mulf %dot_general3A_26, %get3A_1 : vector<96x64xf32>
    %reduce_sum3A = arith.constant dense<0.000000e+00> : vector<96xf32>
    %reduce_sum3A_28 = vector.multi_reduction <add>, %mul3A_27, %reduce_sum3A [1] : vector<96x64xf32> to vector<96xf32>
    %broadcast_in_dim3A = vector.shape_cast %reduce_sum3A_28 : vector<96xf32> to vector<96x1xf32>
    %add3A_29 = arith.constant 9.99999974E-6 : f32
    %add3A_30 = vector.broadcast %add3A_29 : f32 to vector<96x1xf32>
    %add3A_31 = arith.addf %broadcast_in_dim3A, %add3A_30 : vector<96x1xf32>
    %rsqrt3A = math.rsqrt %add3A_31 : vector<96x1xf32>
    %mul3A_32 = arith.mulf %get3A_19, %rsqrt3A : vector<96x1xf32>
    %sub3A_33 = arith.subf %get3A_16, %add3A : vector<96x1xf32>
    %mul3A_34 = arith.mulf %sub3A_33, %mul3A_32 : vector<96x1xf32>
    %add3A_35 = arith.addf %mul3A_34, %get3A_22 : vector<96x1xf32>
    %get3A_36 = arith.constant 0 : index
    %get3A_37 = arith.constant 0 : index
    %get3A_38 = arith.constant 0 : index
    %get3A_39 = vector.load %arg2[%get3A_36, %get3A_37, %get3A_38] : memref<1x64x16384xf32, #tpu.memory_space<vmem>>, vector<1x64x16384xf32>
    %get3A_40 = vector.shape_cast %get3A_39 : vector<1x64x16384xf32> to vector<64x16384xf32>
    %dot_general3A_41 = arith.constant dense<0.000000e+00> : vector<96x16384xf32>
    %dot_general3A_42 = tpu.matmul %get3A_1, %get3A_40, %dot_general3A_41 {dimension_numbers = #tpu.dot_dimension_numbers<[1], [0], [0], [1], [0, 0, 1, 1], [], []>, precision = #tpu.contract_precision<fp32>, transpose_lhs_hint = false} : vector<96x64xf32>, vector<64x16384xf32>, vector<96x16384xf32> -> vector<96x16384xf32>
    %mul3A_43 = vector.broadcast %mul3A_32 : vector<96x1xf32> to vector<96x16384xf32>
    %mul3A_44 = arith.mulf %dot_general3A_42, %mul3A_43 : vector<96x16384xf32>
    %add3A_45 = vector.broadcast %add3A_35 : vector<96x1xf32> to vector<96x16384xf32>
    %add3A_46 = arith.addf %mul3A_44, %add3A_45 : vector<96x16384xf32>
    %max3A = arith.constant 0.000000e+00 : f32
    %max3A_47 = vector.broadcast %max3A : f32 to vector<96x16384xf32>
    %max3A_48 = arith.maximumf %add3A_46, %max3A_47 : vector<96x16384xf32>
    %swap3A = arith.constant 0 : index
    %swap3A_49 = arith.constant 0 : index
    %swap3A_50 = arith.constant 0 : index
    %swap3A_51 = vector.load %arg6[%swap3A, %swap3A_49, %swap3A_50] : memref<1x96x16384xf32, #tpu.memory_space<vmem>>, vector<1x96x16384xf32>
    %swap3A_52 = vector.shape_cast %swap3A_51 : vector<1x96x16384xf32> to vector<96x16384xf32>
    %swap3A_53 = vector.shape_cast %max3A_48 : vector<96x16384xf32> to vector<1x96x16384xf32>
    tpu.vector_store %arg6[%swap3A, %swap3A_49, %swap3A_50], %swap3A_53 {strides = array<i32>} : memref<1x96x16384xf32, #tpu.memory_space<vmem>>, vector<1x96x16384xf32>,
    %eq3A = arith.constant 0 : i32
    %eq3A_54 = arith.cmpi eq, %arg0, %eq3A : i32
    %eq3A_55 = arith.constant 0 : i32
    %eq3A_56 = arith.cmpi eq, %arg1, %eq3A_55 : i32
    %and3A = arith.andi %eq3A_54, %eq3A_56 : i1
    %convert_element_type3A = arith.extui %and3A : i1 to i32
    %cond3A = arith.constant 0 : i32
    %cond3A_57 = arith.cmpi ne, %convert_element_type3A, %cond3A : i32
    scf.if %cond3A_57 {
      %broadcast_in_dim3A_71 = arith.constant 0.000000e+00 : f32
      %broadcast_in_dim3A_72 = vector.broadcast %broadcast_in_dim3A_71 : f32 to vector<104x104xf32>
      %swap3A_73 = arith.constant 0 : index
      %swap3A_74 = arith.constant 0 : index
      %swap3A_75 = vector.load %arg7[%swap3A_73, %swap3A_74] : memref<104x104xf32, #tpu.memory_space<vmem>>, vector<104x104xf32>
      tpu.vector_store %arg7[%swap3A_73, %swap3A_74], %broadcast_in_dim3A_72 {strides = array<i32>} : memref<104x104xf32, #tpu.memory_space<vmem>>, vector<104x104xf32>,
    } else {
    }
    %broadcast_in_dim3A_58 = arith.constant 1.000000e+00 : f32
    %broadcast_in_dim3A_59 = vector.broadcast %broadcast_in_dim3A_58 : f32 to vector<1x16384xf32>
    %broadcast_in_dim3A_60 = arith.constant 0.000000e+00 : f32
    %broadcast_in_dim3A_61 = vector.broadcast %broadcast_in_dim3A_60 : f32 to vector<7x16384xf32>
    %concatenate3A = tpu.concatenate %max3A_48, %broadcast_in_dim3A_59, %broadcast_in_dim3A_61 in 0 : vector<96x16384xf32>, vector<1x16384xf32>, vector<7x16384xf32> -> vector<104x16384xf32>
    %get3A_62 = arith.constant 0 : index
    %get3A_63 = arith.constant 0 : index
    %get3A_64 = vector.load %arg7[%get3A_62, %get3A_63] : memref<104x104xf32, #tpu.memory_space<vmem>>, vector<104x104xf32>
    %dot_general3A_65 = arith.constant dense<0.000000e+00> : vector<104x104xf32>
    %dot_general3A_66 = tpu.matmul %concatenate3A, %concatenate3A, %dot_general3A_65 {dimension_numbers = #tpu.dot_dimension_numbers<[1], [1], [0], [0], [0, 0, 1, 0], [], []>, precision = #tpu.contract_precision<fp32>, transpose_lhs_hint = false} : vector<104x16384xf32>, vector<104x16384xf32>, vector<104x104xf32> -> vector<104x104xf32>
    %add3A_67 = arith.addf %get3A_64, %dot_general3A_66 : vector<104x104xf32>
    %swap3A_68 = arith.constant 0 : index
    %swap3A_69 = arith.constant 0 : index
    %swap3A_70 = vector.load %arg7[%swap3A_68, %swap3A_69] : memref<104x104xf32, #tpu.memory_space<vmem>>, vector<104x104xf32>
    tpu.vector_store %arg7[%swap3A_68, %swap3A_69], %add3A_67 {strides = array<i32>} : memref<104x104xf32, #tpu.memory_space<vmem>>, vector<104x104xf32>,
    return
  }
  func.func @transform_0(%arg0: i32, %arg1: i32) -> (i32, i32, i32) {
    %c0_i32 = arith.constant 0 : i32
    %c0_i32_0 = arith.constant 0 : i32
    return %arg0, %c0_i32, %arg1 : i32, i32, i32
  }
  func.func @transform_1(%arg0: i32, %arg1: i32) -> (i32, i32) {
    %c0_i32 = arith.constant 0 : i32
    %c0_i32_0 = arith.constant 0 : i32
    %c0_i32_1 = arith.constant 0 : i32
    return %c0_i32, %c0_i32_0 : i32, i32
  }
  func.func @transform_2(%arg0: i32, %arg1: i32) -> (i32, i32) {
    %c0_i32 = arith.constant 0 : i32
    %c0_i32_0 = arith.constant 0 : i32
    %c0_i32_1 = arith.constant 0 : i32
    return %c0_i32, %c0_i32_0 : i32, i32
  }
  func.func @transform_3(%arg0: i32, %arg1: i32) -> (i32, i32) {
    %c0_i32 = arith.constant 0 : i32
    %c0_i32_0 = arith.constant 0 : i32
    %c0_i32_1 = arith.constant 0 : i32
    return %c0_i32, %c0_i32_0 : i32, i32
  }
  func.func @transform_4(%arg0: i32, %arg1: i32) -> (i32, i32, i32) {
    %c0_i32 = arith.constant 0 : i32
    %c0_i32_0 = arith.constant 0 : i32
    return %arg0, %c0_i32, %arg1 : i32, i32, i32
  }
  func.func @transform_5(%arg0: i32, %arg1: i32) -> (i32, i32) {
    %c0_i32 = arith.constant 0 : i32
    %c0_i32_0 = arith.constant 0 : i32
    %c0_i32_1 = arith.constant 0 : i32
    return %c0_i32, %c0_i32_0 : i32, i32
  }
}

module attributes {stable_mosaic.version = 14 : i64} {
  func.func @_last_kernel(%arg0: i32, %arg1: i32, %arg2: memref<1x96x16384xf32, #tpu.memory_space<vmem>>, %arg3: memref<128x96xf32, #tpu.memory_space<vmem>>, %arg4: memref<128x3xf32, #tpu.memory_space<vmem>>, %arg5: memref<104x104xf32, #tpu.memory_space<vmem>>, %arg6: memref<1x128x16384xf32, #tpu.memory_space<vmem>>) attributes {dimension_semantics = [#tpu.dimension_semantics<arbitrary>, #tpu.dimension_semantics<arbitrary>], iteration_bounds = array<i64: 2, 8>, scalar_prefetch = 0 : i64, scratch_operands = 0 : i64, tpu.core_type = #tpu.core_type<tc>, window_params = [{transform_indices = @transform_0, window_bounds = array<i64: 1, 96, 16384>}, {pipeline_mode = #tpu.pipeline_mode<synchronous>, transform_indices = @transform_1, window_bounds = array<i64: 128, 96>}, {pipeline_mode = #tpu.pipeline_mode<synchronous>, transform_indices = @transform_2, window_bounds = array<i64: 128, 3>}, {pipeline_mode = #tpu.pipeline_mode<synchronous>, transform_indices = @transform_3, window_bounds = array<i64: 104, 104>}, {transform_indices = @transform_4, window_bounds = array<i64: 1, 128, 16384>}]} {
    %get3A = arith.constant 0 : index
    %get3A_0 = arith.constant 0 : index
    %get3A_1 = vector.load %arg3[%get3A, %get3A_0] : memref<128x96xf32, #tpu.memory_space<vmem>>, vector<128x96xf32>
    %get3A_2 = arith.constant 0 : index
    %get3A_3 = arith.constant 96 : index
    %get3A_4 = vector.load %arg5[%get3A_2, %get3A_3] : memref<104x104xf32, #tpu.memory_space<vmem>>, vector<96x1xf32>
    %mul3A = arith.constant 3.81469727E-6 : f32
    %mul3A_5 = vector.broadcast %mul3A : f32 to vector<96x1xf32>
    %mul3A_6 = arith.mulf %get3A_4, %mul3A_5 : vector<96x1xf32>
    %get3A_7 = arith.constant 0 : index
    %get3A_8 = arith.constant 0 : index
    %get3A_9 = vector.load %arg5[%get3A_7, %get3A_8] : memref<104x104xf32, #tpu.memory_space<vmem>>, vector<96x96xf32>
    %mul3A_10 = arith.constant 3.81469727E-6 : f32
    %mul3A_11 = vector.broadcast %mul3A_10 : f32 to vector<96x96xf32>
    %mul3A_12 = arith.mulf %get3A_9, %mul3A_11 : vector<96x96xf32>
    %transpose3A = tpu.transpose %mul3A_6, [1, 0] : vector<96x1xf32> -> vector<1x96xf32>
    %dot_general3A = arith.constant dense<0.000000e+00> : vector<96x96xf32>
    %dot_general3A_13 = tpu.matmul %mul3A_6, %transpose3A, %dot_general3A {dimension_numbers = #tpu.dot_dimension_numbers<[1], [0], [0], [1], [0, 0, 1, 1], [], []>, precision = #tpu.contract_precision<fp32>, transpose_lhs_hint = false} : vector<96x1xf32>, vector<1x96xf32>, vector<96x96xf32> -> vector<96x96xf32>
    %sub3A = arith.subf %mul3A_12, %dot_general3A_13 : vector<96x96xf32>
    %get3A_14 = arith.constant 0 : index
    %get3A_15 = arith.constant 0 : index
    %get3A_16 = vector.load %arg4[%get3A_14, %get3A_15] : memref<128x3xf32, #tpu.memory_space<vmem>>, vector<128x1xf32>
    %get3A_17 = arith.constant 0 : index
    %get3A_18 = arith.constant 1 : index
    %get3A_19 = vector.load %arg4[%get3A_17, %get3A_18] : memref<128x3xf32, #tpu.memory_space<vmem>>, vector<128x1xf32>
    %get3A_20 = arith.constant 0 : index
    %get3A_21 = arith.constant 2 : index
    %get3A_22 = vector.load %arg4[%get3A_20, %get3A_21] : memref<128x3xf32, #tpu.memory_space<vmem>>, vector<128x1xf32>
    %dot_general3A_23 = arith.constant dense<0.000000e+00> : vector<128x1xf32>
    %dot_general3A_24 = tpu.matmul %get3A_1, %mul3A_6, %dot_general3A_23 {dimension_numbers = #tpu.dot_dimension_numbers<[1], [0], [0], [1], [0, 0, 1, 1], [], []>, precision = #tpu.contract_precision<fp32>, transpose_lhs_hint = false} : vector<128x96xf32>, vector<96x1xf32>, vector<128x1xf32> -> vector<128x1xf32>
    %add3A = arith.addf %dot_general3A_24, %get3A_16 : vector<128x1xf32>
    %dot_general3A_25 = arith.constant dense<0.000000e+00> : vector<128x96xf32>
    %dot_general3A_26 = tpu.matmul %get3A_1, %sub3A, %dot_general3A_25 {dimension_numbers = #tpu.dot_dimension_numbers<[1], [0], [0], [1], [0, 0, 1, 1], [], []>, precision = #tpu.contract_precision<fp32>, transpose_lhs_hint = false} : vector<128x96xf32>, vector<96x96xf32>, vector<128x96xf32> -> vector<128x96xf32>
    %mul3A_27 = arith.mulf %dot_general3A_26, %get3A_1 : vector<128x96xf32>
    %reduce_sum3A = arith.constant dense<0.000000e+00> : vector<128xf32>
    %reduce_sum3A_28 = vector.multi_reduction <add>, %mul3A_27, %reduce_sum3A [1] : vector<128x96xf32> to vector<128xf32>
    %broadcast_in_dim3A = vector.shape_cast %reduce_sum3A_28 : vector<128xf32> to vector<128x1xf32>
    %add3A_29 = arith.constant 9.99999974E-6 : f32
    %add3A_30 = vector.broadcast %add3A_29 : f32 to vector<128x1xf32>
    %add3A_31 = arith.addf %broadcast_in_dim3A, %add3A_30 : vector<128x1xf32>
    %rsqrt3A = math.rsqrt %add3A_31 : vector<128x1xf32>
    %mul3A_32 = arith.mulf %get3A_19, %rsqrt3A : vector<128x1xf32>
    %sub3A_33 = arith.subf %get3A_16, %add3A : vector<128x1xf32>
    %mul3A_34 = arith.mulf %sub3A_33, %mul3A_32 : vector<128x1xf32>
    %add3A_35 = arith.addf %mul3A_34, %get3A_22 : vector<128x1xf32>
    %get3A_36 = arith.constant 0 : index
    %get3A_37 = arith.constant 0 : index
    %get3A_38 = arith.constant 0 : index
    %get3A_39 = vector.load %arg2[%get3A_36, %get3A_37, %get3A_38] : memref<1x96x16384xf32, #tpu.memory_space<vmem>>, vector<1x96x16384xf32>
    %get3A_40 = vector.shape_cast %get3A_39 : vector<1x96x16384xf32> to vector<96x16384xf32>
    %dot_general3A_41 = arith.constant dense<0.000000e+00> : vector<128x16384xf32>
    %dot_general3A_42 = tpu.matmul %get3A_1, %get3A_40, %dot_general3A_41 {dimension_numbers = #tpu.dot_dimension_numbers<[1], [0], [0], [1], [0, 0, 1, 1], [], []>, precision = #tpu.contract_precision<fp32>, transpose_lhs_hint = false} : vector<128x96xf32>, vector<96x16384xf32>, vector<128x16384xf32> -> vector<128x16384xf32>
    %mul3A_43 = vector.broadcast %mul3A_32 : vector<128x1xf32> to vector<128x16384xf32>
    %mul3A_44 = arith.mulf %dot_general3A_42, %mul3A_43 : vector<128x16384xf32>
    %add3A_45 = vector.broadcast %add3A_35 : vector<128x1xf32> to vector<128x16384xf32>
    %add3A_46 = arith.addf %mul3A_44, %add3A_45 : vector<128x16384xf32>
    %max3A = arith.constant 0.000000e+00 : f32
    %max3A_47 = vector.broadcast %max3A : f32 to vector<128x16384xf32>
    %max3A_48 = arith.maximumf %add3A_46, %max3A_47 : vector<128x16384xf32>
    %swap3A = arith.constant 0 : index
    %swap3A_49 = arith.constant 0 : index
    %swap3A_50 = arith.constant 0 : index
    %swap3A_51 = vector.load %arg6[%swap3A, %swap3A_49, %swap3A_50] : memref<1x128x16384xf32, #tpu.memory_space<vmem>>, vector<1x128x16384xf32>
    %swap3A_52 = vector.shape_cast %swap3A_51 : vector<1x128x16384xf32> to vector<128x16384xf32>
    %swap3A_53 = vector.shape_cast %max3A_48 : vector<128x16384xf32> to vector<1x128x16384xf32>
    tpu.vector_store %arg6[%swap3A, %swap3A_49, %swap3A_50], %swap3A_53 {strides = array<i32>} : memref<1x128x16384xf32, #tpu.memory_space<vmem>>, vector<1x128x16384xf32>,
    return
  }
  func.func @transform_0(%arg0: i32, %arg1: i32) -> (i32, i32, i32) {
    %c0_i32 = arith.constant 0 : i32
    %c0_i32_0 = arith.constant 0 : i32
    return %arg0, %c0_i32, %arg1 : i32, i32, i32
  }
  func.func @transform_1(%arg0: i32, %arg1: i32) -> (i32, i32) {
    %c0_i32 = arith.constant 0 : i32
    %c0_i32_0 = arith.constant 0 : i32
    %c0_i32_1 = arith.constant 0 : i32
    return %c0_i32, %c0_i32_0 : i32, i32
  }
  func.func @transform_2(%arg0: i32, %arg1: i32) -> (i32, i32) {
    %c0_i32 = arith.constant 0 : i32
    %c0_i32_0 = arith.constant 0 : i32
    %c0_i32_1 = arith.constant 0 : i32
    return %c0_i32, %c0_i32_0 : i32, i32
  }
  func.func @transform_3(%arg0: i32, %arg1: i32) -> (i32, i32) {
    %c0_i32 = arith.constant 0 : i32
    %c0_i32_0 = arith.constant 0 : i32
    %c0_i32_1 = arith.constant 0 : i32
    return %c0_i32, %c0_i32_0 : i32, i32
  }
  func.func @transform_4(%arg0: i32, %arg1: i32) -> (i32, i32, i32) {
    %c0_i32 = arith.constant 0 : i32
    %c0_i32_0 = arith.constant 0 : i32
    return %arg0, %c0_i32, %arg1 : i32, i32, i32
  }
}

module attributes {stable_mosaic.version = 14 : i64} {
  func.func @_mom_kernel(%arg0: i32, %arg1: i32, %arg2: memref<1x6x8192xf32, #tpu.memory_space<vmem>>, %arg3: memref<8x8xf32, #tpu.memory_space<vmem>>) attributes {dimension_semantics = [#tpu.dimension_semantics<arbitrary>, #tpu.dimension_semantics<arbitrary>], iteration_bounds = array<i64: 2, 8>, scalar_prefetch = 0 : i64, scratch_operands = 0 : i64, tpu.core_type = #tpu.core_type<tc>, window_params = [{transform_indices = @transform_0, window_bounds = array<i64: 1, 6, 8192>}, {pipeline_mode = #tpu.pipeline_mode<synchronous>, transform_indices = @transform_1, window_bounds = array<i64: 8, 8>}]} {
    %eq3A = arith.constant 0 : i32
    %eq3A_0 = arith.cmpi eq, %arg0, %eq3A : i32
    %eq3A_1 = arith.constant 0 : i32
    %eq3A_2 = arith.cmpi eq, %arg1, %eq3A_1 : i32
    %and3A = arith.andi %eq3A_0, %eq3A_2 : i1
    %convert_element_type3A = arith.extui %and3A : i1 to i32
    %cond3A = arith.constant 0 : i32
    %cond3A_3 = arith.cmpi ne, %convert_element_type3A, %cond3A : i32
    scf.if %cond3A_3 {
      %broadcast_in_dim3A_17 = arith.constant 0.000000e+00 : f32
      %broadcast_in_dim3A_18 = vector.broadcast %broadcast_in_dim3A_17 : f32 to vector<8x8xf32>
      %swap3A_19 = arith.constant 0 : index
      %swap3A_20 = arith.constant 0 : index
      %swap3A_21 = vector.load %arg3[%swap3A_19, %swap3A_20] : memref<8x8xf32, #tpu.memory_space<vmem>>, vector<8x8xf32>
      tpu.vector_store %arg3[%swap3A_19, %swap3A_20], %broadcast_in_dim3A_18 {strides = array<i32>} : memref<8x8xf32, #tpu.memory_space<vmem>>, vector<8x8xf32>,
    } else {
    }
    %get3A = arith.constant 0 : index
    %get3A_4 = arith.constant 0 : index
    %get3A_5 = arith.constant 0 : index
    %get3A_6 = vector.load %arg2[%get3A, %get3A_4, %get3A_5] : memref<1x6x8192xf32, #tpu.memory_space<vmem>>, vector<1x6x8192xf32>
    %get3A_7 = vector.shape_cast %get3A_6 : vector<1x6x8192xf32> to vector<6x8192xf32>
    %broadcast_in_dim3A = arith.constant 1.000000e+00 : f32
    %broadcast_in_dim3A_8 = vector.broadcast %broadcast_in_dim3A : f32 to vector<1x8192xf32>
    %broadcast_in_dim3A_9 = arith.constant 0.000000e+00 : f32
    %broadcast_in_dim3A_10 = vector.broadcast %broadcast_in_dim3A_9 : f32 to vector<1x8192xf32>
    %concatenate3A = tpu.concatenate %get3A_7, %broadcast_in_dim3A_8, %broadcast_in_dim3A_10 in 0 : vector<6x8192xf32>, vector<1x8192xf32>, vector<1x8192xf32> -> vector<8x8192xf32>
    %get3A_11 = arith.constant 0 : index
    %get3A_12 = arith.constant 0 : index
    %get3A_13 = vector.load %arg3[%get3A_11, %get3A_12] : memref<8x8xf32, #tpu.memory_space<vmem>>, vector<8x8xf32>
    %dot_general3A = arith.constant dense<0.000000e+00> : vector<8x8xf32>
    %dot_general3A_14 = tpu.matmul %concatenate3A, %concatenate3A, %dot_general3A {dimension_numbers = #tpu.dot_dimension_numbers<[1], [1], [0], [0], [0, 0, 1, 0], [], []>, precision = #tpu.contract_precision<fp32>, transpose_lhs_hint = false} : vector<8x8192xf32>, vector<8x8192xf32>, vector<8x8xf32> -> vector<8x8xf32>
    %add3A = arith.addf %get3A_13, %dot_general3A_14 : vector<8x8xf32>
    %swap3A = arith.constant 0 : index
    %swap3A_15 = arith.constant 0 : index
    %swap3A_16 = vector.load %arg3[%swap3A, %swap3A_15] : memref<8x8xf32, #tpu.memory_space<vmem>>, vector<8x8xf32>
    tpu.vector_store %arg3[%swap3A, %swap3A_15], %add3A {strides = array<i32>} : memref<8x8xf32, #tpu.memory_space<vmem>>, vector<8x8xf32>,
    return
  }
  func.func @transform_0(%arg0: i32, %arg1: i32) -> (i32, i32, i32) {
    %c0_i32 = arith.constant 0 : i32
    %c0_i32_0 = arith.constant 0 : i32
    return %arg0, %c0_i32, %arg1 : i32, i32, i32
  }
  func.func @transform_1(%arg0: i32, %arg1: i32) -> (i32, i32) {
    %c0_i32 = arith.constant 0 : i32
    %c0_i32_0 = arith.constant 0 : i32
    %c0_i32_1 = arith.constant 0 : i32
    return %c0_i32, %c0_i32_0 : i32, i32
  }
}

module attributes {stable_mosaic.version = 14 : i64} {
  func.func @_layer_kernel(%arg0: i32, %arg1: i32, %arg2: memref<1x6x8192xf32, #tpu.memory_space<vmem>>, %arg3: memref<64x6xf32, #tpu.memory_space<vmem>>, %arg4: memref<64x3xf32, #tpu.memory_space<vmem>>, %arg5: memref<8x8xf32, #tpu.memory_space<vmem>>, %arg6: memref<1x64x8192xf32, #tpu.memory_space<vmem>>, %arg7: memref<72x72xf32, #tpu.memory_space<vmem>>) attributes {dimension_semantics = [#tpu.dimension_semantics<arbitrary>, #tpu.dimension_semantics<arbitrary>], iteration_bounds = array<i64: 2, 8>, scalar_prefetch = 0 : i64, scratch_operands = 0 : i64, tpu.core_type = #tpu.core_type<tc>, window_params = [{transform_indices = @transform_0, window_bounds = array<i64: 1, 6, 8192>}, {pipeline_mode = #tpu.pipeline_mode<synchronous>, transform_indices = @transform_1, window_bounds = array<i64: 64, 6>}, {pipeline_mode = #tpu.pipeline_mode<synchronous>, transform_indices = @transform_2, window_bounds = array<i64: 64, 3>}, {pipeline_mode = #tpu.pipeline_mode<synchronous>, transform_indices = @transform_3, window_bounds = array<i64: 8, 8>}, {transform_indices = @transform_4, window_bounds = array<i64: 1, 64, 8192>}, {pipeline_mode = #tpu.pipeline_mode<synchronous>, transform_indices = @transform_5, window_bounds = array<i64: 72, 72>}]} {
    %get3A = arith.constant 0 : index
    %get3A_0 = arith.constant 0 : index
    %get3A_1 = vector.load %arg3[%get3A, %get3A_0] : memref<64x6xf32, #tpu.memory_space<vmem>>, vector<64x6xf32>
    %get3A_2 = arith.constant 0 : index
    %get3A_3 = arith.constant 6 : index
    %get3A_4 = vector.load %arg5[%get3A_2, %get3A_3] : memref<8x8xf32, #tpu.memory_space<vmem>>, vector<6x1xf32>
    %mul3A = arith.constant 7.62939453E-6 : f32
    %mul3A_5 = vector.broadcast %mul3A : f32 to vector<6x1xf32>
    %mul3A_6 = arith.mulf %get3A_4, %mul3A_5 : vector<6x1xf32>
    %get3A_7 = arith.constant 0 : index
    %get3A_8 = arith.constant 0 : index
    %get3A_9 = vector.load %arg5[%get3A_7, %get3A_8] : memref<8x8xf32, #tpu.memory_space<vmem>>, vector<6x6xf32>
    %mul3A_10 = arith.constant 7.62939453E-6 : f32
    %mul3A_11 = vector.broadcast %mul3A_10 : f32 to vector<6x6xf32>
    %mul3A_12 = arith.mulf %get3A_9, %mul3A_11 : vector<6x6xf32>
    %transpose3A = tpu.transpose %mul3A_6, [1, 0] : vector<6x1xf32> -> vector<1x6xf32>
    %dot_general3A = arith.constant dense<0.000000e+00> : vector<6x6xf32>
    %dot_general3A_13 = tpu.matmul %mul3A_6, %transpose3A, %dot_general3A {dimension_numbers = #tpu.dot_dimension_numbers<[1], [0], [0], [1], [0, 0, 1, 1], [], []>, precision = #tpu.contract_precision<fp32>, transpose_lhs_hint = false} : vector<6x1xf32>, vector<1x6xf32>, vector<6x6xf32> -> vector<6x6xf32>
    %sub3A = arith.subf %mul3A_12, %dot_general3A_13 : vector<6x6xf32>
    %get3A_14 = arith.constant 0 : index
    %get3A_15 = arith.constant 0 : index
    %get3A_16 = vector.load %arg4[%get3A_14, %get3A_15] : memref<64x3xf32, #tpu.memory_space<vmem>>, vector<64x1xf32>
    %get3A_17 = arith.constant 0 : index
    %get3A_18 = arith.constant 1 : index
    %get3A_19 = vector.load %arg4[%get3A_17, %get3A_18] : memref<64x3xf32, #tpu.memory_space<vmem>>, vector<64x1xf32>
    %get3A_20 = arith.constant 0 : index
    %get3A_21 = arith.constant 2 : index
    %get3A_22 = vector.load %arg4[%get3A_20, %get3A_21] : memref<64x3xf32, #tpu.memory_space<vmem>>, vector<64x1xf32>
    %dot_general3A_23 = arith.constant dense<0.000000e+00> : vector<64x1xf32>
    %dot_general3A_24 = tpu.matmul %get3A_1, %mul3A_6, %dot_general3A_23 {dimension_numbers = #tpu.dot_dimension_numbers<[1], [0], [0], [1], [0, 0, 1, 1], [], []>, precision = #tpu.contract_precision<fp32>, transpose_lhs_hint = false} : vector<64x6xf32>, vector<6x1xf32>, vector<64x1xf32> -> vector<64x1xf32>
    %add3A = arith.addf %dot_general3A_24, %get3A_16 : vector<64x1xf32>
    %dot_general3A_25 = arith.constant dense<0.000000e+00> : vector<64x6xf32>
    %dot_general3A_26 = tpu.matmul %get3A_1, %sub3A, %dot_general3A_25 {dimension_numbers = #tpu.dot_dimension_numbers<[1], [0], [0], [1], [0, 0, 1, 1], [], []>, precision = #tpu.contract_precision<fp32>, transpose_lhs_hint = false} : vector<64x6xf32>, vector<6x6xf32>, vector<64x6xf32> -> vector<64x6xf32>
    %mul3A_27 = arith.mulf %dot_general3A_26, %get3A_1 : vector<64x6xf32>
    %reduce_sum3A = arith.constant dense<0.000000e+00> : vector<64xf32>
    %reduce_sum3A_28 = vector.multi_reduction <add>, %mul3A_27, %reduce_sum3A [1] : vector<64x6xf32> to vector<64xf32>
    %broadcast_in_dim3A = vector.shape_cast %reduce_sum3A_28 : vector<64xf32> to vector<64x1xf32>
    %add3A_29 = arith.constant 9.99999974E-6 : f32
    %add3A_30 = vector.broadcast %add3A_29 : f32 to vector<64x1xf32>
    %add3A_31 = arith.addf %broadcast_in_dim3A, %add3A_30 : vector<64x1xf32>
    %rsqrt3A = math.rsqrt %add3A_31 : vector<64x1xf32>
    %mul3A_32 = arith.mulf %get3A_19, %rsqrt3A : vector<64x1xf32>
    %sub3A_33 = arith.subf %get3A_16, %add3A : vector<64x1xf32>
    %mul3A_34 = arith.mulf %sub3A_33, %mul3A_32 : vector<64x1xf32>
    %add3A_35 = arith.addf %mul3A_34, %get3A_22 : vector<64x1xf32>
    %get3A_36 = arith.constant 0 : index
    %get3A_37 = arith.constant 0 : index
    %get3A_38 = arith.constant 0 : index
    %get3A_39 = vector.load %arg2[%get3A_36, %get3A_37, %get3A_38] : memref<1x6x8192xf32, #tpu.memory_space<vmem>>, vector<1x6x8192xf32>
    %get3A_40 = vector.shape_cast %get3A_39 : vector<1x6x8192xf32> to vector<6x8192xf32>
    %dot_general3A_41 = arith.constant dense<0.000000e+00> : vector<64x8192xf32>
    %dot_general3A_42 = tpu.matmul %get3A_1, %get3A_40, %dot_general3A_41 {dimension_numbers = #tpu.dot_dimension_numbers<[1], [0], [0], [1], [0, 0, 1, 1], [], []>, precision = #tpu.contract_precision<fp32>, transpose_lhs_hint = false} : vector<64x6xf32>, vector<6x8192xf32>, vector<64x8192xf32> -> vector<64x8192xf32>
    %mul3A_43 = vector.broadcast %mul3A_32 : vector<64x1xf32> to vector<64x8192xf32>
    %mul3A_44 = arith.mulf %dot_general3A_42, %mul3A_43 : vector<64x8192xf32>
    %add3A_45 = vector.broadcast %add3A_35 : vector<64x1xf32> to vector<64x8192xf32>
    %add3A_46 = arith.addf %mul3A_44, %add3A_45 : vector<64x8192xf32>
    %max3A = arith.constant 0.000000e+00 : f32
    %max3A_47 = vector.broadcast %max3A : f32 to vector<64x8192xf32>
    %max3A_48 = arith.maximumf %add3A_46, %max3A_47 : vector<64x8192xf32>
    %swap3A = arith.constant 0 : index
    %swap3A_49 = arith.constant 0 : index
    %swap3A_50 = arith.constant 0 : index
    %swap3A_51 = vector.load %arg6[%swap3A, %swap3A_49, %swap3A_50] : memref<1x64x8192xf32, #tpu.memory_space<vmem>>, vector<1x64x8192xf32>
    %swap3A_52 = vector.shape_cast %swap3A_51 : vector<1x64x8192xf32> to vector<64x8192xf32>
    %swap3A_53 = vector.shape_cast %max3A_48 : vector<64x8192xf32> to vector<1x64x8192xf32>
    tpu.vector_store %arg6[%swap3A, %swap3A_49, %swap3A_50], %swap3A_53 {strides = array<i32>} : memref<1x64x8192xf32, #tpu.memory_space<vmem>>, vector<1x64x8192xf32>,
    %eq3A = arith.constant 0 : i32
    %eq3A_54 = arith.cmpi eq, %arg0, %eq3A : i32
    %eq3A_55 = arith.constant 0 : i32
    %eq3A_56 = arith.cmpi eq, %arg1, %eq3A_55 : i32
    %and3A = arith.andi %eq3A_54, %eq3A_56 : i1
    %convert_element_type3A = arith.extui %and3A : i1 to i32
    %cond3A = arith.constant 0 : i32
    %cond3A_57 = arith.cmpi ne, %convert_element_type3A, %cond3A : i32
    scf.if %cond3A_57 {
      %broadcast_in_dim3A_71 = arith.constant 0.000000e+00 : f32
      %broadcast_in_dim3A_72 = vector.broadcast %broadcast_in_dim3A_71 : f32 to vector<72x72xf32>
      %swap3A_73 = arith.constant 0 : index
      %swap3A_74 = arith.constant 0 : index
      %swap3A_75 = vector.load %arg7[%swap3A_73, %swap3A_74] : memref<72x72xf32, #tpu.memory_space<vmem>>, vector<72x72xf32>
      tpu.vector_store %arg7[%swap3A_73, %swap3A_74], %broadcast_in_dim3A_72 {strides = array<i32>} : memref<72x72xf32, #tpu.memory_space<vmem>>, vector<72x72xf32>,
    } else {
    }
    %broadcast_in_dim3A_58 = arith.constant 1.000000e+00 : f32
    %broadcast_in_dim3A_59 = vector.broadcast %broadcast_in_dim3A_58 : f32 to vector<1x8192xf32>
    %broadcast_in_dim3A_60 = arith.constant 0.000000e+00 : f32
    %broadcast_in_dim3A_61 = vector.broadcast %broadcast_in_dim3A_60 : f32 to vector<7x8192xf32>
    %concatenate3A = tpu.concatenate %max3A_48, %broadcast_in_dim3A_59, %broadcast_in_dim3A_61 in 0 : vector<64x8192xf32>, vector<1x8192xf32>, vector<7x8192xf32> -> vector<72x8192xf32>
    %get3A_62 = arith.constant 0 : index
    %get3A_63 = arith.constant 0 : index
    %get3A_64 = vector.load %arg7[%get3A_62, %get3A_63] : memref<72x72xf32, #tpu.memory_space<vmem>>, vector<72x72xf32>
    %dot_general3A_65 = arith.constant dense<0.000000e+00> : vector<72x72xf32>
    %dot_general3A_66 = tpu.matmul %concatenate3A, %concatenate3A, %dot_general3A_65 {dimension_numbers = #tpu.dot_dimension_numbers<[1], [1], [0], [0], [0, 0, 1, 0], [], []>, precision = #tpu.contract_precision<fp32>, transpose_lhs_hint = false} : vector<72x8192xf32>, vector<72x8192xf32>, vector<72x72xf32> -> vector<72x72xf32>
    %add3A_67 = arith.addf %get3A_64, %dot_general3A_66 : vector<72x72xf32>
    %swap3A_68 = arith.constant 0 : index
    %swap3A_69 = arith.constant 0 : index
    %swap3A_70 = vector.load %arg7[%swap3A_68, %swap3A_69] : memref<72x72xf32, #tpu.memory_space<vmem>>, vector<72x72xf32>
    tpu.vector_store %arg7[%swap3A_68, %swap3A_69], %add3A_67 {strides = array<i32>} : memref<72x72xf32, #tpu.memory_space<vmem>>, vector<72x72xf32>,
    return
  }
  func.func @transform_0(%arg0: i32, %arg1: i32) -> (i32, i32, i32) {
    %c0_i32 = arith.constant 0 : i32
    %c0_i32_0 = arith.constant 0 : i32
    return %arg0, %c0_i32, %arg1 : i32, i32, i32
  }
  func.func @transform_1(%arg0: i32, %arg1: i32) -> (i32, i32) {
    %c0_i32 = arith.constant 0 : i32
    %c0_i32_0 = arith.constant 0 : i32
    %c0_i32_1 = arith.constant 0 : i32
    return %c0_i32, %c0_i32_0 : i32, i32
  }
  func.func @transform_2(%arg0: i32, %arg1: i32) -> (i32, i32) {
    %c0_i32 = arith.constant 0 : i32
    %c0_i32_0 = arith.constant 0 : i32
    %c0_i32_1 = arith.constant 0 : i32
    return %c0_i32, %c0_i32_0 : i32, i32
  }
  func.func @transform_3(%arg0: i32, %arg1: i32) -> (i32, i32) {
    %c0_i32 = arith.constant 0 : i32
    %c0_i32_0 = arith.constant 0 : i32
    %c0_i32_1 = arith.constant 0 : i32
    return %c0_i32, %c0_i32_0 : i32, i32
  }
  func.func @transform_4(%arg0: i32, %arg1: i32) -> (i32, i32, i32) {
    %c0_i32 = arith.constant 0 : i32
    %c0_i32_0 = arith.constant 0 : i32
    return %arg0, %c0_i32, %arg1 : i32, i32, i32
  }
  func.func @transform_5(%arg0: i32, %arg1: i32) -> (i32, i32) {
    %c0_i32 = arith.constant 0 : i32
    %c0_i32_0 = arith.constant 0 : i32
    %c0_i32_1 = arith.constant 0 : i32
    return %c0_i32, %c0_i32_0 : i32, i32
  }
}

module attributes {stable_mosaic.version = 14 : i64} {
  func.func @_layer_kernel(%arg0: i32, %arg1: i32, %arg2: memref<1x64x8192xf32, #tpu.memory_space<vmem>>, %arg3: memref<64x64xf32, #tpu.memory_space<vmem>>, %arg4: memref<64x3xf32, #tpu.memory_space<vmem>>, %arg5: memref<72x72xf32, #tpu.memory_space<vmem>>, %arg6: memref<1x64x8192xf32, #tpu.memory_space<vmem>>, %arg7: memref<72x72xf32, #tpu.memory_space<vmem>>) attributes {dimension_semantics = [#tpu.dimension_semantics<arbitrary>, #tpu.dimension_semantics<arbitrary>], iteration_bounds = array<i64: 2, 8>, scalar_prefetch = 0 : i64, scratch_operands = 0 : i64, tpu.core_type = #tpu.core_type<tc>, window_params = [{transform_indices = @transform_0, window_bounds = array<i64: 1, 64, 8192>}, {pipeline_mode = #tpu.pipeline_mode<synchronous>, transform_indices = @transform_1, window_bounds = array<i64: 64, 64>}, {pipeline_mode = #tpu.pipeline_mode<synchronous>, transform_indices = @transform_2, window_bounds = array<i64: 64, 3>}, {pipeline_mode = #tpu.pipeline_mode<synchronous>, transform_indices = @transform_3, window_bounds = array<i64: 72, 72>}, {transform_indices = @transform_4, window_bounds = array<i64: 1, 64, 8192>}, {pipeline_mode = #tpu.pipeline_mode<synchronous>, transform_indices = @transform_5, window_bounds = array<i64: 72, 72>}]} {
    %get3A = arith.constant 0 : index
    %get3A_0 = arith.constant 0 : index
    %get3A_1 = vector.load %arg3[%get3A, %get3A_0] : memref<64x64xf32, #tpu.memory_space<vmem>>, vector<64x64xf32>
    %get3A_2 = arith.constant 0 : index
    %get3A_3 = arith.constant 64 : index
    %get3A_4 = vector.load %arg5[%get3A_2, %get3A_3] : memref<72x72xf32, #tpu.memory_space<vmem>>, vector<64x1xf32>
    %mul3A = arith.constant 7.62939453E-6 : f32
    %mul3A_5 = vector.broadcast %mul3A : f32 to vector<64x1xf32>
    %mul3A_6 = arith.mulf %get3A_4, %mul3A_5 : vector<64x1xf32>
    %get3A_7 = arith.constant 0 : index
    %get3A_8 = arith.constant 0 : index
    %get3A_9 = vector.load %arg5[%get3A_7, %get3A_8] : memref<72x72xf32, #tpu.memory_space<vmem>>, vector<64x64xf32>
    %mul3A_10 = arith.constant 7.62939453E-6 : f32
    %mul3A_11 = vector.broadcast %mul3A_10 : f32 to vector<64x64xf32>
    %mul3A_12 = arith.mulf %get3A_9, %mul3A_11 : vector<64x64xf32>
    %transpose3A = tpu.transpose %mul3A_6, [1, 0] : vector<64x1xf32> -> vector<1x64xf32>
    %dot_general3A = arith.constant dense<0.000000e+00> : vector<64x64xf32>
    %dot_general3A_13 = tpu.matmul %mul3A_6, %transpose3A, %dot_general3A {dimension_numbers = #tpu.dot_dimension_numbers<[1], [0], [0], [1], [0, 0, 1, 1], [], []>, precision = #tpu.contract_precision<fp32>, transpose_lhs_hint = false} : vector<64x1xf32>, vector<1x64xf32>, vector<64x64xf32> -> vector<64x64xf32>
    %sub3A = arith.subf %mul3A_12, %dot_general3A_13 : vector<64x64xf32>
    %get3A_14 = arith.constant 0 : index
    %get3A_15 = arith.constant 0 : index
    %get3A_16 = vector.load %arg4[%get3A_14, %get3A_15] : memref<64x3xf32, #tpu.memory_space<vmem>>, vector<64x1xf32>
    %get3A_17 = arith.constant 0 : index
    %get3A_18 = arith.constant 1 : index
    %get3A_19 = vector.load %arg4[%get3A_17, %get3A_18] : memref<64x3xf32, #tpu.memory_space<vmem>>, vector<64x1xf32>
    %get3A_20 = arith.constant 0 : index
    %get3A_21 = arith.constant 2 : index
    %get3A_22 = vector.load %arg4[%get3A_20, %get3A_21] : memref<64x3xf32, #tpu.memory_space<vmem>>, vector<64x1xf32>
    %dot_general3A_23 = arith.constant dense<0.000000e+00> : vector<64x1xf32>
    %dot_general3A_24 = tpu.matmul %get3A_1, %mul3A_6, %dot_general3A_23 {dimension_numbers = #tpu.dot_dimension_numbers<[1], [0], [0], [1], [0, 0, 1, 1], [], []>, precision = #tpu.contract_precision<fp32>, transpose_lhs_hint = false} : vector<64x64xf32>, vector<64x1xf32>, vector<64x1xf32> -> vector<64x1xf32>
    %add3A = arith.addf %dot_general3A_24, %get3A_16 : vector<64x1xf32>
    %dot_general3A_25 = arith.constant dense<0.000000e+00> : vector<64x64xf32>
    %dot_general3A_26 = tpu.matmul %get3A_1, %sub3A, %dot_general3A_25 {dimension_numbers = #tpu.dot_dimension_numbers<[1], [0], [0], [1], [0, 0, 1, 1], [], []>, precision = #tpu.contract_precision<fp32>, transpose_lhs_hint = false} : vector<64x64xf32>, vector<64x64xf32>, vector<64x64xf32> -> vector<64x64xf32>
    %mul3A_27 = arith.mulf %dot_general3A_26, %get3A_1 : vector<64x64xf32>
    %reduce_sum3A = arith.constant dense<0.000000e+00> : vector<64xf32>
    %reduce_sum3A_28 = vector.multi_reduction <add>, %mul3A_27, %reduce_sum3A [1] : vector<64x64xf32> to vector<64xf32>
    %broadcast_in_dim3A = vector.shape_cast %reduce_sum3A_28 : vector<64xf32> to vector<64x1xf32>
    %add3A_29 = arith.constant 9.99999974E-6 : f32
    %add3A_30 = vector.broadcast %add3A_29 : f32 to vector<64x1xf32>
    %add3A_31 = arith.addf %broadcast_in_dim3A, %add3A_30 : vector<64x1xf32>
    %rsqrt3A = math.rsqrt %add3A_31 : vector<64x1xf32>
    %mul3A_32 = arith.mulf %get3A_19, %rsqrt3A : vector<64x1xf32>
    %sub3A_33 = arith.subf %get3A_16, %add3A : vector<64x1xf32>
    %mul3A_34 = arith.mulf %sub3A_33, %mul3A_32 : vector<64x1xf32>
    %add3A_35 = arith.addf %mul3A_34, %get3A_22 : vector<64x1xf32>
    %get3A_36 = arith.constant 0 : index
    %get3A_37 = arith.constant 0 : index
    %get3A_38 = arith.constant 0 : index
    %get3A_39 = vector.load %arg2[%get3A_36, %get3A_37, %get3A_38] : memref<1x64x8192xf32, #tpu.memory_space<vmem>>, vector<1x64x8192xf32>
    %get3A_40 = vector.shape_cast %get3A_39 : vector<1x64x8192xf32> to vector<64x8192xf32>
    %dot_general3A_41 = arith.constant dense<0.000000e+00> : vector<64x8192xf32>
    %dot_general3A_42 = tpu.matmul %get3A_1, %get3A_40, %dot_general3A_41 {dimension_numbers = #tpu.dot_dimension_numbers<[1], [0], [0], [1], [0, 0, 1, 1], [], []>, precision = #tpu.contract_precision<fp32>, transpose_lhs_hint = false} : vector<64x64xf32>, vector<64x8192xf32>, vector<64x8192xf32> -> vector<64x8192xf32>
    %mul3A_43 = vector.broadcast %mul3A_32 : vector<64x1xf32> to vector<64x8192xf32>
    %mul3A_44 = arith.mulf %dot_general3A_42, %mul3A_43 : vector<64x8192xf32>
    %add3A_45 = vector.broadcast %add3A_35 : vector<64x1xf32> to vector<64x8192xf32>
    %add3A_46 = arith.addf %mul3A_44, %add3A_45 : vector<64x8192xf32>
    %max3A = arith.constant 0.000000e+00 : f32
    %max3A_47 = vector.broadcast %max3A : f32 to vector<64x8192xf32>
    %max3A_48 = arith.maximumf %add3A_46, %max3A_47 : vector<64x8192xf32>
    %swap3A = arith.constant 0 : index
    %swap3A_49 = arith.constant 0 : index
    %swap3A_50 = arith.constant 0 : index
    %swap3A_51 = vector.load %arg6[%swap3A, %swap3A_49, %swap3A_50] : memref<1x64x8192xf32, #tpu.memory_space<vmem>>, vector<1x64x8192xf32>
    %swap3A_52 = vector.shape_cast %swap3A_51 : vector<1x64x8192xf32> to vector<64x8192xf32>
    %swap3A_53 = vector.shape_cast %max3A_48 : vector<64x8192xf32> to vector<1x64x8192xf32>
    tpu.vector_store %arg6[%swap3A, %swap3A_49, %swap3A_50], %swap3A_53 {strides = array<i32>} : memref<1x64x8192xf32, #tpu.memory_space<vmem>>, vector<1x64x8192xf32>,
    %eq3A = arith.constant 0 : i32
    %eq3A_54 = arith.cmpi eq, %arg0, %eq3A : i32
    %eq3A_55 = arith.constant 0 : i32
    %eq3A_56 = arith.cmpi eq, %arg1, %eq3A_55 : i32
    %and3A = arith.andi %eq3A_54, %eq3A_56 : i1
    %convert_element_type3A = arith.extui %and3A : i1 to i32
    %cond3A = arith.constant 0 : i32
    %cond3A_57 = arith.cmpi ne, %convert_element_type3A, %cond3A : i32
    scf.if %cond3A_57 {
      %broadcast_in_dim3A_71 = arith.constant 0.000000e+00 : f32
      %broadcast_in_dim3A_72 = vector.broadcast %broadcast_in_dim3A_71 : f32 to vector<72x72xf32>
      %swap3A_73 = arith.constant 0 : index
      %swap3A_74 = arith.constant 0 : index
      %swap3A_75 = vector.load %arg7[%swap3A_73, %swap3A_74] : memref<72x72xf32, #tpu.memory_space<vmem>>, vector<72x72xf32>
      tpu.vector_store %arg7[%swap3A_73, %swap3A_74], %broadcast_in_dim3A_72 {strides = array<i32>} : memref<72x72xf32, #tpu.memory_space<vmem>>, vector<72x72xf32>,
    } else {
    }
    %broadcast_in_dim3A_58 = arith.constant 1.000000e+00 : f32
    %broadcast_in_dim3A_59 = vector.broadcast %broadcast_in_dim3A_58 : f32 to vector<1x8192xf32>
    %broadcast_in_dim3A_60 = arith.constant 0.000000e+00 : f32
    %broadcast_in_dim3A_61 = vector.broadcast %broadcast_in_dim3A_60 : f32 to vector<7x8192xf32>
    %concatenate3A = tpu.concatenate %max3A_48, %broadcast_in_dim3A_59, %broadcast_in_dim3A_61 in 0 : vector<64x8192xf32>, vector<1x8192xf32>, vector<7x8192xf32> -> vector<72x8192xf32>
    %get3A_62 = arith.constant 0 : index
    %get3A_63 = arith.constant 0 : index
    %get3A_64 = vector.load %arg7[%get3A_62, %get3A_63] : memref<72x72xf32, #tpu.memory_space<vmem>>, vector<72x72xf32>
    %dot_general3A_65 = arith.constant dense<0.000000e+00> : vector<72x72xf32>
    %dot_general3A_66 = tpu.matmul %concatenate3A, %concatenate3A, %dot_general3A_65 {dimension_numbers = #tpu.dot_dimension_numbers<[1], [1], [0], [0], [0, 0, 1, 0], [], []>, precision = #tpu.contract_precision<fp32>, transpose_lhs_hint = false} : vector<72x8192xf32>, vector<72x8192xf32>, vector<72x72xf32> -> vector<72x72xf32>
    %add3A_67 = arith.addf %get3A_64, %dot_general3A_66 : vector<72x72xf32>
    %swap3A_68 = arith.constant 0 : index
    %swap3A_69 = arith.constant 0 : index
    %swap3A_70 = vector.load %arg7[%swap3A_68, %swap3A_69] : memref<72x72xf32, #tpu.memory_space<vmem>>, vector<72x72xf32>
    tpu.vector_store %arg7[%swap3A_68, %swap3A_69], %add3A_67 {strides = array<i32>} : memref<72x72xf32, #tpu.memory_space<vmem>>, vector<72x72xf32>,
    return
  }
  func.func @transform_0(%arg0: i32, %arg1: i32) -> (i32, i32, i32) {
    %c0_i32 = arith.constant 0 : i32
    %c0_i32_0 = arith.constant 0 : i32
    return %arg0, %c0_i32, %arg1 : i32, i32, i32
  }
  func.func @transform_1(%arg0: i32, %arg1: i32) -> (i32, i32) {
    %c0_i32 = arith.constant 0 : i32
    %c0_i32_0 = arith.constant 0 : i32
    %c0_i32_1 = arith.constant 0 : i32
    return %c0_i32, %c0_i32_0 : i32, i32
  }
  func.func @transform_2(%arg0: i32, %arg1: i32) -> (i32, i32) {
    %c0_i32 = arith.constant 0 : i32
    %c0_i32_0 = arith.constant 0 : i32
    %c0_i32_1 = arith.constant 0 : i32
    return %c0_i32, %c0_i32_0 : i32, i32
  }
  func.func @transform_3(%arg0: i32, %arg1: i32) -> (i32, i32) {
    %c0_i32 = arith.constant 0 : i32
    %c0_i32_0 = arith.constant 0 : i32
    %c0_i32_1 = arith.constant 0 : i32
    return %c0_i32, %c0_i32_0 : i32, i32
  }
  func.func @transform_4(%arg0: i32, %arg1: i32) -> (i32, i32, i32) {
    %c0_i32 = arith.constant 0 : i32
    %c0_i32_0 = arith.constant 0 : i32
    return %arg0, %c0_i32, %arg1 : i32, i32, i32
  }
  func.func @transform_5(%arg0: i32, %arg1: i32) -> (i32, i32) {
    %c0_i32 = arith.constant 0 : i32
    %c0_i32_0 = arith.constant 0 : i32
    %c0_i32_1 = arith.constant 0 : i32
    return %c0_i32, %c0_i32_0 : i32, i32
  }
}

module attributes {stable_mosaic.version = 14 : i64} {
  func.func @_last_kernel(%arg0: i32, %arg1: i32, %arg2: memref<1x64x8192xf32, #tpu.memory_space<vmem>>, %arg3: memref<128x64xf32, #tpu.memory_space<vmem>>, %arg4: memref<128x3xf32, #tpu.memory_space<vmem>>, %arg5: memref<72x72xf32, #tpu.memory_space<vmem>>, %arg6: memref<1x128x8192xf32, #tpu.memory_space<vmem>>) attributes {dimension_semantics = [#tpu.dimension_semantics<arbitrary>, #tpu.dimension_semantics<arbitrary>], iteration_bounds = array<i64: 2, 8>, scalar_prefetch = 0 : i64, scratch_operands = 0 : i64, tpu.core_type = #tpu.core_type<tc>, window_params = [{transform_indices = @transform_0, window_bounds = array<i64: 1, 64, 8192>}, {pipeline_mode = #tpu.pipeline_mode<synchronous>, transform_indices = @transform_1, window_bounds = array<i64: 128, 64>}, {pipeline_mode = #tpu.pipeline_mode<synchronous>, transform_indices = @transform_2, window_bounds = array<i64: 128, 3>}, {pipeline_mode = #tpu.pipeline_mode<synchronous>, transform_indices = @transform_3, window_bounds = array<i64: 72, 72>}, {transform_indices = @transform_4, window_bounds = array<i64: 1, 128, 8192>}]} {
    %get3A = arith.constant 0 : index
    %get3A_0 = arith.constant 0 : index
    %get3A_1 = vector.load %arg3[%get3A, %get3A_0] : memref<128x64xf32, #tpu.memory_space<vmem>>, vector<128x64xf32>
    %get3A_2 = arith.constant 0 : index
    %get3A_3 = arith.constant 64 : index
    %get3A_4 = vector.load %arg5[%get3A_2, %get3A_3] : memref<72x72xf32, #tpu.memory_space<vmem>>, vector<64x1xf32>
    %mul3A = arith.constant 7.62939453E-6 : f32
    %mul3A_5 = vector.broadcast %mul3A : f32 to vector<64x1xf32>
    %mul3A_6 = arith.mulf %get3A_4, %mul3A_5 : vector<64x1xf32>
    %get3A_7 = arith.constant 0 : index
    %get3A_8 = arith.constant 0 : index
    %get3A_9 = vector.load %arg5[%get3A_7, %get3A_8] : memref<72x72xf32, #tpu.memory_space<vmem>>, vector<64x64xf32>
    %mul3A_10 = arith.constant 7.62939453E-6 : f32
    %mul3A_11 = vector.broadcast %mul3A_10 : f32 to vector<64x64xf32>
    %mul3A_12 = arith.mulf %get3A_9, %mul3A_11 : vector<64x64xf32>
    %transpose3A = tpu.transpose %mul3A_6, [1, 0] : vector<64x1xf32> -> vector<1x64xf32>
    %dot_general3A = arith.constant dense<0.000000e+00> : vector<64x64xf32>
    %dot_general3A_13 = tpu.matmul %mul3A_6, %transpose3A, %dot_general3A {dimension_numbers = #tpu.dot_dimension_numbers<[1], [0], [0], [1], [0, 0, 1, 1], [], []>, precision = #tpu.contract_precision<fp32>, transpose_lhs_hint = false} : vector<64x1xf32>, vector<1x64xf32>, vector<64x64xf32> -> vector<64x64xf32>
    %sub3A = arith.subf %mul3A_12, %dot_general3A_13 : vector<64x64xf32>
    %get3A_14 = arith.constant 0 : index
    %get3A_15 = arith.constant 0 : index
    %get3A_16 = vector.load %arg4[%get3A_14, %get3A_15] : memref<128x3xf32, #tpu.memory_space<vmem>>, vector<128x1xf32>
    %get3A_17 = arith.constant 0 : index
    %get3A_18 = arith.constant 1 : index
    %get3A_19 = vector.load %arg4[%get3A_17, %get3A_18] : memref<128x3xf32, #tpu.memory_space<vmem>>, vector<128x1xf32>
    %get3A_20 = arith.constant 0 : index
    %get3A_21 = arith.constant 2 : index
    %get3A_22 = vector.load %arg4[%get3A_20, %get3A_21] : memref<128x3xf32, #tpu.memory_space<vmem>>, vector<128x1xf32>
    %dot_general3A_23 = arith.constant dense<0.000000e+00> : vector<128x1xf32>
    %dot_general3A_24 = tpu.matmul %get3A_1, %mul3A_6, %dot_general3A_23 {dimension_numbers = #tpu.dot_dimension_numbers<[1], [0], [0], [1], [0, 0, 1, 1], [], []>, precision = #tpu.contract_precision<fp32>, transpose_lhs_hint = false} : vector<128x64xf32>, vector<64x1xf32>, vector<128x1xf32> -> vector<128x1xf32>
    %add3A = arith.addf %dot_general3A_24, %get3A_16 : vector<128x1xf32>
    %dot_general3A_25 = arith.constant dense<0.000000e+00> : vector<128x64xf32>
    %dot_general3A_26 = tpu.matmul %get3A_1, %sub3A, %dot_general3A_25 {dimension_numbers = #tpu.dot_dimension_numbers<[1], [0], [0], [1], [0, 0, 1, 1], [], []>, precision = #tpu.contract_precision<fp32>, transpose_lhs_hint = false} : vector<128x64xf32>, vector<64x64xf32>, vector<128x64xf32> -> vector<128x64xf32>
    %mul3A_27 = arith.mulf %dot_general3A_26, %get3A_1 : vector<128x64xf32>
    %reduce_sum3A = arith.constant dense<0.000000e+00> : vector<128xf32>
    %reduce_sum3A_28 = vector.multi_reduction <add>, %mul3A_27, %reduce_sum3A [1] : vector<128x64xf32> to vector<128xf32>
    %broadcast_in_dim3A = vector.shape_cast %reduce_sum3A_28 : vector<128xf32> to vector<128x1xf32>
    %add3A_29 = arith.constant 9.99999974E-6 : f32
    %add3A_30 = vector.broadcast %add3A_29 : f32 to vector<128x1xf32>
    %add3A_31 = arith.addf %broadcast_in_dim3A, %add3A_30 : vector<128x1xf32>
    %rsqrt3A = math.rsqrt %add3A_31 : vector<128x1xf32>
    %mul3A_32 = arith.mulf %get3A_19, %rsqrt3A : vector<128x1xf32>
    %sub3A_33 = arith.subf %get3A_16, %add3A : vector<128x1xf32>
    %mul3A_34 = arith.mulf %sub3A_33, %mul3A_32 : vector<128x1xf32>
    %add3A_35 = arith.addf %mul3A_34, %get3A_22 : vector<128x1xf32>
    %get3A_36 = arith.constant 0 : index
    %get3A_37 = arith.constant 0 : index
    %get3A_38 = arith.constant 0 : index
    %get3A_39 = vector.load %arg2[%get3A_36, %get3A_37, %get3A_38] : memref<1x64x8192xf32, #tpu.memory_space<vmem>>, vector<1x64x8192xf32>
    %get3A_40 = vector.shape_cast %get3A_39 : vector<1x64x8192xf32> to vector<64x8192xf32>
    %dot_general3A_41 = arith.constant dense<0.000000e+00> : vector<128x8192xf32>
    %dot_general3A_42 = tpu.matmul %get3A_1, %get3A_40, %dot_general3A_41 {dimension_numbers = #tpu.dot_dimension_numbers<[1], [0], [0], [1], [0, 0, 1, 1], [], []>, precision = #tpu.contract_precision<fp32>, transpose_lhs_hint = false} : vector<128x64xf32>, vector<64x8192xf32>, vector<128x8192xf32> -> vector<128x8192xf32>
    %mul3A_43 = vector.broadcast %mul3A_32 : vector<128x1xf32> to vector<128x8192xf32>
    %mul3A_44 = arith.mulf %dot_general3A_42, %mul3A_43 : vector<128x8192xf32>
    %add3A_45 = vector.broadcast %add3A_35 : vector<128x1xf32> to vector<128x8192xf32>
    %add3A_46 = arith.addf %mul3A_44, %add3A_45 : vector<128x8192xf32>
    %max3A = arith.constant 0.000000e+00 : f32
    %max3A_47 = vector.broadcast %max3A : f32 to vector<128x8192xf32>
    %max3A_48 = arith.maximumf %add3A_46, %max3A_47 : vector<128x8192xf32>
    %swap3A = arith.constant 0 : index
    %swap3A_49 = arith.constant 0 : index
    %swap3A_50 = arith.constant 0 : index
    %swap3A_51 = vector.load %arg6[%swap3A, %swap3A_49, %swap3A_50] : memref<1x128x8192xf32, #tpu.memory_space<vmem>>, vector<1x128x8192xf32>
    %swap3A_52 = vector.shape_cast %swap3A_51 : vector<1x128x8192xf32> to vector<128x8192xf32>
    %swap3A_53 = vector.shape_cast %max3A_48 : vector<128x8192xf32> to vector<1x128x8192xf32>
    tpu.vector_store %arg6[%swap3A, %swap3A_49, %swap3A_50], %swap3A_53 {strides = array<i32>} : memref<1x128x8192xf32, #tpu.memory_space<vmem>>, vector<1x128x8192xf32>,
    return
  }
  func.func @transform_0(%arg0: i32, %arg1: i32) -> (i32, i32, i32) {
    %c0_i32 = arith.constant 0 : i32
    %c0_i32_0 = arith.constant 0 : i32
    return %arg0, %c0_i32, %arg1 : i32, i32, i32
  }
  func.func @transform_1(%arg0: i32, %arg1: i32) -> (i32, i32) {
    %c0_i32 = arith.constant 0 : i32
    %c0_i32_0 = arith.constant 0 : i32
    %c0_i32_1 = arith.constant 0 : i32
    return %c0_i32, %c0_i32_0 : i32, i32
  }
  func.func @transform_2(%arg0: i32, %arg1: i32) -> (i32, i32) {
    %c0_i32 = arith.constant 0 : i32
    %c0_i32_0 = arith.constant 0 : i32
    %c0_i32_1 = arith.constant 0 : i32
    return %c0_i32, %c0_i32_0 : i32, i32
  }
  func.func @transform_3(%arg0: i32, %arg1: i32) -> (i32, i32) {
    %c0_i32 = arith.constant 0 : i32
    %c0_i32_0 = arith.constant 0 : i32
    %c0_i32_1 = arith.constant 0 : i32
    return %c0_i32, %c0_i32_0 : i32, i32
  }
  func.func @transform_4(%arg0: i32, %arg1: i32) -> (i32, i32, i32) {
    %c0_i32 = arith.constant 0 : i32
    %c0_i32_0 = arith.constant 0 : i32
    return %arg0, %c0_i32, %arg1 : i32, i32, i32
  }
}

module attributes {stable_mosaic.version = 14 : i64} {
  func.func @_max_kernel(%arg0: i32, %arg1: i32, %arg2: memref<1x128x128x64xf32, #tpu.memory_space<vmem>>, %arg3: memref<1x128x128xf32, #tpu.memory_space<vmem>>) attributes {dimension_semantics = [#tpu.dimension_semantics<arbitrary>, #tpu.dimension_semantics<arbitrary>], iteration_bounds = array<i64: 2, 8>, scalar_prefetch = 0 : i64, scratch_operands = 0 : i64, tpu.core_type = #tpu.core_type<tc>, window_params = [{transform_indices = @transform_0, window_bounds = array<i64: 1, 128, 128, 64>}, {transform_indices = @transform_1, window_bounds = array<i64: 1, 128, 128>}]} {
    %get3A = arith.constant 0 : index
    %get3A_0 = arith.constant 0 : index
    %get3A_1 = arith.constant 0 : index
    %get3A_2 = arith.constant 0 : index
    %get3A_3 = vector.load %arg2[%get3A, %get3A_0, %get3A_1, %get3A_2] : memref<1x128x128x64xf32, #tpu.memory_space<vmem>>, vector<1x128x128x64xf32>
    %get3A_4 = vector.shape_cast %get3A_3 : vector<1x128x128x64xf32> to vector<128x128x64xf32>
    %reduce_max3A = arith.constant dense<0xFF800000> : vector<128x128xf32>
    %reduce_max3A_5 = vector.multi_reduction <maximumf>, %get3A_4, %reduce_max3A [2] : vector<128x128x64xf32> to vector<128x128xf32>
    %swap3A = arith.constant 0 : index
    %swap3A_6 = arith.constant 0 : index
    %swap3A_7 = arith.constant 0 : index
    %swap3A_8 = vector.load %arg3[%swap3A, %swap3A_6, %swap3A_7] : memref<1x128x128xf32, #tpu.memory_space<vmem>>, vector<1x128x128xf32>
    %swap3A_9 = vector.shape_cast %swap3A_8 : vector<1x128x128xf32> to vector<128x128xf32>
    %swap3A_10 = vector.shape_cast %reduce_max3A_5 : vector<128x128xf32> to vector<1x128x128xf32>
    tpu.vector_store %arg3[%swap3A, %swap3A_6, %swap3A_7], %swap3A_10 {strides = array<i32>} : memref<1x128x128xf32, #tpu.memory_space<vmem>>, vector<1x128x128xf32>,
    return
  }
  func.func @transform_0(%arg0: i32, %arg1: i32) -> (i32, i32, i32, i32) {
    %c0_i32 = arith.constant 0 : i32
    %c0_i32_0 = arith.constant 0 : i32
    %c0_i32_1 = arith.constant 0 : i32
    return %arg0, %c0_i32, %arg1, %c0_i32_0 : i32, i32, i32, i32
  }
  func.func @transform_1(%arg0: i32, %arg1: i32) -> (i32, i32, i32) {
    %c0_i32 = arith.constant 0 : i32
    %c0_i32_0 = arith.constant 0 : i32
    return %arg0, %c0_i32, %arg1 : i32, i32, i32
  }
}

module attributes {stable_mosaic.version = 14 : i64} {
  func.func @_layer_kernel(%arg0: i32, %arg1: i32, %arg2: memref<1x6x8192xf32, #tpu.memory_space<vmem>>, %arg3: memref<32x6xf32, #tpu.memory_space<vmem>>, %arg4: memref<32x3xf32, #tpu.memory_space<vmem>>, %arg5: memref<8x8xf32, #tpu.memory_space<vmem>>, %arg6: memref<1x32x8192xf32, #tpu.memory_space<vmem>>, %arg7: memref<40x40xf32, #tpu.memory_space<vmem>>) attributes {dimension_semantics = [#tpu.dimension_semantics<arbitrary>, #tpu.dimension_semantics<arbitrary>], iteration_bounds = array<i64: 2, 8>, scalar_prefetch = 0 : i64, scratch_operands = 0 : i64, tpu.core_type = #tpu.core_type<tc>, window_params = [{transform_indices = @transform_0, window_bounds = array<i64: 1, 6, 8192>}, {pipeline_mode = #tpu.pipeline_mode<synchronous>, transform_indices = @transform_1, window_bounds = array<i64: 32, 6>}, {pipeline_mode = #tpu.pipeline_mode<synchronous>, transform_indices = @transform_2, window_bounds = array<i64: 32, 3>}, {pipeline_mode = #tpu.pipeline_mode<synchronous>, transform_indices = @transform_3, window_bounds = array<i64: 8, 8>}, {transform_indices = @transform_4, window_bounds = array<i64: 1, 32, 8192>}, {pipeline_mode = #tpu.pipeline_mode<synchronous>, transform_indices = @transform_5, window_bounds = array<i64: 40, 40>}]} {
    %get3A = arith.constant 0 : index
    %get3A_0 = arith.constant 0 : index
    %get3A_1 = vector.load %arg3[%get3A, %get3A_0] : memref<32x6xf32, #tpu.memory_space<vmem>>, vector<32x6xf32>
    %get3A_2 = arith.constant 0 : index
    %get3A_3 = arith.constant 6 : index
    %get3A_4 = vector.load %arg5[%get3A_2, %get3A_3] : memref<8x8xf32, #tpu.memory_space<vmem>>, vector<6x1xf32>
    %mul3A = arith.constant 7.62939453E-6 : f32
    %mul3A_5 = vector.broadcast %mul3A : f32 to vector<6x1xf32>
    %mul3A_6 = arith.mulf %get3A_4, %mul3A_5 : vector<6x1xf32>
    %get3A_7 = arith.constant 0 : index
    %get3A_8 = arith.constant 0 : index
    %get3A_9 = vector.load %arg5[%get3A_7, %get3A_8] : memref<8x8xf32, #tpu.memory_space<vmem>>, vector<6x6xf32>
    %mul3A_10 = arith.constant 7.62939453E-6 : f32
    %mul3A_11 = vector.broadcast %mul3A_10 : f32 to vector<6x6xf32>
    %mul3A_12 = arith.mulf %get3A_9, %mul3A_11 : vector<6x6xf32>
    %transpose3A = tpu.transpose %mul3A_6, [1, 0] : vector<6x1xf32> -> vector<1x6xf32>
    %dot_general3A = arith.constant dense<0.000000e+00> : vector<6x6xf32>
    %dot_general3A_13 = tpu.matmul %mul3A_6, %transpose3A, %dot_general3A {dimension_numbers = #tpu.dot_dimension_numbers<[1], [0], [0], [1], [0, 0, 1, 1], [], []>, precision = #tpu.contract_precision<fp32>, transpose_lhs_hint = false} : vector<6x1xf32>, vector<1x6xf32>, vector<6x6xf32> -> vector<6x6xf32>
    %sub3A = arith.subf %mul3A_12, %dot_general3A_13 : vector<6x6xf32>
    %get3A_14 = arith.constant 0 : index
    %get3A_15 = arith.constant 0 : index
    %get3A_16 = vector.load %arg4[%get3A_14, %get3A_15] : memref<32x3xf32, #tpu.memory_space<vmem>>, vector<32x1xf32>
    %get3A_17 = arith.constant 0 : index
    %get3A_18 = arith.constant 1 : index
    %get3A_19 = vector.load %arg4[%get3A_17, %get3A_18] : memref<32x3xf32, #tpu.memory_space<vmem>>, vector<32x1xf32>
    %get3A_20 = arith.constant 0 : index
    %get3A_21 = arith.constant 2 : index
    %get3A_22 = vector.load %arg4[%get3A_20, %get3A_21] : memref<32x3xf32, #tpu.memory_space<vmem>>, vector<32x1xf32>
    %dot_general3A_23 = arith.constant dense<0.000000e+00> : vector<32x1xf32>
    %dot_general3A_24 = tpu.matmul %get3A_1, %mul3A_6, %dot_general3A_23 {dimension_numbers = #tpu.dot_dimension_numbers<[1], [0], [0], [1], [0, 0, 1, 1], [], []>, precision = #tpu.contract_precision<fp32>, transpose_lhs_hint = false} : vector<32x6xf32>, vector<6x1xf32>, vector<32x1xf32> -> vector<32x1xf32>
    %add3A = arith.addf %dot_general3A_24, %get3A_16 : vector<32x1xf32>
    %dot_general3A_25 = arith.constant dense<0.000000e+00> : vector<32x6xf32>
    %dot_general3A_26 = tpu.matmul %get3A_1, %sub3A, %dot_general3A_25 {dimension_numbers = #tpu.dot_dimension_numbers<[1], [0], [0], [1], [0, 0, 1, 1], [], []>, precision = #tpu.contract_precision<fp32>, transpose_lhs_hint = false} : vector<32x6xf32>, vector<6x6xf32>, vector<32x6xf32> -> vector<32x6xf32>
    %mul3A_27 = arith.mulf %dot_general3A_26, %get3A_1 : vector<32x6xf32>
    %reduce_sum3A = arith.constant dense<0.000000e+00> : vector<32xf32>
    %reduce_sum3A_28 = vector.multi_reduction <add>, %mul3A_27, %reduce_sum3A [1] : vector<32x6xf32> to vector<32xf32>
    %broadcast_in_dim3A = vector.shape_cast %reduce_sum3A_28 : vector<32xf32> to vector<32x1xf32>
    %add3A_29 = arith.constant 9.99999974E-6 : f32
    %add3A_30 = vector.broadcast %add3A_29 : f32 to vector<32x1xf32>
    %add3A_31 = arith.addf %broadcast_in_dim3A, %add3A_30 : vector<32x1xf32>
    %rsqrt3A = math.rsqrt %add3A_31 : vector<32x1xf32>
    %mul3A_32 = arith.mulf %get3A_19, %rsqrt3A : vector<32x1xf32>
    %sub3A_33 = arith.subf %get3A_16, %add3A : vector<32x1xf32>
    %mul3A_34 = arith.mulf %sub3A_33, %mul3A_32 : vector<32x1xf32>
    %add3A_35 = arith.addf %mul3A_34, %get3A_22 : vector<32x1xf32>
    %get3A_36 = arith.constant 0 : index
    %get3A_37 = arith.constant 0 : index
    %get3A_38 = arith.constant 0 : index
    %get3A_39 = vector.load %arg2[%get3A_36, %get3A_37, %get3A_38] : memref<1x6x8192xf32, #tpu.memory_space<vmem>>, vector<1x6x8192xf32>
    %get3A_40 = vector.shape_cast %get3A_39 : vector<1x6x8192xf32> to vector<6x8192xf32>
    %dot_general3A_41 = arith.constant dense<0.000000e+00> : vector<32x8192xf32>
    %dot_general3A_42 = tpu.matmul %get3A_1, %get3A_40, %dot_general3A_41 {dimension_numbers = #tpu.dot_dimension_numbers<[1], [0], [0], [1], [0, 0, 1, 1], [], []>, precision = #tpu.contract_precision<fp32>, transpose_lhs_hint = false} : vector<32x6xf32>, vector<6x8192xf32>, vector<32x8192xf32> -> vector<32x8192xf32>
    %mul3A_43 = vector.broadcast %mul3A_32 : vector<32x1xf32> to vector<32x8192xf32>
    %mul3A_44 = arith.mulf %dot_general3A_42, %mul3A_43 : vector<32x8192xf32>
    %add3A_45 = vector.broadcast %add3A_35 : vector<32x1xf32> to vector<32x8192xf32>
    %add3A_46 = arith.addf %mul3A_44, %add3A_45 : vector<32x8192xf32>
    %max3A = arith.constant 0.000000e+00 : f32
    %max3A_47 = vector.broadcast %max3A : f32 to vector<32x8192xf32>
    %max3A_48 = arith.maximumf %add3A_46, %max3A_47 : vector<32x8192xf32>
    %swap3A = arith.constant 0 : index
    %swap3A_49 = arith.constant 0 : index
    %swap3A_50 = arith.constant 0 : index
    %swap3A_51 = vector.load %arg6[%swap3A, %swap3A_49, %swap3A_50] : memref<1x32x8192xf32, #tpu.memory_space<vmem>>, vector<1x32x8192xf32>
    %swap3A_52 = vector.shape_cast %swap3A_51 : vector<1x32x8192xf32> to vector<32x8192xf32>
    %swap3A_53 = vector.shape_cast %max3A_48 : vector<32x8192xf32> to vector<1x32x8192xf32>
    tpu.vector_store %arg6[%swap3A, %swap3A_49, %swap3A_50], %swap3A_53 {strides = array<i32>} : memref<1x32x8192xf32, #tpu.memory_space<vmem>>, vector<1x32x8192xf32>,
    %eq3A = arith.constant 0 : i32
    %eq3A_54 = arith.cmpi eq, %arg0, %eq3A : i32
    %eq3A_55 = arith.constant 0 : i32
    %eq3A_56 = arith.cmpi eq, %arg1, %eq3A_55 : i32
    %and3A = arith.andi %eq3A_54, %eq3A_56 : i1
    %convert_element_type3A = arith.extui %and3A : i1 to i32
    %cond3A = arith.constant 0 : i32
    %cond3A_57 = arith.cmpi ne, %convert_element_type3A, %cond3A : i32
    scf.if %cond3A_57 {
      %broadcast_in_dim3A_71 = arith.constant 0.000000e+00 : f32
      %broadcast_in_dim3A_72 = vector.broadcast %broadcast_in_dim3A_71 : f32 to vector<40x40xf32>
      %swap3A_73 = arith.constant 0 : index
      %swap3A_74 = arith.constant 0 : index
      %swap3A_75 = vector.load %arg7[%swap3A_73, %swap3A_74] : memref<40x40xf32, #tpu.memory_space<vmem>>, vector<40x40xf32>
      tpu.vector_store %arg7[%swap3A_73, %swap3A_74], %broadcast_in_dim3A_72 {strides = array<i32>} : memref<40x40xf32, #tpu.memory_space<vmem>>, vector<40x40xf32>,
    } else {
    }
    %broadcast_in_dim3A_58 = arith.constant 1.000000e+00 : f32
    %broadcast_in_dim3A_59 = vector.broadcast %broadcast_in_dim3A_58 : f32 to vector<1x8192xf32>
    %broadcast_in_dim3A_60 = arith.constant 0.000000e+00 : f32
    %broadcast_in_dim3A_61 = vector.broadcast %broadcast_in_dim3A_60 : f32 to vector<7x8192xf32>
    %concatenate3A = tpu.concatenate %max3A_48, %broadcast_in_dim3A_59, %broadcast_in_dim3A_61 in 0 : vector<32x8192xf32>, vector<1x8192xf32>, vector<7x8192xf32> -> vector<40x8192xf32>
    %get3A_62 = arith.constant 0 : index
    %get3A_63 = arith.constant 0 : index
    %get3A_64 = vector.load %arg7[%get3A_62, %get3A_63] : memref<40x40xf32, #tpu.memory_space<vmem>>, vector<40x40xf32>
    %dot_general3A_65 = arith.constant dense<0.000000e+00> : vector<40x40xf32>
    %dot_general3A_66 = tpu.matmul %concatenate3A, %concatenate3A, %dot_general3A_65 {dimension_numbers = #tpu.dot_dimension_numbers<[1], [1], [0], [0], [0, 0, 1, 0], [], []>, precision = #tpu.contract_precision<fp32>, transpose_lhs_hint = false} : vector<40x8192xf32>, vector<40x8192xf32>, vector<40x40xf32> -> vector<40x40xf32>
    %add3A_67 = arith.addf %get3A_64, %dot_general3A_66 : vector<40x40xf32>
    %swap3A_68 = arith.constant 0 : index
    %swap3A_69 = arith.constant 0 : index
    %swap3A_70 = vector.load %arg7[%swap3A_68, %swap3A_69] : memref<40x40xf32, #tpu.memory_space<vmem>>, vector<40x40xf32>
    tpu.vector_store %arg7[%swap3A_68, %swap3A_69], %add3A_67 {strides = array<i32>} : memref<40x40xf32, #tpu.memory_space<vmem>>, vector<40x40xf32>,
    return
  }
  func.func @transform_0(%arg0: i32, %arg1: i32) -> (i32, i32, i32) {
    %c0_i32 = arith.constant 0 : i32
    %c0_i32_0 = arith.constant 0 : i32
    return %arg0, %c0_i32, %arg1 : i32, i32, i32
  }
  func.func @transform_1(%arg0: i32, %arg1: i32) -> (i32, i32) {
    %c0_i32 = arith.constant 0 : i32
    %c0_i32_0 = arith.constant 0 : i32
    %c0_i32_1 = arith.constant 0 : i32
    return %c0_i32, %c0_i32_0 : i32, i32
  }
  func.func @transform_2(%arg0: i32, %arg1: i32) -> (i32, i32) {
    %c0_i32 = arith.constant 0 : i32
    %c0_i32_0 = arith.constant 0 : i32
    %c0_i32_1 = arith.constant 0 : i32
    return %c0_i32, %c0_i32_0 : i32, i32
  }
  func.func @transform_3(%arg0: i32, %arg1: i32) -> (i32, i32) {
    %c0_i32 = arith.constant 0 : i32
    %c0_i32_0 = arith.constant 0 : i32
    %c0_i32_1 = arith.constant 0 : i32
    return %c0_i32, %c0_i32_0 : i32, i32
  }
  func.func @transform_4(%arg0: i32, %arg1: i32) -> (i32, i32, i32) {
    %c0_i32 = arith.constant 0 : i32
    %c0_i32_0 = arith.constant 0 : i32
    return %arg0, %c0_i32, %arg1 : i32, i32, i32
  }
  func.func @transform_5(%arg0: i32, %arg1: i32) -> (i32, i32) {
    %c0_i32 = arith.constant 0 : i32
    %c0_i32_0 = arith.constant 0 : i32
    %c0_i32_1 = arith.constant 0 : i32
    return %c0_i32, %c0_i32_0 : i32, i32
  }
}

module attributes {stable_mosaic.version = 14 : i64} {
  func.func @_layer_kernel(%arg0: i32, %arg1: i32, %arg2: memref<1x32x8192xf32, #tpu.memory_space<vmem>>, %arg3: memref<32x32xf32, #tpu.memory_space<vmem>>, %arg4: memref<32x3xf32, #tpu.memory_space<vmem>>, %arg5: memref<40x40xf32, #tpu.memory_space<vmem>>, %arg6: memref<1x32x8192xf32, #tpu.memory_space<vmem>>, %arg7: memref<40x40xf32, #tpu.memory_space<vmem>>) attributes {dimension_semantics = [#tpu.dimension_semantics<arbitrary>, #tpu.dimension_semantics<arbitrary>], iteration_bounds = array<i64: 2, 8>, scalar_prefetch = 0 : i64, scratch_operands = 0 : i64, tpu.core_type = #tpu.core_type<tc>, window_params = [{transform_indices = @transform_0, window_bounds = array<i64: 1, 32, 8192>}, {pipeline_mode = #tpu.pipeline_mode<synchronous>, transform_indices = @transform_1, window_bounds = array<i64: 32, 32>}, {pipeline_mode = #tpu.pipeline_mode<synchronous>, transform_indices = @transform_2, window_bounds = array<i64: 32, 3>}, {pipeline_mode = #tpu.pipeline_mode<synchronous>, transform_indices = @transform_3, window_bounds = array<i64: 40, 40>}, {transform_indices = @transform_4, window_bounds = array<i64: 1, 32, 8192>}, {pipeline_mode = #tpu.pipeline_mode<synchronous>, transform_indices = @transform_5, window_bounds = array<i64: 40, 40>}]} {
    %get3A = arith.constant 0 : index
    %get3A_0 = arith.constant 0 : index
    %get3A_1 = vector.load %arg3[%get3A, %get3A_0] : memref<32x32xf32, #tpu.memory_space<vmem>>, vector<32x32xf32>
    %get3A_2 = arith.constant 0 : index
    %get3A_3 = arith.constant 32 : index
    %get3A_4 = vector.load %arg5[%get3A_2, %get3A_3] : memref<40x40xf32, #tpu.memory_space<vmem>>, vector<32x1xf32>
    %mul3A = arith.constant 7.62939453E-6 : f32
    %mul3A_5 = vector.broadcast %mul3A : f32 to vector<32x1xf32>
    %mul3A_6 = arith.mulf %get3A_4, %mul3A_5 : vector<32x1xf32>
    %get3A_7 = arith.constant 0 : index
    %get3A_8 = arith.constant 0 : index
    %get3A_9 = vector.load %arg5[%get3A_7, %get3A_8] : memref<40x40xf32, #tpu.memory_space<vmem>>, vector<32x32xf32>
    %mul3A_10 = arith.constant 7.62939453E-6 : f32
    %mul3A_11 = vector.broadcast %mul3A_10 : f32 to vector<32x32xf32>
    %mul3A_12 = arith.mulf %get3A_9, %mul3A_11 : vector<32x32xf32>
    %transpose3A = tpu.transpose %mul3A_6, [1, 0] : vector<32x1xf32> -> vector<1x32xf32>
    %dot_general3A = arith.constant dense<0.000000e+00> : vector<32x32xf32>
    %dot_general3A_13 = tpu.matmul %mul3A_6, %transpose3A, %dot_general3A {dimension_numbers = #tpu.dot_dimension_numbers<[1], [0], [0], [1], [0, 0, 1, 1], [], []>, precision = #tpu.contract_precision<fp32>, transpose_lhs_hint = false} : vector<32x1xf32>, vector<1x32xf32>, vector<32x32xf32> -> vector<32x32xf32>
    %sub3A = arith.subf %mul3A_12, %dot_general3A_13 : vector<32x32xf32>
    %get3A_14 = arith.constant 0 : index
    %get3A_15 = arith.constant 0 : index
    %get3A_16 = vector.load %arg4[%get3A_14, %get3A_15] : memref<32x3xf32, #tpu.memory_space<vmem>>, vector<32x1xf32>
    %get3A_17 = arith.constant 0 : index
    %get3A_18 = arith.constant 1 : index
    %get3A_19 = vector.load %arg4[%get3A_17, %get3A_18] : memref<32x3xf32, #tpu.memory_space<vmem>>, vector<32x1xf32>
    %get3A_20 = arith.constant 0 : index
    %get3A_21 = arith.constant 2 : index
    %get3A_22 = vector.load %arg4[%get3A_20, %get3A_21] : memref<32x3xf32, #tpu.memory_space<vmem>>, vector<32x1xf32>
    %dot_general3A_23 = arith.constant dense<0.000000e+00> : vector<32x1xf32>
    %dot_general3A_24 = tpu.matmul %get3A_1, %mul3A_6, %dot_general3A_23 {dimension_numbers = #tpu.dot_dimension_numbers<[1], [0], [0], [1], [0, 0, 1, 1], [], []>, precision = #tpu.contract_precision<fp32>, transpose_lhs_hint = false} : vector<32x32xf32>, vector<32x1xf32>, vector<32x1xf32> -> vector<32x1xf32>
    %add3A = arith.addf %dot_general3A_24, %get3A_16 : vector<32x1xf32>
    %dot_general3A_25 = arith.constant dense<0.000000e+00> : vector<32x32xf32>
    %dot_general3A_26 = tpu.matmul %get3A_1, %sub3A, %dot_general3A_25 {dimension_numbers = #tpu.dot_dimension_numbers<[1], [0], [0], [1], [0, 0, 1, 1], [], []>, precision = #tpu.contract_precision<fp32>, transpose_lhs_hint = false} : vector<32x32xf32>, vector<32x32xf32>, vector<32x32xf32> -> vector<32x32xf32>
    %mul3A_27 = arith.mulf %dot_general3A_26, %get3A_1 : vector<32x32xf32>
    %reduce_sum3A = arith.constant dense<0.000000e+00> : vector<32xf32>
    %reduce_sum3A_28 = vector.multi_reduction <add>, %mul3A_27, %reduce_sum3A [1] : vector<32x32xf32> to vector<32xf32>
    %broadcast_in_dim3A = vector.shape_cast %reduce_sum3A_28 : vector<32xf32> to vector<32x1xf32>
    %add3A_29 = arith.constant 9.99999974E-6 : f32
    %add3A_30 = vector.broadcast %add3A_29 : f32 to vector<32x1xf32>
    %add3A_31 = arith.addf %broadcast_in_dim3A, %add3A_30 : vector<32x1xf32>
    %rsqrt3A = math.rsqrt %add3A_31 : vector<32x1xf32>
    %mul3A_32 = arith.mulf %get3A_19, %rsqrt3A : vector<32x1xf32>
    %sub3A_33 = arith.subf %get3A_16, %add3A : vector<32x1xf32>
    %mul3A_34 = arith.mulf %sub3A_33, %mul3A_32 : vector<32x1xf32>
    %add3A_35 = arith.addf %mul3A_34, %get3A_22 : vector<32x1xf32>
    %get3A_36 = arith.constant 0 : index
    %get3A_37 = arith.constant 0 : index
    %get3A_38 = arith.constant 0 : index
    %get3A_39 = vector.load %arg2[%get3A_36, %get3A_37, %get3A_38] : memref<1x32x8192xf32, #tpu.memory_space<vmem>>, vector<1x32x8192xf32>
    %get3A_40 = vector.shape_cast %get3A_39 : vector<1x32x8192xf32> to vector<32x8192xf32>
    %dot_general3A_41 = arith.constant dense<0.000000e+00> : vector<32x8192xf32>
    %dot_general3A_42 = tpu.matmul %get3A_1, %get3A_40, %dot_general3A_41 {dimension_numbers = #tpu.dot_dimension_numbers<[1], [0], [0], [1], [0, 0, 1, 1], [], []>, precision = #tpu.contract_precision<fp32>, transpose_lhs_hint = false} : vector<32x32xf32>, vector<32x8192xf32>, vector<32x8192xf32> -> vector<32x8192xf32>
    %mul3A_43 = vector.broadcast %mul3A_32 : vector<32x1xf32> to vector<32x8192xf32>
    %mul3A_44 = arith.mulf %dot_general3A_42, %mul3A_43 : vector<32x8192xf32>
    %add3A_45 = vector.broadcast %add3A_35 : vector<32x1xf32> to vector<32x8192xf32>
    %add3A_46 = arith.addf %mul3A_44, %add3A_45 : vector<32x8192xf32>
    %max3A = arith.constant 0.000000e+00 : f32
    %max3A_47 = vector.broadcast %max3A : f32 to vector<32x8192xf32>
    %max3A_48 = arith.maximumf %add3A_46, %max3A_47 : vector<32x8192xf32>
    %swap3A = arith.constant 0 : index
    %swap3A_49 = arith.constant 0 : index
    %swap3A_50 = arith.constant 0 : index
    %swap3A_51 = vector.load %arg6[%swap3A, %swap3A_49, %swap3A_50] : memref<1x32x8192xf32, #tpu.memory_space<vmem>>, vector<1x32x8192xf32>
    %swap3A_52 = vector.shape_cast %swap3A_51 : vector<1x32x8192xf32> to vector<32x8192xf32>
    %swap3A_53 = vector.shape_cast %max3A_48 : vector<32x8192xf32> to vector<1x32x8192xf32>
    tpu.vector_store %arg6[%swap3A, %swap3A_49, %swap3A_50], %swap3A_53 {strides = array<i32>} : memref<1x32x8192xf32, #tpu.memory_space<vmem>>, vector<1x32x8192xf32>,
    %eq3A = arith.constant 0 : i32
    %eq3A_54 = arith.cmpi eq, %arg0, %eq3A : i32
    %eq3A_55 = arith.constant 0 : i32
    %eq3A_56 = arith.cmpi eq, %arg1, %eq3A_55 : i32
    %and3A = arith.andi %eq3A_54, %eq3A_56 : i1
    %convert_element_type3A = arith.extui %and3A : i1 to i32
    %cond3A = arith.constant 0 : i32
    %cond3A_57 = arith.cmpi ne, %convert_element_type3A, %cond3A : i32
    scf.if %cond3A_57 {
      %broadcast_in_dim3A_71 = arith.constant 0.000000e+00 : f32
      %broadcast_in_dim3A_72 = vector.broadcast %broadcast_in_dim3A_71 : f32 to vector<40x40xf32>
      %swap3A_73 = arith.constant 0 : index
      %swap3A_74 = arith.constant 0 : index
      %swap3A_75 = vector.load %arg7[%swap3A_73, %swap3A_74] : memref<40x40xf32, #tpu.memory_space<vmem>>, vector<40x40xf32>
      tpu.vector_store %arg7[%swap3A_73, %swap3A_74], %broadcast_in_dim3A_72 {strides = array<i32>} : memref<40x40xf32, #tpu.memory_space<vmem>>, vector<40x40xf32>,
    } else {
    }
    %broadcast_in_dim3A_58 = arith.constant 1.000000e+00 : f32
    %broadcast_in_dim3A_59 = vector.broadcast %broadcast_in_dim3A_58 : f32 to vector<1x8192xf32>
    %broadcast_in_dim3A_60 = arith.constant 0.000000e+00 : f32
    %broadcast_in_dim3A_61 = vector.broadcast %broadcast_in_dim3A_60 : f32 to vector<7x8192xf32>
    %concatenate3A = tpu.concatenate %max3A_48, %broadcast_in_dim3A_59, %broadcast_in_dim3A_61 in 0 : vector<32x8192xf32>, vector<1x8192xf32>, vector<7x8192xf32> -> vector<40x8192xf32>
    %get3A_62 = arith.constant 0 : index
    %get3A_63 = arith.constant 0 : index
    %get3A_64 = vector.load %arg7[%get3A_62, %get3A_63] : memref<40x40xf32, #tpu.memory_space<vmem>>, vector<40x40xf32>
    %dot_general3A_65 = arith.constant dense<0.000000e+00> : vector<40x40xf32>
    %dot_general3A_66 = tpu.matmul %concatenate3A, %concatenate3A, %dot_general3A_65 {dimension_numbers = #tpu.dot_dimension_numbers<[1], [1], [0], [0], [0, 0, 1, 0], [], []>, precision = #tpu.contract_precision<fp32>, transpose_lhs_hint = false} : vector<40x8192xf32>, vector<40x8192xf32>, vector<40x40xf32> -> vector<40x40xf32>
    %add3A_67 = arith.addf %get3A_64, %dot_general3A_66 : vector<40x40xf32>
    %swap3A_68 = arith.constant 0 : index
    %swap3A_69 = arith.constant 0 : index
    %swap3A_70 = vector.load %arg7[%swap3A_68, %swap3A_69] : memref<40x40xf32, #tpu.memory_space<vmem>>, vector<40x40xf32>
    tpu.vector_store %arg7[%swap3A_68, %swap3A_69], %add3A_67 {strides = array<i32>} : memref<40x40xf32, #tpu.memory_space<vmem>>, vector<40x40xf32>,
    return
  }
  func.func @transform_0(%arg0: i32, %arg1: i32) -> (i32, i32, i32) {
    %c0_i32 = arith.constant 0 : i32
    %c0_i32_0 = arith.constant 0 : i32
    return %arg0, %c0_i32, %arg1 : i32, i32, i32
  }
  func.func @transform_1(%arg0: i32, %arg1: i32) -> (i32, i32) {
    %c0_i32 = arith.constant 0 : i32
    %c0_i32_0 = arith.constant 0 : i32
    %c0_i32_1 = arith.constant 0 : i32
    return %c0_i32, %c0_i32_0 : i32, i32
  }
  func.func @transform_2(%arg0: i32, %arg1: i32) -> (i32, i32) {
    %c0_i32 = arith.constant 0 : i32
    %c0_i32_0 = arith.constant 0 : i32
    %c0_i32_1 = arith.constant 0 : i32
    return %c0_i32, %c0_i32_0 : i32, i32
  }
  func.func @transform_3(%arg0: i32, %arg1: i32) -> (i32, i32) {
    %c0_i32 = arith.constant 0 : i32
    %c0_i32_0 = arith.constant 0 : i32
    %c0_i32_1 = arith.constant 0 : i32
    return %c0_i32, %c0_i32_0 : i32, i32
  }
  func.func @transform_4(%arg0: i32, %arg1: i32) -> (i32, i32, i32) {
    %c0_i32 = arith.constant 0 : i32
    %c0_i32_0 = arith.constant 0 : i32
    return %arg0, %c0_i32, %arg1 : i32, i32, i32
  }
  func.func @transform_5(%arg0: i32, %arg1: i32) -> (i32, i32) {
    %c0_i32 = arith.constant 0 : i32
    %c0_i32_0 = arith.constant 0 : i32
    %c0_i32_1 = arith.constant 0 : i32
    return %c0_i32, %c0_i32_0 : i32, i32
  }
}

module attributes {stable_mosaic.version = 14 : i64} {
  func.func @_last_kernel(%arg0: i32, %arg1: i32, %arg2: memref<1x32x8192xf32, #tpu.memory_space<vmem>>, %arg3: memref<64x32xf32, #tpu.memory_space<vmem>>, %arg4: memref<64x3xf32, #tpu.memory_space<vmem>>, %arg5: memref<40x40xf32, #tpu.memory_space<vmem>>, %arg6: memref<1x64x8192xf32, #tpu.memory_space<vmem>>) attributes {dimension_semantics = [#tpu.dimension_semantics<arbitrary>, #tpu.dimension_semantics<arbitrary>], iteration_bounds = array<i64: 2, 8>, scalar_prefetch = 0 : i64, scratch_operands = 0 : i64, tpu.core_type = #tpu.core_type<tc>, window_params = [{transform_indices = @transform_0, window_bounds = array<i64: 1, 32, 8192>}, {pipeline_mode = #tpu.pipeline_mode<synchronous>, transform_indices = @transform_1, window_bounds = array<i64: 64, 32>}, {pipeline_mode = #tpu.pipeline_mode<synchronous>, transform_indices = @transform_2, window_bounds = array<i64: 64, 3>}, {pipeline_mode = #tpu.pipeline_mode<synchronous>, transform_indices = @transform_3, window_bounds = array<i64: 40, 40>}, {transform_indices = @transform_4, window_bounds = array<i64: 1, 64, 8192>}]} {
    %get3A = arith.constant 0 : index
    %get3A_0 = arith.constant 0 : index
    %get3A_1 = vector.load %arg3[%get3A, %get3A_0] : memref<64x32xf32, #tpu.memory_space<vmem>>, vector<64x32xf32>
    %get3A_2 = arith.constant 0 : index
    %get3A_3 = arith.constant 32 : index
    %get3A_4 = vector.load %arg5[%get3A_2, %get3A_3] : memref<40x40xf32, #tpu.memory_space<vmem>>, vector<32x1xf32>
    %mul3A = arith.constant 7.62939453E-6 : f32
    %mul3A_5 = vector.broadcast %mul3A : f32 to vector<32x1xf32>
    %mul3A_6 = arith.mulf %get3A_4, %mul3A_5 : vector<32x1xf32>
    %get3A_7 = arith.constant 0 : index
    %get3A_8 = arith.constant 0 : index
    %get3A_9 = vector.load %arg5[%get3A_7, %get3A_8] : memref<40x40xf32, #tpu.memory_space<vmem>>, vector<32x32xf32>
    %mul3A_10 = arith.constant 7.62939453E-6 : f32
    %mul3A_11 = vector.broadcast %mul3A_10 : f32 to vector<32x32xf32>
    %mul3A_12 = arith.mulf %get3A_9, %mul3A_11 : vector<32x32xf32>
    %transpose3A = tpu.transpose %mul3A_6, [1, 0] : vector<32x1xf32> -> vector<1x32xf32>
    %dot_general3A = arith.constant dense<0.000000e+00> : vector<32x32xf32>
    %dot_general3A_13 = tpu.matmul %mul3A_6, %transpose3A, %dot_general3A {dimension_numbers = #tpu.dot_dimension_numbers<[1], [0], [0], [1], [0, 0, 1, 1], [], []>, precision = #tpu.contract_precision<fp32>, transpose_lhs_hint = false} : vector<32x1xf32>, vector<1x32xf32>, vector<32x32xf32> -> vector<32x32xf32>
    %sub3A = arith.subf %mul3A_12, %dot_general3A_13 : vector<32x32xf32>
    %get3A_14 = arith.constant 0 : index
    %get3A_15 = arith.constant 0 : index
    %get3A_16 = vector.load %arg4[%get3A_14, %get3A_15] : memref<64x3xf32, #tpu.memory_space<vmem>>, vector<64x1xf32>
    %get3A_17 = arith.constant 0 : index
    %get3A_18 = arith.constant 1 : index
    %get3A_19 = vector.load %arg4[%get3A_17, %get3A_18] : memref<64x3xf32, #tpu.memory_space<vmem>>, vector<64x1xf32>
    %get3A_20 = arith.constant 0 : index
    %get3A_21 = arith.constant 2 : index
    %get3A_22 = vector.load %arg4[%get3A_20, %get3A_21] : memref<64x3xf32, #tpu.memory_space<vmem>>, vector<64x1xf32>
    %dot_general3A_23 = arith.constant dense<0.000000e+00> : vector<64x1xf32>
    %dot_general3A_24 = tpu.matmul %get3A_1, %mul3A_6, %dot_general3A_23 {dimension_numbers = #tpu.dot_dimension_numbers<[1], [0], [0], [1], [0, 0, 1, 1], [], []>, precision = #tpu.contract_precision<fp32>, transpose_lhs_hint = false} : vector<64x32xf32>, vector<32x1xf32>, vector<64x1xf32> -> vector<64x1xf32>
    %add3A = arith.addf %dot_general3A_24, %get3A_16 : vector<64x1xf32>
    %dot_general3A_25 = arith.constant dense<0.000000e+00> : vector<64x32xf32>
    %dot_general3A_26 = tpu.matmul %get3A_1, %sub3A, %dot_general3A_25 {dimension_numbers = #tpu.dot_dimension_numbers<[1], [0], [0], [1], [0, 0, 1, 1], [], []>, precision = #tpu.contract_precision<fp32>, transpose_lhs_hint = false} : vector<64x32xf32>, vector<32x32xf32>, vector<64x32xf32> -> vector<64x32xf32>
    %mul3A_27 = arith.mulf %dot_general3A_26, %get3A_1 : vector<64x32xf32>
    %reduce_sum3A = arith.constant dense<0.000000e+00> : vector<64xf32>
    %reduce_sum3A_28 = vector.multi_reduction <add>, %mul3A_27, %reduce_sum3A [1] : vector<64x32xf32> to vector<64xf32>
    %broadcast_in_dim3A = vector.shape_cast %reduce_sum3A_28 : vector<64xf32> to vector<64x1xf32>
    %add3A_29 = arith.constant 9.99999974E-6 : f32
    %add3A_30 = vector.broadcast %add3A_29 : f32 to vector<64x1xf32>
    %add3A_31 = arith.addf %broadcast_in_dim3A, %add3A_30 : vector<64x1xf32>
    %rsqrt3A = math.rsqrt %add3A_31 : vector<64x1xf32>
    %mul3A_32 = arith.mulf %get3A_19, %rsqrt3A : vector<64x1xf32>
    %sub3A_33 = arith.subf %get3A_16, %add3A : vector<64x1xf32>
    %mul3A_34 = arith.mulf %sub3A_33, %mul3A_32 : vector<64x1xf32>
    %add3A_35 = arith.addf %mul3A_34, %get3A_22 : vector<64x1xf32>
    %get3A_36 = arith.constant 0 : index
    %get3A_37 = arith.constant 0 : index
    %get3A_38 = arith.constant 0 : index
    %get3A_39 = vector.load %arg2[%get3A_36, %get3A_37, %get3A_38] : memref<1x32x8192xf32, #tpu.memory_space<vmem>>, vector<1x32x8192xf32>
    %get3A_40 = vector.shape_cast %get3A_39 : vector<1x32x8192xf32> to vector<32x8192xf32>
    %dot_general3A_41 = arith.constant dense<0.000000e+00> : vector<64x8192xf32>
    %dot_general3A_42 = tpu.matmul %get3A_1, %get3A_40, %dot_general3A_41 {dimension_numbers = #tpu.dot_dimension_numbers<[1], [0], [0], [1], [0, 0, 1, 1], [], []>, precision = #tpu.contract_precision<fp32>, transpose_lhs_hint = false} : vector<64x32xf32>, vector<32x8192xf32>, vector<64x8192xf32> -> vector<64x8192xf32>
    %mul3A_43 = vector.broadcast %mul3A_32 : vector<64x1xf32> to vector<64x8192xf32>
    %mul3A_44 = arith.mulf %dot_general3A_42, %mul3A_43 : vector<64x8192xf32>
    %add3A_45 = vector.broadcast %add3A_35 : vector<64x1xf32> to vector<64x8192xf32>
    %add3A_46 = arith.addf %mul3A_44, %add3A_45 : vector<64x8192xf32>
    %max3A = arith.constant 0.000000e+00 : f32
    %max3A_47 = vector.broadcast %max3A : f32 to vector<64x8192xf32>
    %max3A_48 = arith.maximumf %add3A_46, %max3A_47 : vector<64x8192xf32>
    %swap3A = arith.constant 0 : index
    %swap3A_49 = arith.constant 0 : index
    %swap3A_50 = arith.constant 0 : index
    %swap3A_51 = vector.load %arg6[%swap3A, %swap3A_49, %swap3A_50] : memref<1x64x8192xf32, #tpu.memory_space<vmem>>, vector<1x64x8192xf32>
    %swap3A_52 = vector.shape_cast %swap3A_51 : vector<1x64x8192xf32> to vector<64x8192xf32>
    %swap3A_53 = vector.shape_cast %max3A_48 : vector<64x8192xf32> to vector<1x64x8192xf32>
    tpu.vector_store %arg6[%swap3A, %swap3A_49, %swap3A_50], %swap3A_53 {strides = array<i32>} : memref<1x64x8192xf32, #tpu.memory_space<vmem>>, vector<1x64x8192xf32>,
    return
  }
  func.func @transform_0(%arg0: i32, %arg1: i32) -> (i32, i32, i32) {
    %c0_i32 = arith.constant 0 : i32
    %c0_i32_0 = arith.constant 0 : i32
    return %arg0, %c0_i32, %arg1 : i32, i32, i32
  }
  func.func @transform_1(%arg0: i32, %arg1: i32) -> (i32, i32) {
    %c0_i32 = arith.constant 0 : i32
    %c0_i32_0 = arith.constant 0 : i32
    %c0_i32_1 = arith.constant 0 : i32
    return %c0_i32, %c0_i32_0 : i32, i32
  }
  func.func @transform_2(%arg0: i32, %arg1: i32) -> (i32, i32) {
    %c0_i32 = arith.constant 0 : i32
    %c0_i32_0 = arith.constant 0 : i32
    %c0_i32_1 = arith.constant 0 : i32
    return %c0_i32, %c0_i32_0 : i32, i32
  }
  func.func @transform_3(%arg0: i32, %arg1: i32) -> (i32, i32) {
    %c0_i32 = arith.constant 0 : i32
    %c0_i32_0 = arith.constant 0 : i32
    %c0_i32_1 = arith.constant 0 : i32
    return %c0_i32, %c0_i32_0 : i32, i32
  }
  func.func @transform_4(%arg0: i32, %arg1: i32) -> (i32, i32, i32) {
    %c0_i32 = arith.constant 0 : i32
    %c0_i32_0 = arith.constant 0 : i32
    return %arg0, %c0_i32, %arg1 : i32, i32, i32
  }
}

module attributes {stable_mosaic.version = 14 : i64} {
  func.func @_max_kernel(%arg0: i32, %arg1: i32, %arg2: memref<1x64x128x64xf32, #tpu.memory_space<vmem>>, %arg3: memref<1x64x128xf32, #tpu.memory_space<vmem>>) attributes {dimension_semantics = [#tpu.dimension_semantics<arbitrary>, #tpu.dimension_semantics<arbitrary>], iteration_bounds = array<i64: 2, 8>, scalar_prefetch = 0 : i64, scratch_operands = 0 : i64, tpu.core_type = #tpu.core_type<tc>, window_params = [{transform_indices = @transform_0, window_bounds = array<i64: 1, 64, 128, 64>}, {transform_indices = @transform_1, window_bounds = array<i64: 1, 64, 128>}]} {
    %get3A = arith.constant 0 : index
    %get3A_0 = arith.constant 0 : index
    %get3A_1 = arith.constant 0 : index
    %get3A_2 = arith.constant 0 : index
    %get3A_3 = vector.load %arg2[%get3A, %get3A_0, %get3A_1, %get3A_2] : memref<1x64x128x64xf32, #tpu.memory_space<vmem>>, vector<1x64x128x64xf32>
    %get3A_4 = vector.shape_cast %get3A_3 : vector<1x64x128x64xf32> to vector<64x128x64xf32>
    %reduce_max3A = arith.constant dense<0xFF800000> : vector<64x128xf32>
    %reduce_max3A_5 = vector.multi_reduction <maximumf>, %get3A_4, %reduce_max3A [2] : vector<64x128x64xf32> to vector<64x128xf32>
    %swap3A = arith.constant 0 : index
    %swap3A_6 = arith.constant 0 : index
    %swap3A_7 = arith.constant 0 : index
    %swap3A_8 = vector.load %arg3[%swap3A, %swap3A_6, %swap3A_7] : memref<1x64x128xf32, #tpu.memory_space<vmem>>, vector<1x64x128xf32>
    %swap3A_9 = vector.shape_cast %swap3A_8 : vector<1x64x128xf32> to vector<64x128xf32>
    %swap3A_10 = vector.shape_cast %reduce_max3A_5 : vector<64x128xf32> to vector<1x64x128xf32>
    tpu.vector_store %arg3[%swap3A, %swap3A_6, %swap3A_7], %swap3A_10 {strides = array<i32>} : memref<1x64x128xf32, #tpu.memory_space<vmem>>, vector<1x64x128xf32>,
    return
  }
  func.func @transform_0(%arg0: i32, %arg1: i32) -> (i32, i32, i32, i32) {
    %c0_i32 = arith.constant 0 : i32
    %c0_i32_0 = arith.constant 0 : i32
    %c0_i32_1 = arith.constant 0 : i32
    return %arg0, %c0_i32, %arg1, %c0_i32_0 : i32, i32, i32, i32
  }
  func.func @transform_1(%arg0: i32, %arg1: i32) -> (i32, i32, i32) {
    %c0_i32 = arith.constant 0 : i32
    %c0_i32_0 = arith.constant 0 : i32
    return %arg0, %c0_i32, %arg1 : i32, i32, i32
  }
}

module attributes {stable_mosaic.version = 14 : i64} {
  func.func @_max_kernel(%arg0: i32, %arg1: i32, %arg2: memref<1x128x128x128xf32, #tpu.memory_space<vmem>>, %arg3: memref<1x128x128xf32, #tpu.memory_space<vmem>>) attributes {dimension_semantics = [#tpu.dimension_semantics<arbitrary>, #tpu.dimension_semantics<arbitrary>], iteration_bounds = array<i64: 2, 8>, scalar_prefetch = 0 : i64, scratch_operands = 0 : i64, tpu.core_type = #tpu.core_type<tc>, window_params = [{transform_indices = @transform_0, window_bounds = array<i64: 1, 128, 128, 128>}, {transform_indices = @transform_1, window_bounds = array<i64: 1, 128, 128>}]} {
    %get3A = arith.constant 0 : index
    %get3A_0 = arith.constant 0 : index
    %get3A_1 = arith.constant 0 : index
    %get3A_2 = arith.constant 0 : index
    %get3A_3 = vector.load %arg2[%get3A, %get3A_0, %get3A_1, %get3A_2] : memref<1x128x128x128xf32, #tpu.memory_space<vmem>>, vector<1x128x128x128xf32>
    %get3A_4 = vector.shape_cast %get3A_3 : vector<1x128x128x128xf32> to vector<128x128x128xf32>
    %reduce_max3A = arith.constant dense<0xFF800000> : vector<128x128xf32>
    %reduce_max3A_5 = vector.multi_reduction <maximumf>, %get3A_4, %reduce_max3A [2] : vector<128x128x128xf32> to vector<128x128xf32>
    %swap3A = arith.constant 0 : index
    %swap3A_6 = arith.constant 0 : index
    %swap3A_7 = arith.constant 0 : index
    %swap3A_8 = vector.load %arg3[%swap3A, %swap3A_6, %swap3A_7] : memref<1x128x128xf32, #tpu.memory_space<vmem>>, vector<1x128x128xf32>
    %swap3A_9 = vector.shape_cast %swap3A_8 : vector<1x128x128xf32> to vector<128x128xf32>
    %swap3A_10 = vector.shape_cast %reduce_max3A_5 : vector<128x128xf32> to vector<1x128x128xf32>
    tpu.vector_store %arg3[%swap3A, %swap3A_6, %swap3A_7], %swap3A_10 {strides = array<i32>} : memref<1x128x128xf32, #tpu.memory_space<vmem>>, vector<1x128x128xf32>,
    return
  }
  func.func @transform_0(%arg0: i32, %arg1: i32) -> (i32, i32, i32, i32) {
    %c0_i32 = arith.constant 0 : i32
    %c0_i32_0 = arith.constant 0 : i32
    %c0_i32_1 = arith.constant 0 : i32
    return %arg0, %c0_i32, %arg1, %c0_i32_0 : i32, i32, i32, i32
  }
  func.func @transform_1(%arg0: i32, %arg1: i32) -> (i32, i32, i32) {
    %c0_i32 = arith.constant 0 : i32
    %c0_i32_0 = arith.constant 0 : i32
    return %arg0, %c0_i32, %arg1 : i32, i32, i32
  }
}

</mosaic_0001>

<sc_bundles>
// kernel: kernel.18.cloned.1.call-start
scs
__scs_entry_jumppad:
0x0: {  	(pc) =	sbr.rel $0x88, $3  }
0x1: {  	(tag) =	ssettag $0x0;
	lr =	simm.s32 $0x1  }
0x2: {  	[smem:$0x3F7A] =	sst lr;
	_ =	strace $0xD0000000  }
0x3: {  	_ = 	snop  }
0x4: {  	_ = 	snop  }
0x5: {  	_ = 	snop  }
0x6: {  	_ = 	snop  }
0x7: {  	_ = 	snop  }
__scs_overlays_trampoline_lowered:
0x8: {  	[smem:$0x3F89] =	sst s0  }
0x9: {  	[smem:$0x3F8A] =	sst s1  }
0xa: {  	[smem:$0x3F8B] =	sst s2  }
0xb: {  	[smem:$0x3F8C] =	sst s3  }
0xc: {  	[smem:$0x3F8D] =	sst s4  }
0xd: {  	[smem:$0x3F8E] =	sst s5  }
0xe: {  	[smem:$0x3F8F] =	sst s6  }
0xf: {  	[smem:$0x3F90] =	sst s7  }
0x10: {  	[smem:$0x3F91] =	sst s8  }
0x11: {  	[smem:$0x3F92] =	sst s9;
	s0 =	simm.s32 @!p0 $0x0  }
0x12: {  	s1 =	sld [smem:$0x3F78];
	s0 =	simm.s32 @p0 $0x1  }
0x13: {  	[smem:$0x3F93] =	sst s0;
	s0 =	simm.s32 @!p1 $0x0  }
0x14: {  	s2 =	sld [smem:$0x3F77];
	s0 =	simm.s32 @p1 $0x1  }
0x15: {  	[smem:$0x3F94] =	sst s0;
	s0 =	simm.s32 @!p2 $0x0  }
0x16: {  	s3 =	sld [smem:$0x3FDB];
	s0 =	simm.s32 @p2 $0x1  }
0x17: {  	s4 =	simm.s32 $0x1BF5;
	[smem:$0x3F96] =	sst s0  }
0x18: {  	s0 =	sld [smem:$0x3F79];
	_ =	swait.ge [sflag:s4], $0x0  }
0x19: {  	s7 =	sld [smem:$0x3F7A]  }
0x1a: {  	s8 =	sadd.s32 $0xFFFFE003, lr  }
0x1b: {  	s9 =	sadd.s32 $0xFFFFFEF7, lr;
	s5 =	simm.s32 $0xFFFFFFFF;
	p2 =	slt.u32 s8, $0xFFFFF086  }
0x1c: {  	p1 =	slt.u32 s9, $0xF7A;
	s5 =	simm.s32 @!p2 $0x0  }
0x1d: {  	s5 =	simm.s32 @p1 $0x1;
	p0 =	seq.s32 s7, s2  }
0x1e: {  	s7 =	smul.u32 @!p0 $0xF7A, s2;
	p2 =	seq.s32 @!p0 s5, $0x0  }
0x1f: {  	s9 =	smul.u32 $0xF7A, s1;
	s8 =	simm.s32 @!p0 $0x1BF5;
	p2 =	por !p2, p0  }
0x20: {  	[sflag:s8] =	ssyncset.s32 @!p0 $0xFFFFF086;
	s6 =	sadd.s32 @!p0 s3, s7;
	s7 =	simm.s32 @!p0 $0x108  }
0x21: {  	s3 =	sadd.s32 s3, s9;
	s6 =	sadd.s32 @!p0 $0x88, s6;
	s7 =	simm.s32 @p2 $0x1082  }
0x22: {  	[simem:s7], [sflag:s8] =	dma.local @!p0 [hbm:s6], $0xF7A  }
0x23: {  	s9 =	sor.u32 $0xD0000000, s2;
	s6 =	simm.s32 $0x108;
	_ =	swait.ge @!p0 [sflag:s8], $0x0  }
0x24: {  	s3 =	sadd.s32 $0x88, s3;
	s6 =	simm.s32 @!p1 $0x1082;
	[sflag:s4] =	ssyncset.s32 $0xFFFFF086  }
0x25: {  	[simem:s6], [sflag:s4] =	dma.local [hbm:s3], $0xF7A  }
0x26: {  	[smem:$0x3F7A] =	sst s1;
	(tag) =	ssettag s2;
	_ =	strace s9  }
0x27: {  	s1 =	sld [smem:$0x3F8A]  }
0x28: {  	s2 =	sld [smem:$0x3F8B]  }
0x29: {  	s4 =	sld [smem:$0x3F8D]  }
0x2a: {  	p0 =	seq.s32 s5, $0x0;
	s5 =	sld [smem:$0x3F8E]  }
0x2b: {  	s6 =	sld [smem:$0x3F8F]  }
0x2c: {  	s7 =	sld [smem:$0x3F90]  }
0x2d: {  	s3 =	simm.s32 $0x108;
	s8 =	sld [smem:$0x3F91]  }
0x2e: {  	s3 =	simm.s32 @!p0 $0x1082;
	s9 =	sld [smem:$0x3F92]  }
0x2f: {  	lr =	sadd.s32 s0, s3;
	s0 =	sld [smem:$0x3F89]  }
0x30: {  	s3 =	sld [smem:$0x3F8C]  }
0x31: {  	[smem:$0x3F95] =	sst s10  }
0x32: {  	s10 =	sld [smem:$0x3F93];
	_ =	sdelay $0x3  }
0x33: {  	p0 =	seq.s32 s10, $0x1;
	s10 =	sld [smem:$0x3F95];
	_ =	sdelay $0x3  }
0x34: {  	[smem:$0x3F95] =	sst s10  }
0x35: {  	s10 =	sld [smem:$0x3F94];
	_ =	sdelay $0x3  }
0x36: {  	p1 =	seq.s32 s10, $0x1;
	s10 =	sld [smem:$0x3F95];
	_ =	sdelay $0x3  }
0x37: {  	[smem:$0x3F95] =	sst s10  }
0x38: {  	s10 =	sld [smem:$0x3F96]  }
0x39: {  	_ = 	snop;
	(pc) =	sbr.ind lr, $3  }
0x3a: {  	_ = 	snop  }
0x3b: {  	_ = 	snop  }
0x3c: {  	p2 =	seq.s32 s10, $0x1;
	s10 =	sld [smem:$0x3F95]  }
0x3d: {  	_ =	shalt  }
0x3e: {  	_ =	shalt  }
0x3f: {  	_ =	shalt  }
0x40: {  	_ =	shalt  }
0x41: {  	_ =	shalt  }
0x42: {  	_ =	shalt  }
0x43: {  	_ =	shalt  }
0x44: {  	_ =	shalt  }
0x45: {  	_ =	shalt  }
0x46: {  	_ =	shalt  }
0x47: {  	_ =	shalt  }
0x48: {  	_ =	shalt  }
0x49: {  	_ =	shalt  }
0x4a: {  	_ =	shalt  }
0x4b: {  	_ =	shalt  }
0x4c: {  	_ =	shalt  }
0x4d: {  	_ =	shalt  }
0x4e: {  	_ =	shalt  }
0x4f: {  	_ =	shalt  }
0x50: {  	_ =	shalt  }
0x51: {  	_ =	shalt  }
0x52: {  	_ =	shalt  }
0x53: {  	_ =	shalt  }
0x54: {  	_ =	shalt  }
0x55: {  	_ =	shalt  }
0x56: {  	_ =	shalt  }
0x57: {  	_ =	shalt  }
0x58: {  	_ =	shalt  }
0x59: {  	_ =	shalt  }
0x5a: {  	_ =	shalt  }
0x5b: {  	_ =	shalt  }
0x5c: {  	_ =	shalt  }
0x5d: {  	_ =	shalt  }
0x5e: {  	_ =	shalt  }
0x5f: {  	_ =	shalt  }
0x60: {  	_ =	shalt  }
0x61: {  	_ =	shalt  }
0x62: {  	_ =	shalt  }
0x63: {  	_ =	shalt  }
0x64: {  	_ =	shalt  }
0x65: {  	_ =	shalt  }
0x66: {  	_ =	shalt  }
0x67: {  	_ =	shalt  }
0x68: {  	_ =	shalt  }
0x69: {  	_ =	shalt  }
0x6a: {  	_ =	shalt  }
0x6b: {  	_ =	shalt  }
0x6c: {  	_ =	shalt  }
0x6d: {  	_ =	shalt  }
0x6e: {  	_ =	shalt  }
0x6f: {  	_ =	shalt  }
0x70: {  	_ =	shalt  }
0x71: {  	_ =	shalt  }
0x72: {  	_ =	shalt  }
0x73: {  	_ =	shalt  }
0x74: {  	_ =	shalt  }
0x75: {  	_ =	shalt  }
0x76: {  	_ =	shalt  }
0x77: {  	_ =	shalt  }
0x78: {  	_ =	shalt  }
0x79: {  	_ =	shalt  }
0x7a: {  	_ =	shalt  }
0x7b: {  	_ =	shalt  }
0x7c: {  	_ =	shalt  }
0x7d: {  	_ =	shalt  }
0x7e: {  	_ =	shalt  }
0x7f: {  	_ =	shalt  }
0x80: {  	_ =	shalt  }
0x81: {  	_ =	shalt  }
0x82: {  	_ =	shalt  }
0x83: {  	_ =	shalt  }
0x84: {  	_ =	shalt  }
0x85: {  	_ =	shalt  }
0x86: {  	_ =	shalt  }
0x87: {  	_ =	shalt  }
.Lfunc_end0:
.L_simem_size_0:
called_computation.1_lowered:
.L_overlay_start_0:
0x88: {  	s2 =	sld [smem:$0x3FD9]  }
0x89: {  	s3 =	sld [smem:$0x3FFE];
	_ =	sdelay $0x1  }
0x8a: {  	s1 =	srdreg.scid  }
0x8b: {  	s0 =	sand.u32 $0x1, s1  }
0x8c: {  	s14 =	sshll.u32 s0, $0xA;
	s2 =	sadd.s32 s3, s2  }
0x8d: {  	s2 =	sadd.s32 s2, s14  }
0x8e: {  	[smem:$0x3FA1] =	sst s2  }
0x8f: {  	_ = 	snop  }
0x90: {  	s2 =	sld [smem:$0x3FD0];
	_ =	sdelay $0x2  }
0x91: {  	s15 =	simm.s32 $0xA;
	s4 =	simm.s32 $0x10  }
0x92: {  	[smem:s4], [sflag:s15] =	dma.local [hbm:s2], $0x1  }
0x93: {  	_ =	swait.eq [sflag:s15], $0x1  }
0x94: {  	[sflag:s15] =	ssyncset.done $0x0  }
0x95: {  	s16 =	sld [smem:$0x10];
	[sflag:s15] =	ssyncadd.s32 $0xFFFFFFFF  }
0x96: {  	s17 =	sld [smem:$0x11];
	(tm) =	ssettm $0x1  }
0x97: {  	s18 =	sld [smem:$0x3FFB];
	_ =	sdelay $0x3  }
0x98: {  	_ =	strace s18  }
0x99: {  	s4 =	sld [smem:$0x3FFC];
	_ =	sdelay $0x3  }
0x9a: {  	_ =	strace s4  }
0x9b: {  	s4 =	sld [smem:$0x3FFD];
	_ =	sdelay $0x3  }
0x9c: {  	_ =	strace s4  }
0x9d: {  	_ =	strace $0x8FFFFFFF  }
0x9e: {  	s19 =	sld [smem:$0x3FDB];
	_ =	sdelay $0x1  }
0x9f: {  	s5 =	simm.s32 $_scs_section_size  }
0xa0: {  	s6 =	simm.s32 $_size__tile_overlayer_lowered;
	s7 =	simm.s32 $_tile_overlayer_lowered  }
0xa1: {  	s22 =	simm.s32 $0x1BFF;
	s21 =	sshll.u32 s7, $0x1;
	s4 =	sadd.s32 s5, s19  }
0xa2: {  	s8 =	simm.s32 $0x0;
	s20 =	sshll.u32 s6, $0x1;
	s6 =	sadd.s32 s21, s4  }
0xa3: {  	[timem:s8], [sflag:s22] =	dma.local [hbm:s6], s20  }
0xa4: {  	_ =	swait.ge [sflag:s22], s20  }
0xa5: {  	s5 =	ssub.s32 $0x0, s20;
	[sflag:s22] =	ssyncset.done $0x0  }
0xa6: {  	[sflag:s22] =	ssyncadd.s32 s5;
	_ =	sdelay $0x1  }
0xa7: {  	s23 =	simm.s32 $0x1B8B  }
0xa8: {  	_ =	swait.ge [sflag:s23], $0x1  }
0xa9: {  	[sflag:s23] =	ssyncset.done $0x0  }
0xaa: {  	s25 =	simm.s32 $0x1B8E;
	s24 =	sld [smem:$0x3FFE];
	[sflag:s23] =	ssyncadd.s32 $0xFFFFFFFF  }
0xab: {  	s26 =	simm.s32 $execute0_lowered;
	[smem:$0x3FD2] =	sst s25  }
0xac: {  	s6 =	sshll.u32 s26, $0x1;
	_ =	strace $0x80000046;
	[dreg:$0x1] =	wrdreg $0xFFFFFFFF  }
0xad: {  	s28 =	simm.s32 $_size_execute0_lowered;
	s4 =	sadd.s32 s4, s6;
	[dreg:$0x0] =	wrdreg $0x0  }
0xae: {  	s6 =	sshll.u32 s28, $0x1;
	[dreg:$0x2] =	wrdreg s4  }
0xaf: {  	[dreg:$0x3] =	wrdreg s6  }
0xb0: {  	[dreg:$0x4] =	wrdreg $0xC0  }
0xb1: {  	_ =	task [dreg:s8], $0x5FFFF  }
0xb2: {  	[dreg:$0x1] =	wrdreg $0xFFFFFFFF  }
0xb3: {  	[dreg:$0x0] =	wrdreg $0x60  }
0xb4: {  	[dreg:$0x2] =	wrdreg s16  }
0xb5: {  	[dreg:$0x3] =	wrdreg s17  }
0xb6: {  	[dreg:$0x4] =	wrdreg s24  }
0xb7: {  	[dreg:$0x5] =	wrdreg $0x9  }
0xb8: {  	_ =	task.clear_ibuf [dreg:s8], $0x6FFFF;
	_ =	strace $0x90000046  }
0xb9: {  	s29 =	simm.s32 $0x9;
	_ =	strace $0x80000048  }
0xba: {  	_ =	swait.ge [sflag:s29], $0x1  }
0xbb: {  	[sflag:s29] =	ssyncadd.s32 $0xFFFFFFFF  }
0xbc: {  	_ =	strace $0x90000048  }
0xbd: {  	_ =	sfence  }
0xbe: {  	s30 =	sld [smem:$0x0];
	_ =	sdelay $0x2  }
0xbf: {  	s31 =	sshll.u32 s1, $0xD;
	s1 =	sshrl.u32 s1, $0x2  }
0xc0: {  	s3 =	sand.u32 $0x4000, s31;
	s1 =	sadd.s32 s1, s30  }
0xc1: {  	s0 =	sor.u32 s3, s0;
	s1 =	sshll.u32 s1, $0x11  }
0xc2: {  	s0 =	sor.u32 s1, s0  }
0xc3: {  	s0 =	sadd.s32 $0x8F2B, s0  }
0xc4: {  	[sflag:s0] =	ssyncadd.remote.s32 $0x1  }
0xc5: {  	_ =	sfence.sel $0xFFFF  }
0xc6: {  	[dreg:$0x0] =	wrdreg $0xFFFFFFFF;
	(pc) =	sbr.abs _section_cstart, $3  }
0xc7: {  	[dreg:$0x1] =	wrdreg $0xFFFFFFFF  }
0xc8: {  	_ =	task.clear_ibuf [dreg:s8], $0x2FFFF;
	_ =	strace $0x9FFFFFFF  }
0xc9: {  	(tm) =	ssettm $0x7FFFFFFF  }
tec
execute0_lowered:
.L_overlay_start_1:
0x0: {  	(tag) =	ssettag $0x1  }
0x1: {  	s1 =	rddreg [dreg:$0x0]  }
0x2: {  	s3 =	rddreg [dreg:$0x1];
	s2 =	srdreg.scid  }
0x3: {  	s0 =	rddreg [dreg:$0x2];
	s17 =	stileid.u32;
	s4 =	sand.u32 $0x1, s2  }
0x4: {  	s5 =	sadd.s32 $0x5E00, s0;
	s6 =	sadd.s32 $0x4FE00, s0;
	s7 =	sadd.s32 $0x37E00, s0  }
0x5: {  	s9 =	sshll.u32 s17, $0x6;
	s31 =	sshll.u32 s17, $0xC;
	s28 =	smul.u32 $0x60000, s4  }
0x6: {  	s21 =	sshll.u32 s17, $0xD;
	s2 =	ssub.s32 $0x2, s4;
	s29 =	smul.u32 $0x6, s4  }
0x7: {  	s10 =	sshll.u32 s4, $0xC;
	s11 =	sshll.u32 s4, $0xA;
	s18 =	smul.u32 $0xC0000, s4  }
0x8: {  	s4 =	sor.u32 $0x1000, s21;
	s8 =	sshrl.u32 s2, $0x1;
	s23 =	sadd.s32 s3, s10  }
0x9: {  	s24 =	sor.u32 s9, s11;
	s25 =	sor.u32 $0x10, s10;
	s26 =	sor.u32 $0x20, s10  }
0xa: {  	s10 =	sadd.s32 s5, s10;
	s2 =	ssub.s32 s2, s8;
	[dreg:$0x4] =	wrdreg s23  }
0xb: {  	s8 =	smul.u32 $0x3, s24;
	s12 =	sadd.s32 s3, s25;
	[dreg:$0x7] =	wrdreg s10  }
0xc: {  	s3 =	sadd.s32 s3, s26;
	s9 =	sadd.s32 s5, s25;
	[dreg:$0x5] =	wrdreg s12  }
0xd: {  	s5 =	sadd.s32 s5, s26;
	s26 =	sadd.s32 $0x3, s29;
	[dreg:$0x6] =	wrdreg s3  }
0xe: {  	s14 =	sadd.s32 $0x4, s29;
	s23 =	sor.u32 s21, s18;
	[dreg:$0x8] =	wrdreg s9  }
0xf: {  	[dreg:$0x9] =	wrdreg s5;
	s5 =	sor.u32 s31, s28;
	s3 =	sor.u32 $0x1, s29  }
0x10: {  	s12 =	sadd.s32 $0x2, s29;
	s13 =	sshll.u32 s26, $0x10;
	s9 =	sadd.s32 $0x5, s29  }
0x11: {  	s15 =	sshll.u32 s14, $0x10;
	s2 =	smax.u32 s2, $0x1;
	s30 =	sshrl.u32 s8, $0x3  }
0x12: {  	s10 =	sshll.u32 s3, $0x10;
	s25 =	sshll.u32 s12, $0x10;
	s13 =	sor.u32 s31, s13  }
0x13: {  	s16 =	sshll.u32 s9, $0x10;
	s15 =	sor.u32 s31, s15;
	s3 =	sshll.u32 s3, $0x11  }
0x14: {  	s9 =	sshll.u32 s9, $0x11;
	s1 =	sadd.s32 s1, s30;
	s11 =	sor.u32 s31, s25  }
0x15: {  	s8 =	sor.u32 s31, s16;
	s13 =	sshrl.u32 s13, $0x3;
	s15 =	sshrl.u32 s15, $0x3  }
0x16: {  	s25 =	sshll.u32 s26, $0x11;
	s26 =	sshll.u32 s14, $0x11;
	s14 =	simm.s32 $0x15200  }
0x17: {  	[dreg:$0xa] =	wrdreg s1;
	s1 =	sshrl.u32 s5, $0x3;
	s30 =	sadd.s32 s6, s13  }
0x18: {  	s5 =	sor.u32 s31, s10;
	s31 =	sadd.s32 s6, s15;
	[dreg:$0xe] =	wrdreg s30  }
0x19: {  	s11 =	sshrl.u32 s11, $0x3;
	s19 =	sadd.s32 s7, s13;
	[dreg:$0xf] =	wrdreg s31  }
0x1a: {  	s8 =	sshrl.u32 s8, $0x3;
	s20 =	sadd.s32 s7, s15;
	[dreg:$0x14] =	wrdreg s19  }
0x1b: {  	s13 =	simm.s32 $0x14200;
	s24 =	sadd.s32 s6, s1;
	[dreg:$0x15] =	wrdreg s20  }
0x1c: {  	s5 =	sshrl.u32 s5, $0x3;
	s29 =	sadd.s32 s6, s11;
	[dreg:$0xb] =	wrdreg s24  }
0x1d: {  	s1 =	sadd.s32 s7, s1;
	s16 =	sadd.s32 s7, s11;
	[dreg:$0xd] =	wrdreg s29  }
0x1e: {  	s22 =	sadd.s32 s7, s8;
	s30 =	sor.u32 s21, s26;
	[dreg:$0x11] =	wrdreg s1  }
0x1f: {  	s31 =	sor.u32 s21, s9;
	s20 =	simm.s32 $0x0;
	[dreg:$0x13] =	wrdreg s16  }
0x20: {  	s28 =	sadd.s32 s6, s5;
	s6 =	sadd.s32 s6, s8;
	[dreg:$0x16] =	wrdreg s22  }
0x21: {  	s24 =	sshll.u32 s12, $0x11;
	s12 =	sor.u32 s21, s25;
	[smem:$0x7FF] =	sst s20  }
0x22: {  	s1 =	sor.u32 s18, s4;
	s8 =	sor.u32 s4, s26;
	[dreg:$0xc] =	wrdreg s28  }
0x23: {  	s18 =	sshrl.u32 s30, $0x3;
	s19 =	sshrl.u32 s31, $0x3;
	[dreg:$0x10] =	wrdreg s6  }
0x24: {  	s6 =	sadd.s32 s7, s5;
	s5 =	sadd.s32 $0x7E00, s0;
	s0 =	sshrl.u32 s23, $0x3  }
0x25: {  	s28 =	sor.u32 s21, s3;
	s29 =	sor.u32 s21, s24;
	s3 =	sor.u32 s4, s3  }
0x26: {  	s7 =	sor.u32 s4, s25;
	s15 =	sshrl.u32 s12, $0x3;
	s1 =	sshrl.u32 s1, $0x3  }
0x27: {  	s12 =	simm.s32 $0x14100;
	[dreg:$0x12] =	wrdreg s6;
	s6 =	sor.u32 s4, s24  }
0x28: {  	s4 =	sor.u32 s4, s9;
	s0 =	sadd.s32 s5, s0;
	s10 =	sshrl.u32 s28, $0x3  }
0x29: {  	s11 =	sshrl.u32 s29, $0x3;
	s17 =	sadd.s32 s5, s15;
	s21 =	sadd.s32 s5, s19  }
0x2a: {  	s22 =	sadd.s32 s5, s1;
	s23 =	sshrl.u32 s3, $0x3;
	s25 =	sshrl.u32 s7, $0x3  }
0x2b: {  	s29 =	sshrl.u32 s8, $0x3;
	s3 =	simm.s32 $0x80;
	[dreg:$0x17] =	wrdreg s0  }
0x2c: {  	s7 =	simm.s32 $0x4000;
	s8 =	simm.s32 $0x6000;
	[dreg:$0x1a] =	wrdreg s17  }
0x2d: {  	s9 =	simm.s32 $0x8000;
	s15 =	simm.s32 $0x16200;
	[dreg:$0x1c] =	wrdreg s21  }
0x2e: {  	s19 =	simm.s32 $0x0;
	s0 =	sadd.s32 s5, s10;
	[dreg:$0x1d] =	wrdreg s22  }
0x2f: {  	s16 =	sadd.s32 s5, s11;
	s24 =	sshrl.u32 s6, $0x3;
	[dreg:$0x18] =	wrdreg s0  }
0x30: {  	s28 =	sadd.s32 s5, s25;
	s30 =	sshrl.u32 s4, $0x3;
	[dreg:$0x19] =	wrdreg s16  }
0x31: {  	s4 =	simm.s32 $0x200;
	s0 =	sadd.s32 s5, s18;
	[smem:$0x7FB] =	sst s28  }
0x32: {  	s6 =	simm.s32 $0x2000;
	s26 =	sadd.s32 s5, s24;
	[dreg:$0x1b] =	wrdreg s0  }
.Ltmp0:
0x33: {  	s31 =	sadd.s32 s5, s30;
	[dreg:$0x1f] =	wrdreg s26;
	(pc) =	sbr.rel .LBB2_1-.Ltmp0, $4  }
0x34: {  	s10 =	simm.s32 $0xA000;
	s0 =	sadd.s32 s5, s23;
	[smem:$0x7FD] =	sst s31  }
0x35: {  	s11 =	simm.s32 $0x14000;
	[dreg:$0x1e] =	wrdreg s0;
	s0 =	sadd.s32 s5, s29  }
0x36: {  	s17 =	simm.s32 $0x18200;
	s16 =	simm.s32 $0x17200;
	[smem:$0x7FC] =	sst s0  }
0x37: {  	v0 =	vimm.s32 $0x1FFF;
	v1 =	vlaneseq.u32;
	v2 =	vimm.s32 $0x0;
	s18 =	simm.s32 $0x19200;
	s5 =	simm.s32 $0x1;
	_ =	strace $0x80000047  }
.LBB2_31:
0x38: {  	s0 =	rddreg [dreg:$0x1d]  }
0x39: {  	[hbm4b:s0+s20] =	stream.linear.scatter [tilespmem:s13], [sflag:$0x1], $0x1000, $0x38;
	[tilespmem:$0x1A200] =	vst v63  }
0x3a: {  	_ =	swait.ge [sflag:s5], $0x1000  }
0x3b: {  	[sflag:s5] =	ssyncset.done $0x0  }
0x3c: {  	s26 =	rddreg [dreg:$0x1e];
	[sflag:s5] =	ssyncadd.s32 $0xFFFFF000  }
0x3d: {  	[hbm4b:s26+s20] =	stream.linear.scatter [tilespmem:s14], [sflag:$0x1], $0x1000, $0x38;
	[tilespmem:$0x1A200] =	vst v63  }
0x3e: {  	_ =	swait.ge [sflag:s5], $0x1000  }
0x3f: {  	[sflag:s5] =	ssyncset.done $0x0  }
0x40: {  	s28 =	rddreg [dreg:$0x1f];
	[sflag:s5] =	ssyncadd.s32 $0xFFFFF000  }
0x41: {  	[hbm4b:s28+s20] =	stream.linear.scatter [tilespmem:s15], [sflag:$0x1], $0x1000, $0x38;
	[tilespmem:$0x1A200] =	vst v63  }
0x42: {  	_ =	swait.ge [sflag:s5], $0x1000  }
0x43: {  	s29 =	sld [smem:$0x7FB]  }
0x44: {  	[sflag:s5] =	ssyncset.done $0x0  }
0x45: {  	[sflag:s5] =	ssyncadd.s32 $0xFFFFF000  }
0x46: {  	[hbm4b:s29+s20] =	stream.linear.scatter [tilespmem:s16], [sflag:$0x1], $0x1000, $0x38;
	[tilespmem:$0x1A200] =	vst v63  }
0x47: {  	_ =	swait.ge [sflag:s5], $0x1000  }
0x48: {  	s30 =	sld [smem:$0x7FC]  }
0x49: {  	[sflag:s5] =	ssyncset.done $0x0  }
0x4a: {  	[sflag:s5] =	ssyncadd.s32 $0xFFFFF000  }
0x4b: {  	[hbm4b:s30+s20] =	stream.linear.scatter [tilespmem:s17], [sflag:$0x1], $0x1000, $0x38;
	[tilespmem:$0x1A200] =	vst v63  }
0x4c: {  	_ =	swait.ge [sflag:s5], $0x1000  }
0x4d: {  	s19 =	sadd.s32 $0x1, s19;
	s31 =	sld [smem:$0x7FD]  }
0x4e: {  	p0 =	sne.s32 s19, s2;
	[sflag:s5] =	ssyncset.done $0x0  }
.Ltmp1:
0x4f: {  	[sflag:s5] =	ssyncadd.s32 $0xFFFFF000;
	(pc) =	sbr.rel @!p0 .LBB2_32-.Ltmp1, $4  }
0x50: {  	[hbm4b:s31+s20] =	stream.linear.scatter [tilespmem:s18], [sflag:$0x1], $0x1000, $0x38;
	[tilespmem:$0x1A200] =	vst v63  }
0x51: {  	_ =	swait.ge [sflag:s5], $0x1000  }
0x52: {  	[sflag:s5] =	ssyncset.done $0x0  }
0x53: {  	[sflag:s5] =	ssyncadd.s32 $0xFFFFF000  }
.LBB2_1:
0x54: {  	s0 =	rddreg [dreg:$0x4]  }
0x55: {  	[tilespmem:s20], [sflag:$0x1] =	stream.strided.gather [hbm4b:s0+s3], $0x2000, s4, s3, $0x38;
	[tilespmem:$0x1A200] =	vst v63  }
0x56: {  	_ =	swait.ge [sflag:s5], $0x2000  }
0x57: {  	[sflag:s5] =	ssyncset.done $0x0  }
0x58: {  	s25 =	rddreg [dreg:$0x5];
	[sflag:s5] =	ssyncadd.s32 $0xFFFFE000  }
0x59: {  	[tilespmem:s6], [sflag:$0x1] =	stream.strided.gather [hbm4b:s25+s3], $0x2000, s4, s3, $0x38;
	[tilespmem:$0x1A200] =	vst v63  }
0x5a: {  	_ =	swait.ge [sflag:s5], $0x2000  }
0x5b: {  	[sflag:s5] =	ssyncset.done $0x0  }
0x5c: {  	s26 =	rddreg [dreg:$0x6];
	[sflag:s5] =	ssyncadd.s32 $0xFFFFE000  }
0x5d: {  	[tilespmem:s7], [sflag:$0x1] =	stream.strided.gather [hbm4b:s26+s3], $0x2000, s4, s3, $0x38;
	[tilespmem:$0x1A200] =	vst v63  }
0x5e: {  	_ =	swait.ge [sflag:s5], $0x2000  }
0x5f: {  	[sflag:s5] =	ssyncset.done $0x0  }
0x60: {  	s28 =	rddreg [dreg:$0x7];
	[sflag:s5] =	ssyncadd.s32 $0xFFFFE000  }
0x61: {  	[tilespmem:s8], [sflag:$0x1] =	stream.strided.gather [hbm4b:s28+s3], $0x2000, s4, s3, $0x38;
	[tilespmem:$0x1A200] =	vst v63  }
0x62: {  	_ =	swait.ge [sflag:s5], $0x2000  }
0x63: {  	[sflag:s5] =	ssyncset.done $0x0  }
0x64: {  	s29 =	rddreg [dreg:$0x8];
	[sflag:s5] =	ssyncadd.s32 $0xFFFFE000  }
0x65: {  	[tilespmem:s9], [sflag:$0x1] =	stream.strided.gather [hbm4b:s29+s3], $0x2000, s4, s3, $0x38;
	[tilespmem:$0x1A200] =	vst v63  }
0x66: {  	_ =	swait.ge [sflag:s5], $0x2000  }
0x67: {  	[sflag:s5] =	ssyncset.done $0x0  }
0x68: {  	s30 =	rddreg [dreg:$0x9];
	[sflag:s5] =	ssyncadd.s32 $0xFFFFE000  }
0x69: {  	[tilespmem:s10], [sflag:$0x1] =	stream.strided.gather [hbm4b:s30+s3], $0x2000, s4, s3, $0x38;
	[tilespmem:$0x1A200] =	vst v63  }
0x6a: {  	_ =	swait.ge [sflag:s5], $0x2000  }
0x6b: {  	[sflag:s5] =	ssyncset.done $0x0  }
0x6c: {  	s31 =	rddreg [dreg:$0xa];
	[sflag:s5] =	ssyncadd.s32 $0xFFFFE000  }
0x6d: {  	[tilespmem:s11], [sflag:$0x1] =	stream.linear.gather [hbm4b:s31+s20], $0xC0, $0x38;
	[tilespmem:$0x1A200] =	vst v63  }
0x6e: {  	_ =	swait.ge [sflag:s5], $0xC0  }
0x6f: {  	[sflag:s5] =	ssyncset.done $0x0  }
0x70: {  	s22 =	simm.s32 $0x0;
	[sflag:s5] =	ssyncadd.s32 $0xFFFFFF40  }
0x71: {  	v3 =	vld [tilespmem:s22+$0x0]  }
0x72: {  	v4 =	vld [tilespmem:s22+$0x2000]  }
0x73: {  	v7 =	vld [tilespmem:s22+$0x4000];
	_ =	sdelay $0x3  }
0x74: {  	s21 =	simm.s32 $0x10;
	v6 =	vmul.f32 v3, v3;
	v8 =	vmul.f32 v4, v4;
	v9 =	vshrl.u32 v3, $0x10  }
0x75: {  	v5 =	vld [tilespmem:s21+$0x0];
	v10 =	vshrl.u32 v4, $0x10;
	v11 =	vmul.f32 v7, v7;
	v12 =	vshrl.u32 v7, $0x10  }
0x76: {  	v9 =	vand.u32 $0x1, v9;
	v10 =	vand.u32 $0x1, v10;
	v8 =	vadd.f32 v8, v6;
	v6 =	vld [tilespmem:s21+$0x2000]  }
0x77: {  	v3 =	vadd.s32 v9, v3;
	v9 =	vadd.s32 v10, v4;
	v10 =	vand.u32 $0x1, v12  }
0x78: {  	v4 =	vld [tilespmem:s21+$0x4000];
	v3 =	vadd.s32 $0x7FFF, v3;
	v7 =	vadd.s32 v10, v7  }
0x79: {  	v9 =	vadd.s32 $0x7FFF, v9;
	v8 =	vadd.f32 v11, v8;
	v3 =	vand.u32 $0xFFFF0000, v3  }
0x7a: {  	v7 =	vadd.s32 $0x7FFF, v7;
	v11 =	vshrl.u32 v5, $0x10;
	v63 =	vand.u32 $0xFFFF0000, v9;
	[tilespmem:s22+$0xC000] =	vst v3  }
0x7b: {  	s23 =	simm.s32 $0x20;
	[tilespmem:s22+$0x12000] =	vst v8;
	v8 =	vmul.f32 v5, v5;
	v9 =	vshrl.u32 v6, $0x10;
	v10 =	vmul.f32 v6, v6  }
0x7c: {  	s24 =	simm.s32 $0xC0;
	v7 =	vand.u32 $0xFFFF0000, v7;
	v11 =	vand.u32 $0x1, v11;
	v3 =	vld [tilespmem:s23+$0x0];
	[tilespmem:s22+$0xE000] =	vst v63;
	v9 =	vand.u32 $0x1, v9  }
.LBB2_2:
0x7d: {  	p0 =	sne.s32 s24, $0x7FC0;
	v12 =	vld [tilespmem:s23+$0x2000];
	v13 =	vshrl.u32 v4, $0x10;
	v8 =	vadd.f32 v10, v8;
	v10 =	vmul.f32 v4, v4;
	[tilespmem:s22+$0x10000] =	vst v7;
	s22 =	smov.u32 s21;
	s21 =	smov.u32 s23  }
0x7e: {  	v5 =	vadd.s32 v11, v5;
	v6 =	vadd.s32 v9, v6;
	v7 =	vand.u32 $0x1, v13  }
.Ltmp2:
0x7f: {  	v14 =	vadd.s32 $0x7FFF, v5;
	v7 =	vadd.s32 v7, v4;
	v4 =	vld [tilespmem:s21+$0x4000];
	v8 =	vadd.f32 v10, v8;
	(pc) =	sbr.rel @p0 .LBB2_2-.Ltmp2, $4  }
0x80: {  	v9 =	vand.u32 $0xFFFF0000, v14;
	v10 =	vadd.s32 $0x7FFF, v6;
	v15 =	vadd.s32 $0x7FFF, v7  }
0x81: {  	v13 =	vand.u32 $0xFFFF0000, v10;
	v11 =	vshrl.u32 v3, $0x10;
	v7 =	vand.u32 $0xFFFF0000, v15;
	[tilespmem:s22+$0x12000] =	vst v8;
	v5 =	vmovc v3  }
0x82: {  	s23 =	sshra.s32 s24, $0x2;
	v14 =	vshrl.u32 v12, $0x10;
	v8 =	vmul.f32 v3, v5;
	v10 =	vmul.f32 v12, v12;
	[tilespmem:s22+$0xC000] =	vst v9;
	v6 =	vmovc v12  }
0x83: {  	s24 =	sadd.s32 $0x40, s24;
	v11 =	vand.u32 $0x1, v11;
	v3 =	vld [tilespmem:s23+$0x0];
	v9 =	vand.u32 $0x1, v14;
	[tilespmem:s22+$0xE000] =	vst v13  }
0x84: {  	v12 =	vld [tilespmem:s23+$0x2000];
	v13 =	vshrl.u32 v4, $0x10;
	[tilespmem:s22+$0x10000] =	vst v7;
	v49 =	vadd.f32 v10, v8  }
0x85: {  	v50 =	vmul.f32 v4, v4;
	v5 =	vadd.s32 v11, v5;
	v6 =	vadd.s32 v9, v6;
	v51 =	vld [tilespmem:s23+$0x4000]  }
0x86: {  	v52 =	vand.u32 $0x1, v13;
	v5 =	vadd.s32 $0x7FFF, v5;
	v6 =	vadd.s32 $0x7FFF, v6  }
0x87: {  	v53 =	vadd.s32 v52, v4;
	v7 =	vadd.f32 v50, v49;
	v5 =	vand.u32 $0xFFFF0000, v5  }
0x88: {  	v6 =	vand.u32 $0xFFFF0000, v6;
	v4 =	vadd.s32 $0x7FFF, v53;
	v54 =	vmul.f32 v3, v3  }
0x89: {  	v56 =	vshrl.u32 v3, $0x10;
	v4 =	vand.u32 $0xFFFF0000, v4;
	v55 =	vmul.f32 v12, v12  }
0x8a: {  	[tilespmem:s21+$0xC000] =	vst v5;
	v57 =	vshrl.u32 v12, $0x10;
	v59 =	vand.u32 $0x1, v56;
	v58 =	vmul.f32 v51, v51  }
0x8b: {  	[tilespmem:s21+$0x12000] =	vst v7;
	v7 =	vand.u32 $0x1, v57;
	v60 =	vshrl.u32 v51, $0x10;
	v3 =	vadd.s32 v59, v3  }
0x8c: {  	[tilespmem:s21+$0xE000] =	vst v6;
	v8 =	vadd.f32 v55, v54;
	v62 =	vadd.s32 v7, v12;
	v3 =	vadd.s32 $0x7FFF, v3  }
.Ltmp3:
0x8d: {  	[tilespmem:s21+$0x10000] =	vst v4;
	v6 =	vand.u32 $0x1, v60;
	v3 =	vand.u32 $0xFFFF0000, v3;
	v4 =	vadd.s32 $0x7FFF, v62;
	(pc) =	sbr.rel .LBB2_4-.Ltmp3, $4  }
0x8e: {  	v6 =	vadd.s32 v6, v51;
	v61 =	vadd.f32 v58, v8;
	v4 =	vand.u32 $0xFFFF0000, v4;
	[tilespmem:s23+$0xC000] =	vst v3  }
0x8f: {  	v63 =	vadd.s32 $0x7FFF, v6;
	[tilespmem:s23+$0xE000] =	vst v4  }
0x90: {  	v3 =	vand.u32 $0xFFFF0000, v63;
	[tilespmem:s23+$0x12000] =	vst v61  }
0x91: {  	s21 =	simm.s32 $0x0;
	[tilespmem:s23+$0x10000] =	vst v3  }
.LBB2_9:
0x92: {  	v6 =	vld [tilespmem:$0x14100];
	_ =	sdelay $0x7  }
0x93: {  	v7 =	vld.idx.msk [tilespmem:v6+s20+$0x0], $0xffff  }
0x94: {  	v8 =	vld.idx.msk [tilespmem:v6+s6+$0x0], $0xffff  }
0x95: {  	v9 =	vld.idx.msk [tilespmem:v6+s8+$0x0], $0xffff  }
0x96: {  	v10 =	vld.idx.msk [tilespmem:v6+s9+$0x0], $0xffff  }
0x97: {  	v11 =	vld.idx.msk [tilespmem:v6+s10+$0x0], $0xffff  }
0x98: {  	v6 =	vld.idx.msk [tilespmem:v6+s7+$0x0], $0xffff  }
0x99: {  	s0 =	sshll.u32 s21, $0x6  }
0x9a: {  	[tilespmem:s0+$0x14200] =	vst v9  }
0x9b: {  	v7 =	vsub.f32 v7, v5;
	[tilespmem:s0+$0x15200] =	vst v10  }
0x9c: {  	v8 =	vsub.f32 v8, v4;
	[tilespmem:s0+$0x16200] =	vst v11  }
0x9d: {  	v6 =	vsub.f32 v6, v3;
	[tilespmem:s0+$0x17200] =	vst v7  }
0x9e: {  	[tilespmem:s0+$0x18200] =	vst v8  }
0x9f: {  	[tilespmem:s0+$0x19200] =	vst v6  }
0xa0: {  	v6 =	vld [tilespmem:$0x14110];
	_ =	sdelay $0x7  }
0xa1: {  	v7 =	vld.idx.msk [tilespmem:v6+s20+$0x0], $0xffff  }
0xa2: {  	v8 =	vld.idx.msk [tilespmem:v6+s6+$0x0], $0xffff  }
0xa3: {  	v9 =	vld.idx.msk [tilespmem:v6+s8+$0x0], $0xffff  }
0xa4: {  	v10 =	vld.idx.msk [tilespmem:v6+s9+$0x0], $0xffff  }
0xa5: {  	v11 =	vld.idx.msk [tilespmem:v6+s10+$0x0], $0xffff  }
0xa6: {  	v6 =	vld.idx.msk [tilespmem:v6+s7+$0x0], $0xffff;
	_ =	sdelay $0x1  }
0xa7: {  	[tilespmem:s0+$0x14210] =	vst v9  }
0xa8: {  	v7 =	vsub.f32 v7, v5;
	[tilespmem:s0+$0x15210] =	vst v10  }
0xa9: {  	v8 =	vsub.f32 v8, v4;
	[tilespmem:s0+$0x16210] =	vst v11  }
0xaa: {  	v6 =	vsub.f32 v6, v3;
	[tilespmem:s0+$0x17210] =	vst v7  }
0xab: {  	[tilespmem:s0+$0x18210] =	vst v8  }
0xac: {  	[tilespmem:s0+$0x19210] =	vst v6  }
0xad: {  	v6 =	vld [tilespmem:$0x14120];
	_ =	sdelay $0x7  }
0xae: {  	v7 =	vld.idx.msk [tilespmem:v6+s20+$0x0], $0xffff  }
0xaf: {  	v8 =	vld.idx.msk [tilespmem:v6+s6+$0x0], $0xffff  }
0xb0: {  	v9 =	vld.idx.msk [tilespmem:v6+s8+$0x0], $0xffff  }
0xb1: {  	v10 =	vld.idx.msk [tilespmem:v6+s9+$0x0], $0xffff  }
0xb2: {  	v11 =	vld.idx.msk [tilespmem:v6+s10+$0x0], $0xffff  }
0xb3: {  	v6 =	vld.idx.msk [tilespmem:v6+s7+$0x0], $0xffff;
	_ =	sdelay $0x1  }
0xb4: {  	[tilespmem:s0+$0x14220] =	vst v9  }
0xb5: {  	v7 =	vsub.f32 v7, v5;
	[tilespmem:s0+$0x15220] =	vst v10  }
0xb6: {  	v8 =	vsub.f32 v8, v4;
	[tilespmem:s0+$0x16220] =	vst v11  }
0xb7: {  	v6 =	vsub.f32 v6, v3;
	[tilespmem:s0+$0x17220] =	vst v7  }
0xb8: {  	[tilespmem:s0+$0x18220] =	vst v8  }
0xb9: {  	[tilespmem:s0+$0x19220] =	vst v6  }
0xba: {  	v6 =	vld [tilespmem:$0x14130];
	_ =	sdelay $0x7  }
0xbb: {  	v7 =	vld.idx.msk [tilespmem:v6+s20+$0x0], $0xffff  }
0xbc: {  	v8 =	vld.idx.msk [tilespmem:v6+s6+$0x0], $0xffff  }
0xbd: {  	v9 =	vld.idx.msk [tilespmem:v6+s8+$0x0], $0xffff  }
0xbe: {  	v10 =	vld.idx.msk [tilespmem:v6+s9+$0x0], $0xffff  }
0xbf: {  	v11 =	vld.idx.msk [tilespmem:v6+s10+$0x0], $0xffff  }
0xc0: {  	v6 =	vld.idx.msk [tilespmem:v6+s7+$0x0], $0xffff  }
0xc1: {  	s21 =	sadd.s32 $0x1, s21  }
0xc2: {  	p0 =	sne.s32 s21, $0x40;
	[tilespmem:s0+$0x14230] =	vst v9  }
.Ltmp4:
0xc3: {  	v62 =	vsub.f32 v7, v5;
	[tilespmem:s0+$0x15230] =	vst v10;
	(pc) =	sbr.rel @!p0 .LBB2_10-.Ltmp4, $4  }
0xc4: {  	v63 =	vsub.f32 v8, v4;
	[tilespmem:s0+$0x16230] =	vst v11  }
0xc5: {  	v3 =	vsub.f32 v6, v3;
	[tilespmem:s0+$0x17230] =	vst v62  }
0xc6: {  	[tilespmem:s0+$0x18230] =	vst v63  }
0xc7: {  	[tilespmem:s0+$0x19230] =	vst v3  }
.LBB2_4:
0xc8: {  	s22 =	smul.u32 $0x3, s21;
	_ =	sdelay $0x1  }
0xc9: {  	v3 =	vmov s22;
	s23 =	sadd.s32 $0x1, s22  }
0xca: {  	v4 =	vmov s23  }
0xcb: {  	s22 =	sadd.s32 $0x2, s22  }
0xcc: {  	v6 =	vmov s22;
	_ =	sdelay $0x1  }
0xcd: {  	v5 =	vld.idx.msk [tilespmem:v3+s11+$0x0], $0xffff  }
0xce: {  	v4 =	vld.idx.msk [tilespmem:v4+s11+$0x0], $0xffff;
	_ =	sdelay $0x1  }
0xcf: {  	v3 =	vld.idx.msk [tilespmem:v6+s11+$0x0], $0xffff;
	_ =	sdelay $0x2  }
0xd0: {  	v6 =	vmul.f32 v5, v5;
	v7 =	vmul.f32 v4, v4;
	_ =	sdelay $0x1  }
0xd1: {  	v6 =	vadd.f32 v7, v6;
	v7 =	vmul.f32 v3, v3  }
0xd2: {  	v8 =	vshrl.u32 v4, $0x10  }
0xd3: {  	v9 =	vshrl.u32 v3, $0x10;
	v6 =	vadd.f32 v7, v6;
	v7 =	vshrl.u32 v5, $0x10  }
0xd4: {  	v8 =	vand.u32 $0x1, v8;
	v9 =	vand.u32 $0x1, v9;
	v7 =	vand.u32 $0x1, v7  }
0xd5: {  	v8 =	vadd.s32 v8, v4;
	v9 =	vadd.s32 v9, v3;
	v7 =	vadd.s32 v7, v5  }
0xd6: {  	s24 =	simm.s32 $0xE010;
	s25 =	simm.s32 $0xC010;
	s30 =	simm.s32 $0x0;
	v8 =	vadd.s32 $0x7FFF, v8;
	v9 =	vadd.s32 $0x7FFF, v9;
	v7 =	vadd.s32 $0x7FFF, v7  }
0xd7: {  	s26 =	simm.s32 $0x0;
	s22 =	simm.s32 $0x12010;
	s23 =	simm.s32 $0x10010;
	[tilespmem:$0x14100] =	vst v0;
	v8 =	vand.u32 $0xFFFF0000, v8;
	v9 =	vand.u32 $0xFFFF0000, v9;
	v7 =	vand.u32 $0xFFFF0000, v7  }
.LBB2_5:
0xd8: {  	v10 =	vld [tilespmem:s25+$0xFFFFFFF0]  }
0xd9: {  	v11 =	vld [tilespmem:s24+$0xFFFFFFF0]  }
0xda: {  	v12 =	vld [tilespmem:s25+$0x0]  }
0xdb: {  	v13 =	vld [tilespmem:s24+$0x0]  }
0xdc: {  	v14 =	vld [tilespmem:s23+$0xFFFFFFF0]  }
0xdd: {  	v15 =	vld [tilespmem:s23+$0x0];
	_ =	sdelay $0x1  }
0xde: {  	v10 =	vmul.f32 v7, v10;
	v11 =	vmul.f32 v8, v11  }
0xdf: {  	v12 =	vmul.f32 v7, v12;
	v13 =	vmul.f32 v8, v13  }
0xe0: {  	v10 =	vadd.f32 v11, v10;
	v11 =	vmul.f32 v9, v14  }
0xe1: {  	v61 =	vmul.f32 v9, v15;
	v12 =	vadd.f32 v13, v12  }
0xe2: {  	v10 =	vadd.f32 v11, v10  }
0xe3: {  	v62 =	vld [tilespmem:s22+$0xFFFFFFF0];
	v11 =	vadd.f32 v61, v12  }
0xe4: {  	v63 =	vld [tilespmem:s22+$0x0];
	v10 =	vadd.f32 v10, v10  }
0xe5: {  	v11 =	vadd.f32 v11, v11  }
0xe6: {  	v10 =	vsub.f32 v6, v10  }
0xe7: {  	v11 =	vsub.f32 v6, v11  }
0xe8: {  	v10 =	vadd.f32 v62, v10  }
0xe9: {  	v11 =	vadd.f32 v11, v63  }
0xea: {  	vm0 =	vle.f32 v10, $3.999999910e-02  }
0xeb: {  	vm1 =	vle.f32 v11, $3.999999910e-02;
	v10 =	vsel vm0, $0x1, v2  }
0xec: {  	(xrf0) =	vadd.scan.msk.s32 $0xffff, v10;
	v10 =	vsel vm1, $0x1, v2  }
0xed: {  	(xrf0) =	vadd.scan.msk.s32 $0xffff, v10;
	_ =	sdelay $0x4  }
0xee: {  	v10, _, _ =	vpop (xrf0)  }
0xef: {  	(v2sf) =	vpush v10, $0xF;
	v10, _, _ =	vpop (xrf0)  }
0xf0: {  	(v2sf) =	vpush v10, $0xF;
	_ =	sdelay $0xd  }
0xf1: {  	s31 =	spop (v2sf)  }
0xf2: {  	s0 =	sadd.s32 s30, s31;
	s29 =	spop (v2sf)  }
0xf3: {  	s28 =	smov.u32 s30;
	p0 =	sgt.u32 s26, $0x1FDF;
	s30 =	sadd.s32 s0, s29  }
0xf4: {  	p1 =	slt.s32 @!p0 s30, $0x40  }
0xf5: {  	p0 =	por p0, !p1  }
.Ltmp5:
0xf6: {  	_ = 	snop;
	(pc) =	sbr.rel @!p0 .LBB2_5-.Ltmp5, $4  }
0xf7: {  	_ = 	snop  }
0xf8: {  	s1 =	sadd.s32 $0x10, s26;
	v10 =	vor.u32 s26, v1  }
0xf9: {  	s22 =	sadd.s32 $0x20, s22;
	s23 =	sadd.s32 $0x20, s23;
	v11 =	vor.u32 s1, v1;
	[tilespmem:s28+$0x14100] =	vst.msk vm0, v10  }
0xfa: {  	s24 =	sadd.s32 $0x20, s24;
	s25 =	sadd.s32 $0x20, s25;
	s26 =	sadd.s32 $0x20, s26;
	[tilespmem:s0+$0x14100] =	vst.msk vm1, v11  }
0xfb: {  	p0 =	sgt.s32 s30, $0x3F  }
.Ltmp6:
0xfc: {  	_ = 	snop;
	(pc) =	sbr.rel @p0 .LBB2_9-.Ltmp6, $1  }
0xfd: {  	_ =	sdelay $0x3  }
0xfe: {  	s0 =	sadd.s32 s29, s31  }
0xff: {  	s0 =	sadd.s32 s28, s0  }
0x100: {  	s1 =	sadd.s32 $0xFFFFFFF0, s0  }
0x101: {  	s22 =	sadd.s32 $0x10, s1  }
0x102: {  	v6 =	vld.msk [tilespmem:s12+$0x0], $0xffff;
	p0 =	slt.s32 s22, $0x30  }
.Ltmp7:
0x103: {  	_ = 	snop;
	(pc) =	sbr.rel @!p0 .LBB2_9-.Ltmp7, $4  }
0x104: {  	s0 =	sshll.u32 s0, $0x2  }
0x105: {  	s0 =	sshra.s32 s0, $0x2  }
0x106: {  	s23 =	sadd.s32 $0x14100, s0  }
0x107: {  	[tilespmem:s23+$0x0] =	vst v6  }
.LBB2_8:
0x108: {  	s22 =	sadd.s32 $0x10, s22  }
0x109: {  	p0 =	slt.s32 s22, $0x30  }
.Ltmp8:
0x10a: {  	_ = 	snop;
	(pc) =	sbr.rel @p0 .LBB2_8-.Ltmp8, $3  }
0x10b: {  	_ =	sdelay $0x1  }
0x10c: {  	s23 =	sadd.s32 $0x10, s23  }
0x10d: {  	[tilespmem:s23+$0x0] =	vst v6  }
.Ltmp9:
0x10e: {  	_ = 	snop;
	(pc) =	sbr.rel .LBB2_9-.Ltmp9, $1  }
0x10f: {  	_ =	sdelay $0x3  }
.LBB2_10:
0x110: {  	s21 =	simm.s32 $0x0;
	s0 =	rddreg [dreg:$0xb]  }
0x111: {  	[hbm4b:s0+s21] =	stream.linear.scatter [tilespmem:s13], [sflag:$0x1], $0x1000, $0x38;
	[tilespmem:$0x1A200] =	vst v63  }
0x112: {  	_ =	swait.ge [sflag:s5], $0x1000  }
0x113: {  	[sflag:s5] =	ssyncset.done $0x0  }
0x114: {  	s26 =	rddreg [dreg:$0xc];
	[sflag:s5] =	ssyncadd.s32 $0xFFFFF000  }
0x115: {  	[hbm4b:s26+s21] =	stream.linear.scatter [tilespmem:s14], [sflag:$0x1], $0x1000, $0x38;
	[tilespmem:$0x1A200] =	vst v63  }
0x116: {  	_ =	swait.ge [sflag:s5], $0x1000  }
0x117: {  	[sflag:s5] =	ssyncset.done $0x0  }
0x118: {  	s28 =	rddreg [dreg:$0xd];
	[sflag:s5] =	ssyncadd.s32 $0xFFFFF000  }
0x119: {  	[hbm4b:s28+s21] =	stream.linear.scatter [tilespmem:s15], [sflag:$0x1], $0x1000, $0x38;
	[tilespmem:$0x1A200] =	vst v63  }
0x11a: {  	_ =	swait.ge [sflag:s5], $0x1000  }
0x11b: {  	[sflag:s5] =	ssyncset.done $0x0  }
0x11c: {  	s29 =	rddreg [dreg:$0xe];
	[sflag:s5] =	ssyncadd.s32 $0xFFFFF000  }
0x11d: {  	[hbm4b:s29+s21] =	stream.linear.scatter [tilespmem:s16], [sflag:$0x1], $0x1000, $0x38;
	[tilespmem:$0x1A200] =	vst v63  }
0x11e: {  	_ =	swait.ge [sflag:s5], $0x1000  }
0x11f: {  	[sflag:s5] =	ssyncset.done $0x0  }
0x120: {  	s30 =	rddreg [dreg:$0xf];
	[sflag:s5] =	ssyncadd.s32 $0xFFFFF000  }
0x121: {  	[hbm4b:s30+s21] =	stream.linear.scatter [tilespmem:s17], [sflag:$0x1], $0x1000, $0x38;
	[tilespmem:$0x1A200] =	vst v63  }
0x122: {  	_ =	swait.ge [sflag:s5], $0x1000  }
0x123: {  	[sflag:s5] =	ssyncset.done $0x0  }
.Ltmp10:
0x124: {  	s31 =	rddreg [dreg:$0x10];
	[sflag:s5] =	ssyncadd.s32 $0xFFFFF000;
	(pc) =	sbr.rel .LBB2_11-.Ltmp10, $4  }
0x125: {  	[hbm4b:s31+s21] =	stream.linear.scatter [tilespmem:s18], [sflag:$0x1], $0x1000, $0x38;
	[tilespmem:$0x1A200] =	vst v63  }
0x126: {  	_ =	swait.ge [sflag:s5], $0x1000  }
0x127: {  	[sflag:s5] =	ssyncset.done $0x0  }
0x128: {  	[sflag:s5] =	ssyncadd.s32 $0xFFFFF000  }
.LBB2_16:
0x129: {  	v6 =	vld [tilespmem:$0x14100];
	_ =	sdelay $0x7  }
0x12a: {  	v7 =	vld.idx.msk [tilespmem:v6+s20+$0x0], $0xffff  }
0x12b: {  	v8 =	vld.idx.msk [tilespmem:v6+s6+$0x0], $0xffff  }
0x12c: {  	v9 =	vld.idx.msk [tilespmem:v6+s8+$0x0], $0xffff  }
0x12d: {  	v10 =	vld.idx.msk [tilespmem:v6+s9+$0x0], $0xffff  }
0x12e: {  	v11 =	vld.idx.msk [tilespmem:v6+s10+$0x0], $0xffff  }
0x12f: {  	v6 =	vld.idx.msk [tilespmem:v6+s7+$0x0], $0xffff  }
0x130: {  	s0 =	sshll.u32 s21, $0x6  }
0x131: {  	[tilespmem:s0+$0x14200] =	vst v9  }
0x132: {  	v7 =	vsub.f32 v7, v5;
	[tilespmem:s0+$0x15200] =	vst v10  }
0x133: {  	v8 =	vsub.f32 v8, v4;
	[tilespmem:s0+$0x16200] =	vst v11  }
0x134: {  	v6 =	vsub.f32 v6, v3;
	[tilespmem:s0+$0x17200] =	vst v7  }
0x135: {  	[tilespmem:s0+$0x18200] =	vst v8  }
0x136: {  	[tilespmem:s0+$0x19200] =	vst v6  }
0x137: {  	v6 =	vld [tilespmem:$0x14110];
	_ =	sdelay $0x7  }
0x138: {  	v7 =	vld.idx.msk [tilespmem:v6+s20+$0x0], $0xffff  }
0x139: {  	v8 =	vld.idx.msk [tilespmem:v6+s6+$0x0], $0xffff  }
0x13a: {  	v9 =	vld.idx.msk [tilespmem:v6+s8+$0x0], $0xffff  }
0x13b: {  	v10 =	vld.idx.msk [tilespmem:v6+s9+$0x0], $0xffff  }
0x13c: {  	v11 =	vld.idx.msk [tilespmem:v6+s10+$0x0], $0xffff  }
0x13d: {  	v6 =	vld.idx.msk [tilespmem:v6+s7+$0x0], $0xffff;
	_ =	sdelay $0x1  }
0x13e: {  	[tilespmem:s0+$0x14210] =	vst v9  }
0x13f: {  	v7 =	vsub.f32 v7, v5;
	[tilespmem:s0+$0x15210] =	vst v10  }
0x140: {  	v8 =	vsub.f32 v8, v4;
	[tilespmem:s0+$0x16210] =	vst v11  }
0x141: {  	v6 =	vsub.f32 v6, v3;
	[tilespmem:s0+$0x17210] =	vst v7  }
0x142: {  	[tilespmem:s0+$0x18210] =	vst v8  }
0x143: {  	[tilespmem:s0+$0x19210] =	vst v6  }
0x144: {  	v6 =	vld [tilespmem:$0x14120];
	_ =	sdelay $0x7  }
0x145: {  	v7 =	vld.idx.msk [tilespmem:v6+s20+$0x0], $0xffff  }
0x146: {  	v8 =	vld.idx.msk [tilespmem:v6+s6+$0x0], $0xffff  }
0x147: {  	v9 =	vld.idx.msk [tilespmem:v6+s8+$0x0], $0xffff  }
0x148: {  	v10 =	vld.idx.msk [tilespmem:v6+s9+$0x0], $0xffff  }
0x149: {  	v11 =	vld.idx.msk [tilespmem:v6+s10+$0x0], $0xffff  }
0x14a: {  	v6 =	vld.idx.msk [tilespmem:v6+s7+$0x0], $0xffff;
	_ =	sdelay $0x1  }
0x14b: {  	[tilespmem:s0+$0x14220] =	vst v9  }
0x14c: {  	v7 =	vsub.f32 v7, v5;
	[tilespmem:s0+$0x15220] =	vst v10  }
0x14d: {  	v8 =	vsub.f32 v8, v4;
	[tilespmem:s0+$0x16220] =	vst v11  }
0x14e: {  	v6 =	vsub.f32 v6, v3;
	[tilespmem:s0+$0x17220] =	vst v7  }
0x14f: {  	[tilespmem:s0+$0x18220] =	vst v8  }
0x150: {  	[tilespmem:s0+$0x19220] =	vst v6  }
0x151: {  	v6 =	vld [tilespmem:$0x14130];
	_ =	sdelay $0x7  }
0x152: {  	v7 =	vld.idx.msk [tilespmem:v6+s20+$0x0], $0xffff  }
0x153: {  	v8 =	vld.idx.msk [tilespmem:v6+s6+$0x0], $0xffff  }
0x154: {  	v9 =	vld.idx.msk [tilespmem:v6+s8+$0x0], $0xffff  }
0x155: {  	v10 =	vld.idx.msk [tilespmem:v6+s9+$0x0], $0xffff  }
0x156: {  	v11 =	vld.idx.msk [tilespmem:v6+s10+$0x0], $0xffff  }
0x157: {  	v6 =	vld.idx.msk [tilespmem:v6+s7+$0x0], $0xffff  }
0x158: {  	s21 =	sadd.s32 $0x1, s21  }
0x159: {  	p0 =	sne.s32 s21, $0x40;
	[tilespmem:s0+$0x14230] =	vst v9  }
.Ltmp11:
0x15a: {  	v62 =	vsub.f32 v7, v5;
	[tilespmem:s0+$0x15230] =	vst v10;
	(pc) =	sbr.rel @!p0 .LBB2_17-.Ltmp11, $4  }
0x15b: {  	v63 =	vsub.f32 v8, v4;
	[tilespmem:s0+$0x16230] =	vst v11  }
0x15c: {  	v3 =	vsub.f32 v6, v3;
	[tilespmem:s0+$0x17230] =	vst v62  }
0x15d: {  	[tilespmem:s0+$0x18230] =	vst v63  }
0x15e: {  	[tilespmem:s0+$0x19230] =	vst v3  }
.LBB2_11:
0x15f: {  	s0 =	smul.u32 $0x3, s21;
	_ =	sdelay $0x1  }
0x160: {  	v3 =	vmov s0;
	s1 =	sadd.s32 $0x1, s0  }
0x161: {  	v4 =	vmov s1  }
0x162: {  	s0 =	sadd.s32 $0x2, s0  }
0x163: {  	v6 =	vmov s0;
	_ =	sdelay $0x1  }
0x164: {  	v5 =	vld.idx.msk [tilespmem:v3+s11+$0x0], $0xffff  }
0x165: {  	v4 =	vld.idx.msk [tilespmem:v4+s11+$0x0], $0xffff;
	_ =	sdelay $0x1  }
0x166: {  	v3 =	vld.idx.msk [tilespmem:v6+s11+$0x0], $0xffff;
	_ =	sdelay $0x2  }
0x167: {  	v6 =	vmul.f32 v5, v5;
	v7 =	vmul.f32 v4, v4;
	_ =	sdelay $0x1  }
0x168: {  	v6 =	vadd.f32 v7, v6;
	v7 =	vmul.f32 v3, v3  }
0x169: {  	v8 =	vshrl.u32 v4, $0x10  }
0x16a: {  	v9 =	vshrl.u32 v3, $0x10;
	v6 =	vadd.f32 v7, v6;
	v7 =	vshrl.u32 v5, $0x10  }
0x16b: {  	v8 =	vand.u32 $0x1, v8;
	v9 =	vand.u32 $0x1, v9;
	v7 =	vand.u32 $0x1, v7  }
0x16c: {  	v8 =	vadd.s32 v8, v4;
	v9 =	vadd.s32 v9, v3;
	v7 =	vadd.s32 v7, v5  }
0x16d: {  	s22 =	simm.s32 $0x12010;
	s23 =	simm.s32 $0x10010;
	s24 =	simm.s32 $0xE010;
	v8 =	vadd.s32 $0x7FFF, v8;
	v9 =	vadd.s32 $0x7FFF, v9;
	v7 =	vadd.s32 $0x7FFF, v7  }
0x16e: {  	s25 =	simm.s32 $0xC010;
	s28 =	simm.s32 $0x0;
	s26 =	simm.s32 $0x0;
	[tilespmem:$0x14100] =	vst v0;
	v8 =	vand.u32 $0xFFFF0000, v8;
	v9 =	vand.u32 $0xFFFF0000, v9;
	v7 =	vand.u32 $0xFFFF0000, v7  }
.LBB2_12:
0x16f: {  	v10 =	vld [tilespmem:s25+$0xFFFFFFF0]  }
0x170: {  	v11 =	vld [tilespmem:s24+$0xFFFFFFF0]  }
0x171: {  	v12 =	vld [tilespmem:s25+$0x0]  }
0x172: {  	v13 =	vld [tilespmem:s24+$0x0]  }
0x173: {  	v14 =	vld [tilespmem:s23+$0xFFFFFFF0]  }
0x174: {  	v15 =	vld [tilespmem:s23+$0x0];
	_ =	sdelay $0x1  }
0x175: {  	v10 =	vmul.f32 v7, v10;
	v11 =	vmul.f32 v8, v11  }
0x176: {  	v12 =	vmul.f32 v7, v12;
	v13 =	vmul.f32 v8, v13  }
0x177: {  	v10 =	vadd.f32 v11, v10;
	v11 =	vmul.f32 v9, v14  }
0x178: {  	v61 =	vmul.f32 v9, v15;
	v12 =	vadd.f32 v13, v12  }
0x179: {  	v10 =	vadd.f32 v11, v10  }
0x17a: {  	v62 =	vld [tilespmem:s22+$0xFFFFFFF0];
	v11 =	vadd.f32 v61, v12  }
0x17b: {  	v63 =	vld [tilespmem:s22+$0x0];
	v10 =	vadd.f32 v10, v10  }
0x17c: {  	v11 =	vadd.f32 v11, v11  }
0x17d: {  	v10 =	vsub.f32 v6, v10  }
0x17e: {  	v11 =	vsub.f32 v6, v11  }
0x17f: {  	v10 =	vadd.f32 v62, v10  }
0x180: {  	v11 =	vadd.f32 v11, v63  }
0x181: {  	vm0 =	vle.f32 v10, $9.000000350e-02  }
0x182: {  	vm1 =	vle.f32 v11, $9.000000350e-02;
	v10 =	vsel vm0, $0x1, v2  }
0x183: {  	(xrf0) =	vadd.scan.msk.s32 $0xffff, v10;
	v10 =	vsel vm1, $0x1, v2  }
0x184: {  	(xrf0) =	vadd.scan.msk.s32 $0xffff, v10;
	_ =	sdelay $0x4  }
0x185: {  	v10, _, _ =	vpop (xrf0)  }
0x186: {  	(v2sf) =	vpush v10, $0xF;
	v10, _, _ =	vpop (xrf0)  }
0x187: {  	(v2sf) =	vpush v10, $0xF;
	_ =	sdelay $0xd  }
0x188: {  	s31 =	spop (v2sf)  }
0x189: {  	s0 =	sadd.s32 s28, s31;
	s29 =	spop (v2sf)  }
0x18a: {  	s30 =	smov.u32 s28;
	p0 =	sgt.u32 s26, $0x1FDF;
	s28 =	sadd.s32 s0, s29  }
0x18b: {  	p1 =	slt.s32 @!p0 s28, $0x40  }
0x18c: {  	p0 =	por p0, !p1  }
.Ltmp12:
0x18d: {  	_ = 	snop;
	(pc) =	sbr.rel @!p0 .LBB2_12-.Ltmp12, $4  }
0x18e: {  	_ = 	snop  }
0x18f: {  	s1 =	sadd.s32 $0x10, s26;
	v10 =	vor.u32 s26, v1  }
0x190: {  	s22 =	sadd.s32 $0x20, s22;
	s23 =	sadd.s32 $0x20, s23;
	v11 =	vor.u32 s1, v1;
	[tilespmem:s30+$0x14100] =	vst.msk vm0, v10  }
0x191: {  	s24 =	sadd.s32 $0x20, s24;
	s25 =	sadd.s32 $0x20, s25;
	s26 =	sadd.s32 $0x20, s26;
	[tilespmem:s0+$0x14100] =	vst.msk vm1, v11  }
0x192: {  	p0 =	sgt.s32 s28, $0x3F  }
.Ltmp13:
0x193: {  	_ = 	snop;
	(pc) =	sbr.rel @p0 .LBB2_16-.Ltmp13, $1  }
0x194: {  	_ =	sdelay $0x3  }
0x195: {  	s0 =	sadd.s32 s29, s31  }
0x196: {  	s0 =	sadd.s32 s30, s0  }
0x197: {  	s1 =	sadd.s32 $0xFFFFFFF0, s0  }
0x198: {  	s22 =	sadd.s32 $0x10, s1  }
0x199: {  	v6 =	vld.msk [tilespmem:s12+$0x0], $0xffff;
	p0 =	slt.s32 s22, $0x30  }
.Ltmp14:
0x19a: {  	_ = 	snop;
	(pc) =	sbr.rel @!p0 .LBB2_16-.Ltmp14, $4  }
0x19b: {  	s0 =	sshll.u32 s0, $0x2  }
0x19c: {  	s0 =	sshra.s32 s0, $0x2  }
0x19d: {  	s23 =	sadd.s32 $0x14100, s0  }
0x19e: {  	[tilespmem:s23+$0x0] =	vst v6  }
.LBB2_15:
0x19f: {  	s22 =	sadd.s32 $0x10, s22  }
0x1a0: {  	p0 =	slt.s32 s22, $0x30  }
.Ltmp15:
0x1a1: {  	_ = 	snop;
	(pc) =	sbr.rel @p0 .LBB2_15-.Ltmp15, $3  }
0x1a2: {  	_ =	sdelay $0x1  }
0x1a3: {  	s23 =	sadd.s32 $0x10, s23  }
0x1a4: {  	[tilespmem:s23+$0x0] =	vst v6  }
.Ltmp16:
0x1a5: {  	_ = 	snop;
	(pc) =	sbr.rel .LBB2_16-.Ltmp16, $1  }
0x1a6: {  	_ =	sdelay $0x3  }
.LBB2_17:
0x1a7: {  	s21 =	simm.s32 $0x0;
	s0 =	rddreg [dreg:$0x11]  }
0x1a8: {  	[hbm4b:s0+s21] =	stream.linear.scatter [tilespmem:s13], [sflag:$0x1], $0x1000, $0x38;
	[tilespmem:$0x1A200] =	vst v63  }
0x1a9: {  	_ =	swait.ge [sflag:s5], $0x1000  }
0x1aa: {  	[sflag:s5] =	ssyncset.done $0x0  }
0x1ab: {  	s26 =	rddreg [dreg:$0x12];
	[sflag:s5] =	ssyncadd.s32 $0xFFFFF000  }
0x1ac: {  	[hbm4b:s26+s21] =	stream.linear.scatter [tilespmem:s14], [sflag:$0x1], $0x1000, $0x38;
	[tilespmem:$0x1A200] =	vst v63  }
0x1ad: {  	_ =	swait.ge [sflag:s5], $0x1000  }
0x1ae: {  	[sflag:s5] =	ssyncset.done $0x0  }
0x1af: {  	s28 =	rddreg [dreg:$0x13];
	[sflag:s5] =	ssyncadd.s32 $0xFFFFF000  }
0x1b0: {  	[hbm4b:s28+s21] =	stream.linear.scatter [tilespmem:s15], [sflag:$0x1], $0x1000, $0x38;
	[tilespmem:$0x1A200] =	vst v63  }
0x1b1: {  	_ =	swait.ge [sflag:s5], $0x1000  }
0x1b2: {  	[sflag:s5] =	ssyncset.done $0x0  }
0x1b3: {  	s29 =	rddreg [dreg:$0x14];
	[sflag:s5] =	ssyncadd.s32 $0xFFFFF000  }
0x1b4: {  	[hbm4b:s29+s21] =	stream.linear.scatter [tilespmem:s16], [sflag:$0x1], $0x1000, $0x38;
	[tilespmem:$0x1A200] =	vst v63  }
0x1b5: {  	_ =	swait.ge [sflag:s5], $0x1000  }
0x1b6: {  	[sflag:s5] =	ssyncset.done $0x0  }
0x1b7: {  	s30 =	rddreg [dreg:$0x15];
	[sflag:s5] =	ssyncadd.s32 $0xFFFFF000  }
0x1b8: {  	[hbm4b:s30+s21] =	stream.linear.scatter [tilespmem:s17], [sflag:$0x1], $0x1000, $0x38;
	[tilespmem:$0x1A200] =	vst v63  }
0x1b9: {  	_ =	swait.ge [sflag:s5], $0x1000  }
0x1ba: {  	[sflag:s5] =	ssyncset.done $0x0  }
.Ltmp17:
0x1bb: {  	s31 =	rddreg [dreg:$0x16];
	[sflag:s5] =	ssyncadd.s32 $0xFFFFF000;
	(pc) =	sbr.rel .LBB2_18-.Ltmp17, $4  }
0x1bc: {  	[hbm4b:s31+s21] =	stream.linear.scatter [tilespmem:s18], [sflag:$0x1], $0x1000, $0x38;
	[tilespmem:$0x1A200] =	vst v63  }
0x1bd: {  	_ =	swait.ge [sflag:s5], $0x1000  }
0x1be: {  	[sflag:s5] =	ssyncset.done $0x0  }
0x1bf: {  	[sflag:s5] =	ssyncadd.s32 $0xFFFFF000  }
.LBB2_23:
0x1c0: {  	v6 =	vld [tilespmem:$0x14100];
	_ =	sdelay $0x7  }
0x1c1: {  	v7 =	vld.idx.msk [tilespmem:v6+s20+$0x0], $0xffff  }
0x1c2: {  	v8 =	vld.idx.msk [tilespmem:v6+s6+$0x0], $0xffff  }
0x1c3: {  	v9 =	vld.idx.msk [tilespmem:v6+s8+$0x0], $0xffff  }
0x1c4: {  	v10 =	vld.idx.msk [tilespmem:v6+s9+$0x0], $0xffff  }
0x1c5: {  	v11 =	vld.idx.msk [tilespmem:v6+s10+$0x0], $0xffff  }
0x1c6: {  	v6 =	vld.idx.msk [tilespmem:v6+s7+$0x0], $0xffff  }
0x1c7: {  	s22 =	sshll.u32 s21, $0x7  }
0x1c8: {  	[tilespmem:s22+$0x14200] =	vst v9  }
0x1c9: {  	v7 =	vsub.f32 v7, v5;
	[tilespmem:s22+$0x15200] =	vst v10  }
0x1ca: {  	v8 =	vsub.f32 v8, v4;
	[tilespmem:s22+$0x16200] =	vst v11  }
0x1cb: {  	v6 =	vsub.f32 v6, v3;
	[tilespmem:s22+$0x17200] =	vst v7  }
0x1cc: {  	[tilespmem:s22+$0x18200] =	vst v8  }
0x1cd: {  	[tilespmem:s22+$0x19200] =	vst v6  }
0x1ce: {  	v6 =	vld [tilespmem:$0x14110];
	_ =	sdelay $0x7  }
0x1cf: {  	v7 =	vld.idx.msk [tilespmem:v6+s20+$0x0], $0xffff  }
0x1d0: {  	v8 =	vld.idx.msk [tilespmem:v6+s6+$0x0], $0xffff  }
0x1d1: {  	v9 =	vld.idx.msk [tilespmem:v6+s8+$0x0], $0xffff  }
0x1d2: {  	v10 =	vld.idx.msk [tilespmem:v6+s9+$0x0], $0xffff  }
0x1d3: {  	v11 =	vld.idx.msk [tilespmem:v6+s10+$0x0], $0xffff  }
0x1d4: {  	v6 =	vld.idx.msk [tilespmem:v6+s7+$0x0], $0xffff;
	_ =	sdelay $0x1  }
0x1d5: {  	[tilespmem:s22+$0x14210] =	vst v9  }
0x1d6: {  	v7 =	vsub.f32 v7, v5;
	[tilespmem:s22+$0x15210] =	vst v10  }
0x1d7: {  	v8 =	vsub.f32 v8, v4;
	[tilespmem:s22+$0x16210] =	vst v11  }
0x1d8: {  	v6 =	vsub.f32 v6, v3;
	[tilespmem:s22+$0x17210] =	vst v7  }
0x1d9: {  	[tilespmem:s22+$0x18210] =	vst v8  }
0x1da: {  	[tilespmem:s22+$0x19210] =	vst v6  }
0x1db: {  	v6 =	vld [tilespmem:$0x14120];
	_ =	sdelay $0x7  }
0x1dc: {  	v7 =	vld.idx.msk [tilespmem:v6+s20+$0x0], $0xffff  }
0x1dd: {  	v8 =	vld.idx.msk [tilespmem:v6+s6+$0x0], $0xffff  }
0x1de: {  	v9 =	vld.idx.msk [tilespmem:v6+s8+$0x0], $0xffff  }
0x1df: {  	v10 =	vld.idx.msk [tilespmem:v6+s9+$0x0], $0xffff  }
0x1e0: {  	v11 =	vld.idx.msk [tilespmem:v6+s10+$0x0], $0xffff  }
0x1e1: {  	v6 =	vld.idx.msk [tilespmem:v6+s7+$0x0], $0xffff;
	_ =	sdelay $0x1  }
0x1e2: {  	[tilespmem:s22+$0x14220] =	vst v9  }
0x1e3: {  	v7 =	vsub.f32 v7, v5;
	[tilespmem:s22+$0x15220] =	vst v10  }
0x1e4: {  	v8 =	vsub.f32 v8, v4;
	[tilespmem:s22+$0x16220] =	vst v11  }
0x1e5: {  	v6 =	vsub.f32 v6, v3;
	[tilespmem:s22+$0x17220] =	vst v7  }
0x1e6: {  	[tilespmem:s22+$0x18220] =	vst v8  }
0x1e7: {  	[tilespmem:s22+$0x19220] =	vst v6  }
0x1e8: {  	v6 =	vld [tilespmem:$0x14130];
	_ =	sdelay $0x7  }
0x1e9: {  	v7 =	vld.idx.msk [tilespmem:v6+s20+$0x0], $0xffff  }
0x1ea: {  	v8 =	vld.idx.msk [tilespmem:v6+s6+$0x0], $0xffff  }
0x1eb: {  	v9 =	vld.idx.msk [tilespmem:v6+s8+$0x0], $0xffff  }
0x1ec: {  	v10 =	vld.idx.msk [tilespmem:v6+s9+$0x0], $0xffff  }
0x1ed: {  	v11 =	vld.idx.msk [tilespmem:v6+s10+$0x0], $0xffff  }
0x1ee: {  	v6 =	vld.idx.msk [tilespmem:v6+s7+$0x0], $0xffff;
	_ =	sdelay $0x1  }
0x1ef: {  	[tilespmem:s22+$0x14230] =	vst v9  }
0x1f0: {  	v7 =	vsub.f32 v7, v5;
	[tilespmem:s22+$0x15230] =	vst v10  }
0x1f1: {  	v8 =	vsub.f32 v8, v4;
	[tilespmem:s22+$0x16230] =	vst v11  }
0x1f2: {  	v6 =	vsub.f32 v6, v3;
	[tilespmem:s22+$0x17230] =	vst v7  }
0x1f3: {  	[tilespmem:s22+$0x18230] =	vst v8  }
0x1f4: {  	[tilespmem:s22+$0x19230] =	vst v6  }
0x1f5: {  	v6 =	vld [tilespmem:$0x14140];
	_ =	sdelay $0x7  }
0x1f6: {  	v7 =	vld.idx.msk [tilespmem:v6+s20+$0x0], $0xffff  }
0x1f7: {  	v8 =	vld.idx.msk [tilespmem:v6+s6+$0x0], $0xffff  }
0x1f8: {  	v9 =	vld.idx.msk [tilespmem:v6+s8+$0x0], $0xffff  }
0x1f9: {  	v10 =	vld.idx.msk [tilespmem:v6+s9+$0x0], $0xffff  }
0x1fa: {  	v11 =	vld.idx.msk [tilespmem:v6+s10+$0x0], $0xffff  }
0x1fb: {  	v6 =	vld.idx.msk [tilespmem:v6+s7+$0x0], $0xffff;
	_ =	sdelay $0x1  }
0x1fc: {  	[tilespmem:s22+$0x14240] =	vst v9  }
0x1fd: {  	v7 =	vsub.f32 v7, v5;
	[tilespmem:s22+$0x15240] =	vst v10  }
0x1fe: {  	v8 =	vsub.f32 v8, v4;
	[tilespmem:s22+$0x16240] =	vst v11  }
0x1ff: {  	v6 =	vsub.f32 v6, v3;
	[tilespmem:s22+$0x17240] =	vst v7  }
0x200: {  	[tilespmem:s22+$0x18240] =	vst v8  }
0x201: {  	[tilespmem:s22+$0x19240] =	vst v6  }
0x202: {  	v6 =	vld [tilespmem:$0x14150];
	_ =	sdelay $0x7  }
0x203: {  	v7 =	vld.idx.msk [tilespmem:v6+s20+$0x0], $0xffff  }
0x204: {  	v8 =	vld.idx.msk [tilespmem:v6+s6+$0x0], $0xffff  }
0x205: {  	v9 =	vld.idx.msk [tilespmem:v6+s8+$0x0], $0xffff  }
0x206: {  	v10 =	vld.idx.msk [tilespmem:v6+s9+$0x0], $0xffff  }
0x207: {  	v11 =	vld.idx.msk [tilespmem:v6+s10+$0x0], $0xffff  }
0x208: {  	v6 =	vld.idx.msk [tilespmem:v6+s7+$0x0], $0xffff;
	_ =	sdelay $0x1  }
0x209: {  	[tilespmem:s22+$0x14250] =	vst v9  }
0x20a: {  	v7 =	vsub.f32 v7, v5;
	[tilespmem:s22+$0x15250] =	vst v10  }
0x20b: {  	v8 =	vsub.f32 v8, v4;
	[tilespmem:s22+$0x16250] =	vst v11  }
0x20c: {  	v6 =	vsub.f32 v6, v3;
	[tilespmem:s22+$0x17250] =	vst v7  }
0x20d: {  	[tilespmem:s22+$0x18250] =	vst v8  }
0x20e: {  	[tilespmem:s22+$0x19250] =	vst v6  }
0x20f: {  	v6 =	vld [tilespmem:$0x14160];
	_ =	sdelay $0x7  }
0x210: {  	v7 =	vld.idx.msk [tilespmem:v6+s20+$0x0], $0xffff  }
0x211: {  	v8 =	vld.idx.msk [tilespmem:v6+s6+$0x0], $0xffff  }
0x212: {  	v9 =	vld.idx.msk [tilespmem:v6+s8+$0x0], $0xffff  }
0x213: {  	v10 =	vld.idx.msk [tilespmem:v6+s9+$0x0], $0xffff  }
0x214: {  	v11 =	vld.idx.msk [tilespmem:v6+s10+$0x0], $0xffff  }
0x215: {  	v6 =	vld.idx.msk [tilespmem:v6+s7+$0x0], $0xffff;
	_ =	sdelay $0x1  }
0x216: {  	[tilespmem:s22+$0x14260] =	vst v9  }
0x217: {  	v7 =	vsub.f32 v7, v5;
	[tilespmem:s22+$0x15260] =	vst v10  }
0x218: {  	v8 =	vsub.f32 v8, v4;
	[tilespmem:s22+$0x16260] =	vst v11  }
0x219: {  	v6 =	vsub.f32 v6, v3;
	[tilespmem:s22+$0x17260] =	vst v7  }
0x21a: {  	[tilespmem:s22+$0x18260] =	vst v8  }
0x21b: {  	[tilespmem:s22+$0x19260] =	vst v6  }
0x21c: {  	v6 =	vld [tilespmem:$0x14170];
	_ =	sdelay $0x7  }
0x21d: {  	v7 =	vld.idx.msk [tilespmem:v6+s20+$0x0], $0xffff  }
0x21e: {  	v8 =	vld.idx.msk [tilespmem:v6+s6+$0x0], $0xffff  }
0x21f: {  	v9 =	vld.idx.msk [tilespmem:v6+s8+$0x0], $0xffff  }
0x220: {  	v10 =	vld.idx.msk [tilespmem:v6+s9+$0x0], $0xffff  }
0x221: {  	v11 =	vld.idx.msk [tilespmem:v6+s10+$0x0], $0xffff  }
0x222: {  	v6 =	vld.idx.msk [tilespmem:v6+s7+$0x0], $0xffff  }
0x223: {  	s21 =	sadd.s32 $0x1, s21  }
0x224: {  	p0 =	sne.s32 s21, $0x20;
	[tilespmem:s22+$0x14270] =	vst v9  }
.Ltmp18:
0x225: {  	v62 =	vsub.f32 v7, v5;
	[tilespmem:s22+$0x15270] =	vst v10;
	(pc) =	sbr.rel @!p0 .LBB2_24-.Ltmp18, $4  }
0x226: {  	v63 =	vsub.f32 v8, v4;
	[tilespmem:s22+$0x16270] =	vst v11  }
0x227: {  	v3 =	vsub.f32 v6, v3;
	[tilespmem:s22+$0x17270] =	vst v62  }
0x228: {  	[tilespmem:s22+$0x18270] =	vst v63  }
0x229: {  	[tilespmem:s22+$0x19270] =	vst v3  }
.LBB2_18:
0x22a: {  	s0 =	smul.u32 $0x3, s21;
	_ =	sdelay $0x1  }
0x22b: {  	v3 =	vmov s0;
	s1 =	sadd.s32 $0x1, s0  }
0x22c: {  	v4 =	vmov s1  }
0x22d: {  	s0 =	sadd.s32 $0x2, s0  }
0x22e: {  	v6 =	vmov s0;
	_ =	sdelay $0x1  }
0x22f: {  	v5 =	vld.idx.msk [tilespmem:v3+s11+$0x0], $0xffff  }
0x230: {  	v4 =	vld.idx.msk [tilespmem:v4+s11+$0x0], $0xffff;
	_ =	sdelay $0x1  }
0x231: {  	v3 =	vld.idx.msk [tilespmem:v6+s11+$0x0], $0xffff;
	_ =	sdelay $0x2  }
0x232: {  	v6 =	vmul.f32 v5, v5;
	v7 =	vmul.f32 v4, v4;
	_ =	sdelay $0x1  }
0x233: {  	v6 =	vadd.f32 v7, v6;
	v7 =	vmul.f32 v3, v3  }
0x234: {  	v8 =	vshrl.u32 v4, $0x10  }
0x235: {  	v9 =	vshrl.u32 v3, $0x10;
	v6 =	vadd.f32 v7, v6;
	v7 =	vshrl.u32 v5, $0x10  }
0x236: {  	v8 =	vand.u32 $0x1, v8;
	v9 =	vand.u32 $0x1, v9;
	v7 =	vand.u32 $0x1, v7  }
0x237: {  	v8 =	vadd.s32 v8, v4;
	v9 =	vadd.s32 v9, v3;
	v7 =	vadd.s32 v7, v5  }
0x238: {  	s22 =	simm.s32 $0x12010;
	s23 =	simm.s32 $0x10010;
	s24 =	simm.s32 $0xE010;
	v8 =	vadd.s32 $0x7FFF, v8;
	v9 =	vadd.s32 $0x7FFF, v9;
	v7 =	vadd.s32 $0x7FFF, v7  }
0x239: {  	s25 =	simm.s32 $0xC010;
	s28 =	simm.s32 $0x0;
	s26 =	simm.s32 $0x0;
	[tilespmem:$0x14100] =	vst v0;
	v8 =	vand.u32 $0xFFFF0000, v8;
	v9 =	vand.u32 $0xFFFF0000, v9;
	v7 =	vand.u32 $0xFFFF0000, v7  }
.LBB2_19:
0x23a: {  	v10 =	vld [tilespmem:s25+$0xFFFFFFF0]  }
0x23b: {  	v11 =	vld [tilespmem:s24+$0xFFFFFFF0]  }
0x23c: {  	v12 =	vld [tilespmem:s25+$0x0]  }
0x23d: {  	v13 =	vld [tilespmem:s24+$0x0]  }
0x23e: {  	v14 =	vld [tilespmem:s23+$0xFFFFFFF0]  }
0x23f: {  	v15 =	vld [tilespmem:s23+$0x0];
	_ =	sdelay $0x1  }
0x240: {  	v10 =	vmul.f32 v7, v10;
	v11 =	vmul.f32 v8, v11  }
0x241: {  	v12 =	vmul.f32 v7, v12;
	v13 =	vmul.f32 v8, v13  }
0x242: {  	v10 =	vadd.f32 v11, v10;
	v11 =	vmul.f32 v9, v14  }
0x243: {  	v61 =	vmul.f32 v9, v15;
	v12 =	vadd.f32 v13, v12  }
0x244: {  	v10 =	vadd.f32 v11, v10  }
0x245: {  	v62 =	vld [tilespmem:s22+$0xFFFFFFF0];
	v11 =	vadd.f32 v61, v12  }
0x246: {  	v63 =	vld [tilespmem:s22+$0x0];
	v10 =	vadd.f32 v10, v10  }
0x247: {  	v11 =	vadd.f32 v11, v11  }
0x248: {  	v10 =	vsub.f32 v6, v10  }
0x249: {  	v11 =	vsub.f32 v6, v11  }
0x24a: {  	v10 =	vadd.f32 v62, v10  }
0x24b: {  	v11 =	vadd.f32 v11, v63  }
0x24c: {  	vm0 =	vle.f32 v10, $2.500000000e-01  }
0x24d: {  	vm1 =	vle.f32 v11, $2.500000000e-01;
	v10 =	vsel vm0, $0x1, v2  }
0x24e: {  	(xrf0) =	vadd.scan.msk.s32 $0xffff, v10;
	v10 =	vsel vm1, $0x1, v2  }
0x24f: {  	(xrf0) =	vadd.scan.msk.s32 $0xffff, v10;
	_ =	sdelay $0x4  }
0x250: {  	v10, _, _ =	vpop (xrf0)  }
0x251: {  	(v2sf) =	vpush v10, $0xF;
	v10, _, _ =	vpop (xrf0)  }
0x252: {  	(v2sf) =	vpush v10, $0xF;
	_ =	sdelay $0xd  }
0x253: {  	s31 =	spop (v2sf)  }
0x254: {  	s0 =	sadd.s32 s28, s31;
	s29 =	spop (v2sf)  }
0x255: {  	s30 =	smov.u32 s28;
	p0 =	sgt.u32 s26, $0x1FDF;
	s28 =	sadd.s32 s0, s29  }
0x256: {  	p1 =	slt.s32 @!p0 s28, $0x80  }
0x257: {  	p0 =	por p0, !p1  }
.Ltmp19:
0x258: {  	_ = 	snop;
	(pc) =	sbr.rel @!p0 .LBB2_19-.Ltmp19, $4  }
0x259: {  	_ = 	snop  }
0x25a: {  	s1 =	sadd.s32 $0x10, s26;
	v10 =	vor.u32 s26, v1  }
0x25b: {  	s22 =	sadd.s32 $0x20, s22;
	s23 =	sadd.s32 $0x20, s23;
	v11 =	vor.u32 s1, v1;
	[tilespmem:s30+$0x14100] =	vst.msk vm0, v10  }
0x25c: {  	s24 =	sadd.s32 $0x20, s24;
	s25 =	sadd.s32 $0x20, s25;
	s26 =	sadd.s32 $0x20, s26;
	[tilespmem:s0+$0x14100] =	vst.msk vm1, v11  }
0x25d: {  	p0 =	sgt.s32 s28, $0x7F  }
.Ltmp20:
0x25e: {  	_ = 	snop;
	(pc) =	sbr.rel @p0 .LBB2_23-.Ltmp20, $1  }
0x25f: {  	_ =	sdelay $0x3  }
0x260: {  	s0 =	sadd.s32 s29, s31  }
0x261: {  	s0 =	sadd.s32 s30, s0  }
0x262: {  	s1 =	sadd.s32 $0xFFFFFFF0, s0  }
0x263: {  	s22 =	sadd.s32 $0x10, s1  }
0x264: {  	v6 =	vld.msk [tilespmem:s12+$0x0], $0xffff;
	p0 =	slt.s32 s22, $0x70  }
.Ltmp21:
0x265: {  	_ = 	snop;
	(pc) =	sbr.rel @!p0 .LBB2_23-.Ltmp21, $4  }
0x266: {  	s0 =	sshll.u32 s0, $0x2  }
0x267: {  	s0 =	sshra.s32 s0, $0x2  }
0x268: {  	s23 =	sadd.s32 $0x14100, s0  }
0x269: {  	[tilespmem:s23+$0x0] =	vst v6  }
.LBB2_22:
0x26a: {  	s22 =	sadd.s32 $0x10, s22  }
0x26b: {  	p0 =	slt.s32 s22, $0x70  }
.Ltmp22:
0x26c: {  	_ = 	snop;
	(pc) =	sbr.rel @p0 .LBB2_22-.Ltmp22, $3  }
0x26d: {  	_ =	sdelay $0x1  }
0x26e: {  	s23 =	sadd.s32 $0x10, s23  }
0x26f: {  	[tilespmem:s23+$0x0] =	vst v6  }
.Ltmp23:
0x270: {  	_ = 	snop;
	(pc) =	sbr.rel .LBB2_23-.Ltmp23, $1  }
0x271: {  	_ =	sdelay $0x3  }
.LBB2_24:
0x272: {  	s21 =	simm.s32 $0x0;
	s0 =	rddreg [dreg:$0x17]  }
0x273: {  	[hbm4b:s0+s21] =	stream.linear.scatter [tilespmem:s13], [sflag:$0x1], $0x1000, $0x38;
	[tilespmem:$0x1A200] =	vst v63  }
0x274: {  	_ =	swait.ge [sflag:s5], $0x1000  }
0x275: {  	[sflag:s5] =	ssyncset.done $0x0  }
0x276: {  	s26 =	rddreg [dreg:$0x18];
	[sflag:s5] =	ssyncadd.s32 $0xFFFFF000  }
0x277: {  	[hbm4b:s26+s21] =	stream.linear.scatter [tilespmem:s14], [sflag:$0x1], $0x1000, $0x38;
	[tilespmem:$0x1A200] =	vst v63  }
0x278: {  	_ =	swait.ge [sflag:s5], $0x1000  }
0x279: {  	[sflag:s5] =	ssyncset.done $0x0  }
0x27a: {  	s28 =	rddreg [dreg:$0x19];
	[sflag:s5] =	ssyncadd.s32 $0xFFFFF000  }
0x27b: {  	[hbm4b:s28+s21] =	stream.linear.scatter [tilespmem:s15], [sflag:$0x1], $0x1000, $0x38;
	[tilespmem:$0x1A200] =	vst v63  }
0x27c: {  	_ =	swait.ge [sflag:s5], $0x1000  }
0x27d: {  	[sflag:s5] =	ssyncset.done $0x0  }
0x27e: {  	s29 =	rddreg [dreg:$0x1a];
	[sflag:s5] =	ssyncadd.s32 $0xFFFFF000  }
0x27f: {  	[hbm4b:s29+s21] =	stream.linear.scatter [tilespmem:s16], [sflag:$0x1], $0x1000, $0x38;
	[tilespmem:$0x1A200] =	vst v63  }
0x280: {  	_ =	swait.ge [sflag:s5], $0x1000  }
0x281: {  	[sflag:s5] =	ssyncset.done $0x0  }
0x282: {  	s30 =	rddreg [dreg:$0x1b];
	[sflag:s5] =	ssyncadd.s32 $0xFFFFF000  }
0x283: {  	[hbm4b:s30+s21] =	stream.linear.scatter [tilespmem:s17], [sflag:$0x1], $0x1000, $0x38;
	[tilespmem:$0x1A200] =	vst v63  }
0x284: {  	_ =	swait.ge [sflag:s5], $0x1000  }
0x285: {  	[sflag:s5] =	ssyncset.done $0x0  }
.Ltmp24:
0x286: {  	s31 =	rddreg [dreg:$0x1c];
	[sflag:s5] =	ssyncadd.s32 $0xFFFFF000;
	(pc) =	sbr.rel .LBB2_25-.Ltmp24, $4  }
0x287: {  	[hbm4b:s31+s21] =	stream.linear.scatter [tilespmem:s18], [sflag:$0x1], $0x1000, $0x38;
	[tilespmem:$0x1A200] =	vst v63  }
0x288: {  	_ =	swait.ge [sflag:s5], $0x1000  }
0x289: {  	[sflag:s5] =	ssyncset.done $0x0  }
0x28a: {  	[sflag:s5] =	ssyncadd.s32 $0xFFFFF000  }
.LBB2_30:
0x28b: {  	v6 =	vld [tilespmem:$0x14100];
	_ =	sdelay $0x7  }
0x28c: {  	v7 =	vld.idx.msk [tilespmem:v6+s20+$0x0], $0xffff  }
0x28d: {  	v8 =	vld.idx.msk [tilespmem:v6+s6+$0x0], $0xffff  }
0x28e: {  	v9 =	vld.idx.msk [tilespmem:v6+s8+$0x0], $0xffff  }
0x28f: {  	v10 =	vld.idx.msk [tilespmem:v6+s9+$0x0], $0xffff  }
0x290: {  	v11 =	vld.idx.msk [tilespmem:v6+s10+$0x0], $0xffff  }
0x291: {  	v6 =	vld.idx.msk [tilespmem:v6+s7+$0x0], $0xffff  }
0x292: {  	s22 =	sshll.u32 s21, $0x7  }
0x293: {  	[tilespmem:s22+$0x14200] =	vst v9  }
0x294: {  	v7 =	vsub.f32 v7, v5;
	[tilespmem:s22+$0x15200] =	vst v10  }
0x295: {  	v8 =	vsub.f32 v8, v4;
	[tilespmem:s22+$0x16200] =	vst v11  }
0x296: {  	v6 =	vsub.f32 v6, v3;
	[tilespmem:s22+$0x17200] =	vst v7  }
0x297: {  	[tilespmem:s22+$0x18200] =	vst v8  }
0x298: {  	[tilespmem:s22+$0x19200] =	vst v6  }
0x299: {  	v6 =	vld [tilespmem:$0x14110];
	_ =	sdelay $0x7  }
0x29a: {  	v7 =	vld.idx.msk [tilespmem:v6+s20+$0x0], $0xffff  }
0x29b: {  	v8 =	vld.idx.msk [tilespmem:v6+s6+$0x0], $0xffff  }
0x29c: {  	v9 =	vld.idx.msk [tilespmem:v6+s8+$0x0], $0xffff  }
0x29d: {  	v10 =	vld.idx.msk [tilespmem:v6+s9+$0x0], $0xffff  }
0x29e: {  	v11 =	vld.idx.msk [tilespmem:v6+s10+$0x0], $0xffff  }
0x29f: {  	v6 =	vld.idx.msk [tilespmem:v6+s7+$0x0], $0xffff;
	_ =	sdelay $0x1  }
0x2a0: {  	[tilespmem:s22+$0x14210] =	vst v9  }
0x2a1: {  	v7 =	vsub.f32 v7, v5;
	[tilespmem:s22+$0x15210] =	vst v10  }
0x2a2: {  	v8 =	vsub.f32 v8, v4;
	[tilespmem:s22+$0x16210] =	vst v11  }
0x2a3: {  	v6 =	vsub.f32 v6, v3;
	[tilespmem:s22+$0x17210] =	vst v7  }
0x2a4: {  	[tilespmem:s22+$0x18210] =	vst v8  }
0x2a5: {  	[tilespmem:s22+$0x19210] =	vst v6  }
0x2a6: {  	v6 =	vld [tilespmem:$0x14120];
	_ =	sdelay $0x7  }
0x2a7: {  	v7 =	vld.idx.msk [tilespmem:v6+s20+$0x0], $0xffff  }
0x2a8: {  	v8 =	vld.idx.msk [tilespmem:v6+s6+$0x0], $0xffff  }
0x2a9: {  	v9 =	vld.idx.msk [tilespmem:v6+s8+$0x0], $0xffff  }
0x2aa: {  	v10 =	vld.idx.msk [tilespmem:v6+s9+$0x0], $0xffff  }
0x2ab: {  	v11 =	vld.idx.msk [tilespmem:v6+s10+$0x0], $0xffff  }
0x2ac: {  	v6 =	vld.idx.msk [tilespmem:v6+s7+$0x0], $0xffff;
	_ =	sdelay $0x1  }
0x2ad: {  	[tilespmem:s22+$0x14220] =	vst v9  }
0x2ae: {  	v7 =	vsub.f32 v7, v5;
	[tilespmem:s22+$0x15220] =	vst v10  }
0x2af: {  	v8 =	vsub.f32 v8, v4;
	[tilespmem:s22+$0x16220] =	vst v11  }
0x2b0: {  	v6 =	vsub.f32 v6, v3;
	[tilespmem:s22+$0x17220] =	vst v7  }
0x2b1: {  	[tilespmem:s22+$0x18220] =	vst v8  }
0x2b2: {  	[tilespmem:s22+$0x19220] =	vst v6  }
0x2b3: {  	v6 =	vld [tilespmem:$0x14130];
	_ =	sdelay $0x7  }
0x2b4: {  	v7 =	vld.idx.msk [tilespmem:v6+s20+$0x0], $0xffff  }
0x2b5: {  	v8 =	vld.idx.msk [tilespmem:v6+s6+$0x0], $0xffff  }
0x2b6: {  	v9 =	vld.idx.msk [tilespmem:v6+s8+$0x0], $0xffff  }
0x2b7: {  	v10 =	vld.idx.msk [tilespmem:v6+s9+$0x0], $0xffff  }
0x2b8: {  	v11 =	vld.idx.msk [tilespmem:v6+s10+$0x0], $0xffff  }
0x2b9: {  	v6 =	vld.idx.msk [tilespmem:v6+s7+$0x0], $0xffff;
	_ =	sdelay $0x1  }
0x2ba: {  	[tilespmem:s22+$0x14230] =	vst v9  }
0x2bb: {  	v7 =	vsub.f32 v7, v5;
	[tilespmem:s22+$0x15230] =	vst v10  }
0x2bc: {  	v8 =	vsub.f32 v8, v4;
	[tilespmem:s22+$0x16230] =	vst v11  }
0x2bd: {  	v6 =	vsub.f32 v6, v3;
	[tilespmem:s22+$0x17230] =	vst v7  }
0x2be: {  	[tilespmem:s22+$0x18230] =	vst v8  }
0x2bf: {  	[tilespmem:s22+$0x19230] =	vst v6  }
0x2c0: {  	v6 =	vld [tilespmem:$0x14140];
	_ =	sdelay $0x7  }
0x2c1: {  	v7 =	vld.idx.msk [tilespmem:v6+s20+$0x0], $0xffff  }
0x2c2: {  	v8 =	vld.idx.msk [tilespmem:v6+s6+$0x0], $0xffff  }
0x2c3: {  	v9 =	vld.idx.msk [tilespmem:v6+s8+$0x0], $0xffff  }
0x2c4: {  	v10 =	vld.idx.msk [tilespmem:v6+s9+$0x0], $0xffff  }
0x2c5: {  	v11 =	vld.idx.msk [tilespmem:v6+s10+$0x0], $0xffff  }
0x2c6: {  	v6 =	vld.idx.msk [tilespmem:v6+s7+$0x0], $0xffff;
	_ =	sdelay $0x1  }
0x2c7: {  	[tilespmem:s22+$0x14240] =	vst v9  }
0x2c8: {  	v7 =	vsub.f32 v7, v5;
	[tilespmem:s22+$0x15240] =	vst v10  }
0x2c9: {  	v8 =	vsub.f32 v8, v4;
	[tilespmem:s22+$0x16240] =	vst v11  }
0x2ca: {  	v6 =	vsub.f32 v6, v3;
	[tilespmem:s22+$0x17240] =	vst v7  }
0x2cb: {  	[tilespmem:s22+$0x18240] =	vst v8  }
0x2cc: {  	[tilespmem:s22+$0x19240] =	vst v6  }
0x2cd: {  	v6 =	vld [tilespmem:$0x14150];
	_ =	sdelay $0x7  }
0x2ce: {  	v7 =	vld.idx.msk [tilespmem:v6+s20+$0x0], $0xffff  }
0x2cf: {  	v8 =	vld.idx.msk [tilespmem:v6+s6+$0x0], $0xffff  }
0x2d0: {  	v9 =	vld.idx.msk [tilespmem:v6+s8+$0x0], $0xffff  }
0x2d1: {  	v10 =	vld.idx.msk [tilespmem:v6+s9+$0x0], $0xffff  }
0x2d2: {  	v11 =	vld.idx.msk [tilespmem:v6+s10+$0x0], $0xffff  }
0x2d3: {  	v6 =	vld.idx.msk [tilespmem:v6+s7+$0x0], $0xffff;
	_ =	sdelay $0x1  }
0x2d4: {  	[tilespmem:s22+$0x14250] =	vst v9  }
0x2d5: {  	v7 =	vsub.f32 v7, v5;
	[tilespmem:s22+$0x15250] =	vst v10  }
0x2d6: {  	v8 =	vsub.f32 v8, v4;
	[tilespmem:s22+$0x16250] =	vst v11  }
0x2d7: {  	v6 =	vsub.f32 v6, v3;
	[tilespmem:s22+$0x17250] =	vst v7  }
0x2d8: {  	[tilespmem:s22+$0x18250] =	vst v8  }
0x2d9: {  	[tilespmem:s22+$0x19250] =	vst v6  }
0x2da: {  	v6 =	vld [tilespmem:$0x14160];
	_ =	sdelay $0x7  }
0x2db: {  	v7 =	vld.idx.msk [tilespmem:v6+s20+$0x0], $0xffff  }
0x2dc: {  	v8 =	vld.idx.msk [tilespmem:v6+s6+$0x0], $0xffff  }
0x2dd: {  	v9 =	vld.idx.msk [tilespmem:v6+s8+$0x0], $0xffff  }
0x2de: {  	v10 =	vld.idx.msk [tilespmem:v6+s9+$0x0], $0xffff  }
0x2df: {  	v11 =	vld.idx.msk [tilespmem:v6+s10+$0x0], $0xffff  }
0x2e0: {  	v6 =	vld.idx.msk [tilespmem:v6+s7+$0x0], $0xffff;
	_ =	sdelay $0x1  }
0x2e1: {  	[tilespmem:s22+$0x14260] =	vst v9  }
0x2e2: {  	v7 =	vsub.f32 v7, v5;
	[tilespmem:s22+$0x15260] =	vst v10  }
0x2e3: {  	v8 =	vsub.f32 v8, v4;
	[tilespmem:s22+$0x16260] =	vst v11  }
0x2e4: {  	v6 =	vsub.f32 v6, v3;
	[tilespmem:s22+$0x17260] =	vst v7  }
0x2e5: {  	[tilespmem:s22+$0x18260] =	vst v8  }
0x2e6: {  	[tilespmem:s22+$0x19260] =	vst v6  }
0x2e7: {  	v6 =	vld [tilespmem:$0x14170];
	_ =	sdelay $0x7  }
0x2e8: {  	v7 =	vld.idx.msk [tilespmem:v6+s20+$0x0], $0xffff  }
0x2e9: {  	v8 =	vld.idx.msk [tilespmem:v6+s6+$0x0], $0xffff  }
0x2ea: {  	v9 =	vld.idx.msk [tilespmem:v6+s8+$0x0], $0xffff  }
0x2eb: {  	v10 =	vld.idx.msk [tilespmem:v6+s9+$0x0], $0xffff  }
0x2ec: {  	v11 =	vld.idx.msk [tilespmem:v6+s10+$0x0], $0xffff  }
0x2ed: {  	v6 =	vld.idx.msk [tilespmem:v6+s7+$0x0], $0xffff  }
0x2ee: {  	s21 =	sadd.s32 $0x1, s21  }
0x2ef: {  	p0 =	sne.s32 s21, $0x20;
	[tilespmem:s22+$0x14270] =	vst v9  }
.Ltmp25:
0x2f0: {  	v62 =	vsub.f32 v7, v5;
	[tilespmem:s22+$0x15270] =	vst v10;
	(pc) =	sbr.rel @!p0 .LBB2_31-.Ltmp25, $4  }
0x2f1: {  	v63 =	vsub.f32 v8, v4;
	[tilespmem:s22+$0x16270] =	vst v11  }
0x2f2: {  	v3 =	vsub.f32 v6, v3;
	[tilespmem:s22+$0x17270] =	vst v62  }
0x2f3: {  	[tilespmem:s22+$0x18270] =	vst v63  }
0x2f4: {  	[tilespmem:s22+$0x19270] =	vst v3  }
.LBB2_25:
0x2f5: {  	s0 =	smul.u32 $0x3, s21;
	_ =	sdelay $0x1  }
0x2f6: {  	s1 =	sadd.s32 $0x60, s0  }
0x2f7: {  	s31 =	sadd.s32 $0x61, s0;
	v3 =	vmov s1  }
0x2f8: {  	v4 =	vmov s31  }
0x2f9: {  	s0 =	sadd.s32 $0x62, s0  }
0x2fa: {  	v6 =	vmov s0;
	_ =	sdelay $0x1  }
0x2fb: {  	v5 =	vld.idx.msk [tilespmem:v3+s11+$0x0], $0xffff  }
0x2fc: {  	v4 =	vld.idx.msk [tilespmem:v4+s11+$0x0], $0xffff;
	_ =	sdelay $0x1  }
0x2fd: {  	v3 =	vld.idx.msk [tilespmem:v6+s11+$0x0], $0xffff;
	_ =	sdelay $0x2  }
0x2fe: {  	v6 =	vmul.f32 v5, v5;
	v7 =	vmul.f32 v4, v4;
	_ =	sdelay $0x1  }
0x2ff: {  	v6 =	vadd.f32 v7, v6;
	v7 =	vmul.f32 v3, v3  }
0x300: {  	v8 =	vshrl.u32 v4, $0x10  }
0x301: {  	v9 =	vshrl.u32 v3, $0x10;
	v6 =	vadd.f32 v7, v6;
	v7 =	vshrl.u32 v5, $0x10  }
0x302: {  	v8 =	vand.u32 $0x1, v8;
	v9 =	vand.u32 $0x1, v9;
	v7 =	vand.u32 $0x1, v7  }
0x303: {  	v8 =	vadd.s32 v8, v4;
	v9 =	vadd.s32 v9, v3;
	v7 =	vadd.s32 v7, v5  }
0x304: {  	s22 =	simm.s32 $0x12010;
	s23 =	simm.s32 $0x10010;
	s24 =	simm.s32 $0xE010;
	v8 =	vadd.s32 $0x7FFF, v8;
	v9 =	vadd.s32 $0x7FFF, v9;
	v7 =	vadd.s32 $0x7FFF, v7  }
0x305: {  	s25 =	simm.s32 $0xC010;
	s28 =	simm.s32 $0x0;
	s26 =	simm.s32 $0x0;
	[tilespmem:$0x14100] =	vst v0;
	v8 =	vand.u32 $0xFFFF0000, v8;
	v9 =	vand.u32 $0xFFFF0000, v9;
	v7 =	vand.u32 $0xFFFF0000, v7  }
.LBB2_26:
0x306: {  	v10 =	vld [tilespmem:s25+$0xFFFFFFF0]  }
0x307: {  	v11 =	vld [tilespmem:s24+$0xFFFFFFF0]  }
0x308: {  	v12 =	vld [tilespmem:s25+$0x0]  }
0x309: {  	v13 =	vld [tilespmem:s24+$0x0]  }
0x30a: {  	v14 =	vld [tilespmem:s23+$0xFFFFFFF0]  }
0x30b: {  	v15 =	vld [tilespmem:s23+$0x0];
	_ =	sdelay $0x1  }
0x30c: {  	v10 =	vmul.f32 v7, v10;
	v11 =	vmul.f32 v8, v11  }
0x30d: {  	v12 =	vmul.f32 v7, v12;
	v13 =	vmul.f32 v8, v13  }
0x30e: {  	v10 =	vadd.f32 v11, v10;
	v11 =	vmul.f32 v9, v14  }
0x30f: {  	v61 =	vmul.f32 v9, v15;
	v12 =	vadd.f32 v13, v12  }
0x310: {  	v10 =	vadd.f32 v11, v10  }
0x311: {  	v62 =	vld [tilespmem:s22+$0xFFFFFFF0];
	v11 =	vadd.f32 v61, v12  }
0x312: {  	v63 =	vld [tilespmem:s22+$0x0];
	v10 =	vadd.f32 v10, v10  }
0x313: {  	v11 =	vadd.f32 v11, v11  }
0x314: {  	v10 =	vsub.f32 v6, v10  }
0x315: {  	v11 =	vsub.f32 v6, v11  }
0x316: {  	v10 =	vadd.f32 v62, v10  }
0x317: {  	v11 =	vadd.f32 v11, v63  }
0x318: {  	vm0 =	vle.f32 v10, $2.500000000e-01  }
0x319: {  	vm1 =	vle.f32 v11, $2.500000000e-01;
	v10 =	vsel vm0, $0x1, v2  }
0x31a: {  	(xrf0) =	vadd.scan.msk.s32 $0xffff, v10;
	v10 =	vsel vm1, $0x1, v2  }
0x31b: {  	(xrf0) =	vadd.scan.msk.s32 $0xffff, v10;
	_ =	sdelay $0x4  }
0x31c: {  	v10, _, _ =	vpop (xrf0)  }
0x31d: {  	(v2sf) =	vpush v10, $0xF;
	v10, _, _ =	vpop (xrf0)  }
0x31e: {  	(v2sf) =	vpush v10, $0xF;
	_ =	sdelay $0xd  }
0x31f: {  	s31 =	spop (v2sf)  }
0x320: {  	s0 =	sadd.s32 s28, s31;
	s29 =	spop (v2sf)  }
0x321: {  	s30 =	smov.u32 s28;
	p0 =	sgt.u32 s26, $0x1FDF;
	s28 =	sadd.s32 s0, s29  }
0x322: {  	p1 =	slt.s32 @!p0 s28, $0x80  }
0x323: {  	p0 =	por p0, !p1  }
.Ltmp26:
0x324: {  	_ = 	snop;
	(pc) =	sbr.rel @!p0 .LBB2_26-.Ltmp26, $4  }
0x325: {  	_ = 	snop  }
0x326: {  	s1 =	sadd.s32 $0x10, s26;
	v10 =	vor.u32 s26, v1  }
0x327: {  	s22 =	sadd.s32 $0x20, s22;
	s23 =	sadd.s32 $0x20, s23;
	v11 =	vor.u32 s1, v1;
	[tilespmem:s30+$0x14100] =	vst.msk vm0, v10  }
0x328: {  	s24 =	sadd.s32 $0x20, s24;
	s25 =	sadd.s32 $0x20, s25;
	s26 =	sadd.s32 $0x20, s26;
	[tilespmem:s0+$0x14100] =	vst.msk vm1, v11  }
0x329: {  	p0 =	sgt.s32 s28, $0x7F  }
.Ltmp27:
0x32a: {  	_ = 	snop;
	(pc) =	sbr.rel @p0 .LBB2_30-.Ltmp27, $1  }
0x32b: {  	_ =	sdelay $0x3  }
0x32c: {  	s0 =	sadd.s32 s29, s31  }
0x32d: {  	s0 =	sadd.s32 s30, s0  }
0x32e: {  	s1 =	sadd.s32 $0xFFFFFFF0, s0  }
0x32f: {  	s22 =	sadd.s32 $0x10, s1  }
0x330: {  	v6 =	vld.msk [tilespmem:s12+$0x0], $0xffff;
	p0 =	slt.s32 s22, $0x70  }
.Ltmp28:
0x331: {  	_ = 	snop;
	(pc) =	sbr.rel @!p0 .LBB2_30-.Ltmp28, $4  }
0x332: {  	s0 =	sshll.u32 s0, $0x2  }
0x333: {  	s0 =	sshra.s32 s0, $0x2  }
0x334: {  	s23 =	sadd.s32 $0x14100, s0  }
0x335: {  	[tilespmem:s23+$0x0] =	vst v6  }
.LBB2_29:
0x336: {  	s22 =	sadd.s32 $0x10, s22  }
0x337: {  	p0 =	slt.s32 s22, $0x70  }
.Ltmp29:
0x338: {  	_ = 	snop;
	(pc) =	sbr.rel @p0 .LBB2_29-.Ltmp29, $3  }
0x339: {  	_ =	sdelay $0x1  }
0x33a: {  	s23 =	sadd.s32 $0x10, s23  }
0x33b: {  	[tilespmem:s23+$0x0] =	vst v6  }
.Ltmp30:
0x33c: {  	_ = 	snop;
	(pc) =	sbr.rel .LBB2_30-.Ltmp30, $1  }
0x33d: {  	_ =	sdelay $0x3  }
.LBB2_32:
0x33e: {  	_ =	sfence.sel $0x180000  }
0x33f: {  	[bflag:$0x0] =	sbarrier.arrive $0xFFFF  }
0x340: {  	_ =	strace $0x90000047  }
0x341: {  	s0 =	stileid.u32;
	[bflag:$0x2] =	sbarrier.arrive $0xFFFF  }
0x342: {  	p0 =	sne.s32 s0, $0x0;
	s0 =	rddreg [dreg:$0x3]  }
0x343: {  	s0 =	sadd.s32 @!p0 $0x100000, s0  }
0x344: {  	[sflag:s0] =	ssyncadd.tile.s32 @!p0 $0x1;
	_ =	shalt  }
.Lfunc_end2:
_tile_overlayer_lowered:
.L_overlay_start_2:
0x345: {  	(tag) =	ssettag $0x2  }
0x346: {  	s0 =	rddreg [dreg:$0x0];
	s2 =	stileid.u32  }
0x347: {  	s1 =	rddreg [dreg:$0x1];
	p0 =	sne.s32 s2, $0x0  }
0x348: {  	s3 =	rddreg [dreg:$0x2];
	[bflag:$0x3] =	sbarrier.arrive $0xFFFF;
	s2 =	simm.s32 @!p0 $0x1C01  }
0x349: {  	[timem:s3], [sflag:s2] =	dma.local @!p0 [hbm:s0], s1  }
0x34a: {  	s0 =	simm.s32 @!p0 $0x1  }
0x34b: {  	_ =	swait.ge @!p0 [sflag:s0], s1  }
0x34c: {  	s1 =	ssub.s32 @!p0 $0x0, s1;
	[sflag:s0] =	ssyncset.done @!p0 $0x0  }
0x34d: {  	[sflag:s0] =	ssyncadd.s32 @!p0 s1  }
0x34e: {  	[bflag:$0x3] =	sbarrier.arrive $0xFFFF  }
0x34f: {  	_ =	shalt  }

// kernel: sparse-core-data-format-call.cloned.1.call-start
scs
called_computation_lowered:
.L_overlay_start_0:
0x0: {  	s1 =	sld [smem:$0x3FD9]  }
0x1: {  	s2 =	sld [smem:$0x3FFE];
	_ =	sdelay $0x1  }
0x2: {  	s3 =	srdreg.scid  }
0x3: {  	s0 =	sand.u32 $0x1, s3  }
0x4: {  	s17 =	sshll.u32 s0, $0xA;
	s1 =	sadd.s32 s2, s1  }
0x5: {  	s1 =	sadd.s32 s1, s17  }
0x6: {  	[smem:$0x3FA1] =	sst s1  }
0x7: {  	_ = 	snop  }
0x8: {  	(tm) =	ssettm $0x1  }
0x9: {  	s18 =	sld [smem:$0x3FFB];
	_ =	sdelay $0x3  }
0xa: {  	_ =	strace s18  }
0xb: {  	s1 =	sld [smem:$0x3FFC];
	_ =	sdelay $0x3  }
0xc: {  	_ =	strace s1  }
0xd: {  	s1 =	sld [smem:$0x3FFD];
	_ =	sdelay $0x3  }
0xe: {  	_ =	strace s1  }
0xf: {  	_ =	strace $0x8FFFFFFF  }
0x10: {  	s19 =	sld [smem:$0x3FDB];
	_ =	sdelay $0x1  }
0x11: {  	s20 =	simm.s32 $_scs_section_size  }
0x12: {  	s4 =	simm.s32 $_size__tile_overlayer_lowered;
	s5 =	simm.s32 $_tile_overlayer_lowered  }
0x13: {  	s23 =	simm.s32 $0x1BFF;
	s22 =	sshll.u32 s5, $0x1;
	s1 =	sadd.s32 s20, s19  }
0x14: {  	s6 =	simm.s32 $0x0;
	s21 =	sshll.u32 s4, $0x1;
	s4 =	sadd.s32 s22, s1  }
0x15: {  	[timem:s6], [sflag:s23] =	dma.local [hbm:s4], s21  }
0x16: {  	_ =	swait.ge [sflag:s23], s21  }
0x17: {  	s2 =	ssub.s32 $0x0, s21;
	[sflag:s23] =	ssyncset.done $0x0  }
0x18: {  	[sflag:s23] =	ssyncadd.s32 s2;
	_ =	sdelay $0x1  }
0x19: {  	s24 =	simm.s32 $0x1B8B  }
0x1a: {  	_ =	swait.ge [sflag:s24], $0x1  }
0x1b: {  	[sflag:s24] =	ssyncset.done $0x0  }
0x1c: {  	s26 =	simm.s32 $0x1B8E;
	s25 =	sld [smem:$0x3FFE];
	[sflag:s24] =	ssyncadd.s32 $0xFFFFFFFF  }
0x1d: {  	s27 =	simm.s32 $execute0_lowered;
	[smem:$0x3FD2] =	sst s26  }
0x1e: {  	s4 =	sshll.u32 s27, $0x1;
	_ =	strace $0x80000049;
	[dreg:$0x1] =	wrdreg $0xFFFFFFFF  }
0x1f: {  	s28 =	simm.s32 $_size_execute0_lowered;
	s1 =	sadd.s32 s1, s4;
	[dreg:$0x0] =	wrdreg $0x0  }
0x20: {  	s4 =	sshll.u32 s28, $0x1;
	[dreg:$0x2] =	wrdreg s1  }
0x21: {  	[dreg:$0x3] =	wrdreg s4  }
0x22: {  	[dreg:$0x4] =	wrdreg $0xC0  }
0x23: {  	_ =	task [dreg:s6], $0x5FFFF  }
0x24: {  	[dreg:$0x1] =	wrdreg $0xFFFFFFFF  }
0x25: {  	[dreg:$0x0] =	wrdreg $0x60  }
0x26: {  	[dreg:$0x2] =	wrdreg s25  }
0x27: {  	[dreg:$0x3] =	wrdreg $0x9  }
0x28: {  	_ =	task.clear_ibuf [dreg:s6], $0x4FFFF;
	_ =	strace $0x90000049  }
0x29: {  	s29 =	simm.s32 $0x9;
	_ =	strace $0x8000004B  }
0x2a: {  	_ =	swait.ge [sflag:s29], $0x1  }
0x2b: {  	[sflag:s29] =	ssyncadd.s32 $0xFFFFFFFF  }
0x2c: {  	_ =	strace $0x9000004B  }
0x2d: {  	_ =	sfence  }
0x2e: {  	s30 =	sld [smem:$0x0];
	_ =	sdelay $0x2  }
0x2f: {  	s31 =	sshll.u32 s3, $0xD;
	s3 =	sshrl.u32 s3, $0x2  }
0x30: {  	s2 =	sand.u32 $0x4000, s31;
	s1 =	sadd.s32 s3, s30  }
0x31: {  	s0 =	sor.u32 s2, s0;
	s1 =	sshll.u32 s1, $0x11  }
0x32: {  	s0 =	sor.u32 s1, s0  }
0x33: {  	s0 =	sadd.s32 $0x8F2B, s0  }
0x34: {  	[sflag:s0] =	ssyncadd.remote.s32 $0x1  }
0x35: {  	_ =	sfence.sel $0xFFFF  }
0x36: {  	[dreg:$0x0] =	wrdreg $0xFFFFFFFF;
	(pc) =	sbr.abs _section_cstart, $3  }
0x37: {  	[dreg:$0x1] =	wrdreg $0xFFFFFFFF  }
0x38: {  	_ =	task.clear_ibuf [dreg:s6], $0x2FFFF;
	_ =	strace $0x9FFFFFFF  }
0x39: {  	(tm) =	ssettm $0x7FFFFFFF  }
tec
execute0_lowered:
.L_overlay_start_1:
0x0: {  	(tag) =	ssettag $0x1  }
0x1: {  	s1 =	rddreg [dreg:$0x0]  }
0x2: {  	s0 =	rddreg [dreg:$0x1]  }
0x3: {  	_ =	strace $0x8000004A;
	s4 =	srdreg.scid;
	s6 =	simm.s32 $0x2  }
0x4: {  	s11 =	simm.s32 $0x0;
	p0 =	por $0x0, $0x0;
	s7 =	simm.s32 $0x20000  }
.Ltmp0:
0x5: {  	s12 =	simm.s32 $0x0;
	s9 =	simm.s32 $0x0;
	(pc) =	sbr.rel .LBB1_1-.Ltmp0, $4  }
0x6: {  	s2 =	sadd.s32 $0x567E00, s1;
	s3 =	sadd.s32 $0x67E00, s1;
	s5 =	sshll.u32 s4, $0x4  }
0x7: {  	s1 =	stileid.u32;
	s4 =	simm.s32 $0x1;
	s5 =	sand.u32 $0x10, s5  }
0x8: {  	s8 =	simm.s32 $0x0;
	[sflag:s4] =	ssyncpa.u1 $0x0;
	s5 =	sor.u32 s1, s5  }
0x9: {  	[sflag:s6] =	ssyncpa.u1 $0x0;
	s6 =	simm.s32 $0x800;
	s10 =	smov.u32 s5  }
.LBB1_7:
0xa: {  	s13 =	sadd.s32 $0x10, s9  }
0xb: {  	s11 =	sadd.s32 $0x20, s10;
	s15 =	smov.u32 s10;
	p2 =	sgt.s32 s13, $0x3FF  }
0xc: {  	p1 =	slt.u32 s8, $0x2;
	s15 =	smov.u32 @p2 s11  }
0xd: {  	s8 =	sadd.s32 $0x1, s8;
	s13 =	simm.s32 @p2 $0x0;
	p2 =	sgt.s32 s15, $0x1F  }
0xe: {  	s15 =	smov.u32 @p2 s5;
	p2 =	sne.s32 s8, $0x42  }
.Ltmp1:
0xf: {  	_ = 	snop;
	(pc) =	sbr.rel @!p2 .LBB1_8-.Ltmp1, $4  }
0x10: {  	s14 =	simm.s32 @!p1 $0x2  }
0x11: {  	s12 =	smov.u32 s10;
	_ =	swait.ge @!p1 [sflag:s14], $0x4000  }
0x12: {  	p0 =	por !p0, !p0;
	s11 =	smov.u32 s9;
	[sflag:s14] =	ssyncset.done @!p1 $0x0  }
0x13: {  	s9 =	smov.u32 s13;
	[sflag:s14] =	ssyncadd.s32 @!p1 $0xFFFFC000;
	s10 =	smov.u32 s15  }
.LBB1_1:
0x14: {  	p1 =	sgt.u32 s8, $0x3F  }
0x15: {  	s13 =	sxor.u32 @!p1 $0xFFFFFFFF, s8;
	s14 =	sshll.u32 @!p1 s10, $0x11  }
0x16: {  	s15 =	sshll.u32 @!p1 s9, $0x7;
	s13 =	sshll.u32 @!p1 s13, $0xE;
	s14 =	sadd.s32 @!p1 s2, s14  }
0x17: {  	s13 =	sand.u32 @!p1 $0x4000, s13;
	s14 =	sadd.s32 @!p1 s15, s14;
	s15 =	simm.s32 @!p1 $0x0  }
0x18: {  	[tilespmem:s13], [sflag:$0x1] =	stream.linear.gather @!p1 [hbm4b:s14+s15], $0x4000, $0x38;
	[tilespmem:$0x10000] =	vst v63  }
0x19: {  	p1 =	seq.s32 s8, $0x0  }
0x1a: {  	p2 =	seq.s32 @!p1 s8, $0x41  }
0x1b: {  	p1 =	por p1, p2  }
.Ltmp2:
0x1c: {  	_ = 	snop;
	(pc) =	sbr.rel @p1 .LBB1_7-.Ltmp2, $1  }
0x1d: {  	_ =	sdelay $0x3  }
0x1e: {  	s13 =	simm.s32 $0x1;
	_ =	swait.ge [sflag:s4], $0x4000;
	s16 =	sshll.u32 s8, $0xE  }
0x1f: {  	s13 =	simm.s32 @!p0 $0x0;
	[sflag:s4] =	ssyncset.done $0x0;
	s31 =	sand.u32 $0x4000, s16  }
0x20: {  	s16 =	simm.s32 $0x0;
	s14 =	sshll.u32 s13, $0xE;
	[sflag:s4] =	ssyncadd.s32 $0xFFFFC000  }
0x21: {  	s13 =	sor.u32 $0x8040, s14;
	s15 =	sor.u32 $0x40, s14;
	s14 =	sor.u32 $0x8000, s31  }
.LBB1_3:
0x22: {  	v0 =	vmov s15;
	_ =	sdelay $0x3  }
0x23: {  	s18 =	simm.s32 $0x0  }
0x24: {  	v6 =	vld.idx.msk [tilespmem:v0+s18+$0x30 ss:$0x1], $0xffff  }
0x25: {  	v7 =	vld.idx.msk [tilespmem:v0+s18+$0xFFFFFFC0 ss:$0x1], $0xffff  }
0x26: {  	v5 =	vld.idx.msk [tilespmem:v0+s18+$0xFFFFFFD0 ss:$0x1], $0xffff  }
0x27: {  	v4 =	vld.idx.msk [tilespmem:v0+s18+$0xFFFFFFE0 ss:$0x1], $0xffff  }
0x28: {  	v3 =	vld.idx.msk [tilespmem:v0+s18+$0xFFFFFFF0 ss:$0x1], $0xffff  }
0x29: {  	v1 =	vld.idx.msk [tilespmem:v0+s18+$0x0 ss:$0x1], $0xffff  }
0x2a: {  	v2 =	vld.idx.msk [tilespmem:v0+s18+$0x10 ss:$0x1], $0xffff;
	[tilespmem:s13+$0x30] =	vst v6  }
0x2b: {  	s17 =	simm.s32 $0x80;
	s19 =	simm.s32 $0x400;
	[tilespmem:s13+$0xFFFFFFC0] =	vst v7;
	v6 =	vld.idx.msk [tilespmem:v0+s18+$0x20 ss:$0x1], $0xffff;
	s18 =	smov.u32 s13  }
.LBB1_4:
0x2c: {  	p1 =	sne.s32 s19, $0xE00;
	v7 =	vld.idx.msk [tilespmem:v0+s17+$0x30 ss:$0x1], $0xffff;
	[tilespmem:s18+$0xFFFFFFD0] =	vst v5  }
0x2d: {  	v8 =	vld.idx.msk [tilespmem:v0+s17+$0xFFFFFFC0 ss:$0x1], $0xffff;
	[tilespmem:s18+$0xFFFFFFE0] =	vst v4  }
0x2e: {  	v5 =	vld.idx.msk [tilespmem:v0+s17+$0xFFFFFFD0 ss:$0x1], $0xffff;
	[tilespmem:s18+$0xFFFFFFF0] =	vst v3  }
.Ltmp3:
0x2f: {  	v4 =	vld.idx.msk [tilespmem:v0+s17+$0xFFFFFFE0 ss:$0x1], $0xffff;
	[tilespmem:s18+$0x0] =	vst v1;
	(pc) =	sbr.rel @p1 .LBB1_4-.Ltmp3, $4  }
0x30: {  	v3 =	vld.idx.msk [tilespmem:v0+s17+$0xFFFFFFF0 ss:$0x1], $0xffff;
	[tilespmem:s18+$0x10] =	vst v2  }
0x31: {  	v1 =	vld.idx.msk [tilespmem:v0+s17+$0x0 ss:$0x1], $0xffff;
	[tilespmem:s18+$0x20] =	vst v6;
	s18 =	sadd.s32 $0x800, s18  }
0x32: {  	v2 =	vld.idx.msk [tilespmem:v0+s17+$0x10 ss:$0x1], $0xffff;
	[tilespmem:s18+$0x30] =	vst v7  }
0x33: {  	[tilespmem:s18+$0xFFFFFFC0] =	vst v8;
	v6 =	vld.idx.msk [tilespmem:v0+s17+$0x20 ss:$0x1], $0xffff;
	s17 =	sshra.s32 s19, $0x2;
	s19 =	sadd.s32 $0x200, s19  }
0x34: {  	_ =	sdelay $0x2  }
0x35: {  	[tilespmem:s18+$0xFFFFFFD0] =	vst v5  }
0x36: {  	v56 =	vld.idx.msk [tilespmem:v0+s17+$0x30 ss:$0x1], $0xffff;
	[tilespmem:s18+$0xFFFFFFE0] =	vst v4  }
0x37: {  	v57 =	vld.idx.msk [tilespmem:v0+s17+$0xFFFFFFC0 ss:$0x1], $0xffff;
	[tilespmem:s18+$0xFFFFFFF0] =	vst v3  }
0x38: {  	v58 =	vld.idx.msk [tilespmem:v0+s17+$0xFFFFFFD0 ss:$0x1], $0xffff;
	[tilespmem:s18+$0x0] =	vst v1  }
0x39: {  	v59 =	vld.idx.msk [tilespmem:v0+s17+$0xFFFFFFE0 ss:$0x1], $0xffff;
	[tilespmem:s18+$0x10] =	vst v2  }
0x3a: {  	v60 =	vld.idx.msk [tilespmem:v0+s17+$0xFFFFFFF0 ss:$0x1], $0xffff;
	s31 =	sadd.s32 $0x800, s18;
	[tilespmem:s18+$0x20] =	vst v6  }
0x3b: {  	v61 =	vld.idx.msk [tilespmem:v0+s17+$0x0 ss:$0x1], $0xffff;
	[tilespmem:s31+$0x30] =	vst v56  }
0x3c: {  	v62 =	vld.idx.msk [tilespmem:v0+s17+$0x10 ss:$0x1], $0xffff;
	s16 =	sadd.s32 $0x1, s16;
	[tilespmem:s31+$0xFFFFFFC0] =	vst v57  }
0x3d: {  	v63 =	vld.idx.msk [tilespmem:v0+s17+$0x20 ss:$0x1], $0xffff;
	p1 =	sne.s32 s16, $0x10;
	[tilespmem:s31+$0xFFFFFFD0] =	vst v58  }
.Ltmp4:
0x3e: {  	[tilespmem:s31+$0xFFFFFFE0] =	vst v59;
	(pc) =	sbr.rel @p1 .LBB1_3-.Ltmp4, $4  }
0x3f: {  	[tilespmem:s31+$0xFFFFFFF0] =	vst v60  }
0x40: {  	[tilespmem:s31+$0x0] =	vst v61  }
0x41: {  	[tilespmem:s31+$0x10] =	vst v62  }
0x42: {  	s13 =	sadd.s32 $0x80, s13;
	s15 =	sadd.s32 $0x400, s15;
	[tilespmem:s31+$0x20] =	vst v63  }
.Ltmp5:
0x43: {  	(pc) =	sbr.rel .LBB1_7-.Ltmp5, $4  }
0x44: {  	s12 =	sshll.u32 s12, $0x11;
	s11 =	sshll.u32 s11, $0x4  }
0x45: {  	s11 =	sand.u32 $0x3FF0, s11;
	s12 =	sadd.s32 s3, s12  }
0x46: {  	s11 =	sadd.s32 s11, s12  }
0x47: {  	[hbm4b:s11+s6] =	stream.strided.scatter [tilespmem:s14], [sflag:$0x2], $0x4000, s7, s6, $0x38;
	[tilespmem:$0x10000] =	vst v63  }
.LBB1_8:
0x48: {  	_ =	sfence.sel $0x180000  }
0x49: {  	s2 =	simm.s32 $0x1;
	[bflag:$0x0] =	sbarrier.arrive $0xFFFF  }
0x4a: {  	s31 =	simm.s32 $0x2;
	[sflag:s2] =	ssyncpa.u1 $0x1  }
0x4b: {  	[sflag:s31] =	ssyncpa.u1 $0x1  }
0x4c: {  	p0 =	sne.s32 s1, $0x0;
	_ =	strace $0x9000004A  }
0x4d: {  	s0 =	sadd.s32 @!p0 $0x100000, s0;
	[bflag:$0x2] =	sbarrier.arrive $0xFFFF  }
0x4e: {  	[sflag:s0] =	ssyncadd.tile.s32 @!p0 $0x1;
	_ =	shalt  }
.Lfunc_end1:
_tile_overlayer_lowered:
.L_overlay_start_2:
0x4f: {  	(tag) =	ssettag $0x2  }
0x50: {  	s0 =	rddreg [dreg:$0x0];
	s2 =	stileid.u32  }
0x51: {  	s1 =	rddreg [dreg:$0x1];
	p0 =	sne.s32 s2, $0x0  }
0x52: {  	s3 =	rddreg [dreg:$0x2];
	[bflag:$0x3] =	sbarrier.arrive $0xFFFF;
	s2 =	simm.s32 @!p0 $0x1C01  }
0x53: {  	[timem:s3], [sflag:s2] =	dma.local @!p0 [hbm:s0], s1  }
0x54: {  	s0 =	simm.s32 @!p0 $0x1  }
0x55: {  	_ =	swait.ge @!p0 [sflag:s0], s1  }
0x56: {  	s1 =	ssub.s32 @!p0 $0x0, s1;
	[sflag:s0] =	ssyncset.done @!p0 $0x0  }
0x57: {  	[sflag:s0] =	ssyncadd.s32 @!p0 s1  }
0x58: {  	[bflag:$0x3] =	sbarrier.arrive $0xFFFF  }
0x59: {  	_ =	shalt  }

</sc_bundles>
